<compile_context>
chip_gen: v7x
topology: tpu7x:2x2x1
jax: 0.10.2.dev20260603
libtpu: 0.0.44.dev20260713+nightly
codegen_flags: <defaults>
</compile_context>

<pallas_src>
import functools

import jax
import jax.numpy as jnp
import numpy as np
from jax import lax
from jax.experimental import pallas as pl
from jax.experimental.pallas import tpu as pltpu
from jax.experimental.pallas import tpu_sc as plsc

N, T, D = 1024, 65, 768
T_OUT = 17
NUM_WORKERS = 32
N_PER_W = N // NUM_WORKERS

T_PAD = 18
_GATHER_IDX = np.array(
    [0] + [1 + r * 8 + c for r in range(2, 6) for c in range(1, 5)] + [45],
    dtype=np.int32,
)
_SCATTER_IDX = np.array(list(range(T_OUT)) + [T_OUT - 1], dtype=np.int32)

NSLOTS = 6
LAG = 3

_mesh = plsc.VectorSubcoreMesh(core_axis_name="c", subcore_axis_name="s")


@functools.partial(
    pl.kernel,
    mesh=_mesh,
    out_type=jax.ShapeDtypeStruct((N, T_OUT, D), jnp.float32),
    scratch_types=[
        pltpu.VMEM((T_PAD,), jnp.int32),
        pltpu.VMEM((T_PAD,), jnp.int32),
        pltpu.VMEM((NSLOTS, T_PAD, D), jnp.float32),
        [pltpu.SemaphoreType.DMA] * NSLOTS,
        [pltpu.SemaphoreType.DMA] * NSLOTS,
    ],
)
def _patch_drop(x_hbm, gidx_hbm, sidx_hbm, out_hbm, gidx_v, sidx_v, buf,
                gsems, wsems):
    wid = lax.axis_index("s") * 2 + lax.axis_index("c")
    n0 = wid * N_PER_W
    pltpu.sync_copy(gidx_hbm, gidx_v)
    pltpu.sync_copy(sidx_hbm, sidx_v)
    gh = [None] * NSLOTS
    wh = [None] * NSLOTS
    for i in range(N_PER_W + LAG):
        s = i % NSLOTS
        if i < N_PER_W:
            if wh[s] is not None:
                wh[s].wait()
            gh[s] = pltpu.async_copy(
                x_hbm.at[n0 + i].at[gidx_v], buf.at[s], gsems[s]
            )
        j = i - LAG
        if j >= 0:
            sj = j % NSLOTS
            gh[sj].wait()
            wh[sj] = pltpu.async_copy(
                buf.at[sj], out_hbm.at[n0 + j].at[sidx_v], wsems[sj]
            )
    for s in range(NSLOTS):
        if wh[s] is not None:
            wh[s].wait()


def kernel(x):
    return _patch_drop(x, jnp.asarray(_GATHER_IDX), jnp.asarray(_SCATTER_IDX))

# --- scband reference (transcript-rebuilt; emitter-appended) ---
"""Pipeline reference for scband-patch-dropout-34187939676896 (READ-ONLY COPY).

The authoritative reference and input builder live on the scoring server;
editing this copy changes nothing except your own understanding.
"""

import jax, jax.numpy as jnp
import numpy as np


def _keep_indices():
    # crop_mask_KR25: 8x8 patch grid with a 4x4 'true' crop block.
    # The original code draws rand_index_row/col from np.random; we fix them
    # deterministically (2, 1) for reproducibility.
    size, true_len = 8, 4
    r, c = 2, 1
    m = np.full((size, size), False)
    m[r:r + true_len, c:c + true_len] = True
    pidx = np.nonzero(m.flatten())[0] + 1  # +1 offsets past the cls token
    cls = np.zeros((1,), dtype=np.int64)
    return np.concatenate([cls, pidx.astype(np.int64)])


def setup_inputs(seed: int = 0) -> dict:
    key = jax.random.key(seed)
    x = jax.random.normal(key, (1024, 65, 768), dtype=jnp.float32)
    return {"x": x}


def reference(x):
    # Training / force_drop path of PatchDropout.forward with sampling='crop_KR25':
    # keep the cls token (index 0) plus the 16 patches inside the 4x4 crop,
    # then gather them along the token dimension.
    idx = jnp.asarray(_keep_indices(), dtype=jnp.int32)
    out = jnp.take(x, idx, axis=1)  # [N, 17, D]
    return out

if __name__ == "__main__":
    import jax
    _d = setup_inputs()
    print(jax.jit(kernel)(*tuple(_d.values())))

</pallas_src>

<mosaic_0001>
#map = affine_map<(d0, d1) -> (0, 0, 0)>
#map1 = affine_map<(d0, d1) -> (0)>
module attributes {stable_mosaic.version = 14 : i64} {
  func.func @_patch_drop(%arg0: i32, %arg1: i32, %arg2: memref<1024x65x768xf32, #tpu.memory_space<hbm>>, %arg3: memref<18xi32, #tpu.memory_space<hbm>>, %arg4: memref<18xi32, #tpu.memory_space<hbm>>, %arg5: memref<1024x17x768xf32, #tpu.memory_space<hbm>>, %arg6: memref<18xi32, #tpu.memory_space<vmem>>, %arg7: memref<18xi32, #tpu.memory_space<vmem>>, %arg8: memref<6x18x768xf32, #tpu.memory_space<vmem>>, %arg9: memref<!tpu.dma_semaphore, #tpu.memory_space<semaphore_mem>>, %arg10: memref<!tpu.dma_semaphore, #tpu.memory_space<semaphore_mem>>, %arg11: memref<!tpu.dma_semaphore, #tpu.memory_space<semaphore_mem>>, %arg12: memref<!tpu.dma_semaphore, #tpu.memory_space<semaphore_mem>>, %arg13: memref<!tpu.dma_semaphore, #tpu.memory_space<semaphore_mem>>, %arg14: memref<!tpu.dma_semaphore, #tpu.memory_space<semaphore_mem>>, %arg15: memref<!tpu.dma_semaphore, #tpu.memory_space<semaphore_mem>>, %arg16: memref<!tpu.dma_semaphore, #tpu.memory_space<semaphore_mem>>, %arg17: memref<!tpu.dma_semaphore, #tpu.memory_space<semaphore_mem>>, %arg18: memref<!tpu.dma_semaphore, #tpu.memory_space<semaphore_mem>>, %arg19: memref<!tpu.dma_semaphore, #tpu.memory_space<semaphore_mem>>, %arg20: memref<!tpu.dma_semaphore, #tpu.memory_space<semaphore_mem>>) attributes {dimension_semantics = [#tpu.dimension_semantics<core_parallel>, #tpu.dimension_semantics<subcore_parallel>], iteration_bounds = array<i64: 2, 16>, scalar_prefetch = 0 : i64, scratch_operands = 15 : i64, tpu.core_type = #tpu.core_type<sc_vector_subcore>, window_params = [{transform_indices = #map}, {transform_indices = #map1}, {transform_indices = #map1}, {transform_indices = #map}]} {
    %mul3A = arith.constant 2 : i32
    %mul3A_0 = arith.muli %arg1, %mul3A : i32
    %add3A = arith.addi %mul3A_0, %arg0 : i32
    %mul3A_1 = arith.constant 32 : i32
    %mul3A_2 = arith.muli %add3A, %mul3A_1 : i32
    "tpu.region"() ({
      %run_scoped3A = tpu.sem_alloc : memref<!tpu.dma_semaphore, #tpu.memory_space<semaphore_mem>>
      tpu.enqueue_dma source(%arg3 : memref<18xi32, #tpu.memory_space<hbm>>) target(%arg6 : memref<18xi32, #tpu.memory_space<vmem>>) target_semaphore(%run_scoped3A : memref<!tpu.dma_semaphore, #tpu.memory_space<semaphore_mem>>)
      tpu.wait_dma2 semaphore(%run_scoped3A : memref<!tpu.dma_semaphore, #tpu.memory_space<semaphore_mem>>) src(%arg3 : memref<18xi32, #tpu.memory_space<hbm>>) dst(%arg6 : memref<18xi32, #tpu.memory_space<vmem>>)
      tpu.yield
    }) : () -> ()
    "tpu.region"() ({
      %run_scoped3A = tpu.sem_alloc : memref<!tpu.dma_semaphore, #tpu.memory_space<semaphore_mem>>
      tpu.enqueue_dma source(%arg4 : memref<18xi32, #tpu.memory_space<hbm>>) target(%arg7 : memref<18xi32, #tpu.memory_space<vmem>>) target_semaphore(%run_scoped3A : memref<!tpu.dma_semaphore, #tpu.memory_space<semaphore_mem>>)
      tpu.wait_dma2 semaphore(%run_scoped3A : memref<!tpu.dma_semaphore, #tpu.memory_space<semaphore_mem>>) src(%arg4 : memref<18xi32, #tpu.memory_space<hbm>>) dst(%arg7 : memref<18xi32, #tpu.memory_space<vmem>>)
      tpu.yield
    }) : () -> ()
    %add3A_3 = arith.constant 0 : i32
    %add3A_4 = arith.addi %mul3A_2, %add3A_3 : i32
    %dma_start3A = arith.constant 0 : i32
    %dma_start3A_5 = arith.constant 0 : i32
    %dma_start3A_6 = arith.constant 0 : i32
    %dma_start3A_7 = tpu.memref_slice %arg8[%dma_start3A, %dma_start3A_5, %dma_start3A_6] : memref<6x18x768xf32, #tpu.memory_space<vmem>> -> memref<1x18x768xf32, #tpu.memory_space<vmem>>
    %dma_start3A_8 = tpu.memref_squeeze %dma_start3A_7 : memref<1x18x768xf32, #tpu.memory_space<vmem>> -> memref<18x768xf32, #tpu.memory_space<vmem>>
    %dma_start3A_9 = arith.constant 0 : i32
    %dma_start3A_10 = arith.constant 0 : i32
    %dma_start3A_11 = tpu.memref_slice %arg2[%add3A_4, %dma_start3A_9, %dma_start3A_10] : memref<1024x65x768xf32, #tpu.memory_space<hbm>> -> memref<1x65x768xf32, #tpu.memory_space<hbm>>
    %dma_start3A_12 = tpu.memref_squeeze %dma_start3A_11 : memref<1x65x768xf32, #tpu.memory_space<hbm>> -> memref<65x768xf32, #tpu.memory_space<hbm>>
    %dma_start3A_13 = arith.constant 0 : i32
    %dma_start3A_14 = arith.constant 0 : i32
    %dma_start3A_15 = tpu.memref_slice %dma_start3A_12[%dma_start3A_13, %dma_start3A_14] : memref<65x768xf32, #tpu.memory_space<hbm>> -> memref<65x768xf32, #tpu.memory_space<hbm>>
    tpu.enqueue_indirect_dma source(%dma_start3A_15 : memref<65x768xf32, #tpu.memory_space<hbm>>) target(%dma_start3A_8 : memref<18x768xf32, #tpu.memory_space<vmem>>) offsets(%arg6 : memref<18xi32, #tpu.memory_space<vmem>>) semaphore(%arg9 : memref<!tpu.dma_semaphore, #tpu.memory_space<semaphore_mem>>)
    %add3A_16 = arith.constant 1 : i32
    %add3A_17 = arith.addi %mul3A_2, %add3A_16 : i32
    %dma_start3A_18 = arith.constant 1 : i32
    %dma_start3A_19 = arith.constant 0 : i32
    %dma_start3A_20 = arith.constant 0 : i32
    %dma_start3A_21 = tpu.memref_slice %arg8[%dma_start3A_18, %dma_start3A_19, %dma_start3A_20] : memref<6x18x768xf32, #tpu.memory_space<vmem>> -> memref<1x18x768xf32, #tpu.memory_space<vmem>>
    %dma_start3A_22 = tpu.memref_squeeze %dma_start3A_21 : memref<1x18x768xf32, #tpu.memory_space<vmem>> -> memref<18x768xf32, #tpu.memory_space<vmem>>
    %dma_start3A_23 = arith.constant 0 : i32
    %dma_start3A_24 = arith.constant 0 : i32
    %dma_start3A_25 = tpu.memref_slice %arg2[%add3A_17, %dma_start3A_23, %dma_start3A_24] : memref<1024x65x768xf32, #tpu.memory_space<hbm>> -> memref<1x65x768xf32, #tpu.memory_space<hbm>>
    %dma_start3A_26 = tpu.memref_squeeze %dma_start3A_25 : memref<1x65x768xf32, #tpu.memory_space<hbm>> -> memref<65x768xf32, #tpu.memory_space<hbm>>
    %dma_start3A_27 = arith.constant 0 : i32
    %dma_start3A_28 = arith.constant 0 : i32
    %dma_start3A_29 = tpu.memref_slice %dma_start3A_26[%dma_start3A_27, %dma_start3A_28] : memref<65x768xf32, #tpu.memory_space<hbm>> -> memref<65x768xf32, #tpu.memory_space<hbm>>
    tpu.enqueue_indirect_dma source(%dma_start3A_29 : memref<65x768xf32, #tpu.memory_space<hbm>>) target(%dma_start3A_22 : memref<18x768xf32, #tpu.memory_space<vmem>>) offsets(%arg6 : memref<18xi32, #tpu.memory_space<vmem>>) semaphore(%arg10 : memref<!tpu.dma_semaphore, #tpu.memory_space<semaphore_mem>>)
    %add3A_30 = arith.constant 2 : i32
    %add3A_31 = arith.addi %mul3A_2, %add3A_30 : i32
    %dma_start3A_32 = arith.constant 2 : i32
    %dma_start3A_33 = arith.constant 0 : i32
    %dma_start3A_34 = arith.constant 0 : i32
    %dma_start3A_35 = tpu.memref_slice %arg8[%dma_start3A_32, %dma_start3A_33, %dma_start3A_34] : memref<6x18x768xf32, #tpu.memory_space<vmem>> -> memref<1x18x768xf32, #tpu.memory_space<vmem>>
    %dma_start3A_36 = tpu.memref_squeeze %dma_start3A_35 : memref<1x18x768xf32, #tpu.memory_space<vmem>> -> memref<18x768xf32, #tpu.memory_space<vmem>>
    %dma_start3A_37 = arith.constant 0 : i32
    %dma_start3A_38 = arith.constant 0 : i32
    %dma_start3A_39 = tpu.memref_slice %arg2[%add3A_31, %dma_start3A_37, %dma_start3A_38] : memref<1024x65x768xf32, #tpu.memory_space<hbm>> -> memref<1x65x768xf32, #tpu.memory_space<hbm>>
    %dma_start3A_40 = tpu.memref_squeeze %dma_start3A_39 : memref<1x65x768xf32, #tpu.memory_space<hbm>> -> memref<65x768xf32, #tpu.memory_space<hbm>>
    %dma_start3A_41 = arith.constant 0 : i32
    %dma_start3A_42 = arith.constant 0 : i32
    %dma_start3A_43 = tpu.memref_slice %dma_start3A_40[%dma_start3A_41, %dma_start3A_42] : memref<65x768xf32, #tpu.memory_space<hbm>> -> memref<65x768xf32, #tpu.memory_space<hbm>>
    tpu.enqueue_indirect_dma source(%dma_start3A_43 : memref<65x768xf32, #tpu.memory_space<hbm>>) target(%dma_start3A_36 : memref<18x768xf32, #tpu.memory_space<vmem>>) offsets(%arg6 : memref<18xi32, #tpu.memory_space<vmem>>) semaphore(%arg11 : memref<!tpu.dma_semaphore, #tpu.memory_space<semaphore_mem>>)
    %add3A_44 = arith.constant 3 : i32
    %add3A_45 = arith.addi %mul3A_2, %add3A_44 : i32
    %dma_start3A_46 = arith.constant 3 : i32
    %dma_start3A_47 = arith.constant 0 : i32
    %dma_start3A_48 = arith.constant 0 : i32
    %dma_start3A_49 = tpu.memref_slice %arg8[%dma_start3A_46, %dma_start3A_47, %dma_start3A_48] : memref<6x18x768xf32, #tpu.memory_space<vmem>> -> memref<1x18x768xf32, #tpu.memory_space<vmem>>
    %dma_start3A_50 = tpu.memref_squeeze %dma_start3A_49 : memref<1x18x768xf32, #tpu.memory_space<vmem>> -> memref<18x768xf32, #tpu.memory_space<vmem>>
    %dma_start3A_51 = arith.constant 0 : i32
    %dma_start3A_52 = arith.constant 0 : i32
    %dma_start3A_53 = tpu.memref_slice %arg2[%add3A_45, %dma_start3A_51, %dma_start3A_52] : memref<1024x65x768xf32, #tpu.memory_space<hbm>> -> memref<1x65x768xf32, #tpu.memory_space<hbm>>
    %dma_start3A_54 = tpu.memref_squeeze %dma_start3A_53 : memref<1x65x768xf32, #tpu.memory_space<hbm>> -> memref<65x768xf32, #tpu.memory_space<hbm>>
    %dma_start3A_55 = arith.constant 0 : i32
    %dma_start3A_56 = arith.constant 0 : i32
    %dma_start3A_57 = tpu.memref_slice %dma_start3A_54[%dma_start3A_55, %dma_start3A_56] : memref<65x768xf32, #tpu.memory_space<hbm>> -> memref<65x768xf32, #tpu.memory_space<hbm>>
    tpu.enqueue_indirect_dma source(%dma_start3A_57 : memref<65x768xf32, #tpu.memory_space<hbm>>) target(%dma_start3A_50 : memref<18x768xf32, #tpu.memory_space<vmem>>) offsets(%arg6 : memref<18xi32, #tpu.memory_space<vmem>>) semaphore(%arg12 : memref<!tpu.dma_semaphore, #tpu.memory_space<semaphore_mem>>)
    %dma_wait3A = arith.constant 0 : i32
    %dma_wait3A_58 = arith.constant 0 : i32
    %dma_wait3A_59 = arith.constant 0 : i32
    %dma_wait3A_60 = tpu.memref_slice %arg8[%dma_wait3A, %dma_wait3A_58, %dma_wait3A_59] : memref<6x18x768xf32, #tpu.memory_space<vmem>> -> memref<1x18x768xf32, #tpu.memory_space<vmem>>
    %dma_wait3A_61 = tpu.memref_squeeze %dma_wait3A_60 : memref<1x18x768xf32, #tpu.memory_space<vmem>> -> memref<18x768xf32, #tpu.memory_space<vmem>>
    %dma_wait3A_62 = arith.constant 0 : i32
    %dma_wait3A_63 = arith.constant 0 : i32
    %dma_wait3A_64 = tpu.memref_slice %arg2[%add3A_4, %dma_wait3A_62, %dma_wait3A_63] : memref<1024x65x768xf32, #tpu.memory_space<hbm>> -> memref<1x65x768xf32, #tpu.memory_space<hbm>>
    %dma_wait3A_65 = tpu.memref_squeeze %dma_wait3A_64 : memref<1x65x768xf32, #tpu.memory_space<hbm>> -> memref<65x768xf32, #tpu.memory_space<hbm>>
    %dma_wait3A_66 = arith.constant 0 : i32
    %dma_wait3A_67 = arith.constant 0 : i32
    %dma_wait3A_68 = tpu.memref_slice %dma_wait3A_65[%dma_wait3A_66, %dma_wait3A_67] : memref<65x768xf32, #tpu.memory_space<hbm>> -> memref<65x768xf32, #tpu.memory_space<hbm>>
    tpu.wait_indirect_dma semaphore(%arg9 : memref<!tpu.dma_semaphore, #tpu.memory_space<semaphore_mem>>) src(%dma_wait3A_68 : memref<65x768xf32, #tpu.memory_space<hbm>>) dst(%dma_wait3A_61 : memref<18x768xf32, #tpu.memory_space<vmem>>)
    %add3A_69 = arith.constant 0 : i32
    %add3A_70 = arith.addi %mul3A_2, %add3A_69 : i32
    %dma_start3A_71 = arith.constant 0 : i32
    %dma_start3A_72 = arith.constant 0 : i32
    %dma_start3A_73 = arith.constant 0 : i32
    %dma_start3A_74 = tpu.memref_slice %arg8[%dma_start3A_71, %dma_start3A_72, %dma_start3A_73] : memref<6x18x768xf32, #tpu.memory_space<vmem>> -> memref<1x18x768xf32, #tpu.memory_space<vmem>>
    %dma_start3A_75 = tpu.memref_squeeze %dma_start3A_74 : memref<1x18x768xf32, #tpu.memory_space<vmem>> -> memref<18x768xf32, #tpu.memory_space<vmem>>
    %dma_start3A_76 = arith.constant 0 : i32
    %dma_start3A_77 = arith.constant 0 : i32
    %dma_start3A_78 = tpu.memref_slice %arg5[%add3A_70, %dma_start3A_76, %dma_start3A_77] : memref<1024x17x768xf32, #tpu.memory_space<hbm>> -> memref<1x17x768xf32, #tpu.memory_space<hbm>>
    %dma_start3A_79 = tpu.memref_squeeze %dma_start3A_78 : memref<1x17x768xf32, #tpu.memory_space<hbm>> -> memref<17x768xf32, #tpu.memory_space<hbm>>
    %dma_start3A_80 = arith.constant 0 : i32
    %dma_start3A_81 = arith.constant 0 : i32
    %dma_start3A_82 = tpu.memref_slice %dma_start3A_79[%dma_start3A_80, %dma_start3A_81] : memref<17x768xf32, #tpu.memory_space<hbm>> -> memref<17x768xf32, #tpu.memory_space<hbm>>
    tpu.enqueue_indirect_dma source(%dma_start3A_75 : memref<18x768xf32, #tpu.memory_space<vmem>>) target(%dma_start3A_82 : memref<17x768xf32, #tpu.memory_space<hbm>>) offsets(%arg7 : memref<18xi32, #tpu.memory_space<vmem>>) semaphore(%arg15 : memref<!tpu.dma_semaphore, #tpu.memory_space<semaphore_mem>>)
    %add3A_83 = arith.constant 4 : i32
    %add3A_84 = arith.addi %mul3A_2, %add3A_83 : i32
    %dma_start3A_85 = arith.constant 4 : i32
    %dma_start3A_86 = arith.constant 0 : i32
    %dma_start3A_87 = arith.constant 0 : i32
    %dma_start3A_88 = tpu.memref_slice %arg8[%dma_start3A_85, %dma_start3A_86, %dma_start3A_87] : memref<6x18x768xf32, #tpu.memory_space<vmem>> -> memref<1x18x768xf32, #tpu.memory_space<vmem>>
    %dma_start3A_89 = tpu.memref_squeeze %dma_start3A_88 : memref<1x18x768xf32, #tpu.memory_space<vmem>> -> memref<18x768xf32, #tpu.memory_space<vmem>>
    %dma_start3A_90 = arith.constant 0 : i32
    %dma_start3A_91 = arith.constant 0 : i32
    %dma_start3A_92 = tpu.memref_slice %arg2[%add3A_84, %dma_start3A_90, %dma_start3A_91] : memref<1024x65x768xf32, #tpu.memory_space<hbm>> -> memref<1x65x768xf32, #tpu.memory_space<hbm>>
    %dma_start3A_93 = tpu.memref_squeeze %dma_start3A_92 : memref<1x65x768xf32, #tpu.memory_space<hbm>> -> memref<65x768xf32, #tpu.memory_space<hbm>>
    %dma_start3A_94 = arith.constant 0 : i32
    %dma_start3A_95 = arith.constant 0 : i32
    %dma_start3A_96 = tpu.memref_slice %dma_start3A_93[%dma_start3A_94, %dma_start3A_95] : memref<65x768xf32, #tpu.memory_space<hbm>> -> memref<65x768xf32, #tpu.memory_space<hbm>>
    tpu.enqueue_indirect_dma source(%dma_start3A_96 : memref<65x768xf32, #tpu.memory_space<hbm>>) target(%dma_start3A_89 : memref<18x768xf32, #tpu.memory_space<vmem>>) offsets(%arg6 : memref<18xi32, #tpu.memory_space<vmem>>) semaphore(%arg13 : memref<!tpu.dma_semaphore, #tpu.memory_space<semaphore_mem>>)
    %dma_wait3A_97 = arith.constant 1 : i32
    %dma_wait3A_98 = arith.constant 0 : i32
    %dma_wait3A_99 = arith.constant 0 : i32
    %dma_wait3A_100 = tpu.memref_slice %arg8[%dma_wait3A_97, %dma_wait3A_98, %dma_wait3A_99] : memref<6x18x768xf32, #tpu.memory_space<vmem>> -> memref<1x18x768xf32, #tpu.memory_space<vmem>>
    %dma_wait3A_101 = tpu.memref_squeeze %dma_wait3A_100 : memref<1x18x768xf32, #tpu.memory_space<vmem>> -> memref<18x768xf32, #tpu.memory_space<vmem>>
    %dma_wait3A_102 = arith.constant 0 : i32
    %dma_wait3A_103 = arith.constant 0 : i32
    %dma_wait3A_104 = tpu.memref_slice %arg2[%add3A_17, %dma_wait3A_102, %dma_wait3A_103] : memref<1024x65x768xf32, #tpu.memory_space<hbm>> -> memref<1x65x768xf32, #tpu.memory_space<hbm>>
    %dma_wait3A_105 = tpu.memref_squeeze %dma_wait3A_104 : memref<1x65x768xf32, #tpu.memory_space<hbm>> -> memref<65x768xf32, #tpu.memory_space<hbm>>
    %dma_wait3A_106 = arith.constant 0 : i32
    %dma_wait3A_107 = arith.constant 0 : i32
    %dma_wait3A_108 = tpu.memref_slice %dma_wait3A_105[%dma_wait3A_106, %dma_wait3A_107] : memref<65x768xf32, #tpu.memory_space<hbm>> -> memref<65x768xf32, #tpu.memory_space<hbm>>
    tpu.wait_indirect_dma semaphore(%arg10 : memref<!tpu.dma_semaphore, #tpu.memory_space<semaphore_mem>>) src(%dma_wait3A_108 : memref<65x768xf32, #tpu.memory_space<hbm>>) dst(%dma_wait3A_101 : memref<18x768xf32, #tpu.memory_space<vmem>>)
    %add3A_109 = arith.constant 1 : i32
    %add3A_110 = arith.addi %mul3A_2, %add3A_109 : i32
    %dma_start3A_111 = arith.constant 1 : i32
    %dma_start3A_112 = arith.constant 0 : i32
    %dma_start3A_113 = arith.constant 0 : i32
    %dma_start3A_114 = tpu.memref_slice %arg8[%dma_start3A_111, %dma_start3A_112, %dma_start3A_113] : memref<6x18x768xf32, #tpu.memory_space<vmem>> -> memref<1x18x768xf32, #tpu.memory_space<vmem>>
    %dma_start3A_115 = tpu.memref_squeeze %dma_start3A_114 : memref<1x18x768xf32, #tpu.memory_space<vmem>> -> memref<18x768xf32, #tpu.memory_space<vmem>>
    %dma_start3A_116 = arith.constant 0 : i32
    %dma_start3A_117 = arith.constant 0 : i32
    %dma_start3A_118 = tpu.memref_slice %arg5[%add3A_110, %dma_start3A_116, %dma_start3A_117] : memref<1024x17x768xf32, #tpu.memory_space<hbm>> -> memref<1x17x768xf32, #tpu.memory_space<hbm>>
    %dma_start3A_119 = tpu.memref_squeeze %dma_start3A_118 : memref<1x17x768xf32, #tpu.memory_space<hbm>> -> memref<17x768xf32, #tpu.memory_space<hbm>>
    %dma_start3A_120 = arith.constant 0 : i32
    %dma_start3A_121 = arith.constant 0 : i32
    %dma_start3A_122 = tpu.memref_slice %dma_start3A_119[%dma_start3A_120, %dma_start3A_121] : memref<17x768xf32, #tpu.memory_space<hbm>> -> memref<17x768xf32, #tpu.memory_space<hbm>>
    tpu.enqueue_indirect_dma source(%dma_start3A_115 : memref<18x768xf32, #tpu.memory_space<vmem>>) target(%dma_start3A_122 : memref<17x768xf32, #tpu.memory_space<hbm>>) offsets(%arg7 : memref<18xi32, #tpu.memory_space<vmem>>) semaphore(%arg16 : memref<!tpu.dma_semaphore, #tpu.memory_space<semaphore_mem>>)
    %add3A_123 = arith.constant 5 : i32
    %add3A_124 = arith.addi %mul3A_2, %add3A_123 : i32
    %dma_start3A_125 = arith.constant 5 : i32
    %dma_start3A_126 = arith.constant 0 : i32
    %dma_start3A_127 = arith.constant 0 : i32
    %dma_start3A_128 = tpu.memref_slice %arg8[%dma_start3A_125, %dma_start3A_126, %dma_start3A_127] : memref<6x18x768xf32, #tpu.memory_space<vmem>> -> memref<1x18x768xf32, #tpu.memory_space<vmem>>
    %dma_start3A_129 = tpu.memref_squeeze %dma_start3A_128 : memref<1x18x768xf32, #tpu.memory_space<vmem>> -> memref<18x768xf32, #tpu.memory_space<vmem>>
    %dma_start3A_130 = arith.constant 0 : i32
    %dma_start3A_131 = arith.constant 0 : i32
    %dma_start3A_132 = tpu.memref_slice %arg2[%add3A_124, %dma_start3A_130, %dma_start3A_131] : memref<1024x65x768xf32, #tpu.memory_space<hbm>> -> memref<1x65x768xf32, #tpu.memory_space<hbm>>
    %dma_start3A_133 = tpu.memref_squeeze %dma_start3A_132 : memref<1x65x768xf32, #tpu.memory_space<hbm>> -> memref<65x768xf32, #tpu.memory_space<hbm>>
    %dma_start3A_134 = arith.constant 0 : i32
    %dma_start3A_135 = arith.constant 0 : i32
    %dma_start3A_136 = tpu.memref_slice %dma_start3A_133[%dma_start3A_134, %dma_start3A_135] : memref<65x768xf32, #tpu.memory_space<hbm>> -> memref<65x768xf32, #tpu.memory_space<hbm>>
    tpu.enqueue_indirect_dma source(%dma_start3A_136 : memref<65x768xf32, #tpu.memory_space<hbm>>) target(%dma_start3A_129 : memref<18x768xf32, #tpu.memory_space<vmem>>) offsets(%arg6 : memref<18xi32, #tpu.memory_space<vmem>>) semaphore(%arg14 : memref<!tpu.dma_semaphore, #tpu.memory_space<semaphore_mem>>)
    %dma_wait3A_137 = arith.constant 2 : i32
    %dma_wait3A_138 = arith.constant 0 : i32
    %dma_wait3A_139 = arith.constant 0 : i32
    %dma_wait3A_140 = tpu.memref_slice %arg8[%dma_wait3A_137, %dma_wait3A_138, %dma_wait3A_139] : memref<6x18x768xf32, #tpu.memory_space<vmem>> -> memref<1x18x768xf32, #tpu.memory_space<vmem>>
    %dma_wait3A_141 = tpu.memref_squeeze %dma_wait3A_140 : memref<1x18x768xf32, #tpu.memory_space<vmem>> -> memref<18x768xf32, #tpu.memory_space<vmem>>
    %dma_wait3A_142 = arith.constant 0 : i32
    %dma_wait3A_143 = arith.constant 0 : i32
    %dma_wait3A_144 = tpu.memref_slice %arg2[%add3A_31, %dma_wait3A_142, %dma_wait3A_143] : memref<1024x65x768xf32, #tpu.memory_space<hbm>> -> memref<1x65x768xf32, #tpu.memory_space<hbm>>
    %dma_wait3A_145 = tpu.memref_squeeze %dma_wait3A_144 : memref<1x65x768xf32, #tpu.memory_space<hbm>> -> memref<65x768xf32, #tpu.memory_space<hbm>>
    %dma_wait3A_146 = arith.constant 0 : i32
    %dma_wait3A_147 = arith.constant 0 : i32
    %dma_wait3A_148 = tpu.memref_slice %dma_wait3A_145[%dma_wait3A_146, %dma_wait3A_147] : memref<65x768xf32, #tpu.memory_space<hbm>> -> memref<65x768xf32, #tpu.memory_space<hbm>>
    tpu.wait_indirect_dma semaphore(%arg11 : memref<!tpu.dma_semaphore, #tpu.memory_space<semaphore_mem>>) src(%dma_wait3A_148 : memref<65x768xf32, #tpu.memory_space<hbm>>) dst(%dma_wait3A_141 : memref<18x768xf32, #tpu.memory_space<vmem>>)
    %add3A_149 = arith.constant 2 : i32
    %add3A_150 = arith.addi %mul3A_2, %add3A_149 : i32
    %dma_start3A_151 = arith.constant 2 : i32
    %dma_start3A_152 = arith.constant 0 : i32
    %dma_start3A_153 = arith.constant 0 : i32
    %dma_start3A_154 = tpu.memref_slice %arg8[%dma_start3A_151, %dma_start3A_152, %dma_start3A_153] : memref<6x18x768xf32, #tpu.memory_space<vmem>> -> memref<1x18x768xf32, #tpu.memory_space<vmem>>
    %dma_start3A_155 = tpu.memref_squeeze %dma_start3A_154 : memref<1x18x768xf32, #tpu.memory_space<vmem>> -> memref<18x768xf32, #tpu.memory_space<vmem>>
    %dma_start3A_156 = arith.constant 0 : i32
    %dma_start3A_157 = arith.constant 0 : i32
    %dma_start3A_158 = tpu.memref_slice %arg5[%add3A_150, %dma_start3A_156, %dma_start3A_157] : memref<1024x17x768xf32, #tpu.memory_space<hbm>> -> memref<1x17x768xf32, #tpu.memory_space<hbm>>
    %dma_start3A_159 = tpu.memref_squeeze %dma_start3A_158 : memref<1x17x768xf32, #tpu.memory_space<hbm>> -> memref<17x768xf32, #tpu.memory_space<hbm>>
    %dma_start3A_160 = arith.constant 0 : i32
    %dma_start3A_161 = arith.constant 0 : i32
    %dma_start3A_162 = tpu.memref_slice %dma_start3A_159[%dma_start3A_160, %dma_start3A_161] : memref<17x768xf32, #tpu.memory_space<hbm>> -> memref<17x768xf32, #tpu.memory_space<hbm>>
    tpu.enqueue_indirect_dma source(%dma_start3A_155 : memref<18x768xf32, #tpu.memory_space<vmem>>) target(%dma_start3A_162 : memref<17x768xf32, #tpu.memory_space<hbm>>) offsets(%arg7 : memref<18xi32, #tpu.memory_space<vmem>>) semaphore(%arg17 : memref<!tpu.dma_semaphore, #tpu.memory_space<semaphore_mem>>)
    %dma_wait3A_163 = arith.constant 0 : i32
    %dma_wait3A_164 = arith.constant 0 : i32
    %dma_wait3A_165 = arith.constant 0 : i32
    %dma_wait3A_166 = tpu.memref_slice %arg8[%dma_wait3A_163, %dma_wait3A_164, %dma_wait3A_165] : memref<6x18x768xf32, #tpu.memory_space<vmem>> -> memref<1x18x768xf32, #tpu.memory_space<vmem>>
    %dma_wait3A_167 = tpu.memref_squeeze %dma_wait3A_166 : memref<1x18x768xf32, #tpu.memory_space<vmem>> -> memref<18x768xf32, #tpu.memory_space<vmem>>
    %dma_wait3A_168 = arith.constant 0 : i32
    %dma_wait3A_169 = arith.constant 0 : i32
    %dma_wait3A_170 = tpu.memref_slice %arg5[%add3A_70, %dma_wait3A_168, %dma_wait3A_169] : memref<1024x17x768xf32, #tpu.memory_space<hbm>> -> memref<1x17x768xf32, #tpu.memory_space<hbm>>
    %dma_wait3A_171 = tpu.memref_squeeze %dma_wait3A_170 : memref<1x17x768xf32, #tpu.memory_space<hbm>> -> memref<17x768xf32, #tpu.memory_space<hbm>>
    %dma_wait3A_172 = arith.constant 0 : i32
    %dma_wait3A_173 = arith.constant 0 : i32
    %dma_wait3A_174 = tpu.memref_slice %dma_wait3A_171[%dma_wait3A_172, %dma_wait3A_173] : memref<17x768xf32, #tpu.memory_space<hbm>> -> memref<17x768xf32, #tpu.memory_space<hbm>>
    tpu.wait_indirect_dma semaphore(%arg15 : memref<!tpu.dma_semaphore, #tpu.memory_space<semaphore_mem>>) src(%dma_wait3A_167 : memref<18x768xf32, #tpu.memory_space<vmem>>) dst(%dma_wait3A_174 : memref<17x768xf32, #tpu.memory_space<hbm>>)
    %add3A_175 = arith.constant 6 : i32
    %add3A_176 = arith.addi %mul3A_2, %add3A_175 : i32
    %dma_start3A_177 = arith.constant 0 : i32
    %dma_start3A_178 = arith.constant 0 : i32
    %dma_start3A_179 = arith.constant 0 : i32
    %dma_start3A_180 = tpu.memref_slice %arg8[%dma_start3A_177, %dma_start3A_178, %dma_start3A_179] : memref<6x18x768xf32, #tpu.memory_space<vmem>> -> memref<1x18x768xf32, #tpu.memory_space<vmem>>
    %dma_start3A_181 = tpu.memref_squeeze %dma_start3A_180 : memref<1x18x768xf32, #tpu.memory_space<vmem>> -> memref<18x768xf32, #tpu.memory_space<vmem>>
    %dma_start3A_182 = arith.constant 0 : i32
    %dma_start3A_183 = arith.constant 0 : i32
    %dma_start3A_184 = tpu.memref_slice %arg2[%add3A_176, %dma_start3A_182, %dma_start3A_183] : memref<1024x65x768xf32, #tpu.memory_space<hbm>> -> memref<1x65x768xf32, #tpu.memory_space<hbm>>
    %dma_start3A_185 = tpu.memref_squeeze %dma_start3A_184 : memref<1x65x768xf32, #tpu.memory_space<hbm>> -> memref<65x768xf32, #tpu.memory_space<hbm>>
    %dma_start3A_186 = arith.constant 0 : i32
    %dma_start3A_187 = arith.constant 0 : i32
    %dma_start3A_188 = tpu.memref_slice %dma_start3A_185[%dma_start3A_186, %dma_start3A_187] : memref<65x768xf32, #tpu.memory_space<hbm>> -> memref<65x768xf32, #tpu.memory_space<hbm>>
    tpu.enqueue_indirect_dma source(%dma_start3A_188 : memref<65x768xf32, #tpu.memory_space<hbm>>) target(%dma_start3A_181 : memref<18x768xf32, #tpu.memory_space<vmem>>) offsets(%arg6 : memref<18xi32, #tpu.memory_space<vmem>>) semaphore(%arg9 : memref<!tpu.dma_semaphore, #tpu.memory_space<semaphore_mem>>)
    %dma_wait3A_189 = arith.constant 3 : i32
    %dma_wait3A_190 = arith.constant 0 : i32
    %dma_wait3A_191 = arith.constant 0 : i32
    %dma_wait3A_192 = tpu.memref_slice %arg8[%dma_wait3A_189, %dma_wait3A_190, %dma_wait3A_191] : memref<6x18x768xf32, #tpu.memory_space<vmem>> -> memref<1x18x768xf32, #tpu.memory_space<vmem>>
    %dma_wait3A_193 = tpu.memref_squeeze %dma_wait3A_192 : memref<1x18x768xf32, #tpu.memory_space<vmem>> -> memref<18x768xf32, #tpu.memory_space<vmem>>
    %dma_wait3A_194 = arith.constant 0 : i32
    %dma_wait3A_195 = arith.constant 0 : i32
    %dma_wait3A_196 = tpu.memref_slice %arg2[%add3A_45, %dma_wait3A_194, %dma_wait3A_195] : memref<1024x65x768xf32, #tpu.memory_space<hbm>> -> memref<1x65x768xf32, #tpu.memory_space<hbm>>
    %dma_wait3A_197 = tpu.memref_squeeze %dma_wait3A_196 : memref<1x65x768xf32, #tpu.memory_space<hbm>> -> memref<65x768xf32, #tpu.memory_space<hbm>>
    %dma_wait3A_198 = arith.constant 0 : i32
    %dma_wait3A_199 = arith.constant 0 : i32
    %dma_wait3A_200 = tpu.memref_slice %dma_wait3A_197[%dma_wait3A_198, %dma_wait3A_199] : memref<65x768xf32, #tpu.memory_space<hbm>> -> memref<65x768xf32, #tpu.memory_space<hbm>>
    tpu.wait_indirect_dma semaphore(%arg12 : memref<!tpu.dma_semaphore, #tpu.memory_space<semaphore_mem>>) src(%dma_wait3A_200 : memref<65x768xf32, #tpu.memory_space<hbm>>) dst(%dma_wait3A_193 : memref<18x768xf32, #tpu.memory_space<vmem>>)
    %add3A_201 = arith.constant 3 : i32
    %add3A_202 = arith.addi %mul3A_2, %add3A_201 : i32
    %dma_start3A_203 = arith.constant 3 : i32
    %dma_start3A_204 = arith.constant 0 : i32
    %dma_start3A_205 = arith.constant 0 : i32
    %dma_start3A_206 = tpu.memref_slice %arg8[%dma_start3A_203, %dma_start3A_204, %dma_start3A_205] : memref<6x18x768xf32, #tpu.memory_space<vmem>> -> memref<1x18x768xf32, #tpu.memory_space<vmem>>
    %dma_start3A_207 = tpu.memref_squeeze %dma_start3A_206 : memref<1x18x768xf32, #tpu.memory_space<vmem>> -> memref<18x768xf32, #tpu.memory_space<vmem>>
    %dma_start3A_208 = arith.constant 0 : i32
    %dma_start3A_209 = arith.constant 0 : i32
    %dma_start3A_210 = tpu.memref_slice %arg5[%add3A_202, %dma_start3A_208, %dma_start3A_209] : memref<1024x17x768xf32, #tpu.memory_space<hbm>> -> memref<1x17x768xf32, #tpu.memory_space<hbm>>
    %dma_start3A_211 = tpu.memref_squeeze %dma_start3A_210 : memref<1x17x768xf32, #tpu.memory_space<hbm>> -> memref<17x768xf32, #tpu.memory_space<hbm>>
    %dma_start3A_212 = arith.constant 0 : i32
    %dma_start3A_213 = arith.constant 0 : i32
    %dma_start3A_214 = tpu.memref_slice %dma_start3A_211[%dma_start3A_212, %dma_start3A_213] : memref<17x768xf32, #tpu.memory_space<hbm>> -> memref<17x768xf32, #tpu.memory_space<hbm>>
    tpu.enqueue_indirect_dma source(%dma_start3A_207 : memref<18x768xf32, #tpu.memory_space<vmem>>) target(%dma_start3A_214 : memref<17x768xf32, #tpu.memory_space<hbm>>) offsets(%arg7 : memref<18xi32, #tpu.memory_space<vmem>>) semaphore(%arg18 : memref<!tpu.dma_semaphore, #tpu.memory_space<semaphore_mem>>)
    %dma_wait3A_215 = arith.constant 1 : i32
    %dma_wait3A_216 = arith.constant 0 : i32
    %dma_wait3A_217 = arith.constant 0 : i32
    %dma_wait3A_218 = tpu.memref_slice %arg8[%dma_wait3A_215, %dma_wait3A_216, %dma_wait3A_217] : memref<6x18x768xf32, #tpu.memory_space<vmem>> -> memref<1x18x768xf32, #tpu.memory_space<vmem>>
    %dma_wait3A_219 = tpu.memref_squeeze %dma_wait3A_218 : memref<1x18x768xf32, #tpu.memory_space<vmem>> -> memref<18x768xf32, #tpu.memory_space<vmem>>
    %dma_wait3A_220 = arith.constant 0 : i32
    %dma_wait3A_221 = arith.constant 0 : i32
    %dma_wait3A_222 = tpu.memref_slice %arg5[%add3A_110, %dma_wait3A_220, %dma_wait3A_221] : memref<1024x17x768xf32, #tpu.memory_space<hbm>> -> memref<1x17x768xf32, #tpu.memory_space<hbm>>
    %dma_wait3A_223 = tpu.memref_squeeze %dma_wait3A_222 : memref<1x17x768xf32, #tpu.memory_space<hbm>> -> memref<17x768xf32, #tpu.memory_space<hbm>>
    %dma_wait3A_224 = arith.constant 0 : i32
    %dma_wait3A_225 = arith.constant 0 : i32
    %dma_wait3A_226 = tpu.memref_slice %dma_wait3A_223[%dma_wait3A_224, %dma_wait3A_225] : memref<17x768xf32, #tpu.memory_space<hbm>> -> memref<17x768xf32, #tpu.memory_space<hbm>>
    tpu.wait_indirect_dma semaphore(%arg16 : memref<!tpu.dma_semaphore, #tpu.memory_space<semaphore_mem>>) src(%dma_wait3A_219 : memref<18x768xf32, #tpu.memory_space<vmem>>) dst(%dma_wait3A_226 : memref<17x768xf32, #tpu.memory_space<hbm>>)
    %add3A_227 = arith.constant 7 : i32
    %add3A_228 = arith.addi %mul3A_2, %add3A_227 : i32
    %dma_start3A_229 = arith.constant 1 : i32
    %dma_start3A_230 = arith.constant 0 : i32
    %dma_start3A_231 = arith.constant 0 : i32
    %dma_start3A_232 = tpu.memref_slice %arg8[%dma_start3A_229, %dma_start3A_230, %dma_start3A_231] : memref<6x18x768xf32, #tpu.memory_space<vmem>> -> memref<1x18x768xf32, #tpu.memory_space<vmem>>
    %dma_start3A_233 = tpu.memref_squeeze %dma_start3A_232 : memref<1x18x768xf32, #tpu.memory_space<vmem>> -> memref<18x768xf32, #tpu.memory_space<vmem>>
    %dma_start3A_234 = arith.constant 0 : i32
    %dma_start3A_235 = arith.constant 0 : i32
    %dma_start3A_236 = tpu.memref_slice %arg2[%add3A_228, %dma_start3A_234, %dma_start3A_235] : memref<1024x65x768xf32, #tpu.memory_space<hbm>> -> memref<1x65x768xf32, #tpu.memory_space<hbm>>
    %dma_start3A_237 = tpu.memref_squeeze %dma_start3A_236 : memref<1x65x768xf32, #tpu.memory_space<hbm>> -> memref<65x768xf32, #tpu.memory_space<hbm>>
    %dma_start3A_238 = arith.constant 0 : i32
    %dma_start3A_239 = arith.constant 0 : i32
    %dma_start3A_240 = tpu.memref_slice %dma_start3A_237[%dma_start3A_238, %dma_start3A_239] : memref<65x768xf32, #tpu.memory_space<hbm>> -> memref<65x768xf32, #tpu.memory_space<hbm>>
    tpu.enqueue_indirect_dma source(%dma_start3A_240 : memref<65x768xf32, #tpu.memory_space<hbm>>) target(%dma_start3A_233 : memref<18x768xf32, #tpu.memory_space<vmem>>) offsets(%arg6 : memref<18xi32, #tpu.memory_space<vmem>>) semaphore(%arg10 : memref<!tpu.dma_semaphore, #tpu.memory_space<semaphore_mem>>)
    %dma_wait3A_241 = arith.constant 4 : i32
    %dma_wait3A_242 = arith.constant 0 : i32
    %dma_wait3A_243 = arith.constant 0 : i32
    %dma_wait3A_244 = tpu.memref_slice %arg8[%dma_wait3A_241, %dma_wait3A_242, %dma_wait3A_243] : memref<6x18x768xf32, #tpu.memory_space<vmem>> -> memref<1x18x768xf32, #tpu.memory_space<vmem>>
    %dma_wait3A_245 = tpu.memref_squeeze %dma_wait3A_244 : memref<1x18x768xf32, #tpu.memory_space<vmem>> -> memref<18x768xf32, #tpu.memory_space<vmem>>
    %dma_wait3A_246 = arith.constant 0 : i32
    %dma_wait3A_247 = arith.constant 0 : i32
    %dma_wait3A_248 = tpu.memref_slice %arg2[%add3A_84, %dma_wait3A_246, %dma_wait3A_247] : memref<1024x65x768xf32, #tpu.memory_space<hbm>> -> memref<1x65x768xf32, #tpu.memory_space<hbm>>
    %dma_wait3A_249 = tpu.memref_squeeze %dma_wait3A_248 : memref<1x65x768xf32, #tpu.memory_space<hbm>> -> memref<65x768xf32, #tpu.memory_space<hbm>>
    %dma_wait3A_250 = arith.constant 0 : i32
    %dma_wait3A_251 = arith.constant 0 : i32
    %dma_wait3A_252 = tpu.memref_slice %dma_wait3A_249[%dma_wait3A_250, %dma_wait3A_251] : memref<65x768xf32, #tpu.memory_space<hbm>> -> memref<65x768xf32, #tpu.memory_space<hbm>>
    tpu.wait_indirect_dma semaphore(%arg13 : memref<!tpu.dma_semaphore, #tpu.memory_space<semaphore_mem>>) src(%dma_wait3A_252 : memref<65x768xf32, #tpu.memory_space<hbm>>) dst(%dma_wait3A_245 : memref<18x768xf32, #tpu.memory_space<vmem>>)
    %add3A_253 = arith.constant 4 : i32
    %add3A_254 = arith.addi %mul3A_2, %add3A_253 : i32
    %dma_start3A_255 = arith.constant 4 : i32
    %dma_start3A_256 = arith.constant 0 : i32
    %dma_start3A_257 = arith.constant 0 : i32
    %dma_start3A_258 = tpu.memref_slice %arg8[%dma_start3A_255, %dma_start3A_256, %dma_start3A_257] : memref<6x18x768xf32, #tpu.memory_space<vmem>> -> memref<1x18x768xf32, #tpu.memory_space<vmem>>
    %dma_start3A_259 = tpu.memref_squeeze %dma_start3A_258 : memref<1x18x768xf32, #tpu.memory_space<vmem>> -> memref<18x768xf32, #tpu.memory_space<vmem>>
    %dma_start3A_260 = arith.constant 0 : i32
    %dma_start3A_261 = arith.constant 0 : i32
    %dma_start3A_262 = tpu.memref_slice %arg5[%add3A_254, %dma_start3A_260, %dma_start3A_261] : memref<1024x17x768xf32, #tpu.memory_space<hbm>> -> memref<1x17x768xf32, #tpu.memory_space<hbm>>
    %dma_start3A_263 = tpu.memref_squeeze %dma_start3A_262 : memref<1x17x768xf32, #tpu.memory_space<hbm>> -> memref<17x768xf32, #tpu.memory_space<hbm>>
    %dma_start3A_264 = arith.constant 0 : i32
    %dma_start3A_265 = arith.constant 0 : i32
    %dma_start3A_266 = tpu.memref_slice %dma_start3A_263[%dma_start3A_264, %dma_start3A_265] : memref<17x768xf32, #tpu.memory_space<hbm>> -> memref<17x768xf32, #tpu.memory_space<hbm>>
    tpu.enqueue_indirect_dma source(%dma_start3A_259 : memref<18x768xf32, #tpu.memory_space<vmem>>) target(%dma_start3A_266 : memref<17x768xf32, #tpu.memory_space<hbm>>) offsets(%arg7 : memref<18xi32, #tpu.memory_space<vmem>>) semaphore(%arg19 : memref<!tpu.dma_semaphore, #tpu.memory_space<semaphore_mem>>)
    %dma_wait3A_267 = arith.constant 2 : i32
    %dma_wait3A_268 = arith.constant 0 : i32
    %dma_wait3A_269 = arith.constant 0 : i32
    %dma_wait3A_270 = tpu.memref_slice %arg8[%dma_wait3A_267, %dma_wait3A_268, %dma_wait3A_269] : memref<6x18x768xf32, #tpu.memory_space<vmem>> -> memref<1x18x768xf32, #tpu.memory_space<vmem>>
    %dma_wait3A_271 = tpu.memref_squeeze %dma_wait3A_270 : memref<1x18x768xf32, #tpu.memory_space<vmem>> -> memref<18x768xf32, #tpu.memory_space<vmem>>
    %dma_wait3A_272 = arith.constant 0 : i32
    %dma_wait3A_273 = arith.constant 0 : i32
    %dma_wait3A_274 = tpu.memref_slice %arg5[%add3A_150, %dma_wait3A_272, %dma_wait3A_273] : memref<1024x17x768xf32, #tpu.memory_space<hbm>> -> memref<1x17x768xf32, #tpu.memory_space<hbm>>
    %dma_wait3A_275 = tpu.memref_squeeze %dma_wait3A_274 : memref<1x17x768xf32, #tpu.memory_space<hbm>> -> memref<17x768xf32, #tpu.memory_space<hbm>>
    %dma_wait3A_276 = arith.constant 0 : i32
    %dma_wait3A_277 = arith.constant 0 : i32
    %dma_wait3A_278 = tpu.memref_slice %dma_wait3A_275[%dma_wait3A_276, %dma_wait3A_277] : memref<17x768xf32, #tpu.memory_space<hbm>> -> memref<17x768xf32, #tpu.memory_space<hbm>>
    tpu.wait_indirect_dma semaphore(%arg17 : memref<!tpu.dma_semaphore, #tpu.memory_space<semaphore_mem>>) src(%dma_wait3A_271 : memref<18x768xf32, #tpu.memory_space<vmem>>) dst(%dma_wait3A_278 : memref<17x768xf32, #tpu.memory_space<hbm>>)
    %add3A_279 = arith.constant 8 : i32
    %add3A_280 = arith.addi %mul3A_2, %add3A_279 : i32
    %dma_start3A_281 = arith.constant 2 : i32
    %dma_start3A_282 = arith.constant 0 : i32
    %dma_start3A_283 = arith.constant 0 : i32
    %dma_start3A_284 = tpu.memref_slice %arg8[%dma_start3A_281, %dma_start3A_282, %dma_start3A_283] : memref<6x18x768xf32, #tpu.memory_space<vmem>> -> memref<1x18x768xf32, #tpu.memory_space<vmem>>
    %dma_start3A_285 = tpu.memref_squeeze %dma_start3A_284 : memref<1x18x768xf32, #tpu.memory_space<vmem>> -> memref<18x768xf32, #tpu.memory_space<vmem>>
    %dma_start3A_286 = arith.constant 0 : i32
    %dma_start3A_287 = arith.constant 0 : i32
    %dma_start3A_288 = tpu.memref_slice %arg2[%add3A_280, %dma_start3A_286, %dma_start3A_287] : memref<1024x65x768xf32, #tpu.memory_space<hbm>> -> memref<1x65x768xf32, #tpu.memory_space<hbm>>
    %dma_start3A_289 = tpu.memref_squeeze %dma_start3A_288 : memref<1x65x768xf32, #tpu.memory_space<hbm>> -> memref<65x768xf32, #tpu.memory_space<hbm>>
    %dma_start3A_290 = arith.constant 0 : i32
    %dma_start3A_291 = arith.constant 0 : i32
    %dma_start3A_292 = tpu.memref_slice %dma_start3A_289[%dma_start3A_290, %dma_start3A_291] : memref<65x768xf32, #tpu.memory_space<hbm>> -> memref<65x768xf32, #tpu.memory_space<hbm>>
    tpu.enqueue_indirect_dma source(%dma_start3A_292 : memref<65x768xf32, #tpu.memory_space<hbm>>) target(%dma_start3A_285 : memref<18x768xf32, #tpu.memory_space<vmem>>) offsets(%arg6 : memref<18xi32, #tpu.memory_space<vmem>>) semaphore(%arg11 : memref<!tpu.dma_semaphore, #tpu.memory_space<semaphore_mem>>)
    %dma_wait3A_293 = arith.constant 5 : i32
    %dma_wait3A_294 = arith.constant 0 : i32
    %dma_wait3A_295 = arith.constant 0 : i32
    %dma_wait3A_296 = tpu.memref_slice %arg8[%dma_wait3A_293, %dma_wait3A_294, %dma_wait3A_295] : memref<6x18x768xf32, #tpu.memory_space<vmem>> -> memref<1x18x768xf32, #tpu.memory_space<vmem>>
    %dma_wait3A_297 = tpu.memref_squeeze %dma_wait3A_296 : memref<1x18x768xf32, #tpu.memory_space<vmem>> -> memref<18x768xf32, #tpu.memory_space<vmem>>
    %dma_wait3A_298 = arith.constant 0 : i32
    %dma_wait3A_299 = arith.constant 0 : i32
    %dma_wait3A_300 = tpu.memref_slice %arg2[%add3A_124, %dma_wait3A_298, %dma_wait3A_299] : memref<1024x65x768xf32, #tpu.memory_space<hbm>> -> memref<1x65x768xf32, #tpu.memory_space<hbm>>
    %dma_wait3A_301 = tpu.memref_squeeze %dma_wait3A_300 : memref<1x65x768xf32, #tpu.memory_space<hbm>> -> memref<65x768xf32, #tpu.memory_space<hbm>>
    %dma_wait3A_302 = arith.constant 0 : i32
    %dma_wait3A_303 = arith.constant 0 : i32
    %dma_wait3A_304 = tpu.memref_slice %dma_wait3A_301[%dma_wait3A_302, %dma_wait3A_303] : memref<65x768xf32, #tpu.memory_space<hbm>> -> memref<65x768xf32, #tpu.memory_space<hbm>>
    tpu.wait_indirect_dma semaphore(%arg14 : memref<!tpu.dma_semaphore, #tpu.memory_space<semaphore_mem>>) src(%dma_wait3A_304 : memref<65x768xf32, #tpu.memory_space<hbm>>) dst(%dma_wait3A_297 : memref<18x768xf32, #tpu.memory_space<vmem>>)
    %add3A_305 = arith.constant 5 : i32
    %add3A_306 = arith.addi %mul3A_2, %add3A_305 : i32
    %dma_start3A_307 = arith.constant 5 : i32
    %dma_start3A_308 = arith.constant 0 : i32
    %dma_start3A_309 = arith.constant 0 : i32
    %dma_start3A_310 = tpu.memref_slice %arg8[%dma_start3A_307, %dma_start3A_308, %dma_start3A_309] : memref<6x18x768xf32, #tpu.memory_space<vmem>> -> memref<1x18x768xf32, #tpu.memory_space<vmem>>
    %dma_start3A_311 = tpu.memref_squeeze %dma_start3A_310 : memref<1x18x768xf32, #tpu.memory_space<vmem>> -> memref<18x768xf32, #tpu.memory_space<vmem>>
    %dma_start3A_312 = arith.constant 0 : i32
    %dma_start3A_313 = arith.constant 0 : i32
    %dma_start3A_314 = tpu.memref_slice %arg5[%add3A_306, %dma_start3A_312, %dma_start3A_313] : memref<1024x17x768xf32, #tpu.memory_space<hbm>> -> memref<1x17x768xf32, #tpu.memory_space<hbm>>
    %dma_start3A_315 = tpu.memref_squeeze %dma_start3A_314 : memref<1x17x768xf32, #tpu.memory_space<hbm>> -> memref<17x768xf32, #tpu.memory_space<hbm>>
    %dma_start3A_316 = arith.constant 0 : i32
    %dma_start3A_317 = arith.constant 0 : i32
    %dma_start3A_318 = tpu.memref_slice %dma_start3A_315[%dma_start3A_316, %dma_start3A_317] : memref<17x768xf32, #tpu.memory_space<hbm>> -> memref<17x768xf32, #tpu.memory_space<hbm>>
    tpu.enqueue_indirect_dma source(%dma_start3A_311 : memref<18x768xf32, #tpu.memory_space<vmem>>) target(%dma_start3A_318 : memref<17x768xf32, #tpu.memory_space<hbm>>) offsets(%arg7 : memref<18xi32, #tpu.memory_space<vmem>>) semaphore(%arg20 : memref<!tpu.dma_semaphore, #tpu.memory_space<semaphore_mem>>)
    %dma_wait3A_319 = arith.constant 3 : i32
    %dma_wait3A_320 = arith.constant 0 : i32
    %dma_wait3A_321 = arith.constant 0 : i32
    %dma_wait3A_322 = tpu.memref_slice %arg8[%dma_wait3A_319, %dma_wait3A_320, %dma_wait3A_321] : memref<6x18x768xf32, #tpu.memory_space<vmem>> -> memref<1x18x768xf32, #tpu.memory_space<vmem>>
    %dma_wait3A_323 = tpu.memref_squeeze %dma_wait3A_322 : memref<1x18x768xf32, #tpu.memory_space<vmem>> -> memref<18x768xf32, #tpu.memory_space<vmem>>
    %dma_wait3A_324 = arith.constant 0 : i32
    %dma_wait3A_325 = arith.constant 0 : i32
    %dma_wait3A_326 = tpu.memref_slice %arg5[%add3A_202, %dma_wait3A_324, %dma_wait3A_325] : memref<1024x17x768xf32, #tpu.memory_space<hbm>> -> memref<1x17x768xf32, #tpu.memory_space<hbm>>
    %dma_wait3A_327 = tpu.memref_squeeze %dma_wait3A_326 : memref<1x17x768xf32, #tpu.memory_space<hbm>> -> memref<17x768xf32, #tpu.memory_space<hbm>>
    %dma_wait3A_328 = arith.constant 0 : i32
    %dma_wait3A_329 = arith.constant 0 : i32
    %dma_wait3A_330 = tpu.memref_slice %dma_wait3A_327[%dma_wait3A_328, %dma_wait3A_329] : memref<17x768xf32, #tpu.memory_space<hbm>> -> memref<17x768xf32, #tpu.memory_space<hbm>>
    tpu.wait_indirect_dma semaphore(%arg18 : memref<!tpu.dma_semaphore, #tpu.memory_space<semaphore_mem>>) src(%dma_wait3A_323 : memref<18x768xf32, #tpu.memory_space<vmem>>) dst(%dma_wait3A_330 : memref<17x768xf32, #tpu.memory_space<hbm>>)
    %add3A_331 = arith.constant 9 : i32
    %add3A_332 = arith.addi %mul3A_2, %add3A_331 : i32
    %dma_start3A_333 = arith.constant 3 : i32
    %dma_start3A_334 = arith.constant 0 : i32
    %dma_start3A_335 = arith.constant 0 : i32
    %dma_start3A_336 = tpu.memref_slice %arg8[%dma_start3A_333, %dma_start3A_334, %dma_start3A_335] : memref<6x18x768xf32, #tpu.memory_space<vmem>> -> memref<1x18x768xf32, #tpu.memory_space<vmem>>
    %dma_start3A_337 = tpu.memref_squeeze %dma_start3A_336 : memref<1x18x768xf32, #tpu.memory_space<vmem>> -> memref<18x768xf32, #tpu.memory_space<vmem>>
    %dma_start3A_338 = arith.constant 0 : i32
    %dma_start3A_339 = arith.constant 0 : i32
    %dma_start3A_340 = tpu.memref_slice %arg2[%add3A_332, %dma_start3A_338, %dma_start3A_339] : memref<1024x65x768xf32, #tpu.memory_space<hbm>> -> memref<1x65x768xf32, #tpu.memory_space<hbm>>
    %dma_start3A_341 = tpu.memref_squeeze %dma_start3A_340 : memref<1x65x768xf32, #tpu.memory_space<hbm>> -> memref<65x768xf32, #tpu.memory_space<hbm>>
    %dma_start3A_342 = arith.constant 0 : i32
    %dma_start3A_343 = arith.constant 0 : i32
    %dma_start3A_344 = tpu.memref_slice %dma_start3A_341[%dma_start3A_342, %dma_start3A_343] : memref<65x768xf32, #tpu.memory_space<hbm>> -> memref<65x768xf32, #tpu.memory_space<hbm>>
    tpu.enqueue_indirect_dma source(%dma_start3A_344 : memref<65x768xf32, #tpu.memory_space<hbm>>) target(%dma_start3A_337 : memref<18x768xf32, #tpu.memory_space<vmem>>) offsets(%arg6 : memref<18xi32, #tpu.memory_space<vmem>>) semaphore(%arg12 : memref<!tpu.dma_semaphore, #tpu.memory_space<semaphore_mem>>)
    %dma_wait3A_345 = arith.constant 0 : i32
    %dma_wait3A_346 = arith.constant 0 : i32
    %dma_wait3A_347 = arith.constant 0 : i32
    %dma_wait3A_348 = tpu.memref_slice %arg8[%dma_wait3A_345, %dma_wait3A_346, %dma_wait3A_347] : memref<6x18x768xf32, #tpu.memory_space<vmem>> -> memref<1x18x768xf32, #tpu.memory_space<vmem>>
    %dma_wait3A_349 = tpu.memref_squeeze %dma_wait3A_348 : memref<1x18x768xf32, #tpu.memory_space<vmem>> -> memref<18x768xf32, #tpu.memory_space<vmem>>
    %dma_wait3A_350 = arith.constant 0 : i32
    %dma_wait3A_351 = arith.constant 0 : i32
    %dma_wait3A_352 = tpu.memref_slice %arg2[%add3A_176, %dma_wait3A_350, %dma_wait3A_351] : memref<1024x65x768xf32, #tpu.memory_space<hbm>> -> memref<1x65x768xf32, #tpu.memory_space<hbm>>
    %dma_wait3A_353 = tpu.memref_squeeze %dma_wait3A_352 : memref<1x65x768xf32, #tpu.memory_space<hbm>> -> memref<65x768xf32, #tpu.memory_space<hbm>>
    %dma_wait3A_354 = arith.constant 0 : i32
    %dma_wait3A_355 = arith.constant 0 : i32
    %dma_wait3A_356 = tpu.memref_slice %dma_wait3A_353[%dma_wait3A_354, %dma_wait3A_355] : memref<65x768xf32, #tpu.memory_space<hbm>> -> memref<65x768xf32, #tpu.memory_space<hbm>>
    tpu.wait_indirect_dma semaphore(%arg9 : memref<!tpu.dma_semaphore, #tpu.memory_space<semaphore_mem>>) src(%dma_wait3A_356 : memref<65x768xf32, #tpu.memory_space<hbm>>) dst(%dma_wait3A_349 : memref<18x768xf32, #tpu.memory_space<vmem>>)
    %add3A_357 = arith.constant 6 : i32
    %add3A_358 = arith.addi %mul3A_2, %add3A_357 : i32
    %dma_start3A_359 = arith.constant 0 : i32
    %dma_start3A_360 = arith.constant 0 : i32
    %dma_start3A_361 = arith.constant 0 : i32
    %dma_start3A_362 = tpu.memref_slice %arg8[%dma_start3A_359, %dma_start3A_360, %dma_start3A_361] : memref<6x18x768xf32, #tpu.memory_space<vmem>> -> memref<1x18x768xf32, #tpu.memory_space<vmem>>
    %dma_start3A_363 = tpu.memref_squeeze %dma_start3A_362 : memref<1x18x768xf32, #tpu.memory_space<vmem>> -> memref<18x768xf32, #tpu.memory_space<vmem>>
    %dma_start3A_364 = arith.constant 0 : i32
    %dma_start3A_365 = arith.constant 0 : i32
    %dma_start3A_366 = tpu.memref_slice %arg5[%add3A_358, %dma_start3A_364, %dma_start3A_365] : memref<1024x17x768xf32, #tpu.memory_space<hbm>> -> memref<1x17x768xf32, #tpu.memory_space<hbm>>
    %dma_start3A_367 = tpu.memref_squeeze %dma_start3A_366 : memref<1x17x768xf32, #tpu.memory_space<hbm>> -> memref<17x768xf32, #tpu.memory_space<hbm>>
    %dma_start3A_368 = arith.constant 0 : i32
    %dma_start3A_369 = arith.constant 0 : i32
    %dma_start3A_370 = tpu.memref_slice %dma_start3A_367[%dma_start3A_368, %dma_start3A_369] : memref<17x768xf32, #tpu.memory_space<hbm>> -> memref<17x768xf32, #tpu.memory_space<hbm>>
    tpu.enqueue_indirect_dma source(%dma_start3A_363 : memref<18x768xf32, #tpu.memory_space<vmem>>) target(%dma_start3A_370 : memref<17x768xf32, #tpu.memory_space<hbm>>) offsets(%arg7 : memref<18xi32, #tpu.memory_space<vmem>>) semaphore(%arg15 : memref<!tpu.dma_semaphore, #tpu.memory_space<semaphore_mem>>)
    %dma_wait3A_371 = arith.constant 4 : i32
    %dma_wait3A_372 = arith.constant 0 : i32
    %dma_wait3A_373 = arith.constant 0 : i32
    %dma_wait3A_374 = tpu.memref_slice %arg8[%dma_wait3A_371, %dma_wait3A_372, %dma_wait3A_373] : memref<6x18x768xf32, #tpu.memory_space<vmem>> -> memref<1x18x768xf32, #tpu.memory_space<vmem>>
    %dma_wait3A_375 = tpu.memref_squeeze %dma_wait3A_374 : memref<1x18x768xf32, #tpu.memory_space<vmem>> -> memref<18x768xf32, #tpu.memory_space<vmem>>
    %dma_wait3A_376 = arith.constant 0 : i32
    %dma_wait3A_377 = arith.constant 0 : i32
    %dma_wait3A_378 = tpu.memref_slice %arg5[%add3A_254, %dma_wait3A_376, %dma_wait3A_377] : memref<1024x17x768xf32, #tpu.memory_space<hbm>> -> memref<1x17x768xf32, #tpu.memory_space<hbm>>
    %dma_wait3A_379 = tpu.memref_squeeze %dma_wait3A_378 : memref<1x17x768xf32, #tpu.memory_space<hbm>> -> memref<17x768xf32, #tpu.memory_space<hbm>>
    %dma_wait3A_380 = arith.constant 0 : i32
    %dma_wait3A_381 = arith.constant 0 : i32
    %dma_wait3A_382 = tpu.memref_slice %dma_wait3A_379[%dma_wait3A_380, %dma_wait3A_381] : memref<17x768xf32, #tpu.memory_space<hbm>> -> memref<17x768xf32, #tpu.memory_space<hbm>>
    tpu.wait_indirect_dma semaphore(%arg19 : memref<!tpu.dma_semaphore, #tpu.memory_space<semaphore_mem>>) src(%dma_wait3A_375 : memref<18x768xf32, #tpu.memory_space<vmem>>) dst(%dma_wait3A_382 : memref<17x768xf32, #tpu.memory_space<hbm>>)
    %add3A_383 = arith.constant 10 : i32
    %add3A_384 = arith.addi %mul3A_2, %add3A_383 : i32
    %dma_start3A_385 = arith.constant 4 : i32
    %dma_start3A_386 = arith.constant 0 : i32
    %dma_start3A_387 = arith.constant 0 : i32
    %dma_start3A_388 = tpu.memref_slice %arg8[%dma_start3A_385, %dma_start3A_386, %dma_start3A_387] : memref<6x18x768xf32, #tpu.memory_space<vmem>> -> memref<1x18x768xf32, #tpu.memory_space<vmem>>
    %dma_start3A_389 = tpu.memref_squeeze %dma_start3A_388 : memref<1x18x768xf32, #tpu.memory_space<vmem>> -> memref<18x768xf32, #tpu.memory_space<vmem>>
    %dma_start3A_390 = arith.constant 0 : i32
    %dma_start3A_391 = arith.constant 0 : i32
    %dma_start3A_392 = tpu.memref_slice %arg2[%add3A_384, %dma_start3A_390, %dma_start3A_391] : memref<1024x65x768xf32, #tpu.memory_space<hbm>> -> memref<1x65x768xf32, #tpu.memory_space<hbm>>
    %dma_start3A_393 = tpu.memref_squeeze %dma_start3A_392 : memref<1x65x768xf32, #tpu.memory_space<hbm>> -> memref<65x768xf32, #tpu.memory_space<hbm>>
    %dma_start3A_394 = arith.constant 0 : i32
    %dma_start3A_395 = arith.constant 0 : i32
    %dma_start3A_396 = tpu.memref_slice %dma_start3A_393[%dma_start3A_394, %dma_start3A_395] : memref<65x768xf32, #tpu.memory_space<hbm>> -> memref<65x768xf32, #tpu.memory_space<hbm>>
    tpu.enqueue_indirect_dma source(%dma_start3A_396 : memref<65x768xf32, #tpu.memory_space<hbm>>) target(%dma_start3A_389 : memref<18x768xf32, #tpu.memory_space<vmem>>) offsets(%arg6 : memref<18xi32, #tpu.memory_space<vmem>>) semaphore(%arg13 : memref<!tpu.dma_semaphore, #tpu.memory_space<semaphore_mem>>)
    %dma_wait3A_397 = arith.constant 1 : i32
    %dma_wait3A_398 = arith.constant 0 : i32
    %dma_wait3A_399 = arith.constant 0 : i32
    %dma_wait3A_400 = tpu.memref_slice %arg8[%dma_wait3A_397, %dma_wait3A_398, %dma_wait3A_399] : memref<6x18x768xf32, #tpu.memory_space<vmem>> -> memref<1x18x768xf32, #tpu.memory_space<vmem>>
    %dma_wait3A_401 = tpu.memref_squeeze %dma_wait3A_400 : memref<1x18x768xf32, #tpu.memory_space<vmem>> -> memref<18x768xf32, #tpu.memory_space<vmem>>
    %dma_wait3A_402 = arith.constant 0 : i32
    %dma_wait3A_403 = arith.constant 0 : i32
    %dma_wait3A_404 = tpu.memref_slice %arg2[%add3A_228, %dma_wait3A_402, %dma_wait3A_403] : memref<1024x65x768xf32, #tpu.memory_space<hbm>> -> memref<1x65x768xf32, #tpu.memory_space<hbm>>
    %dma_wait3A_405 = tpu.memref_squeeze %dma_wait3A_404 : memref<1x65x768xf32, #tpu.memory_space<hbm>> -> memref<65x768xf32, #tpu.memory_space<hbm>>
    %dma_wait3A_406 = arith.constant 0 : i32
    %dma_wait3A_407 = arith.constant 0 : i32
    %dma_wait3A_408 = tpu.memref_slice %dma_wait3A_405[%dma_wait3A_406, %dma_wait3A_407] : memref<65x768xf32, #tpu.memory_space<hbm>> -> memref<65x768xf32, #tpu.memory_space<hbm>>
    tpu.wait_indirect_dma semaphore(%arg10 : memref<!tpu.dma_semaphore, #tpu.memory_space<semaphore_mem>>) src(%dma_wait3A_408 : memref<65x768xf32, #tpu.memory_space<hbm>>) dst(%dma_wait3A_401 : memref<18x768xf32, #tpu.memory_space<vmem>>)
    %add3A_409 = arith.constant 7 : i32
    %add3A_410 = arith.addi %mul3A_2, %add3A_409 : i32
    %dma_start3A_411 = arith.constant 1 : i32
    %dma_start3A_412 = arith.constant 0 : i32
    %dma_start3A_413 = arith.constant 0 : i32
    %dma_start3A_414 = tpu.memref_slice %arg8[%dma_start3A_411, %dma_start3A_412, %dma_start3A_413] : memref<6x18x768xf32, #tpu.memory_space<vmem>> -> memref<1x18x768xf32, #tpu.memory_space<vmem>>
    %dma_start3A_415 = tpu.memref_squeeze %dma_start3A_414 : memref<1x18x768xf32, #tpu.memory_space<vmem>> -> memref<18x768xf32, #tpu.memory_space<vmem>>
    %dma_start3A_416 = arith.constant 0 : i32
    %dma_start3A_417 = arith.constant 0 : i32
    %dma_start3A_418 = tpu.memref_slice %arg5[%add3A_410, %dma_start3A_416, %dma_start3A_417] : memref<1024x17x768xf32, #tpu.memory_space<hbm>> -> memref<1x17x768xf32, #tpu.memory_space<hbm>>
    %dma_start3A_419 = tpu.memref_squeeze %dma_start3A_418 : memref<1x17x768xf32, #tpu.memory_space<hbm>> -> memref<17x768xf32, #tpu.memory_space<hbm>>
    %dma_start3A_420 = arith.constant 0 : i32
    %dma_start3A_421 = arith.constant 0 : i32
    %dma_start3A_422 = tpu.memref_slice %dma_start3A_419[%dma_start3A_420, %dma_start3A_421] : memref<17x768xf32, #tpu.memory_space<hbm>> -> memref<17x768xf32, #tpu.memory_space<hbm>>
    tpu.enqueue_indirect_dma source(%dma_start3A_415 : memref<18x768xf32, #tpu.memory_space<vmem>>) target(%dma_start3A_422 : memref<17x768xf32, #tpu.memory_space<hbm>>) offsets(%arg7 : memref<18xi32, #tpu.memory_space<vmem>>) semaphore(%arg16 : memref<!tpu.dma_semaphore, #tpu.memory_space<semaphore_mem>>)
    %dma_wait3A_423 = arith.constant 5 : i32
    %dma_wait3A_424 = arith.constant 0 : i32
    %dma_wait3A_425 = arith.constant 0 : i32
    %dma_wait3A_426 = tpu.memref_slice %arg8[%dma_wait3A_423, %dma_wait3A_424, %dma_wait3A_425] : memref<6x18x768xf32, #tpu.memory_space<vmem>> -> memref<1x18x768xf32, #tpu.memory_space<vmem>>
    %dma_wait3A_427 = tpu.memref_squeeze %dma_wait3A_426 : memref<1x18x768xf32, #tpu.memory_space<vmem>> -> memref<18x768xf32, #tpu.memory_space<vmem>>
    %dma_wait3A_428 = arith.constant 0 : i32
    %dma_wait3A_429 = arith.constant 0 : i32
    %dma_wait3A_430 = tpu.memref_slice %arg5[%add3A_306, %dma_wait3A_428, %dma_wait3A_429] : memref<1024x17x768xf32, #tpu.memory_space<hbm>> -> memref<1x17x768xf32, #tpu.memory_space<hbm>>
    %dma_wait3A_431 = tpu.memref_squeeze %dma_wait3A_430 : memref<1x17x768xf32, #tpu.memory_space<hbm>> -> memref<17x768xf32, #tpu.memory_space<hbm>>
    %dma_wait3A_432 = arith.constant 0 : i32
    %dma_wait3A_433 = arith.constant 0 : i32
    %dma_wait3A_434 = tpu.memref_slice %dma_wait3A_431[%dma_wait3A_432, %dma_wait3A_433] : memref<17x768xf32, #tpu.memory_space<hbm>> -> memref<17x768xf32, #tpu.memory_space<hbm>>
    tpu.wait_indirect_dma semaphore(%arg20 : memref<!tpu.dma_semaphore, #tpu.memory_space<semaphore_mem>>) src(%dma_wait3A_427 : memref<18x768xf32, #tpu.memory_space<vmem>>) dst(%dma_wait3A_434 : memref<17x768xf32, #tpu.memory_space<hbm>>)
    %add3A_435 = arith.constant 11 : i32
    %add3A_436 = arith.addi %mul3A_2, %add3A_435 : i32
    %dma_start3A_437 = arith.constant 5 : i32
    %dma_start3A_438 = arith.constant 0 : i32
    %dma_start3A_439 = arith.constant 0 : i32
    %dma_start3A_440 = tpu.memref_slice %arg8[%dma_start3A_437, %dma_start3A_438, %dma_start3A_439] : memref<6x18x768xf32, #tpu.memory_space<vmem>> -> memref<1x18x768xf32, #tpu.memory_space<vmem>>
    %dma_start3A_441 = tpu.memref_squeeze %dma_start3A_440 : memref<1x18x768xf32, #tpu.memory_space<vmem>> -> memref<18x768xf32, #tpu.memory_space<vmem>>
    %dma_start3A_442 = arith.constant 0 : i32
    %dma_start3A_443 = arith.constant 0 : i32
    %dma_start3A_444 = tpu.memref_slice %arg2[%add3A_436, %dma_start3A_442, %dma_start3A_443] : memref<1024x65x768xf32, #tpu.memory_space<hbm>> -> memref<1x65x768xf32, #tpu.memory_space<hbm>>
    %dma_start3A_445 = tpu.memref_squeeze %dma_start3A_444 : memref<1x65x768xf32, #tpu.memory_space<hbm>> -> memref<65x768xf32, #tpu.memory_space<hbm>>
    %dma_start3A_446 = arith.constant 0 : i32
    %dma_start3A_447 = arith.constant 0 : i32
    %dma_start3A_448 = tpu.memref_slice %dma_start3A_445[%dma_start3A_446, %dma_start3A_447] : memref<65x768xf32, #tpu.memory_space<hbm>> -> memref<65x768xf32, #tpu.memory_space<hbm>>
    tpu.enqueue_indirect_dma source(%dma_start3A_448 : memref<65x768xf32, #tpu.memory_space<hbm>>) target(%dma_start3A_441 : memref<18x768xf32, #tpu.memory_space<vmem>>) offsets(%arg6 : memref<18xi32, #tpu.memory_space<vmem>>) semaphore(%arg14 : memref<!tpu.dma_semaphore, #tpu.memory_space<semaphore_mem>>)
    %dma_wait3A_449 = arith.constant 2 : i32
    %dma_wait3A_450 = arith.constant 0 : i32
    %dma_wait3A_451 = arith.constant 0 : i32
    %dma_wait3A_452 = tpu.memref_slice %arg8[%dma_wait3A_449, %dma_wait3A_450, %dma_wait3A_451] : memref<6x18x768xf32, #tpu.memory_space<vmem>> -> memref<1x18x768xf32, #tpu.memory_space<vmem>>
    %dma_wait3A_453 = tpu.memref_squeeze %dma_wait3A_452 : memref<1x18x768xf32, #tpu.memory_space<vmem>> -> memref<18x768xf32, #tpu.memory_space<vmem>>
    %dma_wait3A_454 = arith.constant 0 : i32
    %dma_wait3A_455 = arith.constant 0 : i32
    %dma_wait3A_456 = tpu.memref_slice %arg2[%add3A_280, %dma_wait3A_454, %dma_wait3A_455] : memref<1024x65x768xf32, #tpu.memory_space<hbm>> -> memref<1x65x768xf32, #tpu.memory_space<hbm>>
    %dma_wait3A_457 = tpu.memref_squeeze %dma_wait3A_456 : memref<1x65x768xf32, #tpu.memory_space<hbm>> -> memref<65x768xf32, #tpu.memory_space<hbm>>
    %dma_wait3A_458 = arith.constant 0 : i32
    %dma_wait3A_459 = arith.constant 0 : i32
    %dma_wait3A_460 = tpu.memref_slice %dma_wait3A_457[%dma_wait3A_458, %dma_wait3A_459] : memref<65x768xf32, #tpu.memory_space<hbm>> -> memref<65x768xf32, #tpu.memory_space<hbm>>
    tpu.wait_indirect_dma semaphore(%arg11 : memref<!tpu.dma_semaphore, #tpu.memory_space<semaphore_mem>>) src(%dma_wait3A_460 : memref<65x768xf32, #tpu.memory_space<hbm>>) dst(%dma_wait3A_453 : memref<18x768xf32, #tpu.memory_space<vmem>>)
    %add3A_461 = arith.constant 8 : i32
    %add3A_462 = arith.addi %mul3A_2, %add3A_461 : i32
    %dma_start3A_463 = arith.constant 2 : i32
    %dma_start3A_464 = arith.constant 0 : i32
    %dma_start3A_465 = arith.constant 0 : i32
    %dma_start3A_466 = tpu.memref_slice %arg8[%dma_start3A_463, %dma_start3A_464, %dma_start3A_465] : memref<6x18x768xf32, #tpu.memory_space<vmem>> -> memref<1x18x768xf32, #tpu.memory_space<vmem>>
    %dma_start3A_467 = tpu.memref_squeeze %dma_start3A_466 : memref<1x18x768xf32, #tpu.memory_space<vmem>> -> memref<18x768xf32, #tpu.memory_space<vmem>>
    %dma_start3A_468 = arith.constant 0 : i32
    %dma_start3A_469 = arith.constant 0 : i32
    %dma_start3A_470 = tpu.memref_slice %arg5[%add3A_462, %dma_start3A_468, %dma_start3A_469] : memref<1024x17x768xf32, #tpu.memory_space<hbm>> -> memref<1x17x768xf32, #tpu.memory_space<hbm>>
    %dma_start3A_471 = tpu.memref_squeeze %dma_start3A_470 : memref<1x17x768xf32, #tpu.memory_space<hbm>> -> memref<17x768xf32, #tpu.memory_space<hbm>>
    %dma_start3A_472 = arith.constant 0 : i32
    %dma_start3A_473 = arith.constant 0 : i32
    %dma_start3A_474 = tpu.memref_slice %dma_start3A_471[%dma_start3A_472, %dma_start3A_473] : memref<17x768xf32, #tpu.memory_space<hbm>> -> memref<17x768xf32, #tpu.memory_space<hbm>>
    tpu.enqueue_indirect_dma source(%dma_start3A_467 : memref<18x768xf32, #tpu.memory_space<vmem>>) target(%dma_start3A_474 : memref<17x768xf32, #tpu.memory_space<hbm>>) offsets(%arg7 : memref<18xi32, #tpu.memory_space<vmem>>) semaphore(%arg17 : memref<!tpu.dma_semaphore, #tpu.memory_space<semaphore_mem>>)
    %dma_wait3A_475 = arith.constant 0 : i32
    %dma_wait3A_476 = arith.constant 0 : i32
    %dma_wait3A_477 = arith.constant 0 : i32
    %dma_wait3A_478 = tpu.memref_slice %arg8[%dma_wait3A_475, %dma_wait3A_476, %dma_wait3A_477] : memref<6x18x768xf32, #tpu.memory_space<vmem>> -> memref<1x18x768xf32, #tpu.memory_space<vmem>>
    %dma_wait3A_479 = tpu.memref_squeeze %dma_wait3A_478 : memref<1x18x768xf32, #tpu.memory_space<vmem>> -> memref<18x768xf32, #tpu.memory_space<vmem>>
    %dma_wait3A_480 = arith.constant 0 : i32
    %dma_wait3A_481 = arith.constant 0 : i32
    %dma_wait3A_482 = tpu.memref_slice %arg5[%add3A_358, %dma_wait3A_480, %dma_wait3A_481] : memref<1024x17x768xf32, #tpu.memory_space<hbm>> -> memref<1x17x768xf32, #tpu.memory_space<hbm>>
    %dma_wait3A_483 = tpu.memref_squeeze %dma_wait3A_482 : memref<1x17x768xf32, #tpu.memory_space<hbm>> -> memref<17x768xf32, #tpu.memory_space<hbm>>
    %dma_wait3A_484 = arith.constant 0 : i32
    %dma_wait3A_485 = arith.constant 0 : i32
    %dma_wait3A_486 = tpu.memref_slice %dma_wait3A_483[%dma_wait3A_484, %dma_wait3A_485] : memref<17x768xf32, #tpu.memory_space<hbm>> -> memref<17x768xf32, #tpu.memory_space<hbm>>
    tpu.wait_indirect_dma semaphore(%arg15 : memref<!tpu.dma_semaphore, #tpu.memory_space<semaphore_mem>>) src(%dma_wait3A_479 : memref<18x768xf32, #tpu.memory_space<vmem>>) dst(%dma_wait3A_486 : memref<17x768xf32, #tpu.memory_space<hbm>>)
    %add3A_487 = arith.constant 12 : i32
    %add3A_488 = arith.addi %mul3A_2, %add3A_487 : i32
    %dma_start3A_489 = arith.constant 0 : i32
    %dma_start3A_490 = arith.constant 0 : i32
    %dma_start3A_491 = arith.constant 0 : i32
    %dma_start3A_492 = tpu.memref_slice %arg8[%dma_start3A_489, %dma_start3A_490, %dma_start3A_491] : memref<6x18x768xf32, #tpu.memory_space<vmem>> -> memref<1x18x768xf32, #tpu.memory_space<vmem>>
    %dma_start3A_493 = tpu.memref_squeeze %dma_start3A_492 : memref<1x18x768xf32, #tpu.memory_space<vmem>> -> memref<18x768xf32, #tpu.memory_space<vmem>>
    %dma_start3A_494 = arith.constant 0 : i32
    %dma_start3A_495 = arith.constant 0 : i32
    %dma_start3A_496 = tpu.memref_slice %arg2[%add3A_488, %dma_start3A_494, %dma_start3A_495] : memref<1024x65x768xf32, #tpu.memory_space<hbm>> -> memref<1x65x768xf32, #tpu.memory_space<hbm>>
    %dma_start3A_497 = tpu.memref_squeeze %dma_start3A_496 : memref<1x65x768xf32, #tpu.memory_space<hbm>> -> memref<65x768xf32, #tpu.memory_space<hbm>>
    %dma_start3A_498 = arith.constant 0 : i32
    %dma_start3A_499 = arith.constant 0 : i32
    %dma_start3A_500 = tpu.memref_slice %dma_start3A_497[%dma_start3A_498, %dma_start3A_499] : memref<65x768xf32, #tpu.memory_space<hbm>> -> memref<65x768xf32, #tpu.memory_space<hbm>>
    tpu.enqueue_indirect_dma source(%dma_start3A_500 : memref<65x768xf32, #tpu.memory_space<hbm>>) target(%dma_start3A_493 : memref<18x768xf32, #tpu.memory_space<vmem>>) offsets(%arg6 : memref<18xi32, #tpu.memory_space<vmem>>) semaphore(%arg9 : memref<!tpu.dma_semaphore, #tpu.memory_space<semaphore_mem>>)
    %dma_wait3A_501 = arith.constant 3 : i32
    %dma_wait3A_502 = arith.constant 0 : i32
    %dma_wait3A_503 = arith.constant 0 : i32
    %dma_wait3A_504 = tpu.memref_slice %arg8[%dma_wait3A_501, %dma_wait3A_502, %dma_wait3A_503] : memref<6x18x768xf32, #tpu.memory_space<vmem>> -> memref<1x18x768xf32, #tpu.memory_space<vmem>>
    %dma_wait3A_505 = tpu.memref_squeeze %dma_wait3A_504 : memref<1x18x768xf32, #tpu.memory_space<vmem>> -> memref<18x768xf32, #tpu.memory_space<vmem>>
    %dma_wait3A_506 = arith.constant 0 : i32
    %dma_wait3A_507 = arith.constant 0 : i32
    %dma_wait3A_508 = tpu.memref_slice %arg2[%add3A_332, %dma_wait3A_506, %dma_wait3A_507] : memref<1024x65x768xf32, #tpu.memory_space<hbm>> -> memref<1x65x768xf32, #tpu.memory_space<hbm>>
    %dma_wait3A_509 = tpu.memref_squeeze %dma_wait3A_508 : memref<1x65x768xf32, #tpu.memory_space<hbm>> -> memref<65x768xf32, #tpu.memory_space<hbm>>
    %dma_wait3A_510 = arith.constant 0 : i32
    %dma_wait3A_511 = arith.constant 0 : i32
    %dma_wait3A_512 = tpu.memref_slice %dma_wait3A_509[%dma_wait3A_510, %dma_wait3A_511] : memref<65x768xf32, #tpu.memory_space<hbm>> -> memref<65x768xf32, #tpu.memory_space<hbm>>
    tpu.wait_indirect_dma semaphore(%arg12 : memref<!tpu.dma_semaphore, #tpu.memory_space<semaphore_mem>>) src(%dma_wait3A_512 : memref<65x768xf32, #tpu.memory_space<hbm>>) dst(%dma_wait3A_505 : memref<18x768xf32, #tpu.memory_space<vmem>>)
    %add3A_513 = arith.constant 9 : i32
    %add3A_514 = arith.addi %mul3A_2, %add3A_513 : i32
    %dma_start3A_515 = arith.constant 3 : i32
    %dma_start3A_516 = arith.constant 0 : i32
    %dma_start3A_517 = arith.constant 0 : i32
    %dma_start3A_518 = tpu.memref_slice %arg8[%dma_start3A_515, %dma_start3A_516, %dma_start3A_517] : memref<6x18x768xf32, #tpu.memory_space<vmem>> -> memref<1x18x768xf32, #tpu.memory_space<vmem>>
    %dma_start3A_519 = tpu.memref_squeeze %dma_start3A_518 : memref<1x18x768xf32, #tpu.memory_space<vmem>> -> memref<18x768xf32, #tpu.memory_space<vmem>>
    %dma_start3A_520 = arith.constant 0 : i32
    %dma_start3A_521 = arith.constant 0 : i32
    %dma_start3A_522 = tpu.memref_slice %arg5[%add3A_514, %dma_start3A_520, %dma_start3A_521] : memref<1024x17x768xf32, #tpu.memory_space<hbm>> -> memref<1x17x768xf32, #tpu.memory_space<hbm>>
    %dma_start3A_523 = tpu.memref_squeeze %dma_start3A_522 : memref<1x17x768xf32, #tpu.memory_space<hbm>> -> memref<17x768xf32, #tpu.memory_space<hbm>>
    %dma_start3A_524 = arith.constant 0 : i32
    %dma_start3A_525 = arith.constant 0 : i32
    %dma_start3A_526 = tpu.memref_slice %dma_start3A_523[%dma_start3A_524, %dma_start3A_525] : memref<17x768xf32, #tpu.memory_space<hbm>> -> memref<17x768xf32, #tpu.memory_space<hbm>>
    tpu.enqueue_indirect_dma source(%dma_start3A_519 : memref<18x768xf32, #tpu.memory_space<vmem>>) target(%dma_start3A_526 : memref<17x768xf32, #tpu.memory_space<hbm>>) offsets(%arg7 : memref<18xi32, #tpu.memory_space<vmem>>) semaphore(%arg18 : memref<!tpu.dma_semaphore, #tpu.memory_space<semaphore_mem>>)
    %dma_wait3A_527 = arith.constant 1 : i32
    %dma_wait3A_528 = arith.constant 0 : i32
    %dma_wait3A_529 = arith.constant 0 : i32
    %dma_wait3A_530 = tpu.memref_slice %arg8[%dma_wait3A_527, %dma_wait3A_528, %dma_wait3A_529] : memref<6x18x768xf32, #tpu.memory_space<vmem>> -> memref<1x18x768xf32, #tpu.memory_space<vmem>>
    %dma_wait3A_531 = tpu.memref_squeeze %dma_wait3A_530 : memref<1x18x768xf32, #tpu.memory_space<vmem>> -> memref<18x768xf32, #tpu.memory_space<vmem>>
    %dma_wait3A_532 = arith.constant 0 : i32
    %dma_wait3A_533 = arith.constant 0 : i32
    %dma_wait3A_534 = tpu.memref_slice %arg5[%add3A_410, %dma_wait3A_532, %dma_wait3A_533] : memref<1024x17x768xf32, #tpu.memory_space<hbm>> -> memref<1x17x768xf32, #tpu.memory_space<hbm>>
    %dma_wait3A_535 = tpu.memref_squeeze %dma_wait3A_534 : memref<1x17x768xf32, #tpu.memory_space<hbm>> -> memref<17x768xf32, #tpu.memory_space<hbm>>
    %dma_wait3A_536 = arith.constant 0 : i32
    %dma_wait3A_537 = arith.constant 0 : i32
    %dma_wait3A_538 = tpu.memref_slice %dma_wait3A_535[%dma_wait3A_536, %dma_wait3A_537] : memref<17x768xf32, #tpu.memory_space<hbm>> -> memref<17x768xf32, #tpu.memory_space<hbm>>
    tpu.wait_indirect_dma semaphore(%arg16 : memref<!tpu.dma_semaphore, #tpu.memory_space<semaphore_mem>>) src(%dma_wait3A_531 : memref<18x768xf32, #tpu.memory_space<vmem>>) dst(%dma_wait3A_538 : memref<17x768xf32, #tpu.memory_space<hbm>>)
    %add3A_539 = arith.constant 13 : i32
    %add3A_540 = arith.addi %mul3A_2, %add3A_539 : i32
    %dma_start3A_541 = arith.constant 1 : i32
    %dma_start3A_542 = arith.constant 0 : i32
    %dma_start3A_543 = arith.constant 0 : i32
    %dma_start3A_544 = tpu.memref_slice %arg8[%dma_start3A_541, %dma_start3A_542, %dma_start3A_543] : memref<6x18x768xf32, #tpu.memory_space<vmem>> -> memref<1x18x768xf32, #tpu.memory_space<vmem>>
    %dma_start3A_545 = tpu.memref_squeeze %dma_start3A_544 : memref<1x18x768xf32, #tpu.memory_space<vmem>> -> memref<18x768xf32, #tpu.memory_space<vmem>>
    %dma_start3A_546 = arith.constant 0 : i32
    %dma_start3A_547 = arith.constant 0 : i32
    %dma_start3A_548 = tpu.memref_slice %arg2[%add3A_540, %dma_start3A_546, %dma_start3A_547] : memref<1024x65x768xf32, #tpu.memory_space<hbm>> -> memref<1x65x768xf32, #tpu.memory_space<hbm>>
    %dma_start3A_549 = tpu.memref_squeeze %dma_start3A_548 : memref<1x65x768xf32, #tpu.memory_space<hbm>> -> memref<65x768xf32, #tpu.memory_space<hbm>>
    %dma_start3A_550 = arith.constant 0 : i32
    %dma_start3A_551 = arith.constant 0 : i32
    %dma_start3A_552 = tpu.memref_slice %dma_start3A_549[%dma_start3A_550, %dma_start3A_551] : memref<65x768xf32, #tpu.memory_space<hbm>> -> memref<65x768xf32, #tpu.memory_space<hbm>>
    tpu.enqueue_indirect_dma source(%dma_start3A_552 : memref<65x768xf32, #tpu.memory_space<hbm>>) target(%dma_start3A_545 : memref<18x768xf32, #tpu.memory_space<vmem>>) offsets(%arg6 : memref<18xi32, #tpu.memory_space<vmem>>) semaphore(%arg10 : memref<!tpu.dma_semaphore, #tpu.memory_space<semaphore_mem>>)
    %dma_wait3A_553 = arith.constant 4 : i32
    %dma_wait3A_554 = arith.constant 0 : i32
    %dma_wait3A_555 = arith.constant 0 : i32
    %dma_wait3A_556 = tpu.memref_slice %arg8[%dma_wait3A_553, %dma_wait3A_554, %dma_wait3A_555] : memref<6x18x768xf32, #tpu.memory_space<vmem>> -> memref<1x18x768xf32, #tpu.memory_space<vmem>>
    %dma_wait3A_557 = tpu.memref_squeeze %dma_wait3A_556 : memref<1x18x768xf32, #tpu.memory_space<vmem>> -> memref<18x768xf32, #tpu.memory_space<vmem>>
    %dma_wait3A_558 = arith.constant 0 : i32
    %dma_wait3A_559 = arith.constant 0 : i32
    %dma_wait3A_560 = tpu.memref_slice %arg2[%add3A_384, %dma_wait3A_558, %dma_wait3A_559] : memref<1024x65x768xf32, #tpu.memory_space<hbm>> -> memref<1x65x768xf32, #tpu.memory_space<hbm>>
    %dma_wait3A_561 = tpu.memref_squeeze %dma_wait3A_560 : memref<1x65x768xf32, #tpu.memory_space<hbm>> -> memref<65x768xf32, #tpu.memory_space<hbm>>
    %dma_wait3A_562 = arith.constant 0 : i32
    %dma_wait3A_563 = arith.constant 0 : i32
    %dma_wait3A_564 = tpu.memref_slice %dma_wait3A_561[%dma_wait3A_562, %dma_wait3A_563] : memref<65x768xf32, #tpu.memory_space<hbm>> -> memref<65x768xf32, #tpu.memory_space<hbm>>
    tpu.wait_indirect_dma semaphore(%arg13 : memref<!tpu.dma_semaphore, #tpu.memory_space<semaphore_mem>>) src(%dma_wait3A_564 : memref<65x768xf32, #tpu.memory_space<hbm>>) dst(%dma_wait3A_557 : memref<18x768xf32, #tpu.memory_space<vmem>>)
    %add3A_565 = arith.constant 10 : i32
    %add3A_566 = arith.addi %mul3A_2, %add3A_565 : i32
    %dma_start3A_567 = arith.constant 4 : i32
    %dma_start3A_568 = arith.constant 0 : i32
    %dma_start3A_569 = arith.constant 0 : i32
    %dma_start3A_570 = tpu.memref_slice %arg8[%dma_start3A_567, %dma_start3A_568, %dma_start3A_569] : memref<6x18x768xf32, #tpu.memory_space<vmem>> -> memref<1x18x768xf32, #tpu.memory_space<vmem>>
    %dma_start3A_571 = tpu.memref_squeeze %dma_start3A_570 : memref<1x18x768xf32, #tpu.memory_space<vmem>> -> memref<18x768xf32, #tpu.memory_space<vmem>>
    %dma_start3A_572 = arith.constant 0 : i32
    %dma_start3A_573 = arith.constant 0 : i32
    %dma_start3A_574 = tpu.memref_slice %arg5[%add3A_566, %dma_start3A_572, %dma_start3A_573] : memref<1024x17x768xf32, #tpu.memory_space<hbm>> -> memref<1x17x768xf32, #tpu.memory_space<hbm>>
    %dma_start3A_575 = tpu.memref_squeeze %dma_start3A_574 : memref<1x17x768xf32, #tpu.memory_space<hbm>> -> memref<17x768xf32, #tpu.memory_space<hbm>>
    %dma_start3A_576 = arith.constant 0 : i32
    %dma_start3A_577 = arith.constant 0 : i32
    %dma_start3A_578 = tpu.memref_slice %dma_start3A_575[%dma_start3A_576, %dma_start3A_577] : memref<17x768xf32, #tpu.memory_space<hbm>> -> memref<17x768xf32, #tpu.memory_space<hbm>>
    tpu.enqueue_indirect_dma source(%dma_start3A_571 : memref<18x768xf32, #tpu.memory_space<vmem>>) target(%dma_start3A_578 : memref<17x768xf32, #tpu.memory_space<hbm>>) offsets(%arg7 : memref<18xi32, #tpu.memory_space<vmem>>) semaphore(%arg19 : memref<!tpu.dma_semaphore, #tpu.memory_space<semaphore_mem>>)
    %dma_wait3A_579 = arith.constant 2 : i32
    %dma_wait3A_580 = arith.constant 0 : i32
    %dma_wait3A_581 = arith.constant 0 : i32
    %dma_wait3A_582 = tpu.memref_slice %arg8[%dma_wait3A_579, %dma_wait3A_580, %dma_wait3A_581] : memref<6x18x768xf32, #tpu.memory_space<vmem>> -> memref<1x18x768xf32, #tpu.memory_space<vmem>>
    %dma_wait3A_583 = tpu.memref_squeeze %dma_wait3A_582 : memref<1x18x768xf32, #tpu.memory_space<vmem>> -> memref<18x768xf32, #tpu.memory_space<vmem>>
    %dma_wait3A_584 = arith.constant 0 : i32
    %dma_wait3A_585 = arith.constant 0 : i32
    %dma_wait3A_586 = tpu.memref_slice %arg5[%add3A_462, %dma_wait3A_584, %dma_wait3A_585] : memref<1024x17x768xf32, #tpu.memory_space<hbm>> -> memref<1x17x768xf32, #tpu.memory_space<hbm>>
    %dma_wait3A_587 = tpu.memref_squeeze %dma_wait3A_586 : memref<1x17x768xf32, #tpu.memory_space<hbm>> -> memref<17x768xf32, #tpu.memory_space<hbm>>
    %dma_wait3A_588 = arith.constant 0 : i32
    %dma_wait3A_589 = arith.constant 0 : i32
    %dma_wait3A_590 = tpu.memref_slice %dma_wait3A_587[%dma_wait3A_588, %dma_wait3A_589] : memref<17x768xf32, #tpu.memory_space<hbm>> -> memref<17x768xf32, #tpu.memory_space<hbm>>
    tpu.wait_indirect_dma semaphore(%arg17 : memref<!tpu.dma_semaphore, #tpu.memory_space<semaphore_mem>>) src(%dma_wait3A_583 : memref<18x768xf32, #tpu.memory_space<vmem>>) dst(%dma_wait3A_590 : memref<17x768xf32, #tpu.memory_space<hbm>>)
    %add3A_591 = arith.constant 14 : i32
    %add3A_592 = arith.addi %mul3A_2, %add3A_591 : i32
    %dma_start3A_593 = arith.constant 2 : i32
    %dma_start3A_594 = arith.constant 0 : i32
    %dma_start3A_595 = arith.constant 0 : i32
    %dma_start3A_596 = tpu.memref_slice %arg8[%dma_start3A_593, %dma_start3A_594, %dma_start3A_595] : memref<6x18x768xf32, #tpu.memory_space<vmem>> -> memref<1x18x768xf32, #tpu.memory_space<vmem>>
    %dma_start3A_597 = tpu.memref_squeeze %dma_start3A_596 : memref<1x18x768xf32, #tpu.memory_space<vmem>> -> memref<18x768xf32, #tpu.memory_space<vmem>>
    %dma_start3A_598 = arith.constant 0 : i32
    %dma_start3A_599 = arith.constant 0 : i32
    %dma_start3A_600 = tpu.memref_slice %arg2[%add3A_592, %dma_start3A_598, %dma_start3A_599] : memref<1024x65x768xf32, #tpu.memory_space<hbm>> -> memref<1x65x768xf32, #tpu.memory_space<hbm>>
    %dma_start3A_601 = tpu.memref_squeeze %dma_start3A_600 : memref<1x65x768xf32, #tpu.memory_space<hbm>> -> memref<65x768xf32, #tpu.memory_space<hbm>>
    %dma_start3A_602 = arith.constant 0 : i32
    %dma_start3A_603 = arith.constant 0 : i32
    %dma_start3A_604 = tpu.memref_slice %dma_start3A_601[%dma_start3A_602, %dma_start3A_603] : memref<65x768xf32, #tpu.memory_space<hbm>> -> memref<65x768xf32, #tpu.memory_space<hbm>>
    tpu.enqueue_indirect_dma source(%dma_start3A_604 : memref<65x768xf32, #tpu.memory_space<hbm>>) target(%dma_start3A_597 : memref<18x768xf32, #tpu.memory_space<vmem>>) offsets(%arg6 : memref<18xi32, #tpu.memory_space<vmem>>) semaphore(%arg11 : memref<!tpu.dma_semaphore, #tpu.memory_space<semaphore_mem>>)
    %dma_wait3A_605 = arith.constant 5 : i32
    %dma_wait3A_606 = arith.constant 0 : i32
    %dma_wait3A_607 = arith.constant 0 : i32
    %dma_wait3A_608 = tpu.memref_slice %arg8[%dma_wait3A_605, %dma_wait3A_606, %dma_wait3A_607] : memref<6x18x768xf32, #tpu.memory_space<vmem>> -> memref<1x18x768xf32, #tpu.memory_space<vmem>>
    %dma_wait3A_609 = tpu.memref_squeeze %dma_wait3A_608 : memref<1x18x768xf32, #tpu.memory_space<vmem>> -> memref<18x768xf32, #tpu.memory_space<vmem>>
    %dma_wait3A_610 = arith.constant 0 : i32
    %dma_wait3A_611 = arith.constant 0 : i32
    %dma_wait3A_612 = tpu.memref_slice %arg2[%add3A_436, %dma_wait3A_610, %dma_wait3A_611] : memref<1024x65x768xf32, #tpu.memory_space<hbm>> -> memref<1x65x768xf32, #tpu.memory_space<hbm>>
    %dma_wait3A_613 = tpu.memref_squeeze %dma_wait3A_612 : memref<1x65x768xf32, #tpu.memory_space<hbm>> -> memref<65x768xf32, #tpu.memory_space<hbm>>
    %dma_wait3A_614 = arith.constant 0 : i32
    %dma_wait3A_615 = arith.constant 0 : i32
    %dma_wait3A_616 = tpu.memref_slice %dma_wait3A_613[%dma_wait3A_614, %dma_wait3A_615] : memref<65x768xf32, #tpu.memory_space<hbm>> -> memref<65x768xf32, #tpu.memory_space<hbm>>
    tpu.wait_indirect_dma semaphore(%arg14 : memref<!tpu.dma_semaphore, #tpu.memory_space<semaphore_mem>>) src(%dma_wait3A_616 : memref<65x768xf32, #tpu.memory_space<hbm>>) dst(%dma_wait3A_609 : memref<18x768xf32, #tpu.memory_space<vmem>>)
    %add3A_617 = arith.constant 11 : i32
    %add3A_618 = arith.addi %mul3A_2, %add3A_617 : i32
    %dma_start3A_619 = arith.constant 5 : i32
    %dma_start3A_620 = arith.constant 0 : i32
    %dma_start3A_621 = arith.constant 0 : i32
    %dma_start3A_622 = tpu.memref_slice %arg8[%dma_start3A_619, %dma_start3A_620, %dma_start3A_621] : memref<6x18x768xf32, #tpu.memory_space<vmem>> -> memref<1x18x768xf32, #tpu.memory_space<vmem>>
    %dma_start3A_623 = tpu.memref_squeeze %dma_start3A_622 : memref<1x18x768xf32, #tpu.memory_space<vmem>> -> memref<18x768xf32, #tpu.memory_space<vmem>>
    %dma_start3A_624 = arith.constant 0 : i32
    %dma_start3A_625 = arith.constant 0 : i32
    %dma_start3A_626 = tpu.memref_slice %arg5[%add3A_618, %dma_start3A_624, %dma_start3A_625] : memref<1024x17x768xf32, #tpu.memory_space<hbm>> -> memref<1x17x768xf32, #tpu.memory_space<hbm>>
    %dma_start3A_627 = tpu.memref_squeeze %dma_start3A_626 : memref<1x17x768xf32, #tpu.memory_space<hbm>> -> memref<17x768xf32, #tpu.memory_space<hbm>>
    %dma_start3A_628 = arith.constant 0 : i32
    %dma_start3A_629 = arith.constant 0 : i32
    %dma_start3A_630 = tpu.memref_slice %dma_start3A_627[%dma_start3A_628, %dma_start3A_629] : memref<17x768xf32, #tpu.memory_space<hbm>> -> memref<17x768xf32, #tpu.memory_space<hbm>>
    tpu.enqueue_indirect_dma source(%dma_start3A_623 : memref<18x768xf32, #tpu.memory_space<vmem>>) target(%dma_start3A_630 : memref<17x768xf32, #tpu.memory_space<hbm>>) offsets(%arg7 : memref<18xi32, #tpu.memory_space<vmem>>) semaphore(%arg20 : memref<!tpu.dma_semaphore, #tpu.memory_space<semaphore_mem>>)
    %dma_wait3A_631 = arith.constant 3 : i32
    %dma_wait3A_632 = arith.constant 0 : i32
    %dma_wait3A_633 = arith.constant 0 : i32
    %dma_wait3A_634 = tpu.memref_slice %arg8[%dma_wait3A_631, %dma_wait3A_632, %dma_wait3A_633] : memref<6x18x768xf32, #tpu.memory_space<vmem>> -> memref<1x18x768xf32, #tpu.memory_space<vmem>>
    %dma_wait3A_635 = tpu.memref_squeeze %dma_wait3A_634 : memref<1x18x768xf32, #tpu.memory_space<vmem>> -> memref<18x768xf32, #tpu.memory_space<vmem>>
    %dma_wait3A_636 = arith.constant 0 : i32
    %dma_wait3A_637 = arith.constant 0 : i32
    %dma_wait3A_638 = tpu.memref_slice %arg5[%add3A_514, %dma_wait3A_636, %dma_wait3A_637] : memref<1024x17x768xf32, #tpu.memory_space<hbm>> -> memref<1x17x768xf32, #tpu.memory_space<hbm>>
    %dma_wait3A_639 = tpu.memref_squeeze %dma_wait3A_638 : memref<1x17x768xf32, #tpu.memory_space<hbm>> -> memref<17x768xf32, #tpu.memory_space<hbm>>
    %dma_wait3A_640 = arith.constant 0 : i32
    %dma_wait3A_641 = arith.constant 0 : i32
    %dma_wait3A_642 = tpu.memref_slice %dma_wait3A_639[%dma_wait3A_640, %dma_wait3A_641] : memref<17x768xf32, #tpu.memory_space<hbm>> -> memref<17x768xf32, #tpu.memory_space<hbm>>
    tpu.wait_indirect_dma semaphore(%arg18 : memref<!tpu.dma_semaphore, #tpu.memory_space<semaphore_mem>>) src(%dma_wait3A_635 : memref<18x768xf32, #tpu.memory_space<vmem>>) dst(%dma_wait3A_642 : memref<17x768xf32, #tpu.memory_space<hbm>>)
    %add3A_643 = arith.constant 15 : i32
    %add3A_644 = arith.addi %mul3A_2, %add3A_643 : i32
    %dma_start3A_645 = arith.constant 3 : i32
    %dma_start3A_646 = arith.constant 0 : i32
    %dma_start3A_647 = arith.constant 0 : i32
    %dma_start3A_648 = tpu.memref_slice %arg8[%dma_start3A_645, %dma_start3A_646, %dma_start3A_647] : memref<6x18x768xf32, #tpu.memory_space<vmem>> -> memref<1x18x768xf32, #tpu.memory_space<vmem>>
    %dma_start3A_649 = tpu.memref_squeeze %dma_start3A_648 : memref<1x18x768xf32, #tpu.memory_space<vmem>> -> memref<18x768xf32, #tpu.memory_space<vmem>>
    %dma_start3A_650 = arith.constant 0 : i32
    %dma_start3A_651 = arith.constant 0 : i32
    %dma_start3A_652 = tpu.memref_slice %arg2[%add3A_644, %dma_start3A_650, %dma_start3A_651] : memref<1024x65x768xf32, #tpu.memory_space<hbm>> -> memref<1x65x768xf32, #tpu.memory_space<hbm>>
    %dma_start3A_653 = tpu.memref_squeeze %dma_start3A_652 : memref<1x65x768xf32, #tpu.memory_space<hbm>> -> memref<65x768xf32, #tpu.memory_space<hbm>>
    %dma_start3A_654 = arith.constant 0 : i32
    %dma_start3A_655 = arith.constant 0 : i32
    %dma_start3A_656 = tpu.memref_slice %dma_start3A_653[%dma_start3A_654, %dma_start3A_655] : memref<65x768xf32, #tpu.memory_space<hbm>> -> memref<65x768xf32, #tpu.memory_space<hbm>>
    tpu.enqueue_indirect_dma source(%dma_start3A_656 : memref<65x768xf32, #tpu.memory_space<hbm>>) target(%dma_start3A_649 : memref<18x768xf32, #tpu.memory_space<vmem>>) offsets(%arg6 : memref<18xi32, #tpu.memory_space<vmem>>) semaphore(%arg12 : memref<!tpu.dma_semaphore, #tpu.memory_space<semaphore_mem>>)
    %dma_wait3A_657 = arith.constant 0 : i32
    %dma_wait3A_658 = arith.constant 0 : i32
    %dma_wait3A_659 = arith.constant 0 : i32
    %dma_wait3A_660 = tpu.memref_slice %arg8[%dma_wait3A_657, %dma_wait3A_658, %dma_wait3A_659] : memref<6x18x768xf32, #tpu.memory_space<vmem>> -> memref<1x18x768xf32, #tpu.memory_space<vmem>>
    %dma_wait3A_661 = tpu.memref_squeeze %dma_wait3A_660 : memref<1x18x768xf32, #tpu.memory_space<vmem>> -> memref<18x768xf32, #tpu.memory_space<vmem>>
    %dma_wait3A_662 = arith.constant 0 : i32
    %dma_wait3A_663 = arith.constant 0 : i32
    %dma_wait3A_664 = tpu.memref_slice %arg2[%add3A_488, %dma_wait3A_662, %dma_wait3A_663] : memref<1024x65x768xf32, #tpu.memory_space<hbm>> -> memref<1x65x768xf32, #tpu.memory_space<hbm>>
    %dma_wait3A_665 = tpu.memref_squeeze %dma_wait3A_664 : memref<1x65x768xf32, #tpu.memory_space<hbm>> -> memref<65x768xf32, #tpu.memory_space<hbm>>
    %dma_wait3A_666 = arith.constant 0 : i32
    %dma_wait3A_667 = arith.constant 0 : i32
    %dma_wait3A_668 = tpu.memref_slice %dma_wait3A_665[%dma_wait3A_666, %dma_wait3A_667] : memref<65x768xf32, #tpu.memory_space<hbm>> -> memref<65x768xf32, #tpu.memory_space<hbm>>
    tpu.wait_indirect_dma semaphore(%arg9 : memref<!tpu.dma_semaphore, #tpu.memory_space<semaphore_mem>>) src(%dma_wait3A_668 : memref<65x768xf32, #tpu.memory_space<hbm>>) dst(%dma_wait3A_661 : memref<18x768xf32, #tpu.memory_space<vmem>>)
    %add3A_669 = arith.constant 12 : i32
    %add3A_670 = arith.addi %mul3A_2, %add3A_669 : i32
    %dma_start3A_671 = arith.constant 0 : i32
    %dma_start3A_672 = arith.constant 0 : i32
    %dma_start3A_673 = arith.constant 0 : i32
    %dma_start3A_674 = tpu.memref_slice %arg8[%dma_start3A_671, %dma_start3A_672, %dma_start3A_673] : memref<6x18x768xf32, #tpu.memory_space<vmem>> -> memref<1x18x768xf32, #tpu.memory_space<vmem>>
    %dma_start3A_675 = tpu.memref_squeeze %dma_start3A_674 : memref<1x18x768xf32, #tpu.memory_space<vmem>> -> memref<18x768xf32, #tpu.memory_space<vmem>>
    %dma_start3A_676 = arith.constant 0 : i32
    %dma_start3A_677 = arith.constant 0 : i32
    %dma_start3A_678 = tpu.memref_slice %arg5[%add3A_670, %dma_start3A_676, %dma_start3A_677] : memref<1024x17x768xf32, #tpu.memory_space<hbm>> -> memref<1x17x768xf32, #tpu.memory_space<hbm>>
    %dma_start3A_679 = tpu.memref_squeeze %dma_start3A_678 : memref<1x17x768xf32, #tpu.memory_space<hbm>> -> memref<17x768xf32, #tpu.memory_space<hbm>>
    %dma_start3A_680 = arith.constant 0 : i32
    %dma_start3A_681 = arith.constant 0 : i32
    %dma_start3A_682 = tpu.memref_slice %dma_start3A_679[%dma_start3A_680, %dma_start3A_681] : memref<17x768xf32, #tpu.memory_space<hbm>> -> memref<17x768xf32, #tpu.memory_space<hbm>>
    tpu.enqueue_indirect_dma source(%dma_start3A_675 : memref<18x768xf32, #tpu.memory_space<vmem>>) target(%dma_start3A_682 : memref<17x768xf32, #tpu.memory_space<hbm>>) offsets(%arg7 : memref<18xi32, #tpu.memory_space<vmem>>) semaphore(%arg15 : memref<!tpu.dma_semaphore, #tpu.memory_space<semaphore_mem>>)
    %dma_wait3A_683 = arith.constant 4 : i32
    %dma_wait3A_684 = arith.constant 0 : i32
    %dma_wait3A_685 = arith.constant 0 : i32
    %dma_wait3A_686 = tpu.memref_slice %arg8[%dma_wait3A_683, %dma_wait3A_684, %dma_wait3A_685] : memref<6x18x768xf32, #tpu.memory_space<vmem>> -> memref<1x18x768xf32, #tpu.memory_space<vmem>>
    %dma_wait3A_687 = tpu.memref_squeeze %dma_wait3A_686 : memref<1x18x768xf32, #tpu.memory_space<vmem>> -> memref<18x768xf32, #tpu.memory_space<vmem>>
    %dma_wait3A_688 = arith.constant 0 : i32
    %dma_wait3A_689 = arith.constant 0 : i32
    %dma_wait3A_690 = tpu.memref_slice %arg5[%add3A_566, %dma_wait3A_688, %dma_wait3A_689] : memref<1024x17x768xf32, #tpu.memory_space<hbm>> -> memref<1x17x768xf32, #tpu.memory_space<hbm>>
    %dma_wait3A_691 = tpu.memref_squeeze %dma_wait3A_690 : memref<1x17x768xf32, #tpu.memory_space<hbm>> -> memref<17x768xf32, #tpu.memory_space<hbm>>
    %dma_wait3A_692 = arith.constant 0 : i32
    %dma_wait3A_693 = arith.constant 0 : i32
    %dma_wait3A_694 = tpu.memref_slice %dma_wait3A_691[%dma_wait3A_692, %dma_wait3A_693] : memref<17x768xf32, #tpu.memory_space<hbm>> -> memref<17x768xf32, #tpu.memory_space<hbm>>
    tpu.wait_indirect_dma semaphore(%arg19 : memref<!tpu.dma_semaphore, #tpu.memory_space<semaphore_mem>>) src(%dma_wait3A_687 : memref<18x768xf32, #tpu.memory_space<vmem>>) dst(%dma_wait3A_694 : memref<17x768xf32, #tpu.memory_space<hbm>>)
    %add3A_695 = arith.constant 16 : i32
    %add3A_696 = arith.addi %mul3A_2, %add3A_695 : i32
    %dma_start3A_697 = arith.constant 4 : i32
    %dma_start3A_698 = arith.constant 0 : i32
    %dma_start3A_699 = arith.constant 0 : i32
    %dma_start3A_700 = tpu.memref_slice %arg8[%dma_start3A_697, %dma_start3A_698, %dma_start3A_699] : memref<6x18x768xf32, #tpu.memory_space<vmem>> -> memref<1x18x768xf32, #tpu.memory_space<vmem>>
    %dma_start3A_701 = tpu.memref_squeeze %dma_start3A_700 : memref<1x18x768xf32, #tpu.memory_space<vmem>> -> memref<18x768xf32, #tpu.memory_space<vmem>>
    %dma_start3A_702 = arith.constant 0 : i32
    %dma_start3A_703 = arith.constant 0 : i32
    %dma_start3A_704 = tpu.memref_slice %arg2[%add3A_696, %dma_start3A_702, %dma_start3A_703] : memref<1024x65x768xf32, #tpu.memory_space<hbm>> -> memref<1x65x768xf32, #tpu.memory_space<hbm>>
    %dma_start3A_705 = tpu.memref_squeeze %dma_start3A_704 : memref<1x65x768xf32, #tpu.memory_space<hbm>> -> memref<65x768xf32, #tpu.memory_space<hbm>>
    %dma_start3A_706 = arith.constant 0 : i32
    %dma_start3A_707 = arith.constant 0 : i32
    %dma_start3A_708 = tpu.memref_slice %dma_start3A_705[%dma_start3A_706, %dma_start3A_707] : memref<65x768xf32, #tpu.memory_space<hbm>> -> memref<65x768xf32, #tpu.memory_space<hbm>>
    tpu.enqueue_indirect_dma source(%dma_start3A_708 : memref<65x768xf32, #tpu.memory_space<hbm>>) target(%dma_start3A_701 : memref<18x768xf32, #tpu.memory_space<vmem>>) offsets(%arg6 : memref<18xi32, #tpu.memory_space<vmem>>) semaphore(%arg13 : memref<!tpu.dma_semaphore, #tpu.memory_space<semaphore_mem>>)
    %dma_wait3A_709 = arith.constant 1 : i32
    %dma_wait3A_710 = arith.constant 0 : i32
    %dma_wait3A_711 = arith.constant 0 : i32
    %dma_wait3A_712 = tpu.memref_slice %arg8[%dma_wait3A_709, %dma_wait3A_710, %dma_wait3A_711] : memref<6x18x768xf32, #tpu.memory_space<vmem>> -> memref<1x18x768xf32, #tpu.memory_space<vmem>>
    %dma_wait3A_713 = tpu.memref_squeeze %dma_wait3A_712 : memref<1x18x768xf32, #tpu.memory_space<vmem>> -> memref<18x768xf32, #tpu.memory_space<vmem>>
    %dma_wait3A_714 = arith.constant 0 : i32
    %dma_wait3A_715 = arith.constant 0 : i32
    %dma_wait3A_716 = tpu.memref_slice %arg2[%add3A_540, %dma_wait3A_714, %dma_wait3A_715] : memref<1024x65x768xf32, #tpu.memory_space<hbm>> -> memref<1x65x768xf32, #tpu.memory_space<hbm>>
    %dma_wait3A_717 = tpu.memref_squeeze %dma_wait3A_716 : memref<1x65x768xf32, #tpu.memory_space<hbm>> -> memref<65x768xf32, #tpu.memory_space<hbm>>
    %dma_wait3A_718 = arith.constant 0 : i32
    %dma_wait3A_719 = arith.constant 0 : i32
    %dma_wait3A_720 = tpu.memref_slice %dma_wait3A_717[%dma_wait3A_718, %dma_wait3A_719] : memref<65x768xf32, #tpu.memory_space<hbm>> -> memref<65x768xf32, #tpu.memory_space<hbm>>
    tpu.wait_indirect_dma semaphore(%arg10 : memref<!tpu.dma_semaphore, #tpu.memory_space<semaphore_mem>>) src(%dma_wait3A_720 : memref<65x768xf32, #tpu.memory_space<hbm>>) dst(%dma_wait3A_713 : memref<18x768xf32, #tpu.memory_space<vmem>>)
    %add3A_721 = arith.constant 13 : i32
    %add3A_722 = arith.addi %mul3A_2, %add3A_721 : i32
    %dma_start3A_723 = arith.constant 1 : i32
    %dma_start3A_724 = arith.constant 0 : i32
    %dma_start3A_725 = arith.constant 0 : i32
    %dma_start3A_726 = tpu.memref_slice %arg8[%dma_start3A_723, %dma_start3A_724, %dma_start3A_725] : memref<6x18x768xf32, #tpu.memory_space<vmem>> -> memref<1x18x768xf32, #tpu.memory_space<vmem>>
    %dma_start3A_727 = tpu.memref_squeeze %dma_start3A_726 : memref<1x18x768xf32, #tpu.memory_space<vmem>> -> memref<18x768xf32, #tpu.memory_space<vmem>>
    %dma_start3A_728 = arith.constant 0 : i32
    %dma_start3A_729 = arith.constant 0 : i32
    %dma_start3A_730 = tpu.memref_slice %arg5[%add3A_722, %dma_start3A_728, %dma_start3A_729] : memref<1024x17x768xf32, #tpu.memory_space<hbm>> -> memref<1x17x768xf32, #tpu.memory_space<hbm>>
    %dma_start3A_731 = tpu.memref_squeeze %dma_start3A_730 : memref<1x17x768xf32, #tpu.memory_space<hbm>> -> memref<17x768xf32, #tpu.memory_space<hbm>>
    %dma_start3A_732 = arith.constant 0 : i32
    %dma_start3A_733 = arith.constant 0 : i32
    %dma_start3A_734 = tpu.memref_slice %dma_start3A_731[%dma_start3A_732, %dma_start3A_733] : memref<17x768xf32, #tpu.memory_space<hbm>> -> memref<17x768xf32, #tpu.memory_space<hbm>>
    tpu.enqueue_indirect_dma source(%dma_start3A_727 : memref<18x768xf32, #tpu.memory_space<vmem>>) target(%dma_start3A_734 : memref<17x768xf32, #tpu.memory_space<hbm>>) offsets(%arg7 : memref<18xi32, #tpu.memory_space<vmem>>) semaphore(%arg16 : memref<!tpu.dma_semaphore, #tpu.memory_space<semaphore_mem>>)
    %dma_wait3A_735 = arith.constant 5 : i32
    %dma_wait3A_736 = arith.constant 0 : i32
    %dma_wait3A_737 = arith.constant 0 : i32
    %dma_wait3A_738 = tpu.memref_slice %arg8[%dma_wait3A_735, %dma_wait3A_736, %dma_wait3A_737] : memref<6x18x768xf32, #tpu.memory_space<vmem>> -> memref<1x18x768xf32, #tpu.memory_space<vmem>>
    %dma_wait3A_739 = tpu.memref_squeeze %dma_wait3A_738 : memref<1x18x768xf32, #tpu.memory_space<vmem>> -> memref<18x768xf32, #tpu.memory_space<vmem>>
    %dma_wait3A_740 = arith.constant 0 : i32
    %dma_wait3A_741 = arith.constant 0 : i32
    %dma_wait3A_742 = tpu.memref_slice %arg5[%add3A_618, %dma_wait3A_740, %dma_wait3A_741] : memref<1024x17x768xf32, #tpu.memory_space<hbm>> -> memref<1x17x768xf32, #tpu.memory_space<hbm>>
    %dma_wait3A_743 = tpu.memref_squeeze %dma_wait3A_742 : memref<1x17x768xf32, #tpu.memory_space<hbm>> -> memref<17x768xf32, #tpu.memory_space<hbm>>
    %dma_wait3A_744 = arith.constant 0 : i32
    %dma_wait3A_745 = arith.constant 0 : i32
    %dma_wait3A_746 = tpu.memref_slice %dma_wait3A_743[%dma_wait3A_744, %dma_wait3A_745] : memref<17x768xf32, #tpu.memory_space<hbm>> -> memref<17x768xf32, #tpu.memory_space<hbm>>
    tpu.wait_indirect_dma semaphore(%arg20 : memref<!tpu.dma_semaphore, #tpu.memory_space<semaphore_mem>>) src(%dma_wait3A_739 : memref<18x768xf32, #tpu.memory_space<vmem>>) dst(%dma_wait3A_746 : memref<17x768xf32, #tpu.memory_space<hbm>>)
    %add3A_747 = arith.constant 17 : i32
    %add3A_748 = arith.addi %mul3A_2, %add3A_747 : i32
    %dma_start3A_749 = arith.constant 5 : i32
    %dma_start3A_750 = arith.constant 0 : i32
    %dma_start3A_751 = arith.constant 0 : i32
    %dma_start3A_752 = tpu.memref_slice %arg8[%dma_start3A_749, %dma_start3A_750, %dma_start3A_751] : memref<6x18x768xf32, #tpu.memory_space<vmem>> -> memref<1x18x768xf32, #tpu.memory_space<vmem>>
    %dma_start3A_753 = tpu.memref_squeeze %dma_start3A_752 : memref<1x18x768xf32, #tpu.memory_space<vmem>> -> memref<18x768xf32, #tpu.memory_space<vmem>>
    %dma_start3A_754 = arith.constant 0 : i32
    %dma_start3A_755 = arith.constant 0 : i32
    %dma_start3A_756 = tpu.memref_slice %arg2[%add3A_748, %dma_start3A_754, %dma_start3A_755] : memref<1024x65x768xf32, #tpu.memory_space<hbm>> -> memref<1x65x768xf32, #tpu.memory_space<hbm>>
    %dma_start3A_757 = tpu.memref_squeeze %dma_start3A_756 : memref<1x65x768xf32, #tpu.memory_space<hbm>> -> memref<65x768xf32, #tpu.memory_space<hbm>>
    %dma_start3A_758 = arith.constant 0 : i32
    %dma_start3A_759 = arith.constant 0 : i32
    %dma_start3A_760 = tpu.memref_slice %dma_start3A_757[%dma_start3A_758, %dma_start3A_759] : memref<65x768xf32, #tpu.memory_space<hbm>> -> memref<65x768xf32, #tpu.memory_space<hbm>>
    tpu.enqueue_indirect_dma source(%dma_start3A_760 : memref<65x768xf32, #tpu.memory_space<hbm>>) target(%dma_start3A_753 : memref<18x768xf32, #tpu.memory_space<vmem>>) offsets(%arg6 : memref<18xi32, #tpu.memory_space<vmem>>) semaphore(%arg14 : memref<!tpu.dma_semaphore, #tpu.memory_space<semaphore_mem>>)
    %dma_wait3A_761 = arith.constant 2 : i32
    %dma_wait3A_762 = arith.constant 0 : i32
    %dma_wait3A_763 = arith.constant 0 : i32
    %dma_wait3A_764 = tpu.memref_slice %arg8[%dma_wait3A_761, %dma_wait3A_762, %dma_wait3A_763] : memref<6x18x768xf32, #tpu.memory_space<vmem>> -> memref<1x18x768xf32, #tpu.memory_space<vmem>>
    %dma_wait3A_765 = tpu.memref_squeeze %dma_wait3A_764 : memref<1x18x768xf32, #tpu.memory_space<vmem>> -> memref<18x768xf32, #tpu.memory_space<vmem>>
    %dma_wait3A_766 = arith.constant 0 : i32
    %dma_wait3A_767 = arith.constant 0 : i32
    %dma_wait3A_768 = tpu.memref_slice %arg2[%add3A_592, %dma_wait3A_766, %dma_wait3A_767] : memref<1024x65x768xf32, #tpu.memory_space<hbm>> -> memref<1x65x768xf32, #tpu.memory_space<hbm>>
    %dma_wait3A_769 = tpu.memref_squeeze %dma_wait3A_768 : memref<1x65x768xf32, #tpu.memory_space<hbm>> -> memref<65x768xf32, #tpu.memory_space<hbm>>
    %dma_wait3A_770 = arith.constant 0 : i32
    %dma_wait3A_771 = arith.constant 0 : i32
    %dma_wait3A_772 = tpu.memref_slice %dma_wait3A_769[%dma_wait3A_770, %dma_wait3A_771] : memref<65x768xf32, #tpu.memory_space<hbm>> -> memref<65x768xf32, #tpu.memory_space<hbm>>
    tpu.wait_indirect_dma semaphore(%arg11 : memref<!tpu.dma_semaphore, #tpu.memory_space<semaphore_mem>>) src(%dma_wait3A_772 : memref<65x768xf32, #tpu.memory_space<hbm>>) dst(%dma_wait3A_765 : memref<18x768xf32, #tpu.memory_space<vmem>>)
    %add3A_773 = arith.constant 14 : i32
    %add3A_774 = arith.addi %mul3A_2, %add3A_773 : i32
    %dma_start3A_775 = arith.constant 2 : i32
    %dma_start3A_776 = arith.constant 0 : i32
    %dma_start3A_777 = arith.constant 0 : i32
    %dma_start3A_778 = tpu.memref_slice %arg8[%dma_start3A_775, %dma_start3A_776, %dma_start3A_777] : memref<6x18x768xf32, #tpu.memory_space<vmem>> -> memref<1x18x768xf32, #tpu.memory_space<vmem>>
    %dma_start3A_779 = tpu.memref_squeeze %dma_start3A_778 : memref<1x18x768xf32, #tpu.memory_space<vmem>> -> memref<18x768xf32, #tpu.memory_space<vmem>>
    %dma_start3A_780 = arith.constant 0 : i32
    %dma_start3A_781 = arith.constant 0 : i32
    %dma_start3A_782 = tpu.memref_slice %arg5[%add3A_774, %dma_start3A_780, %dma_start3A_781] : memref<1024x17x768xf32, #tpu.memory_space<hbm>> -> memref<1x17x768xf32, #tpu.memory_space<hbm>>
    %dma_start3A_783 = tpu.memref_squeeze %dma_start3A_782 : memref<1x17x768xf32, #tpu.memory_space<hbm>> -> memref<17x768xf32, #tpu.memory_space<hbm>>
    %dma_start3A_784 = arith.constant 0 : i32
    %dma_start3A_785 = arith.constant 0 : i32
    %dma_start3A_786 = tpu.memref_slice %dma_start3A_783[%dma_start3A_784, %dma_start3A_785] : memref<17x768xf32, #tpu.memory_space<hbm>> -> memref<17x768xf32, #tpu.memory_space<hbm>>
    tpu.enqueue_indirect_dma source(%dma_start3A_779 : memref<18x768xf32, #tpu.memory_space<vmem>>) target(%dma_start3A_786 : memref<17x768xf32, #tpu.memory_space<hbm>>) offsets(%arg7 : memref<18xi32, #tpu.memory_space<vmem>>) semaphore(%arg17 : memref<!tpu.dma_semaphore, #tpu.memory_space<semaphore_mem>>)
    %dma_wait3A_787 = arith.constant 0 : i32
    %dma_wait3A_788 = arith.constant 0 : i32
    %dma_wait3A_789 = arith.constant 0 : i32
    %dma_wait3A_790 = tpu.memref_slice %arg8[%dma_wait3A_787, %dma_wait3A_788, %dma_wait3A_789] : memref<6x18x768xf32, #tpu.memory_space<vmem>> -> memref<1x18x768xf32, #tpu.memory_space<vmem>>
    %dma_wait3A_791 = tpu.memref_squeeze %dma_wait3A_790 : memref<1x18x768xf32, #tpu.memory_space<vmem>> -> memref<18x768xf32, #tpu.memory_space<vmem>>
    %dma_wait3A_792 = arith.constant 0 : i32
    %dma_wait3A_793 = arith.constant 0 : i32
    %dma_wait3A_794 = tpu.memref_slice %arg5[%add3A_670, %dma_wait3A_792, %dma_wait3A_793] : memref<1024x17x768xf32, #tpu.memory_space<hbm>> -> memref<1x17x768xf32, #tpu.memory_space<hbm>>
    %dma_wait3A_795 = tpu.memref_squeeze %dma_wait3A_794 : memref<1x17x768xf32, #tpu.memory_space<hbm>> -> memref<17x768xf32, #tpu.memory_space<hbm>>
    %dma_wait3A_796 = arith.constant 0 : i32
    %dma_wait3A_797 = arith.constant 0 : i32
    %dma_wait3A_798 = tpu.memref_slice %dma_wait3A_795[%dma_wait3A_796, %dma_wait3A_797] : memref<17x768xf32, #tpu.memory_space<hbm>> -> memref<17x768xf32, #tpu.memory_space<hbm>>
    tpu.wait_indirect_dma semaphore(%arg15 : memref<!tpu.dma_semaphore, #tpu.memory_space<semaphore_mem>>) src(%dma_wait3A_791 : memref<18x768xf32, #tpu.memory_space<vmem>>) dst(%dma_wait3A_798 : memref<17x768xf32, #tpu.memory_space<hbm>>)
    %add3A_799 = arith.constant 18 : i32
    %add3A_800 = arith.addi %mul3A_2, %add3A_799 : i32
    %dma_start3A_801 = arith.constant 0 : i32
    %dma_start3A_802 = arith.constant 0 : i32
    %dma_start3A_803 = arith.constant 0 : i32
    %dma_start3A_804 = tpu.memref_slice %arg8[%dma_start3A_801, %dma_start3A_802, %dma_start3A_803] : memref<6x18x768xf32, #tpu.memory_space<vmem>> -> memref<1x18x768xf32, #tpu.memory_space<vmem>>
    %dma_start3A_805 = tpu.memref_squeeze %dma_start3A_804 : memref<1x18x768xf32, #tpu.memory_space<vmem>> -> memref<18x768xf32, #tpu.memory_space<vmem>>
    %dma_start3A_806 = arith.constant 0 : i32
    %dma_start3A_807 = arith.constant 0 : i32
    %dma_start3A_808 = tpu.memref_slice %arg2[%add3A_800, %dma_start3A_806, %dma_start3A_807] : memref<1024x65x768xf32, #tpu.memory_space<hbm>> -> memref<1x65x768xf32, #tpu.memory_space<hbm>>
    %dma_start3A_809 = tpu.memref_squeeze %dma_start3A_808 : memref<1x65x768xf32, #tpu.memory_space<hbm>> -> memref<65x768xf32, #tpu.memory_space<hbm>>
    %dma_start3A_810 = arith.constant 0 : i32
    %dma_start3A_811 = arith.constant 0 : i32
    %dma_start3A_812 = tpu.memref_slice %dma_start3A_809[%dma_start3A_810, %dma_start3A_811] : memref<65x768xf32, #tpu.memory_space<hbm>> -> memref<65x768xf32, #tpu.memory_space<hbm>>
    tpu.enqueue_indirect_dma source(%dma_start3A_812 : memref<65x768xf32, #tpu.memory_space<hbm>>) target(%dma_start3A_805 : memref<18x768xf32, #tpu.memory_space<vmem>>) offsets(%arg6 : memref<18xi32, #tpu.memory_space<vmem>>) semaphore(%arg9 : memref<!tpu.dma_semaphore, #tpu.memory_space<semaphore_mem>>)
    %dma_wait3A_813 = arith.constant 3 : i32
    %dma_wait3A_814 = arith.constant 0 : i32
    %dma_wait3A_815 = arith.constant 0 : i32
    %dma_wait3A_816 = tpu.memref_slice %arg8[%dma_wait3A_813, %dma_wait3A_814, %dma_wait3A_815] : memref<6x18x768xf32, #tpu.memory_space<vmem>> -> memref<1x18x768xf32, #tpu.memory_space<vmem>>
    %dma_wait3A_817 = tpu.memref_squeeze %dma_wait3A_816 : memref<1x18x768xf32, #tpu.memory_space<vmem>> -> memref<18x768xf32, #tpu.memory_space<vmem>>
    %dma_wait3A_818 = arith.constant 0 : i32
    %dma_wait3A_819 = arith.constant 0 : i32
    %dma_wait3A_820 = tpu.memref_slice %arg2[%add3A_644, %dma_wait3A_818, %dma_wait3A_819] : memref<1024x65x768xf32, #tpu.memory_space<hbm>> -> memref<1x65x768xf32, #tpu.memory_space<hbm>>
    %dma_wait3A_821 = tpu.memref_squeeze %dma_wait3A_820 : memref<1x65x768xf32, #tpu.memory_space<hbm>> -> memref<65x768xf32, #tpu.memory_space<hbm>>
    %dma_wait3A_822 = arith.constant 0 : i32
    %dma_wait3A_823 = arith.constant 0 : i32
    %dma_wait3A_824 = tpu.memref_slice %dma_wait3A_821[%dma_wait3A_822, %dma_wait3A_823] : memref<65x768xf32, #tpu.memory_space<hbm>> -> memref<65x768xf32, #tpu.memory_space<hbm>>
    tpu.wait_indirect_dma semaphore(%arg12 : memref<!tpu.dma_semaphore, #tpu.memory_space<semaphore_mem>>) src(%dma_wait3A_824 : memref<65x768xf32, #tpu.memory_space<hbm>>) dst(%dma_wait3A_817 : memref<18x768xf32, #tpu.memory_space<vmem>>)
    %add3A_825 = arith.constant 15 : i32
    %add3A_826 = arith.addi %mul3A_2, %add3A_825 : i32
    %dma_start3A_827 = arith.constant 3 : i32
    %dma_start3A_828 = arith.constant 0 : i32
    %dma_start3A_829 = arith.constant 0 : i32
    %dma_start3A_830 = tpu.memref_slice %arg8[%dma_start3A_827, %dma_start3A_828, %dma_start3A_829] : memref<6x18x768xf32, #tpu.memory_space<vmem>> -> memref<1x18x768xf32, #tpu.memory_space<vmem>>
    %dma_start3A_831 = tpu.memref_squeeze %dma_start3A_830 : memref<1x18x768xf32, #tpu.memory_space<vmem>> -> memref<18x768xf32, #tpu.memory_space<vmem>>
    %dma_start3A_832 = arith.constant 0 : i32
    %dma_start3A_833 = arith.constant 0 : i32
    %dma_start3A_834 = tpu.memref_slice %arg5[%add3A_826, %dma_start3A_832, %dma_start3A_833] : memref<1024x17x768xf32, #tpu.memory_space<hbm>> -> memref<1x17x768xf32, #tpu.memory_space<hbm>>
    %dma_start3A_835 = tpu.memref_squeeze %dma_start3A_834 : memref<1x17x768xf32, #tpu.memory_space<hbm>> -> memref<17x768xf32, #tpu.memory_space<hbm>>
    %dma_start3A_836 = arith.constant 0 : i32
    %dma_start3A_837 = arith.constant 0 : i32
    %dma_start3A_838 = tpu.memref_slice %dma_start3A_835[%dma_start3A_836, %dma_start3A_837] : memref<17x768xf32, #tpu.memory_space<hbm>> -> memref<17x768xf32, #tpu.memory_space<hbm>>
    tpu.enqueue_indirect_dma source(%dma_start3A_831 : memref<18x768xf32, #tpu.memory_space<vmem>>) target(%dma_start3A_838 : memref<17x768xf32, #tpu.memory_space<hbm>>) offsets(%arg7 : memref<18xi32, #tpu.memory_space<vmem>>) semaphore(%arg18 : memref<!tpu.dma_semaphore, #tpu.memory_space<semaphore_mem>>)
    %dma_wait3A_839 = arith.constant 1 : i32
    %dma_wait3A_840 = arith.constant 0 : i32
    %dma_wait3A_841 = arith.constant 0 : i32
    %dma_wait3A_842 = tpu.memref_slice %arg8[%dma_wait3A_839, %dma_wait3A_840, %dma_wait3A_841] : memref<6x18x768xf32, #tpu.memory_space<vmem>> -> memref<1x18x768xf32, #tpu.memory_space<vmem>>
    %dma_wait3A_843 = tpu.memref_squeeze %dma_wait3A_842 : memref<1x18x768xf32, #tpu.memory_space<vmem>> -> memref<18x768xf32, #tpu.memory_space<vmem>>
    %dma_wait3A_844 = arith.constant 0 : i32
    %dma_wait3A_845 = arith.constant 0 : i32
    %dma_wait3A_846 = tpu.memref_slice %arg5[%add3A_722, %dma_wait3A_844, %dma_wait3A_845] : memref<1024x17x768xf32, #tpu.memory_space<hbm>> -> memref<1x17x768xf32, #tpu.memory_space<hbm>>
    %dma_wait3A_847 = tpu.memref_squeeze %dma_wait3A_846 : memref<1x17x768xf32, #tpu.memory_space<hbm>> -> memref<17x768xf32, #tpu.memory_space<hbm>>
    %dma_wait3A_848 = arith.constant 0 : i32
    %dma_wait3A_849 = arith.constant 0 : i32
    %dma_wait3A_850 = tpu.memref_slice %dma_wait3A_847[%dma_wait3A_848, %dma_wait3A_849] : memref<17x768xf32, #tpu.memory_space<hbm>> -> memref<17x768xf32, #tpu.memory_space<hbm>>
    tpu.wait_indirect_dma semaphore(%arg16 : memref<!tpu.dma_semaphore, #tpu.memory_space<semaphore_mem>>) src(%dma_wait3A_843 : memref<18x768xf32, #tpu.memory_space<vmem>>) dst(%dma_wait3A_850 : memref<17x768xf32, #tpu.memory_space<hbm>>)
    %add3A_851 = arith.constant 19 : i32
    %add3A_852 = arith.addi %mul3A_2, %add3A_851 : i32
    %dma_start3A_853 = arith.constant 1 : i32
    %dma_start3A_854 = arith.constant 0 : i32
    %dma_start3A_855 = arith.constant 0 : i32
    %dma_start3A_856 = tpu.memref_slice %arg8[%dma_start3A_853, %dma_start3A_854, %dma_start3A_855] : memref<6x18x768xf32, #tpu.memory_space<vmem>> -> memref<1x18x768xf32, #tpu.memory_space<vmem>>
    %dma_start3A_857 = tpu.memref_squeeze %dma_start3A_856 : memref<1x18x768xf32, #tpu.memory_space<vmem>> -> memref<18x768xf32, #tpu.memory_space<vmem>>
    %dma_start3A_858 = arith.constant 0 : i32
    %dma_start3A_859 = arith.constant 0 : i32
    %dma_start3A_860 = tpu.memref_slice %arg2[%add3A_852, %dma_start3A_858, %dma_start3A_859] : memref<1024x65x768xf32, #tpu.memory_space<hbm>> -> memref<1x65x768xf32, #tpu.memory_space<hbm>>
    %dma_start3A_861 = tpu.memref_squeeze %dma_start3A_860 : memref<1x65x768xf32, #tpu.memory_space<hbm>> -> memref<65x768xf32, #tpu.memory_space<hbm>>
    %dma_start3A_862 = arith.constant 0 : i32
    %dma_start3A_863 = arith.constant 0 : i32
    %dma_start3A_864 = tpu.memref_slice %dma_start3A_861[%dma_start3A_862, %dma_start3A_863] : memref<65x768xf32, #tpu.memory_space<hbm>> -> memref<65x768xf32, #tpu.memory_space<hbm>>
    tpu.enqueue_indirect_dma source(%dma_start3A_864 : memref<65x768xf32, #tpu.memory_space<hbm>>) target(%dma_start3A_857 : memref<18x768xf32, #tpu.memory_space<vmem>>) offsets(%arg6 : memref<18xi32, #tpu.memory_space<vmem>>) semaphore(%arg10 : memref<!tpu.dma_semaphore, #tpu.memory_space<semaphore_mem>>)
    %dma_wait3A_865 = arith.constant 4 : i32
    %dma_wait3A_866 = arith.constant 0 : i32
    %dma_wait3A_867 = arith.constant 0 : i32
    %dma_wait3A_868 = tpu.memref_slice %arg8[%dma_wait3A_865, %dma_wait3A_866, %dma_wait3A_867] : memref<6x18x768xf32, #tpu.memory_space<vmem>> -> memref<1x18x768xf32, #tpu.memory_space<vmem>>
    %dma_wait3A_869 = tpu.memref_squeeze %dma_wait3A_868 : memref<1x18x768xf32, #tpu.memory_space<vmem>> -> memref<18x768xf32, #tpu.memory_space<vmem>>
    %dma_wait3A_870 = arith.constant 0 : i32
    %dma_wait3A_871 = arith.constant 0 : i32
    %dma_wait3A_872 = tpu.memref_slice %arg2[%add3A_696, %dma_wait3A_870, %dma_wait3A_871] : memref<1024x65x768xf32, #tpu.memory_space<hbm>> -> memref<1x65x768xf32, #tpu.memory_space<hbm>>
    %dma_wait3A_873 = tpu.memref_squeeze %dma_wait3A_872 : memref<1x65x768xf32, #tpu.memory_space<hbm>> -> memref<65x768xf32, #tpu.memory_space<hbm>>
    %dma_wait3A_874 = arith.constant 0 : i32
    %dma_wait3A_875 = arith.constant 0 : i32
    %dma_wait3A_876 = tpu.memref_slice %dma_wait3A_873[%dma_wait3A_874, %dma_wait3A_875] : memref<65x768xf32, #tpu.memory_space<hbm>> -> memref<65x768xf32, #tpu.memory_space<hbm>>
    tpu.wait_indirect_dma semaphore(%arg13 : memref<!tpu.dma_semaphore, #tpu.memory_space<semaphore_mem>>) src(%dma_wait3A_876 : memref<65x768xf32, #tpu.memory_space<hbm>>) dst(%dma_wait3A_869 : memref<18x768xf32, #tpu.memory_space<vmem>>)
    %add3A_877 = arith.constant 16 : i32
    %add3A_878 = arith.addi %mul3A_2, %add3A_877 : i32
    %dma_start3A_879 = arith.constant 4 : i32
    %dma_start3A_880 = arith.constant 0 : i32
    %dma_start3A_881 = arith.constant 0 : i32
    %dma_start3A_882 = tpu.memref_slice %arg8[%dma_start3A_879, %dma_start3A_880, %dma_start3A_881] : memref<6x18x768xf32, #tpu.memory_space<vmem>> -> memref<1x18x768xf32, #tpu.memory_space<vmem>>
    %dma_start3A_883 = tpu.memref_squeeze %dma_start3A_882 : memref<1x18x768xf32, #tpu.memory_space<vmem>> -> memref<18x768xf32, #tpu.memory_space<vmem>>
    %dma_start3A_884 = arith.constant 0 : i32
    %dma_start3A_885 = arith.constant 0 : i32
    %dma_start3A_886 = tpu.memref_slice %arg5[%add3A_878, %dma_start3A_884, %dma_start3A_885] : memref<1024x17x768xf32, #tpu.memory_space<hbm>> -> memref<1x17x768xf32, #tpu.memory_space<hbm>>
    %dma_start3A_887 = tpu.memref_squeeze %dma_start3A_886 : memref<1x17x768xf32, #tpu.memory_space<hbm>> -> memref<17x768xf32, #tpu.memory_space<hbm>>
    %dma_start3A_888 = arith.constant 0 : i32
    %dma_start3A_889 = arith.constant 0 : i32
    %dma_start3A_890 = tpu.memref_slice %dma_start3A_887[%dma_start3A_888, %dma_start3A_889] : memref<17x768xf32, #tpu.memory_space<hbm>> -> memref<17x768xf32, #tpu.memory_space<hbm>>
    tpu.enqueue_indirect_dma source(%dma_start3A_883 : memref<18x768xf32, #tpu.memory_space<vmem>>) target(%dma_start3A_890 : memref<17x768xf32, #tpu.memory_space<hbm>>) offsets(%arg7 : memref<18xi32, #tpu.memory_space<vmem>>) semaphore(%arg19 : memref<!tpu.dma_semaphore, #tpu.memory_space<semaphore_mem>>)
    %dma_wait3A_891 = arith.constant 2 : i32
    %dma_wait3A_892 = arith.constant 0 : i32
    %dma_wait3A_893 = arith.constant 0 : i32
    %dma_wait3A_894 = tpu.memref_slice %arg8[%dma_wait3A_891, %dma_wait3A_892, %dma_wait3A_893] : memref<6x18x768xf32, #tpu.memory_space<vmem>> -> memref<1x18x768xf32, #tpu.memory_space<vmem>>
    %dma_wait3A_895 = tpu.memref_squeeze %dma_wait3A_894 : memref<1x18x768xf32, #tpu.memory_space<vmem>> -> memref<18x768xf32, #tpu.memory_space<vmem>>
    %dma_wait3A_896 = arith.constant 0 : i32
    %dma_wait3A_897 = arith.constant 0 : i32
    %dma_wait3A_898 = tpu.memref_slice %arg5[%add3A_774, %dma_wait3A_896, %dma_wait3A_897] : memref<1024x17x768xf32, #tpu.memory_space<hbm>> -> memref<1x17x768xf32, #tpu.memory_space<hbm>>
    %dma_wait3A_899 = tpu.memref_squeeze %dma_wait3A_898 : memref<1x17x768xf32, #tpu.memory_space<hbm>> -> memref<17x768xf32, #tpu.memory_space<hbm>>
    %dma_wait3A_900 = arith.constant 0 : i32
    %dma_wait3A_901 = arith.constant 0 : i32
    %dma_wait3A_902 = tpu.memref_slice %dma_wait3A_899[%dma_wait3A_900, %dma_wait3A_901] : memref<17x768xf32, #tpu.memory_space<hbm>> -> memref<17x768xf32, #tpu.memory_space<hbm>>
    tpu.wait_indirect_dma semaphore(%arg17 : memref<!tpu.dma_semaphore, #tpu.memory_space<semaphore_mem>>) src(%dma_wait3A_895 : memref<18x768xf32, #tpu.memory_space<vmem>>) dst(%dma_wait3A_902 : memref<17x768xf32, #tpu.memory_space<hbm>>)
    %add3A_903 = arith.constant 20 : i32
    %add3A_904 = arith.addi %mul3A_2, %add3A_903 : i32
    %dma_start3A_905 = arith.constant 2 : i32
    %dma_start3A_906 = arith.constant 0 : i32
    %dma_start3A_907 = arith.constant 0 : i32
    %dma_start3A_908 = tpu.memref_slice %arg8[%dma_start3A_905, %dma_start3A_906, %dma_start3A_907] : memref<6x18x768xf32, #tpu.memory_space<vmem>> -> memref<1x18x768xf32, #tpu.memory_space<vmem>>
    %dma_start3A_909 = tpu.memref_squeeze %dma_start3A_908 : memref<1x18x768xf32, #tpu.memory_space<vmem>> -> memref<18x768xf32, #tpu.memory_space<vmem>>
    %dma_start3A_910 = arith.constant 0 : i32
    %dma_start3A_911 = arith.constant 0 : i32
    %dma_start3A_912 = tpu.memref_slice %arg2[%add3A_904, %dma_start3A_910, %dma_start3A_911] : memref<1024x65x768xf32, #tpu.memory_space<hbm>> -> memref<1x65x768xf32, #tpu.memory_space<hbm>>
    %dma_start3A_913 = tpu.memref_squeeze %dma_start3A_912 : memref<1x65x768xf32, #tpu.memory_space<hbm>> -> memref<65x768xf32, #tpu.memory_space<hbm>>
    %dma_start3A_914 = arith.constant 0 : i32
    %dma_start3A_915 = arith.constant 0 : i32
    %dma_start3A_916 = tpu.memref_slice %dma_start3A_913[%dma_start3A_914, %dma_start3A_915] : memref<65x768xf32, #tpu.memory_space<hbm>> -> memref<65x768xf32, #tpu.memory_space<hbm>>
    tpu.enqueue_indirect_dma source(%dma_start3A_916 : memref<65x768xf32, #tpu.memory_space<hbm>>) target(%dma_start3A_909 : memref<18x768xf32, #tpu.memory_space<vmem>>) offsets(%arg6 : memref<18xi32, #tpu.memory_space<vmem>>) semaphore(%arg11 : memref<!tpu.dma_semaphore, #tpu.memory_space<semaphore_mem>>)
    %dma_wait3A_917 = arith.constant 5 : i32
    %dma_wait3A_918 = arith.constant 0 : i32
    %dma_wait3A_919 = arith.constant 0 : i32
    %dma_wait3A_920 = tpu.memref_slice %arg8[%dma_wait3A_917, %dma_wait3A_918, %dma_wait3A_919] : memref<6x18x768xf32, #tpu.memory_space<vmem>> -> memref<1x18x768xf32, #tpu.memory_space<vmem>>
    %dma_wait3A_921 = tpu.memref_squeeze %dma_wait3A_920 : memref<1x18x768xf32, #tpu.memory_space<vmem>> -> memref<18x768xf32, #tpu.memory_space<vmem>>
    %dma_wait3A_922 = arith.constant 0 : i32
    %dma_wait3A_923 = arith.constant 0 : i32
    %dma_wait3A_924 = tpu.memref_slice %arg2[%add3A_748, %dma_wait3A_922, %dma_wait3A_923] : memref<1024x65x768xf32, #tpu.memory_space<hbm>> -> memref<1x65x768xf32, #tpu.memory_space<hbm>>
    %dma_wait3A_925 = tpu.memref_squeeze %dma_wait3A_924 : memref<1x65x768xf32, #tpu.memory_space<hbm>> -> memref<65x768xf32, #tpu.memory_space<hbm>>
    %dma_wait3A_926 = arith.constant 0 : i32
    %dma_wait3A_927 = arith.constant 0 : i32
    %dma_wait3A_928 = tpu.memref_slice %dma_wait3A_925[%dma_wait3A_926, %dma_wait3A_927] : memref<65x768xf32, #tpu.memory_space<hbm>> -> memref<65x768xf32, #tpu.memory_space<hbm>>
    tpu.wait_indirect_dma semaphore(%arg14 : memref<!tpu.dma_semaphore, #tpu.memory_space<semaphore_mem>>) src(%dma_wait3A_928 : memref<65x768xf32, #tpu.memory_space<hbm>>) dst(%dma_wait3A_921 : memref<18x768xf32, #tpu.memory_space<vmem>>)
    %add3A_929 = arith.constant 17 : i32
    %add3A_930 = arith.addi %mul3A_2, %add3A_929 : i32
    %dma_start3A_931 = arith.constant 5 : i32
    %dma_start3A_932 = arith.constant 0 : i32
    %dma_start3A_933 = arith.constant 0 : i32
    %dma_start3A_934 = tpu.memref_slice %arg8[%dma_start3A_931, %dma_start3A_932, %dma_start3A_933] : memref<6x18x768xf32, #tpu.memory_space<vmem>> -> memref<1x18x768xf32, #tpu.memory_space<vmem>>
    %dma_start3A_935 = tpu.memref_squeeze %dma_start3A_934 : memref<1x18x768xf32, #tpu.memory_space<vmem>> -> memref<18x768xf32, #tpu.memory_space<vmem>>
    %dma_start3A_936 = arith.constant 0 : i32
    %dma_start3A_937 = arith.constant 0 : i32
    %dma_start3A_938 = tpu.memref_slice %arg5[%add3A_930, %dma_start3A_936, %dma_start3A_937] : memref<1024x17x768xf32, #tpu.memory_space<hbm>> -> memref<1x17x768xf32, #tpu.memory_space<hbm>>
    %dma_start3A_939 = tpu.memref_squeeze %dma_start3A_938 : memref<1x17x768xf32, #tpu.memory_space<hbm>> -> memref<17x768xf32, #tpu.memory_space<hbm>>
    %dma_start3A_940 = arith.constant 0 : i32
    %dma_start3A_941 = arith.constant 0 : i32
    %dma_start3A_942 = tpu.memref_slice %dma_start3A_939[%dma_start3A_940, %dma_start3A_941] : memref<17x768xf32, #tpu.memory_space<hbm>> -> memref<17x768xf32, #tpu.memory_space<hbm>>
    tpu.enqueue_indirect_dma source(%dma_start3A_935 : memref<18x768xf32, #tpu.memory_space<vmem>>) target(%dma_start3A_942 : memref<17x768xf32, #tpu.memory_space<hbm>>) offsets(%arg7 : memref<18xi32, #tpu.memory_space<vmem>>) semaphore(%arg20 : memref<!tpu.dma_semaphore, #tpu.memory_space<semaphore_mem>>)
    %dma_wait3A_943 = arith.constant 3 : i32
    %dma_wait3A_944 = arith.constant 0 : i32
    %dma_wait3A_945 = arith.constant 0 : i32
    %dma_wait3A_946 = tpu.memref_slice %arg8[%dma_wait3A_943, %dma_wait3A_944, %dma_wait3A_945] : memref<6x18x768xf32, #tpu.memory_space<vmem>> -> memref<1x18x768xf32, #tpu.memory_space<vmem>>
    %dma_wait3A_947 = tpu.memref_squeeze %dma_wait3A_946 : memref<1x18x768xf32, #tpu.memory_space<vmem>> -> memref<18x768xf32, #tpu.memory_space<vmem>>
    %dma_wait3A_948 = arith.constant 0 : i32
    %dma_wait3A_949 = arith.constant 0 : i32
    %dma_wait3A_950 = tpu.memref_slice %arg5[%add3A_826, %dma_wait3A_948, %dma_wait3A_949] : memref<1024x17x768xf32, #tpu.memory_space<hbm>> -> memref<1x17x768xf32, #tpu.memory_space<hbm>>
    %dma_wait3A_951 = tpu.memref_squeeze %dma_wait3A_950 : memref<1x17x768xf32, #tpu.memory_space<hbm>> -> memref<17x768xf32, #tpu.memory_space<hbm>>
    %dma_wait3A_952 = arith.constant 0 : i32
    %dma_wait3A_953 = arith.constant 0 : i32
    %dma_wait3A_954 = tpu.memref_slice %dma_wait3A_951[%dma_wait3A_952, %dma_wait3A_953] : memref<17x768xf32, #tpu.memory_space<hbm>> -> memref<17x768xf32, #tpu.memory_space<hbm>>
    tpu.wait_indirect_dma semaphore(%arg18 : memref<!tpu.dma_semaphore, #tpu.memory_space<semaphore_mem>>) src(%dma_wait3A_947 : memref<18x768xf32, #tpu.memory_space<vmem>>) dst(%dma_wait3A_954 : memref<17x768xf32, #tpu.memory_space<hbm>>)
    %add3A_955 = arith.constant 21 : i32
    %add3A_956 = arith.addi %mul3A_2, %add3A_955 : i32
    %dma_start3A_957 = arith.constant 3 : i32
    %dma_start3A_958 = arith.constant 0 : i32
    %dma_start3A_959 = arith.constant 0 : i32
    %dma_start3A_960 = tpu.memref_slice %arg8[%dma_start3A_957, %dma_start3A_958, %dma_start3A_959] : memref<6x18x768xf32, #tpu.memory_space<vmem>> -> memref<1x18x768xf32, #tpu.memory_space<vmem>>
    %dma_start3A_961 = tpu.memref_squeeze %dma_start3A_960 : memref<1x18x768xf32, #tpu.memory_space<vmem>> -> memref<18x768xf32, #tpu.memory_space<vmem>>
    %dma_start3A_962 = arith.constant 0 : i32
    %dma_start3A_963 = arith.constant 0 : i32
    %dma_start3A_964 = tpu.memref_slice %arg2[%add3A_956, %dma_start3A_962, %dma_start3A_963] : memref<1024x65x768xf32, #tpu.memory_space<hbm>> -> memref<1x65x768xf32, #tpu.memory_space<hbm>>
    %dma_start3A_965 = tpu.memref_squeeze %dma_start3A_964 : memref<1x65x768xf32, #tpu.memory_space<hbm>> -> memref<65x768xf32, #tpu.memory_space<hbm>>
    %dma_start3A_966 = arith.constant 0 : i32
    %dma_start3A_967 = arith.constant 0 : i32
    %dma_start3A_968 = tpu.memref_slice %dma_start3A_965[%dma_start3A_966, %dma_start3A_967] : memref<65x768xf32, #tpu.memory_space<hbm>> -> memref<65x768xf32, #tpu.memory_space<hbm>>
    tpu.enqueue_indirect_dma source(%dma_start3A_968 : memref<65x768xf32, #tpu.memory_space<hbm>>) target(%dma_start3A_961 : memref<18x768xf32, #tpu.memory_space<vmem>>) offsets(%arg6 : memref<18xi32, #tpu.memory_space<vmem>>) semaphore(%arg12 : memref<!tpu.dma_semaphore, #tpu.memory_space<semaphore_mem>>)
    %dma_wait3A_969 = arith.constant 0 : i32
    %dma_wait3A_970 = arith.constant 0 : i32
    %dma_wait3A_971 = arith.constant 0 : i32
    %dma_wait3A_972 = tpu.memref_slice %arg8[%dma_wait3A_969, %dma_wait3A_970, %dma_wait3A_971] : memref<6x18x768xf32, #tpu.memory_space<vmem>> -> memref<1x18x768xf32, #tpu.memory_space<vmem>>
    %dma_wait3A_973 = tpu.memref_squeeze %dma_wait3A_972 : memref<1x18x768xf32, #tpu.memory_space<vmem>> -> memref<18x768xf32, #tpu.memory_space<vmem>>
    %dma_wait3A_974 = arith.constant 0 : i32
    %dma_wait3A_975 = arith.constant 0 : i32
    %dma_wait3A_976 = tpu.memref_slice %arg2[%add3A_800, %dma_wait3A_974, %dma_wait3A_975] : memref<1024x65x768xf32, #tpu.memory_space<hbm>> -> memref<1x65x768xf32, #tpu.memory_space<hbm>>
    %dma_wait3A_977 = tpu.memref_squeeze %dma_wait3A_976 : memref<1x65x768xf32, #tpu.memory_space<hbm>> -> memref<65x768xf32, #tpu.memory_space<hbm>>
    %dma_wait3A_978 = arith.constant 0 : i32
    %dma_wait3A_979 = arith.constant 0 : i32
    %dma_wait3A_980 = tpu.memref_slice %dma_wait3A_977[%dma_wait3A_978, %dma_wait3A_979] : memref<65x768xf32, #tpu.memory_space<hbm>> -> memref<65x768xf32, #tpu.memory_space<hbm>>
    tpu.wait_indirect_dma semaphore(%arg9 : memref<!tpu.dma_semaphore, #tpu.memory_space<semaphore_mem>>) src(%dma_wait3A_980 : memref<65x768xf32, #tpu.memory_space<hbm>>) dst(%dma_wait3A_973 : memref<18x768xf32, #tpu.memory_space<vmem>>)
    %add3A_981 = arith.constant 18 : i32
    %add3A_982 = arith.addi %mul3A_2, %add3A_981 : i32
    %dma_start3A_983 = arith.constant 0 : i32
    %dma_start3A_984 = arith.constant 0 : i32
    %dma_start3A_985 = arith.constant 0 : i32
    %dma_start3A_986 = tpu.memref_slice %arg8[%dma_start3A_983, %dma_start3A_984, %dma_start3A_985] : memref<6x18x768xf32, #tpu.memory_space<vmem>> -> memref<1x18x768xf32, #tpu.memory_space<vmem>>
    %dma_start3A_987 = tpu.memref_squeeze %dma_start3A_986 : memref<1x18x768xf32, #tpu.memory_space<vmem>> -> memref<18x768xf32, #tpu.memory_space<vmem>>
    %dma_start3A_988 = arith.constant 0 : i32
    %dma_start3A_989 = arith.constant 0 : i32
    %dma_start3A_990 = tpu.memref_slice %arg5[%add3A_982, %dma_start3A_988, %dma_start3A_989] : memref<1024x17x768xf32, #tpu.memory_space<hbm>> -> memref<1x17x768xf32, #tpu.memory_space<hbm>>
    %dma_start3A_991 = tpu.memref_squeeze %dma_start3A_990 : memref<1x17x768xf32, #tpu.memory_space<hbm>> -> memref<17x768xf32, #tpu.memory_space<hbm>>
    %dma_start3A_992 = arith.constant 0 : i32
    %dma_start3A_993 = arith.constant 0 : i32
    %dma_start3A_994 = tpu.memref_slice %dma_start3A_991[%dma_start3A_992, %dma_start3A_993] : memref<17x768xf32, #tpu.memory_space<hbm>> -> memref<17x768xf32, #tpu.memory_space<hbm>>
    tpu.enqueue_indirect_dma source(%dma_start3A_987 : memref<18x768xf32, #tpu.memory_space<vmem>>) target(%dma_start3A_994 : memref<17x768xf32, #tpu.memory_space<hbm>>) offsets(%arg7 : memref<18xi32, #tpu.memory_space<vmem>>) semaphore(%arg15 : memref<!tpu.dma_semaphore, #tpu.memory_space<semaphore_mem>>)
    %dma_wait3A_995 = arith.constant 4 : i32
    %dma_wait3A_996 = arith.constant 0 : i32
    %dma_wait3A_997 = arith.constant 0 : i32
    %dma_wait3A_998 = tpu.memref_slice %arg8[%dma_wait3A_995, %dma_wait3A_996, %dma_wait3A_997] : memref<6x18x768xf32, #tpu.memory_space<vmem>> -> memref<1x18x768xf32, #tpu.memory_space<vmem>>
    %dma_wait3A_999 = tpu.memref_squeeze %dma_wait3A_998 : memref<1x18x768xf32, #tpu.memory_space<vmem>> -> memref<18x768xf32, #tpu.memory_space<vmem>>
    %dma_wait3A_1000 = arith.constant 0 : i32
    %dma_wait3A_1001 = arith.constant 0 : i32
    %dma_wait3A_1002 = tpu.memref_slice %arg5[%add3A_878, %dma_wait3A_1000, %dma_wait3A_1001] : memref<1024x17x768xf32, #tpu.memory_space<hbm>> -> memref<1x17x768xf32, #tpu.memory_space<hbm>>
    %dma_wait3A_1003 = tpu.memref_squeeze %dma_wait3A_1002 : memref<1x17x768xf32, #tpu.memory_space<hbm>> -> memref<17x768xf32, #tpu.memory_space<hbm>>
    %dma_wait3A_1004 = arith.constant 0 : i32
    %dma_wait3A_1005 = arith.constant 0 : i32
    %dma_wait3A_1006 = tpu.memref_slice %dma_wait3A_1003[%dma_wait3A_1004, %dma_wait3A_1005] : memref<17x768xf32, #tpu.memory_space<hbm>> -> memref<17x768xf32, #tpu.memory_space<hbm>>
    tpu.wait_indirect_dma semaphore(%arg19 : memref<!tpu.dma_semaphore, #tpu.memory_space<semaphore_mem>>) src(%dma_wait3A_999 : memref<18x768xf32, #tpu.memory_space<vmem>>) dst(%dma_wait3A_1006 : memref<17x768xf32, #tpu.memory_space<hbm>>)
    %add3A_1007 = arith.constant 22 : i32
    %add3A_1008 = arith.addi %mul3A_2, %add3A_1007 : i32
    %dma_start3A_1009 = arith.constant 4 : i32
    %dma_start3A_1010 = arith.constant 0 : i32
    %dma_start3A_1011 = arith.constant 0 : i32
    %dma_start3A_1012 = tpu.memref_slice %arg8[%dma_start3A_1009, %dma_start3A_1010, %dma_start3A_1011] : memref<6x18x768xf32, #tpu.memory_space<vmem>> -> memref<1x18x768xf32, #tpu.memory_space<vmem>>
    %dma_start3A_1013 = tpu.memref_squeeze %dma_start3A_1012 : memref<1x18x768xf32, #tpu.memory_space<vmem>> -> memref<18x768xf32, #tpu.memory_space<vmem>>
    %dma_start3A_1014 = arith.constant 0 : i32
    %dma_start3A_1015 = arith.constant 0 : i32
    %dma_start3A_1016 = tpu.memref_slice %arg2[%add3A_1008, %dma_start3A_1014, %dma_start3A_1015] : memref<1024x65x768xf32, #tpu.memory_space<hbm>> -> memref<1x65x768xf32, #tpu.memory_space<hbm>>
    %dma_start3A_1017 = tpu.memref_squeeze %dma_start3A_1016 : memref<1x65x768xf32, #tpu.memory_space<hbm>> -> memref<65x768xf32, #tpu.memory_space<hbm>>
    %dma_start3A_1018 = arith.constant 0 : i32
    %dma_start3A_1019 = arith.constant 0 : i32
    %dma_start3A_1020 = tpu.memref_slice %dma_start3A_1017[%dma_start3A_1018, %dma_start3A_1019] : memref<65x768xf32, #tpu.memory_space<hbm>> -> memref<65x768xf32, #tpu.memory_space<hbm>>
    tpu.enqueue_indirect_dma source(%dma_start3A_1020 : memref<65x768xf32, #tpu.memory_space<hbm>>) target(%dma_start3A_1013 : memref<18x768xf32, #tpu.memory_space<vmem>>) offsets(%arg6 : memref<18xi32, #tpu.memory_space<vmem>>) semaphore(%arg13 : memref<!tpu.dma_semaphore, #tpu.memory_space<semaphore_mem>>)
    %dma_wait3A_1021 = arith.constant 1 : i32
    %dma_wait3A_1022 = arith.constant 0 : i32
    %dma_wait3A_1023 = arith.constant 0 : i32
    %dma_wait3A_1024 = tpu.memref_slice %arg8[%dma_wait3A_1021, %dma_wait3A_1022, %dma_wait3A_1023] : memref<6x18x768xf32, #tpu.memory_space<vmem>> -> memref<1x18x768xf32, #tpu.memory_space<vmem>>
    %dma_wait3A_1025 = tpu.memref_squeeze %dma_wait3A_1024 : memref<1x18x768xf32, #tpu.memory_space<vmem>> -> memref<18x768xf32, #tpu.memory_space<vmem>>
    %dma_wait3A_1026 = arith.constant 0 : i32
    %dma_wait3A_1027 = arith.constant 0 : i32
    %dma_wait3A_1028 = tpu.memref_slice %arg2[%add3A_852, %dma_wait3A_1026, %dma_wait3A_1027] : memref<1024x65x768xf32, #tpu.memory_space<hbm>> -> memref<1x65x768xf32, #tpu.memory_space<hbm>>
    %dma_wait3A_1029 = tpu.memref_squeeze %dma_wait3A_1028 : memref<1x65x768xf32, #tpu.memory_space<hbm>> -> memref<65x768xf32, #tpu.memory_space<hbm>>
    %dma_wait3A_1030 = arith.constant 0 : i32
    %dma_wait3A_1031 = arith.constant 0 : i32
    %dma_wait3A_1032 = tpu.memref_slice %dma_wait3A_1029[%dma_wait3A_1030, %dma_wait3A_1031] : memref<65x768xf32, #tpu.memory_space<hbm>> -> memref<65x768xf32, #tpu.memory_space<hbm>>
    tpu.wait_indirect_dma semaphore(%arg10 : memref<!tpu.dma_semaphore, #tpu.memory_space<semaphore_mem>>) src(%dma_wait3A_1032 : memref<65x768xf32, #tpu.memory_space<hbm>>) dst(%dma_wait3A_1025 : memref<18x768xf32, #tpu.memory_space<vmem>>)
    %add3A_1033 = arith.constant 19 : i32
    %add3A_1034 = arith.addi %mul3A_2, %add3A_1033 : i32
    %dma_start3A_1035 = arith.constant 1 : i32
    %dma_start3A_1036 = arith.constant 0 : i32
    %dma_start3A_1037 = arith.constant 0 : i32
    %dma_start3A_1038 = tpu.memref_slice %arg8[%dma_start3A_1035, %dma_start3A_1036, %dma_start3A_1037] : memref<6x18x768xf32, #tpu.memory_space<vmem>> -> memref<1x18x768xf32, #tpu.memory_space<vmem>>
    %dma_start3A_1039 = tpu.memref_squeeze %dma_start3A_1038 : memref<1x18x768xf32, #tpu.memory_space<vmem>> -> memref<18x768xf32, #tpu.memory_space<vmem>>
    %dma_start3A_1040 = arith.constant 0 : i32
    %dma_start3A_1041 = arith.constant 0 : i32
    %dma_start3A_1042 = tpu.memref_slice %arg5[%add3A_1034, %dma_start3A_1040, %dma_start3A_1041] : memref<1024x17x768xf32, #tpu.memory_space<hbm>> -> memref<1x17x768xf32, #tpu.memory_space<hbm>>
    %dma_start3A_1043 = tpu.memref_squeeze %dma_start3A_1042 : memref<1x17x768xf32, #tpu.memory_space<hbm>> -> memref<17x768xf32, #tpu.memory_space<hbm>>
    %dma_start3A_1044 = arith.constant 0 : i32
    %dma_start3A_1045 = arith.constant 0 : i32
    %dma_start3A_1046 = tpu.memref_slice %dma_start3A_1043[%dma_start3A_1044, %dma_start3A_1045] : memref<17x768xf32, #tpu.memory_space<hbm>> -> memref<17x768xf32, #tpu.memory_space<hbm>>
    tpu.enqueue_indirect_dma source(%dma_start3A_1039 : memref<18x768xf32, #tpu.memory_space<vmem>>) target(%dma_start3A_1046 : memref<17x768xf32, #tpu.memory_space<hbm>>) offsets(%arg7 : memref<18xi32, #tpu.memory_space<vmem>>) semaphore(%arg16 : memref<!tpu.dma_semaphore, #tpu.memory_space<semaphore_mem>>)
    %dma_wait3A_1047 = arith.constant 5 : i32
    %dma_wait3A_1048 = arith.constant 0 : i32
    %dma_wait3A_1049 = arith.constant 0 : i32
    %dma_wait3A_1050 = tpu.memref_slice %arg8[%dma_wait3A_1047, %dma_wait3A_1048, %dma_wait3A_1049] : memref<6x18x768xf32, #tpu.memory_space<vmem>> -> memref<1x18x768xf32, #tpu.memory_space<vmem>>
    %dma_wait3A_1051 = tpu.memref_squeeze %dma_wait3A_1050 : memref<1x18x768xf32, #tpu.memory_space<vmem>> -> memref<18x768xf32, #tpu.memory_space<vmem>>
    %dma_wait3A_1052 = arith.constant 0 : i32
    %dma_wait3A_1053 = arith.constant 0 : i32
    %dma_wait3A_1054 = tpu.memref_slice %arg5[%add3A_930, %dma_wait3A_1052, %dma_wait3A_1053] : memref<1024x17x768xf32, #tpu.memory_space<hbm>> -> memref<1x17x768xf32, #tpu.memory_space<hbm>>
    %dma_wait3A_1055 = tpu.memref_squeeze %dma_wait3A_1054 : memref<1x17x768xf32, #tpu.memory_space<hbm>> -> memref<17x768xf32, #tpu.memory_space<hbm>>
    %dma_wait3A_1056 = arith.constant 0 : i32
    %dma_wait3A_1057 = arith.constant 0 : i32
    %dma_wait3A_1058 = tpu.memref_slice %dma_wait3A_1055[%dma_wait3A_1056, %dma_wait3A_1057] : memref<17x768xf32, #tpu.memory_space<hbm>> -> memref<17x768xf32, #tpu.memory_space<hbm>>
    tpu.wait_indirect_dma semaphore(%arg20 : memref<!tpu.dma_semaphore, #tpu.memory_space<semaphore_mem>>) src(%dma_wait3A_1051 : memref<18x768xf32, #tpu.memory_space<vmem>>) dst(%dma_wait3A_1058 : memref<17x768xf32, #tpu.memory_space<hbm>>)
    %add3A_1059 = arith.constant 23 : i32
    %add3A_1060 = arith.addi %mul3A_2, %add3A_1059 : i32
    %dma_start3A_1061 = arith.constant 5 : i32
    %dma_start3A_1062 = arith.constant 0 : i32
    %dma_start3A_1063 = arith.constant 0 : i32
    %dma_start3A_1064 = tpu.memref_slice %arg8[%dma_start3A_1061, %dma_start3A_1062, %dma_start3A_1063] : memref<6x18x768xf32, #tpu.memory_space<vmem>> -> memref<1x18x768xf32, #tpu.memory_space<vmem>>
    %dma_start3A_1065 = tpu.memref_squeeze %dma_start3A_1064 : memref<1x18x768xf32, #tpu.memory_space<vmem>> -> memref<18x768xf32, #tpu.memory_space<vmem>>
    %dma_start3A_1066 = arith.constant 0 : i32
    %dma_start3A_1067 = arith.constant 0 : i32
    %dma_start3A_1068 = tpu.memref_slice %arg2[%add3A_1060, %dma_start3A_1066, %dma_start3A_1067] : memref<1024x65x768xf32, #tpu.memory_space<hbm>> -> memref<1x65x768xf32, #tpu.memory_space<hbm>>
    %dma_start3A_1069 = tpu.memref_squeeze %dma_start3A_1068 : memref<1x65x768xf32, #tpu.memory_space<hbm>> -> memref<65x768xf32, #tpu.memory_space<hbm>>
    %dma_start3A_1070 = arith.constant 0 : i32
    %dma_start3A_1071 = arith.constant 0 : i32
    %dma_start3A_1072 = tpu.memref_slice %dma_start3A_1069[%dma_start3A_1070, %dma_start3A_1071] : memref<65x768xf32, #tpu.memory_space<hbm>> -> memref<65x768xf32, #tpu.memory_space<hbm>>
    tpu.enqueue_indirect_dma source(%dma_start3A_1072 : memref<65x768xf32, #tpu.memory_space<hbm>>) target(%dma_start3A_1065 : memref<18x768xf32, #tpu.memory_space<vmem>>) offsets(%arg6 : memref<18xi32, #tpu.memory_space<vmem>>) semaphore(%arg14 : memref<!tpu.dma_semaphore, #tpu.memory_space<semaphore_mem>>)
    %dma_wait3A_1073 = arith.constant 2 : i32
    %dma_wait3A_1074 = arith.constant 0 : i32
    %dma_wait3A_1075 = arith.constant 0 : i32
    %dma_wait3A_1076 = tpu.memref_slice %arg8[%dma_wait3A_1073, %dma_wait3A_1074, %dma_wait3A_1075] : memref<6x18x768xf32, #tpu.memory_space<vmem>> -> memref<1x18x768xf32, #tpu.memory_space<vmem>>
    %dma_wait3A_1077 = tpu.memref_squeeze %dma_wait3A_1076 : memref<1x18x768xf32, #tpu.memory_space<vmem>> -> memref<18x768xf32, #tpu.memory_space<vmem>>
    %dma_wait3A_1078 = arith.constant 0 : i32
    %dma_wait3A_1079 = arith.constant 0 : i32
    %dma_wait3A_1080 = tpu.memref_slice %arg2[%add3A_904, %dma_wait3A_1078, %dma_wait3A_1079] : memref<1024x65x768xf32, #tpu.memory_space<hbm>> -> memref<1x65x768xf32, #tpu.memory_space<hbm>>
    %dma_wait3A_1081 = tpu.memref_squeeze %dma_wait3A_1080 : memref<1x65x768xf32, #tpu.memory_space<hbm>> -> memref<65x768xf32, #tpu.memory_space<hbm>>
    %dma_wait3A_1082 = arith.constant 0 : i32
    %dma_wait3A_1083 = arith.constant 0 : i32
    %dma_wait3A_1084 = tpu.memref_slice %dma_wait3A_1081[%dma_wait3A_1082, %dma_wait3A_1083] : memref<65x768xf32, #tpu.memory_space<hbm>> -> memref<65x768xf32, #tpu.memory_space<hbm>>
    tpu.wait_indirect_dma semaphore(%arg11 : memref<!tpu.dma_semaphore, #tpu.memory_space<semaphore_mem>>) src(%dma_wait3A_1084 : memref<65x768xf32, #tpu.memory_space<hbm>>) dst(%dma_wait3A_1077 : memref<18x768xf32, #tpu.memory_space<vmem>>)
    %add3A_1085 = arith.constant 20 : i32
    %add3A_1086 = arith.addi %mul3A_2, %add3A_1085 : i32
    %dma_start3A_1087 = arith.constant 2 : i32
    %dma_start3A_1088 = arith.constant 0 : i32
    %dma_start3A_1089 = arith.constant 0 : i32
    %dma_start3A_1090 = tpu.memref_slice %arg8[%dma_start3A_1087, %dma_start3A_1088, %dma_start3A_1089] : memref<6x18x768xf32, #tpu.memory_space<vmem>> -> memref<1x18x768xf32, #tpu.memory_space<vmem>>
    %dma_start3A_1091 = tpu.memref_squeeze %dma_start3A_1090 : memref<1x18x768xf32, #tpu.memory_space<vmem>> -> memref<18x768xf32, #tpu.memory_space<vmem>>
    %dma_start3A_1092 = arith.constant 0 : i32
    %dma_start3A_1093 = arith.constant 0 : i32
    %dma_start3A_1094 = tpu.memref_slice %arg5[%add3A_1086, %dma_start3A_1092, %dma_start3A_1093] : memref<1024x17x768xf32, #tpu.memory_space<hbm>> -> memref<1x17x768xf32, #tpu.memory_space<hbm>>
    %dma_start3A_1095 = tpu.memref_squeeze %dma_start3A_1094 : memref<1x17x768xf32, #tpu.memory_space<hbm>> -> memref<17x768xf32, #tpu.memory_space<hbm>>
    %dma_start3A_1096 = arith.constant 0 : i32
    %dma_start3A_1097 = arith.constant 0 : i32
    %dma_start3A_1098 = tpu.memref_slice %dma_start3A_1095[%dma_start3A_1096, %dma_start3A_1097] : memref<17x768xf32, #tpu.memory_space<hbm>> -> memref<17x768xf32, #tpu.memory_space<hbm>>
    tpu.enqueue_indirect_dma source(%dma_start3A_1091 : memref<18x768xf32, #tpu.memory_space<vmem>>) target(%dma_start3A_1098 : memref<17x768xf32, #tpu.memory_space<hbm>>) offsets(%arg7 : memref<18xi32, #tpu.memory_space<vmem>>) semaphore(%arg17 : memref<!tpu.dma_semaphore, #tpu.memory_space<semaphore_mem>>)
    %dma_wait3A_1099 = arith.constant 0 : i32
    %dma_wait3A_1100 = arith.constant 0 : i32
    %dma_wait3A_1101 = arith.constant 0 : i32
    %dma_wait3A_1102 = tpu.memref_slice %arg8[%dma_wait3A_1099, %dma_wait3A_1100, %dma_wait3A_1101] : memref<6x18x768xf32, #tpu.memory_space<vmem>> -> memref<1x18x768xf32, #tpu.memory_space<vmem>>
    %dma_wait3A_1103 = tpu.memref_squeeze %dma_wait3A_1102 : memref<1x18x768xf32, #tpu.memory_space<vmem>> -> memref<18x768xf32, #tpu.memory_space<vmem>>
    %dma_wait3A_1104 = arith.constant 0 : i32
    %dma_wait3A_1105 = arith.constant 0 : i32
    %dma_wait3A_1106 = tpu.memref_slice %arg5[%add3A_982, %dma_wait3A_1104, %dma_wait3A_1105] : memref<1024x17x768xf32, #tpu.memory_space<hbm>> -> memref<1x17x768xf32, #tpu.memory_space<hbm>>
    %dma_wait3A_1107 = tpu.memref_squeeze %dma_wait3A_1106 : memref<1x17x768xf32, #tpu.memory_space<hbm>> -> memref<17x768xf32, #tpu.memory_space<hbm>>
    %dma_wait3A_1108 = arith.constant 0 : i32
    %dma_wait3A_1109 = arith.constant 0 : i32
    %dma_wait3A_1110 = tpu.memref_slice %dma_wait3A_1107[%dma_wait3A_1108, %dma_wait3A_1109] : memref<17x768xf32, #tpu.memory_space<hbm>> -> memref<17x768xf32, #tpu.memory_space<hbm>>
    tpu.wait_indirect_dma semaphore(%arg15 : memref<!tpu.dma_semaphore, #tpu.memory_space<semaphore_mem>>) src(%dma_wait3A_1103 : memref<18x768xf32, #tpu.memory_space<vmem>>) dst(%dma_wait3A_1110 : memref<17x768xf32, #tpu.memory_space<hbm>>)
    %add3A_1111 = arith.constant 24 : i32
    %add3A_1112 = arith.addi %mul3A_2, %add3A_1111 : i32
    %dma_start3A_1113 = arith.constant 0 : i32
    %dma_start3A_1114 = arith.constant 0 : i32
    %dma_start3A_1115 = arith.constant 0 : i32
    %dma_start3A_1116 = tpu.memref_slice %arg8[%dma_start3A_1113, %dma_start3A_1114, %dma_start3A_1115] : memref<6x18x768xf32, #tpu.memory_space<vmem>> -> memref<1x18x768xf32, #tpu.memory_space<vmem>>
    %dma_start3A_1117 = tpu.memref_squeeze %dma_start3A_1116 : memref<1x18x768xf32, #tpu.memory_space<vmem>> -> memref<18x768xf32, #tpu.memory_space<vmem>>
    %dma_start3A_1118 = arith.constant 0 : i32
    %dma_start3A_1119 = arith.constant 0 : i32
    %dma_start3A_1120 = tpu.memref_slice %arg2[%add3A_1112, %dma_start3A_1118, %dma_start3A_1119] : memref<1024x65x768xf32, #tpu.memory_space<hbm>> -> memref<1x65x768xf32, #tpu.memory_space<hbm>>
    %dma_start3A_1121 = tpu.memref_squeeze %dma_start3A_1120 : memref<1x65x768xf32, #tpu.memory_space<hbm>> -> memref<65x768xf32, #tpu.memory_space<hbm>>
    %dma_start3A_1122 = arith.constant 0 : i32
    %dma_start3A_1123 = arith.constant 0 : i32
    %dma_start3A_1124 = tpu.memref_slice %dma_start3A_1121[%dma_start3A_1122, %dma_start3A_1123] : memref<65x768xf32, #tpu.memory_space<hbm>> -> memref<65x768xf32, #tpu.memory_space<hbm>>
    tpu.enqueue_indirect_dma source(%dma_start3A_1124 : memref<65x768xf32, #tpu.memory_space<hbm>>) target(%dma_start3A_1117 : memref<18x768xf32, #tpu.memory_space<vmem>>) offsets(%arg6 : memref<18xi32, #tpu.memory_space<vmem>>) semaphore(%arg9 : memref<!tpu.dma_semaphore, #tpu.memory_space<semaphore_mem>>)
    %dma_wait3A_1125 = arith.constant 3 : i32
    %dma_wait3A_1126 = arith.constant 0 : i32
    %dma_wait3A_1127 = arith.constant 0 : i32
    %dma_wait3A_1128 = tpu.memref_slice %arg8[%dma_wait3A_1125, %dma_wait3A_1126, %dma_wait3A_1127] : memref<6x18x768xf32, #tpu.memory_space<vmem>> -> memref<1x18x768xf32, #tpu.memory_space<vmem>>
    %dma_wait3A_1129 = tpu.memref_squeeze %dma_wait3A_1128 : memref<1x18x768xf32, #tpu.memory_space<vmem>> -> memref<18x768xf32, #tpu.memory_space<vmem>>
    %dma_wait3A_1130 = arith.constant 0 : i32
    %dma_wait3A_1131 = arith.constant 0 : i32
    %dma_wait3A_1132 = tpu.memref_slice %arg2[%add3A_956, %dma_wait3A_1130, %dma_wait3A_1131] : memref<1024x65x768xf32, #tpu.memory_space<hbm>> -> memref<1x65x768xf32, #tpu.memory_space<hbm>>
    %dma_wait3A_1133 = tpu.memref_squeeze %dma_wait3A_1132 : memref<1x65x768xf32, #tpu.memory_space<hbm>> -> memref<65x768xf32, #tpu.memory_space<hbm>>
    %dma_wait3A_1134 = arith.constant 0 : i32
    %dma_wait3A_1135 = arith.constant 0 : i32
    %dma_wait3A_1136 = tpu.memref_slice %dma_wait3A_1133[%dma_wait3A_1134, %dma_wait3A_1135] : memref<65x768xf32, #tpu.memory_space<hbm>> -> memref<65x768xf32, #tpu.memory_space<hbm>>
    tpu.wait_indirect_dma semaphore(%arg12 : memref<!tpu.dma_semaphore, #tpu.memory_space<semaphore_mem>>) src(%dma_wait3A_1136 : memref<65x768xf32, #tpu.memory_space<hbm>>) dst(%dma_wait3A_1129 : memref<18x768xf32, #tpu.memory_space<vmem>>)
    %add3A_1137 = arith.constant 21 : i32
    %add3A_1138 = arith.addi %mul3A_2, %add3A_1137 : i32
    %dma_start3A_1139 = arith.constant 3 : i32
    %dma_start3A_1140 = arith.constant 0 : i32
    %dma_start3A_1141 = arith.constant 0 : i32
    %dma_start3A_1142 = tpu.memref_slice %arg8[%dma_start3A_1139, %dma_start3A_1140, %dma_start3A_1141] : memref<6x18x768xf32, #tpu.memory_space<vmem>> -> memref<1x18x768xf32, #tpu.memory_space<vmem>>
    %dma_start3A_1143 = tpu.memref_squeeze %dma_start3A_1142 : memref<1x18x768xf32, #tpu.memory_space<vmem>> -> memref<18x768xf32, #tpu.memory_space<vmem>>
    %dma_start3A_1144 = arith.constant 0 : i32
    %dma_start3A_1145 = arith.constant 0 : i32
    %dma_start3A_1146 = tpu.memref_slice %arg5[%add3A_1138, %dma_start3A_1144, %dma_start3A_1145] : memref<1024x17x768xf32, #tpu.memory_space<hbm>> -> memref<1x17x768xf32, #tpu.memory_space<hbm>>
    %dma_start3A_1147 = tpu.memref_squeeze %dma_start3A_1146 : memref<1x17x768xf32, #tpu.memory_space<hbm>> -> memref<17x768xf32, #tpu.memory_space<hbm>>
    %dma_start3A_1148 = arith.constant 0 : i32
    %dma_start3A_1149 = arith.constant 0 : i32
    %dma_start3A_1150 = tpu.memref_slice %dma_start3A_1147[%dma_start3A_1148, %dma_start3A_1149] : memref<17x768xf32, #tpu.memory_space<hbm>> -> memref<17x768xf32, #tpu.memory_space<hbm>>
    tpu.enqueue_indirect_dma source(%dma_start3A_1143 : memref<18x768xf32, #tpu.memory_space<vmem>>) target(%dma_start3A_1150 : memref<17x768xf32, #tpu.memory_space<hbm>>) offsets(%arg7 : memref<18xi32, #tpu.memory_space<vmem>>) semaphore(%arg18 : memref<!tpu.dma_semaphore, #tpu.memory_space<semaphore_mem>>)
    %dma_wait3A_1151 = arith.constant 1 : i32
    %dma_wait3A_1152 = arith.constant 0 : i32
    %dma_wait3A_1153 = arith.constant 0 : i32
    %dma_wait3A_1154 = tpu.memref_slice %arg8[%dma_wait3A_1151, %dma_wait3A_1152, %dma_wait3A_1153] : memref<6x18x768xf32, #tpu.memory_space<vmem>> -> memref<1x18x768xf32, #tpu.memory_space<vmem>>
    %dma_wait3A_1155 = tpu.memref_squeeze %dma_wait3A_1154 : memref<1x18x768xf32, #tpu.memory_space<vmem>> -> memref<18x768xf32, #tpu.memory_space<vmem>>
    %dma_wait3A_1156 = arith.constant 0 : i32
    %dma_wait3A_1157 = arith.constant 0 : i32
    %dma_wait3A_1158 = tpu.memref_slice %arg5[%add3A_1034, %dma_wait3A_1156, %dma_wait3A_1157] : memref<1024x17x768xf32, #tpu.memory_space<hbm>> -> memref<1x17x768xf32, #tpu.memory_space<hbm>>
    %dma_wait3A_1159 = tpu.memref_squeeze %dma_wait3A_1158 : memref<1x17x768xf32, #tpu.memory_space<hbm>> -> memref<17x768xf32, #tpu.memory_space<hbm>>
    %dma_wait3A_1160 = arith.constant 0 : i32
    %dma_wait3A_1161 = arith.constant 0 : i32
    %dma_wait3A_1162 = tpu.memref_slice %dma_wait3A_1159[%dma_wait3A_1160, %dma_wait3A_1161] : memref<17x768xf32, #tpu.memory_space<hbm>> -> memref<17x768xf32, #tpu.memory_space<hbm>>
    tpu.wait_indirect_dma semaphore(%arg16 : memref<!tpu.dma_semaphore, #tpu.memory_space<semaphore_mem>>) src(%dma_wait3A_1155 : memref<18x768xf32, #tpu.memory_space<vmem>>) dst(%dma_wait3A_1162 : memref<17x768xf32, #tpu.memory_space<hbm>>)
    %add3A_1163 = arith.constant 25 : i32
    %add3A_1164 = arith.addi %mul3A_2, %add3A_1163 : i32
    %dma_start3A_1165 = arith.constant 1 : i32
    %dma_start3A_1166 = arith.constant 0 : i32
    %dma_start3A_1167 = arith.constant 0 : i32
    %dma_start3A_1168 = tpu.memref_slice %arg8[%dma_start3A_1165, %dma_start3A_1166, %dma_start3A_1167] : memref<6x18x768xf32, #tpu.memory_space<vmem>> -> memref<1x18x768xf32, #tpu.memory_space<vmem>>
    %dma_start3A_1169 = tpu.memref_squeeze %dma_start3A_1168 : memref<1x18x768xf32, #tpu.memory_space<vmem>> -> memref<18x768xf32, #tpu.memory_space<vmem>>
    %dma_start3A_1170 = arith.constant 0 : i32
    %dma_start3A_1171 = arith.constant 0 : i32
    %dma_start3A_1172 = tpu.memref_slice %arg2[%add3A_1164, %dma_start3A_1170, %dma_start3A_1171] : memref<1024x65x768xf32, #tpu.memory_space<hbm>> -> memref<1x65x768xf32, #tpu.memory_space<hbm>>
    %dma_start3A_1173 = tpu.memref_squeeze %dma_start3A_1172 : memref<1x65x768xf32, #tpu.memory_space<hbm>> -> memref<65x768xf32, #tpu.memory_space<hbm>>
    %dma_start3A_1174 = arith.constant 0 : i32
    %dma_start3A_1175 = arith.constant 0 : i32
    %dma_start3A_1176 = tpu.memref_slice %dma_start3A_1173[%dma_start3A_1174, %dma_start3A_1175] : memref<65x768xf32, #tpu.memory_space<hbm>> -> memref<65x768xf32, #tpu.memory_space<hbm>>
    tpu.enqueue_indirect_dma source(%dma_start3A_1176 : memref<65x768xf32, #tpu.memory_space<hbm>>) target(%dma_start3A_1169 : memref<18x768xf32, #tpu.memory_space<vmem>>) offsets(%arg6 : memref<18xi32, #tpu.memory_space<vmem>>) semaphore(%arg10 : memref<!tpu.dma_semaphore, #tpu.memory_space<semaphore_mem>>)
    %dma_wait3A_1177 = arith.constant 4 : i32
    %dma_wait3A_1178 = arith.constant 0 : i32
    %dma_wait3A_1179 = arith.constant 0 : i32
    %dma_wait3A_1180 = tpu.memref_slice %arg8[%dma_wait3A_1177, %dma_wait3A_1178, %dma_wait3A_1179] : memref<6x18x768xf32, #tpu.memory_space<vmem>> -> memref<1x18x768xf32, #tpu.memory_space<vmem>>
    %dma_wait3A_1181 = tpu.memref_squeeze %dma_wait3A_1180 : memref<1x18x768xf32, #tpu.memory_space<vmem>> -> memref<18x768xf32, #tpu.memory_space<vmem>>
    %dma_wait3A_1182 = arith.constant 0 : i32
    %dma_wait3A_1183 = arith.constant 0 : i32
    %dma_wait3A_1184 = tpu.memref_slice %arg2[%add3A_1008, %dma_wait3A_1182, %dma_wait3A_1183] : memref<1024x65x768xf32, #tpu.memory_space<hbm>> -> memref<1x65x768xf32, #tpu.memory_space<hbm>>
    %dma_wait3A_1185 = tpu.memref_squeeze %dma_wait3A_1184 : memref<1x65x768xf32, #tpu.memory_space<hbm>> -> memref<65x768xf32, #tpu.memory_space<hbm>>
    %dma_wait3A_1186 = arith.constant 0 : i32
    %dma_wait3A_1187 = arith.constant 0 : i32
    %dma_wait3A_1188 = tpu.memref_slice %dma_wait3A_1185[%dma_wait3A_1186, %dma_wait3A_1187] : memref<65x768xf32, #tpu.memory_space<hbm>> -> memref<65x768xf32, #tpu.memory_space<hbm>>
    tpu.wait_indirect_dma semaphore(%arg13 : memref<!tpu.dma_semaphore, #tpu.memory_space<semaphore_mem>>) src(%dma_wait3A_1188 : memref<65x768xf32, #tpu.memory_space<hbm>>) dst(%dma_wait3A_1181 : memref<18x768xf32, #tpu.memory_space<vmem>>)
    %add3A_1189 = arith.constant 22 : i32
    %add3A_1190 = arith.addi %mul3A_2, %add3A_1189 : i32
    %dma_start3A_1191 = arith.constant 4 : i32
    %dma_start3A_1192 = arith.constant 0 : i32
    %dma_start3A_1193 = arith.constant 0 : i32
    %dma_start3A_1194 = tpu.memref_slice %arg8[%dma_start3A_1191, %dma_start3A_1192, %dma_start3A_1193] : memref<6x18x768xf32, #tpu.memory_space<vmem>> -> memref<1x18x768xf32, #tpu.memory_space<vmem>>
    %dma_start3A_1195 = tpu.memref_squeeze %dma_start3A_1194 : memref<1x18x768xf32, #tpu.memory_space<vmem>> -> memref<18x768xf32, #tpu.memory_space<vmem>>
    %dma_start3A_1196 = arith.constant 0 : i32
    %dma_start3A_1197 = arith.constant 0 : i32
    %dma_start3A_1198 = tpu.memref_slice %arg5[%add3A_1190, %dma_start3A_1196, %dma_start3A_1197] : memref<1024x17x768xf32, #tpu.memory_space<hbm>> -> memref<1x17x768xf32, #tpu.memory_space<hbm>>
    %dma_start3A_1199 = tpu.memref_squeeze %dma_start3A_1198 : memref<1x17x768xf32, #tpu.memory_space<hbm>> -> memref<17x768xf32, #tpu.memory_space<hbm>>
    %dma_start3A_1200 = arith.constant 0 : i32
    %dma_start3A_1201 = arith.constant 0 : i32
    %dma_start3A_1202 = tpu.memref_slice %dma_start3A_1199[%dma_start3A_1200, %dma_start3A_1201] : memref<17x768xf32, #tpu.memory_space<hbm>> -> memref<17x768xf32, #tpu.memory_space<hbm>>
    tpu.enqueue_indirect_dma source(%dma_start3A_1195 : memref<18x768xf32, #tpu.memory_space<vmem>>) target(%dma_start3A_1202 : memref<17x768xf32, #tpu.memory_space<hbm>>) offsets(%arg7 : memref<18xi32, #tpu.memory_space<vmem>>) semaphore(%arg19 : memref<!tpu.dma_semaphore, #tpu.memory_space<semaphore_mem>>)
    %dma_wait3A_1203 = arith.constant 2 : i32
    %dma_wait3A_1204 = arith.constant 0 : i32
    %dma_wait3A_1205 = arith.constant 0 : i32
    %dma_wait3A_1206 = tpu.memref_slice %arg8[%dma_wait3A_1203, %dma_wait3A_1204, %dma_wait3A_1205] : memref<6x18x768xf32, #tpu.memory_space<vmem>> -> memref<1x18x768xf32, #tpu.memory_space<vmem>>
    %dma_wait3A_1207 = tpu.memref_squeeze %dma_wait3A_1206 : memref<1x18x768xf32, #tpu.memory_space<vmem>> -> memref<18x768xf32, #tpu.memory_space<vmem>>
    %dma_wait3A_1208 = arith.constant 0 : i32
    %dma_wait3A_1209 = arith.constant 0 : i32
    %dma_wait3A_1210 = tpu.memref_slice %arg5[%add3A_1086, %dma_wait3A_1208, %dma_wait3A_1209] : memref<1024x17x768xf32, #tpu.memory_space<hbm>> -> memref<1x17x768xf32, #tpu.memory_space<hbm>>
    %dma_wait3A_1211 = tpu.memref_squeeze %dma_wait3A_1210 : memref<1x17x768xf32, #tpu.memory_space<hbm>> -> memref<17x768xf32, #tpu.memory_space<hbm>>
    %dma_wait3A_1212 = arith.constant 0 : i32
    %dma_wait3A_1213 = arith.constant 0 : i32
    %dma_wait3A_1214 = tpu.memref_slice %dma_wait3A_1211[%dma_wait3A_1212, %dma_wait3A_1213] : memref<17x768xf32, #tpu.memory_space<hbm>> -> memref<17x768xf32, #tpu.memory_space<hbm>>
    tpu.wait_indirect_dma semaphore(%arg17 : memref<!tpu.dma_semaphore, #tpu.memory_space<semaphore_mem>>) src(%dma_wait3A_1207 : memref<18x768xf32, #tpu.memory_space<vmem>>) dst(%dma_wait3A_1214 : memref<17x768xf32, #tpu.memory_space<hbm>>)
    %add3A_1215 = arith.constant 26 : i32
    %add3A_1216 = arith.addi %mul3A_2, %add3A_1215 : i32
    %dma_start3A_1217 = arith.constant 2 : i32
    %dma_start3A_1218 = arith.constant 0 : i32
    %dma_start3A_1219 = arith.constant 0 : i32
    %dma_start3A_1220 = tpu.memref_slice %arg8[%dma_start3A_1217, %dma_start3A_1218, %dma_start3A_1219] : memref<6x18x768xf32, #tpu.memory_space<vmem>> -> memref<1x18x768xf32, #tpu.memory_space<vmem>>
    %dma_start3A_1221 = tpu.memref_squeeze %dma_start3A_1220 : memref<1x18x768xf32, #tpu.memory_space<vmem>> -> memref<18x768xf32, #tpu.memory_space<vmem>>
    %dma_start3A_1222 = arith.constant 0 : i32
    %dma_start3A_1223 = arith.constant 0 : i32
    %dma_start3A_1224 = tpu.memref_slice %arg2[%add3A_1216, %dma_start3A_1222, %dma_start3A_1223] : memref<1024x65x768xf32, #tpu.memory_space<hbm>> -> memref<1x65x768xf32, #tpu.memory_space<hbm>>
    %dma_start3A_1225 = tpu.memref_squeeze %dma_start3A_1224 : memref<1x65x768xf32, #tpu.memory_space<hbm>> -> memref<65x768xf32, #tpu.memory_space<hbm>>
    %dma_start3A_1226 = arith.constant 0 : i32
    %dma_start3A_1227 = arith.constant 0 : i32
    %dma_start3A_1228 = tpu.memref_slice %dma_start3A_1225[%dma_start3A_1226, %dma_start3A_1227] : memref<65x768xf32, #tpu.memory_space<hbm>> -> memref<65x768xf32, #tpu.memory_space<hbm>>
    tpu.enqueue_indirect_dma source(%dma_start3A_1228 : memref<65x768xf32, #tpu.memory_space<hbm>>) target(%dma_start3A_1221 : memref<18x768xf32, #tpu.memory_space<vmem>>) offsets(%arg6 : memref<18xi32, #tpu.memory_space<vmem>>) semaphore(%arg11 : memref<!tpu.dma_semaphore, #tpu.memory_space<semaphore_mem>>)
    %dma_wait3A_1229 = arith.constant 5 : i32
    %dma_wait3A_1230 = arith.constant 0 : i32
    %dma_wait3A_1231 = arith.constant 0 : i32
    %dma_wait3A_1232 = tpu.memref_slice %arg8[%dma_wait3A_1229, %dma_wait3A_1230, %dma_wait3A_1231] : memref<6x18x768xf32, #tpu.memory_space<vmem>> -> memref<1x18x768xf32, #tpu.memory_space<vmem>>
    %dma_wait3A_1233 = tpu.memref_squeeze %dma_wait3A_1232 : memref<1x18x768xf32, #tpu.memory_space<vmem>> -> memref<18x768xf32, #tpu.memory_space<vmem>>
    %dma_wait3A_1234 = arith.constant 0 : i32
    %dma_wait3A_1235 = arith.constant 0 : i32
    %dma_wait3A_1236 = tpu.memref_slice %arg2[%add3A_1060, %dma_wait3A_1234, %dma_wait3A_1235] : memref<1024x65x768xf32, #tpu.memory_space<hbm>> -> memref<1x65x768xf32, #tpu.memory_space<hbm>>
    %dma_wait3A_1237 = tpu.memref_squeeze %dma_wait3A_1236 : memref<1x65x768xf32, #tpu.memory_space<hbm>> -> memref<65x768xf32, #tpu.memory_space<hbm>>
    %dma_wait3A_1238 = arith.constant 0 : i32
    %dma_wait3A_1239 = arith.constant 0 : i32
    %dma_wait3A_1240 = tpu.memref_slice %dma_wait3A_1237[%dma_wait3A_1238, %dma_wait3A_1239] : memref<65x768xf32, #tpu.memory_space<hbm>> -> memref<65x768xf32, #tpu.memory_space<hbm>>
    tpu.wait_indirect_dma semaphore(%arg14 : memref<!tpu.dma_semaphore, #tpu.memory_space<semaphore_mem>>) src(%dma_wait3A_1240 : memref<65x768xf32, #tpu.memory_space<hbm>>) dst(%dma_wait3A_1233 : memref<18x768xf32, #tpu.memory_space<vmem>>)
    %add3A_1241 = arith.constant 23 : i32
    %add3A_1242 = arith.addi %mul3A_2, %add3A_1241 : i32
    %dma_start3A_1243 = arith.constant 5 : i32
    %dma_start3A_1244 = arith.constant 0 : i32
    %dma_start3A_1245 = arith.constant 0 : i32
    %dma_start3A_1246 = tpu.memref_slice %arg8[%dma_start3A_1243, %dma_start3A_1244, %dma_start3A_1245] : memref<6x18x768xf32, #tpu.memory_space<vmem>> -> memref<1x18x768xf32, #tpu.memory_space<vmem>>
    %dma_start3A_1247 = tpu.memref_squeeze %dma_start3A_1246 : memref<1x18x768xf32, #tpu.memory_space<vmem>> -> memref<18x768xf32, #tpu.memory_space<vmem>>
    %dma_start3A_1248 = arith.constant 0 : i32
    %dma_start3A_1249 = arith.constant 0 : i32
    %dma_start3A_1250 = tpu.memref_slice %arg5[%add3A_1242, %dma_start3A_1248, %dma_start3A_1249] : memref<1024x17x768xf32, #tpu.memory_space<hbm>> -> memref<1x17x768xf32, #tpu.memory_space<hbm>>
    %dma_start3A_1251 = tpu.memref_squeeze %dma_start3A_1250 : memref<1x17x768xf32, #tpu.memory_space<hbm>> -> memref<17x768xf32, #tpu.memory_space<hbm>>
    %dma_start3A_1252 = arith.constant 0 : i32
    %dma_start3A_1253 = arith.constant 0 : i32
    %dma_start3A_1254 = tpu.memref_slice %dma_start3A_1251[%dma_start3A_1252, %dma_start3A_1253] : memref<17x768xf32, #tpu.memory_space<hbm>> -> memref<17x768xf32, #tpu.memory_space<hbm>>
    tpu.enqueue_indirect_dma source(%dma_start3A_1247 : memref<18x768xf32, #tpu.memory_space<vmem>>) target(%dma_start3A_1254 : memref<17x768xf32, #tpu.memory_space<hbm>>) offsets(%arg7 : memref<18xi32, #tpu.memory_space<vmem>>) semaphore(%arg20 : memref<!tpu.dma_semaphore, #tpu.memory_space<semaphore_mem>>)
    %dma_wait3A_1255 = arith.constant 3 : i32
    %dma_wait3A_1256 = arith.constant 0 : i32
    %dma_wait3A_1257 = arith.constant 0 : i32
    %dma_wait3A_1258 = tpu.memref_slice %arg8[%dma_wait3A_1255, %dma_wait3A_1256, %dma_wait3A_1257] : memref<6x18x768xf32, #tpu.memory_space<vmem>> -> memref<1x18x768xf32, #tpu.memory_space<vmem>>
    %dma_wait3A_1259 = tpu.memref_squeeze %dma_wait3A_1258 : memref<1x18x768xf32, #tpu.memory_space<vmem>> -> memref<18x768xf32, #tpu.memory_space<vmem>>
    %dma_wait3A_1260 = arith.constant 0 : i32
    %dma_wait3A_1261 = arith.constant 0 : i32
    %dma_wait3A_1262 = tpu.memref_slice %arg5[%add3A_1138, %dma_wait3A_1260, %dma_wait3A_1261] : memref<1024x17x768xf32, #tpu.memory_space<hbm>> -> memref<1x17x768xf32, #tpu.memory_space<hbm>>
    %dma_wait3A_1263 = tpu.memref_squeeze %dma_wait3A_1262 : memref<1x17x768xf32, #tpu.memory_space<hbm>> -> memref<17x768xf32, #tpu.memory_space<hbm>>
    %dma_wait3A_1264 = arith.constant 0 : i32
    %dma_wait3A_1265 = arith.constant 0 : i32
    %dma_wait3A_1266 = tpu.memref_slice %dma_wait3A_1263[%dma_wait3A_1264, %dma_wait3A_1265] : memref<17x768xf32, #tpu.memory_space<hbm>> -> memref<17x768xf32, #tpu.memory_space<hbm>>
    tpu.wait_indirect_dma semaphore(%arg18 : memref<!tpu.dma_semaphore, #tpu.memory_space<semaphore_mem>>) src(%dma_wait3A_1259 : memref<18x768xf32, #tpu.memory_space<vmem>>) dst(%dma_wait3A_1266 : memref<17x768xf32, #tpu.memory_space<hbm>>)
    %add3A_1267 = arith.constant 27 : i32
    %add3A_1268 = arith.addi %mul3A_2, %add3A_1267 : i32
    %dma_start3A_1269 = arith.constant 3 : i32
    %dma_start3A_1270 = arith.constant 0 : i32
    %dma_start3A_1271 = arith.constant 0 : i32
    %dma_start3A_1272 = tpu.memref_slice %arg8[%dma_start3A_1269, %dma_start3A_1270, %dma_start3A_1271] : memref<6x18x768xf32, #tpu.memory_space<vmem>> -> memref<1x18x768xf32, #tpu.memory_space<vmem>>
    %dma_start3A_1273 = tpu.memref_squeeze %dma_start3A_1272 : memref<1x18x768xf32, #tpu.memory_space<vmem>> -> memref<18x768xf32, #tpu.memory_space<vmem>>
    %dma_start3A_1274 = arith.constant 0 : i32
    %dma_start3A_1275 = arith.constant 0 : i32
    %dma_start3A_1276 = tpu.memref_slice %arg2[%add3A_1268, %dma_start3A_1274, %dma_start3A_1275] : memref<1024x65x768xf32, #tpu.memory_space<hbm>> -> memref<1x65x768xf32, #tpu.memory_space<hbm>>
    %dma_start3A_1277 = tpu.memref_squeeze %dma_start3A_1276 : memref<1x65x768xf32, #tpu.memory_space<hbm>> -> memref<65x768xf32, #tpu.memory_space<hbm>>
    %dma_start3A_1278 = arith.constant 0 : i32
    %dma_start3A_1279 = arith.constant 0 : i32
    %dma_start3A_1280 = tpu.memref_slice %dma_start3A_1277[%dma_start3A_1278, %dma_start3A_1279] : memref<65x768xf32, #tpu.memory_space<hbm>> -> memref<65x768xf32, #tpu.memory_space<hbm>>
    tpu.enqueue_indirect_dma source(%dma_start3A_1280 : memref<65x768xf32, #tpu.memory_space<hbm>>) target(%dma_start3A_1273 : memref<18x768xf32, #tpu.memory_space<vmem>>) offsets(%arg6 : memref<18xi32, #tpu.memory_space<vmem>>) semaphore(%arg12 : memref<!tpu.dma_semaphore, #tpu.memory_space<semaphore_mem>>)
    %dma_wait3A_1281 = arith.constant 0 : i32
    %dma_wait3A_1282 = arith.constant 0 : i32
    %dma_wait3A_1283 = arith.constant 0 : i32
    %dma_wait3A_1284 = tpu.memref_slice %arg8[%dma_wait3A_1281, %dma_wait3A_1282, %dma_wait3A_1283] : memref<6x18x768xf32, #tpu.memory_space<vmem>> -> memref<1x18x768xf32, #tpu.memory_space<vmem>>
    %dma_wait3A_1285 = tpu.memref_squeeze %dma_wait3A_1284 : memref<1x18x768xf32, #tpu.memory_space<vmem>> -> memref<18x768xf32, #tpu.memory_space<vmem>>
    %dma_wait3A_1286 = arith.constant 0 : i32
    %dma_wait3A_1287 = arith.constant 0 : i32
    %dma_wait3A_1288 = tpu.memref_slice %arg2[%add3A_1112, %dma_wait3A_1286, %dma_wait3A_1287] : memref<1024x65x768xf32, #tpu.memory_space<hbm>> -> memref<1x65x768xf32, #tpu.memory_space<hbm>>
    %dma_wait3A_1289 = tpu.memref_squeeze %dma_wait3A_1288 : memref<1x65x768xf32, #tpu.memory_space<hbm>> -> memref<65x768xf32, #tpu.memory_space<hbm>>
    %dma_wait3A_1290 = arith.constant 0 : i32
    %dma_wait3A_1291 = arith.constant 0 : i32
    %dma_wait3A_1292 = tpu.memref_slice %dma_wait3A_1289[%dma_wait3A_1290, %dma_wait3A_1291] : memref<65x768xf32, #tpu.memory_space<hbm>> -> memref<65x768xf32, #tpu.memory_space<hbm>>
    tpu.wait_indirect_dma semaphore(%arg9 : memref<!tpu.dma_semaphore, #tpu.memory_space<semaphore_mem>>) src(%dma_wait3A_1292 : memref<65x768xf32, #tpu.memory_space<hbm>>) dst(%dma_wait3A_1285 : memref<18x768xf32, #tpu.memory_space<vmem>>)
    %add3A_1293 = arith.constant 24 : i32
    %add3A_1294 = arith.addi %mul3A_2, %add3A_1293 : i32
    %dma_start3A_1295 = arith.constant 0 : i32
    %dma_start3A_1296 = arith.constant 0 : i32
    %dma_start3A_1297 = arith.constant 0 : i32
    %dma_start3A_1298 = tpu.memref_slice %arg8[%dma_start3A_1295, %dma_start3A_1296, %dma_start3A_1297] : memref<6x18x768xf32, #tpu.memory_space<vmem>> -> memref<1x18x768xf32, #tpu.memory_space<vmem>>
    %dma_start3A_1299 = tpu.memref_squeeze %dma_start3A_1298 : memref<1x18x768xf32, #tpu.memory_space<vmem>> -> memref<18x768xf32, #tpu.memory_space<vmem>>
    %dma_start3A_1300 = arith.constant 0 : i32
    %dma_start3A_1301 = arith.constant 0 : i32
    %dma_start3A_1302 = tpu.memref_slice %arg5[%add3A_1294, %dma_start3A_1300, %dma_start3A_1301] : memref<1024x17x768xf32, #tpu.memory_space<hbm>> -> memref<1x17x768xf32, #tpu.memory_space<hbm>>
    %dma_start3A_1303 = tpu.memref_squeeze %dma_start3A_1302 : memref<1x17x768xf32, #tpu.memory_space<hbm>> -> memref<17x768xf32, #tpu.memory_space<hbm>>
    %dma_start3A_1304 = arith.constant 0 : i32
    %dma_start3A_1305 = arith.constant 0 : i32
    %dma_start3A_1306 = tpu.memref_slice %dma_start3A_1303[%dma_start3A_1304, %dma_start3A_1305] : memref<17x768xf32, #tpu.memory_space<hbm>> -> memref<17x768xf32, #tpu.memory_space<hbm>>
    tpu.enqueue_indirect_dma source(%dma_start3A_1299 : memref<18x768xf32, #tpu.memory_space<vmem>>) target(%dma_start3A_1306 : memref<17x768xf32, #tpu.memory_space<hbm>>) offsets(%arg7 : memref<18xi32, #tpu.memory_space<vmem>>) semaphore(%arg15 : memref<!tpu.dma_semaphore, #tpu.memory_space<semaphore_mem>>)
    %dma_wait3A_1307 = arith.constant 4 : i32
    %dma_wait3A_1308 = arith.constant 0 : i32
    %dma_wait3A_1309 = arith.constant 0 : i32
    %dma_wait3A_1310 = tpu.memref_slice %arg8[%dma_wait3A_1307, %dma_wait3A_1308, %dma_wait3A_1309] : memref<6x18x768xf32, #tpu.memory_space<vmem>> -> memref<1x18x768xf32, #tpu.memory_space<vmem>>
    %dma_wait3A_1311 = tpu.memref_squeeze %dma_wait3A_1310 : memref<1x18x768xf32, #tpu.memory_space<vmem>> -> memref<18x768xf32, #tpu.memory_space<vmem>>
    %dma_wait3A_1312 = arith.constant 0 : i32
    %dma_wait3A_1313 = arith.constant 0 : i32
    %dma_wait3A_1314 = tpu.memref_slice %arg5[%add3A_1190, %dma_wait3A_1312, %dma_wait3A_1313] : memref<1024x17x768xf32, #tpu.memory_space<hbm>> -> memref<1x17x768xf32, #tpu.memory_space<hbm>>
    %dma_wait3A_1315 = tpu.memref_squeeze %dma_wait3A_1314 : memref<1x17x768xf32, #tpu.memory_space<hbm>> -> memref<17x768xf32, #tpu.memory_space<hbm>>
    %dma_wait3A_1316 = arith.constant 0 : i32
    %dma_wait3A_1317 = arith.constant 0 : i32
    %dma_wait3A_1318 = tpu.memref_slice %dma_wait3A_1315[%dma_wait3A_1316, %dma_wait3A_1317] : memref<17x768xf32, #tpu.memory_space<hbm>> -> memref<17x768xf32, #tpu.memory_space<hbm>>
    tpu.wait_indirect_dma semaphore(%arg19 : memref<!tpu.dma_semaphore, #tpu.memory_space<semaphore_mem>>) src(%dma_wait3A_1311 : memref<18x768xf32, #tpu.memory_space<vmem>>) dst(%dma_wait3A_1318 : memref<17x768xf32, #tpu.memory_space<hbm>>)
    %add3A_1319 = arith.constant 28 : i32
    %add3A_1320 = arith.addi %mul3A_2, %add3A_1319 : i32
    %dma_start3A_1321 = arith.constant 4 : i32
    %dma_start3A_1322 = arith.constant 0 : i32
    %dma_start3A_1323 = arith.constant 0 : i32
    %dma_start3A_1324 = tpu.memref_slice %arg8[%dma_start3A_1321, %dma_start3A_1322, %dma_start3A_1323] : memref<6x18x768xf32, #tpu.memory_space<vmem>> -> memref<1x18x768xf32, #tpu.memory_space<vmem>>
    %dma_start3A_1325 = tpu.memref_squeeze %dma_start3A_1324 : memref<1x18x768xf32, #tpu.memory_space<vmem>> -> memref<18x768xf32, #tpu.memory_space<vmem>>
    %dma_start3A_1326 = arith.constant 0 : i32
    %dma_start3A_1327 = arith.constant 0 : i32
    %dma_start3A_1328 = tpu.memref_slice %arg2[%add3A_1320, %dma_start3A_1326, %dma_start3A_1327] : memref<1024x65x768xf32, #tpu.memory_space<hbm>> -> memref<1x65x768xf32, #tpu.memory_space<hbm>>
    %dma_start3A_1329 = tpu.memref_squeeze %dma_start3A_1328 : memref<1x65x768xf32, #tpu.memory_space<hbm>> -> memref<65x768xf32, #tpu.memory_space<hbm>>
    %dma_start3A_1330 = arith.constant 0 : i32
    %dma_start3A_1331 = arith.constant 0 : i32
    %dma_start3A_1332 = tpu.memref_slice %dma_start3A_1329[%dma_start3A_1330, %dma_start3A_1331] : memref<65x768xf32, #tpu.memory_space<hbm>> -> memref<65x768xf32, #tpu.memory_space<hbm>>
    tpu.enqueue_indirect_dma source(%dma_start3A_1332 : memref<65x768xf32, #tpu.memory_space<hbm>>) target(%dma_start3A_1325 : memref<18x768xf32, #tpu.memory_space<vmem>>) offsets(%arg6 : memref<18xi32, #tpu.memory_space<vmem>>) semaphore(%arg13 : memref<!tpu.dma_semaphore, #tpu.memory_space<semaphore_mem>>)
    %dma_wait3A_1333 = arith.constant 1 : i32
    %dma_wait3A_1334 = arith.constant 0 : i32
    %dma_wait3A_1335 = arith.constant 0 : i32
    %dma_wait3A_1336 = tpu.memref_slice %arg8[%dma_wait3A_1333, %dma_wait3A_1334, %dma_wait3A_1335] : memref<6x18x768xf32, #tpu.memory_space<vmem>> -> memref<1x18x768xf32, #tpu.memory_space<vmem>>
    %dma_wait3A_1337 = tpu.memref_squeeze %dma_wait3A_1336 : memref<1x18x768xf32, #tpu.memory_space<vmem>> -> memref<18x768xf32, #tpu.memory_space<vmem>>
    %dma_wait3A_1338 = arith.constant 0 : i32
    %dma_wait3A_1339 = arith.constant 0 : i32
    %dma_wait3A_1340 = tpu.memref_slice %arg2[%add3A_1164, %dma_wait3A_1338, %dma_wait3A_1339] : memref<1024x65x768xf32, #tpu.memory_space<hbm>> -> memref<1x65x768xf32, #tpu.memory_space<hbm>>
    %dma_wait3A_1341 = tpu.memref_squeeze %dma_wait3A_1340 : memref<1x65x768xf32, #tpu.memory_space<hbm>> -> memref<65x768xf32, #tpu.memory_space<hbm>>
    %dma_wait3A_1342 = arith.constant 0 : i32
    %dma_wait3A_1343 = arith.constant 0 : i32
    %dma_wait3A_1344 = tpu.memref_slice %dma_wait3A_1341[%dma_wait3A_1342, %dma_wait3A_1343] : memref<65x768xf32, #tpu.memory_space<hbm>> -> memref<65x768xf32, #tpu.memory_space<hbm>>
    tpu.wait_indirect_dma semaphore(%arg10 : memref<!tpu.dma_semaphore, #tpu.memory_space<semaphore_mem>>) src(%dma_wait3A_1344 : memref<65x768xf32, #tpu.memory_space<hbm>>) dst(%dma_wait3A_1337 : memref<18x768xf32, #tpu.memory_space<vmem>>)
    %add3A_1345 = arith.constant 25 : i32
    %add3A_1346 = arith.addi %mul3A_2, %add3A_1345 : i32
    %dma_start3A_1347 = arith.constant 1 : i32
    %dma_start3A_1348 = arith.constant 0 : i32
    %dma_start3A_1349 = arith.constant 0 : i32
    %dma_start3A_1350 = tpu.memref_slice %arg8[%dma_start3A_1347, %dma_start3A_1348, %dma_start3A_1349] : memref<6x18x768xf32, #tpu.memory_space<vmem>> -> memref<1x18x768xf32, #tpu.memory_space<vmem>>
    %dma_start3A_1351 = tpu.memref_squeeze %dma_start3A_1350 : memref<1x18x768xf32, #tpu.memory_space<vmem>> -> memref<18x768xf32, #tpu.memory_space<vmem>>
    %dma_start3A_1352 = arith.constant 0 : i32
    %dma_start3A_1353 = arith.constant 0 : i32
    %dma_start3A_1354 = tpu.memref_slice %arg5[%add3A_1346, %dma_start3A_1352, %dma_start3A_1353] : memref<1024x17x768xf32, #tpu.memory_space<hbm>> -> memref<1x17x768xf32, #tpu.memory_space<hbm>>
    %dma_start3A_1355 = tpu.memref_squeeze %dma_start3A_1354 : memref<1x17x768xf32, #tpu.memory_space<hbm>> -> memref<17x768xf32, #tpu.memory_space<hbm>>
    %dma_start3A_1356 = arith.constant 0 : i32
    %dma_start3A_1357 = arith.constant 0 : i32
    %dma_start3A_1358 = tpu.memref_slice %dma_start3A_1355[%dma_start3A_1356, %dma_start3A_1357] : memref<17x768xf32, #tpu.memory_space<hbm>> -> memref<17x768xf32, #tpu.memory_space<hbm>>
    tpu.enqueue_indirect_dma source(%dma_start3A_1351 : memref<18x768xf32, #tpu.memory_space<vmem>>) target(%dma_start3A_1358 : memref<17x768xf32, #tpu.memory_space<hbm>>) offsets(%arg7 : memref<18xi32, #tpu.memory_space<vmem>>) semaphore(%arg16 : memref<!tpu.dma_semaphore, #tpu.memory_space<semaphore_mem>>)
    %dma_wait3A_1359 = arith.constant 5 : i32
    %dma_wait3A_1360 = arith.constant 0 : i32
    %dma_wait3A_1361 = arith.constant 0 : i32
    %dma_wait3A_1362 = tpu.memref_slice %arg8[%dma_wait3A_1359, %dma_wait3A_1360, %dma_wait3A_1361] : memref<6x18x768xf32, #tpu.memory_space<vmem>> -> memref<1x18x768xf32, #tpu.memory_space<vmem>>
    %dma_wait3A_1363 = tpu.memref_squeeze %dma_wait3A_1362 : memref<1x18x768xf32, #tpu.memory_space<vmem>> -> memref<18x768xf32, #tpu.memory_space<vmem>>
    %dma_wait3A_1364 = arith.constant 0 : i32
    %dma_wait3A_1365 = arith.constant 0 : i32
    %dma_wait3A_1366 = tpu.memref_slice %arg5[%add3A_1242, %dma_wait3A_1364, %dma_wait3A_1365] : memref<1024x17x768xf32, #tpu.memory_space<hbm>> -> memref<1x17x768xf32, #tpu.memory_space<hbm>>
    %dma_wait3A_1367 = tpu.memref_squeeze %dma_wait3A_1366 : memref<1x17x768xf32, #tpu.memory_space<hbm>> -> memref<17x768xf32, #tpu.memory_space<hbm>>
    %dma_wait3A_1368 = arith.constant 0 : i32
    %dma_wait3A_1369 = arith.constant 0 : i32
    %dma_wait3A_1370 = tpu.memref_slice %dma_wait3A_1367[%dma_wait3A_1368, %dma_wait3A_1369] : memref<17x768xf32, #tpu.memory_space<hbm>> -> memref<17x768xf32, #tpu.memory_space<hbm>>
    tpu.wait_indirect_dma semaphore(%arg20 : memref<!tpu.dma_semaphore, #tpu.memory_space<semaphore_mem>>) src(%dma_wait3A_1363 : memref<18x768xf32, #tpu.memory_space<vmem>>) dst(%dma_wait3A_1370 : memref<17x768xf32, #tpu.memory_space<hbm>>)
    %add3A_1371 = arith.constant 29 : i32
    %add3A_1372 = arith.addi %mul3A_2, %add3A_1371 : i32
    %dma_start3A_1373 = arith.constant 5 : i32
    %dma_start3A_1374 = arith.constant 0 : i32
    %dma_start3A_1375 = arith.constant 0 : i32
    %dma_start3A_1376 = tpu.memref_slice %arg8[%dma_start3A_1373, %dma_start3A_1374, %dma_start3A_1375] : memref<6x18x768xf32, #tpu.memory_space<vmem>> -> memref<1x18x768xf32, #tpu.memory_space<vmem>>
    %dma_start3A_1377 = tpu.memref_squeeze %dma_start3A_1376 : memref<1x18x768xf32, #tpu.memory_space<vmem>> -> memref<18x768xf32, #tpu.memory_space<vmem>>
    %dma_start3A_1378 = arith.constant 0 : i32
    %dma_start3A_1379 = arith.constant 0 : i32
    %dma_start3A_1380 = tpu.memref_slice %arg2[%add3A_1372, %dma_start3A_1378, %dma_start3A_1379] : memref<1024x65x768xf32, #tpu.memory_space<hbm>> -> memref<1x65x768xf32, #tpu.memory_space<hbm>>
    %dma_start3A_1381 = tpu.memref_squeeze %dma_start3A_1380 : memref<1x65x768xf32, #tpu.memory_space<hbm>> -> memref<65x768xf32, #tpu.memory_space<hbm>>
    %dma_start3A_1382 = arith.constant 0 : i32
    %dma_start3A_1383 = arith.constant 0 : i32
    %dma_start3A_1384 = tpu.memref_slice %dma_start3A_1381[%dma_start3A_1382, %dma_start3A_1383] : memref<65x768xf32, #tpu.memory_space<hbm>> -> memref<65x768xf32, #tpu.memory_space<hbm>>
    tpu.enqueue_indirect_dma source(%dma_start3A_1384 : memref<65x768xf32, #tpu.memory_space<hbm>>) target(%dma_start3A_1377 : memref<18x768xf32, #tpu.memory_space<vmem>>) offsets(%arg6 : memref<18xi32, #tpu.memory_space<vmem>>) semaphore(%arg14 : memref<!tpu.dma_semaphore, #tpu.memory_space<semaphore_mem>>)
    %dma_wait3A_1385 = arith.constant 2 : i32
    %dma_wait3A_1386 = arith.constant 0 : i32
    %dma_wait3A_1387 = arith.constant 0 : i32
    %dma_wait3A_1388 = tpu.memref_slice %arg8[%dma_wait3A_1385, %dma_wait3A_1386, %dma_wait3A_1387] : memref<6x18x768xf32, #tpu.memory_space<vmem>> -> memref<1x18x768xf32, #tpu.memory_space<vmem>>
    %dma_wait3A_1389 = tpu.memref_squeeze %dma_wait3A_1388 : memref<1x18x768xf32, #tpu.memory_space<vmem>> -> memref<18x768xf32, #tpu.memory_space<vmem>>
    %dma_wait3A_1390 = arith.constant 0 : i32
    %dma_wait3A_1391 = arith.constant 0 : i32
    %dma_wait3A_1392 = tpu.memref_slice %arg2[%add3A_1216, %dma_wait3A_1390, %dma_wait3A_1391] : memref<1024x65x768xf32, #tpu.memory_space<hbm>> -> memref<1x65x768xf32, #tpu.memory_space<hbm>>
    %dma_wait3A_1393 = tpu.memref_squeeze %dma_wait3A_1392 : memref<1x65x768xf32, #tpu.memory_space<hbm>> -> memref<65x768xf32, #tpu.memory_space<hbm>>
    %dma_wait3A_1394 = arith.constant 0 : i32
    %dma_wait3A_1395 = arith.constant 0 : i32
    %dma_wait3A_1396 = tpu.memref_slice %dma_wait3A_1393[%dma_wait3A_1394, %dma_wait3A_1395] : memref<65x768xf32, #tpu.memory_space<hbm>> -> memref<65x768xf32, #tpu.memory_space<hbm>>
    tpu.wait_indirect_dma semaphore(%arg11 : memref<!tpu.dma_semaphore, #tpu.memory_space<semaphore_mem>>) src(%dma_wait3A_1396 : memref<65x768xf32, #tpu.memory_space<hbm>>) dst(%dma_wait3A_1389 : memref<18x768xf32, #tpu.memory_space<vmem>>)
    %add3A_1397 = arith.constant 26 : i32
    %add3A_1398 = arith.addi %mul3A_2, %add3A_1397 : i32
    %dma_start3A_1399 = arith.constant 2 : i32
    %dma_start3A_1400 = arith.constant 0 : i32
    %dma_start3A_1401 = arith.constant 0 : i32
    %dma_start3A_1402 = tpu.memref_slice %arg8[%dma_start3A_1399, %dma_start3A_1400, %dma_start3A_1401] : memref<6x18x768xf32, #tpu.memory_space<vmem>> -> memref<1x18x768xf32, #tpu.memory_space<vmem>>
    %dma_start3A_1403 = tpu.memref_squeeze %dma_start3A_1402 : memref<1x18x768xf32, #tpu.memory_space<vmem>> -> memref<18x768xf32, #tpu.memory_space<vmem>>
    %dma_start3A_1404 = arith.constant 0 : i32
    %dma_start3A_1405 = arith.constant 0 : i32
    %dma_start3A_1406 = tpu.memref_slice %arg5[%add3A_1398, %dma_start3A_1404, %dma_start3A_1405] : memref<1024x17x768xf32, #tpu.memory_space<hbm>> -> memref<1x17x768xf32, #tpu.memory_space<hbm>>
    %dma_start3A_1407 = tpu.memref_squeeze %dma_start3A_1406 : memref<1x17x768xf32, #tpu.memory_space<hbm>> -> memref<17x768xf32, #tpu.memory_space<hbm>>
    %dma_start3A_1408 = arith.constant 0 : i32
    %dma_start3A_1409 = arith.constant 0 : i32
    %dma_start3A_1410 = tpu.memref_slice %dma_start3A_1407[%dma_start3A_1408, %dma_start3A_1409] : memref<17x768xf32, #tpu.memory_space<hbm>> -> memref<17x768xf32, #tpu.memory_space<hbm>>
    tpu.enqueue_indirect_dma source(%dma_start3A_1403 : memref<18x768xf32, #tpu.memory_space<vmem>>) target(%dma_start3A_1410 : memref<17x768xf32, #tpu.memory_space<hbm>>) offsets(%arg7 : memref<18xi32, #tpu.memory_space<vmem>>) semaphore(%arg17 : memref<!tpu.dma_semaphore, #tpu.memory_space<semaphore_mem>>)
    %dma_wait3A_1411 = arith.constant 0 : i32
    %dma_wait3A_1412 = arith.constant 0 : i32
    %dma_wait3A_1413 = arith.constant 0 : i32
    %dma_wait3A_1414 = tpu.memref_slice %arg8[%dma_wait3A_1411, %dma_wait3A_1412, %dma_wait3A_1413] : memref<6x18x768xf32, #tpu.memory_space<vmem>> -> memref<1x18x768xf32, #tpu.memory_space<vmem>>
    %dma_wait3A_1415 = tpu.memref_squeeze %dma_wait3A_1414 : memref<1x18x768xf32, #tpu.memory_space<vmem>> -> memref<18x768xf32, #tpu.memory_space<vmem>>
    %dma_wait3A_1416 = arith.constant 0 : i32
    %dma_wait3A_1417 = arith.constant 0 : i32
    %dma_wait3A_1418 = tpu.memref_slice %arg5[%add3A_1294, %dma_wait3A_1416, %dma_wait3A_1417] : memref<1024x17x768xf32, #tpu.memory_space<hbm>> -> memref<1x17x768xf32, #tpu.memory_space<hbm>>
    %dma_wait3A_1419 = tpu.memref_squeeze %dma_wait3A_1418 : memref<1x17x768xf32, #tpu.memory_space<hbm>> -> memref<17x768xf32, #tpu.memory_space<hbm>>
    %dma_wait3A_1420 = arith.constant 0 : i32
    %dma_wait3A_1421 = arith.constant 0 : i32
    %dma_wait3A_1422 = tpu.memref_slice %dma_wait3A_1419[%dma_wait3A_1420, %dma_wait3A_1421] : memref<17x768xf32, #tpu.memory_space<hbm>> -> memref<17x768xf32, #tpu.memory_space<hbm>>
    tpu.wait_indirect_dma semaphore(%arg15 : memref<!tpu.dma_semaphore, #tpu.memory_space<semaphore_mem>>) src(%dma_wait3A_1415 : memref<18x768xf32, #tpu.memory_space<vmem>>) dst(%dma_wait3A_1422 : memref<17x768xf32, #tpu.memory_space<hbm>>)
    %add3A_1423 = arith.constant 30 : i32
    %add3A_1424 = arith.addi %mul3A_2, %add3A_1423 : i32
    %dma_start3A_1425 = arith.constant 0 : i32
    %dma_start3A_1426 = arith.constant 0 : i32
    %dma_start3A_1427 = arith.constant 0 : i32
    %dma_start3A_1428 = tpu.memref_slice %arg8[%dma_start3A_1425, %dma_start3A_1426, %dma_start3A_1427] : memref<6x18x768xf32, #tpu.memory_space<vmem>> -> memref<1x18x768xf32, #tpu.memory_space<vmem>>
    %dma_start3A_1429 = tpu.memref_squeeze %dma_start3A_1428 : memref<1x18x768xf32, #tpu.memory_space<vmem>> -> memref<18x768xf32, #tpu.memory_space<vmem>>
    %dma_start3A_1430 = arith.constant 0 : i32
    %dma_start3A_1431 = arith.constant 0 : i32
    %dma_start3A_1432 = tpu.memref_slice %arg2[%add3A_1424, %dma_start3A_1430, %dma_start3A_1431] : memref<1024x65x768xf32, #tpu.memory_space<hbm>> -> memref<1x65x768xf32, #tpu.memory_space<hbm>>
    %dma_start3A_1433 = tpu.memref_squeeze %dma_start3A_1432 : memref<1x65x768xf32, #tpu.memory_space<hbm>> -> memref<65x768xf32, #tpu.memory_space<hbm>>
    %dma_start3A_1434 = arith.constant 0 : i32
    %dma_start3A_1435 = arith.constant 0 : i32
    %dma_start3A_1436 = tpu.memref_slice %dma_start3A_1433[%dma_start3A_1434, %dma_start3A_1435] : memref<65x768xf32, #tpu.memory_space<hbm>> -> memref<65x768xf32, #tpu.memory_space<hbm>>
    tpu.enqueue_indirect_dma source(%dma_start3A_1436 : memref<65x768xf32, #tpu.memory_space<hbm>>) target(%dma_start3A_1429 : memref<18x768xf32, #tpu.memory_space<vmem>>) offsets(%arg6 : memref<18xi32, #tpu.memory_space<vmem>>) semaphore(%arg9 : memref<!tpu.dma_semaphore, #tpu.memory_space<semaphore_mem>>)
    %dma_wait3A_1437 = arith.constant 3 : i32
    %dma_wait3A_1438 = arith.constant 0 : i32
    %dma_wait3A_1439 = arith.constant 0 : i32
    %dma_wait3A_1440 = tpu.memref_slice %arg8[%dma_wait3A_1437, %dma_wait3A_1438, %dma_wait3A_1439] : memref<6x18x768xf32, #tpu.memory_space<vmem>> -> memref<1x18x768xf32, #tpu.memory_space<vmem>>
    %dma_wait3A_1441 = tpu.memref_squeeze %dma_wait3A_1440 : memref<1x18x768xf32, #tpu.memory_space<vmem>> -> memref<18x768xf32, #tpu.memory_space<vmem>>
    %dma_wait3A_1442 = arith.constant 0 : i32
    %dma_wait3A_1443 = arith.constant 0 : i32
    %dma_wait3A_1444 = tpu.memref_slice %arg2[%add3A_1268, %dma_wait3A_1442, %dma_wait3A_1443] : memref<1024x65x768xf32, #tpu.memory_space<hbm>> -> memref<1x65x768xf32, #tpu.memory_space<hbm>>
    %dma_wait3A_1445 = tpu.memref_squeeze %dma_wait3A_1444 : memref<1x65x768xf32, #tpu.memory_space<hbm>> -> memref<65x768xf32, #tpu.memory_space<hbm>>
    %dma_wait3A_1446 = arith.constant 0 : i32
    %dma_wait3A_1447 = arith.constant 0 : i32
    %dma_wait3A_1448 = tpu.memref_slice %dma_wait3A_1445[%dma_wait3A_1446, %dma_wait3A_1447] : memref<65x768xf32, #tpu.memory_space<hbm>> -> memref<65x768xf32, #tpu.memory_space<hbm>>
    tpu.wait_indirect_dma semaphore(%arg12 : memref<!tpu.dma_semaphore, #tpu.memory_space<semaphore_mem>>) src(%dma_wait3A_1448 : memref<65x768xf32, #tpu.memory_space<hbm>>) dst(%dma_wait3A_1441 : memref<18x768xf32, #tpu.memory_space<vmem>>)
    %add3A_1449 = arith.constant 27 : i32
    %add3A_1450 = arith.addi %mul3A_2, %add3A_1449 : i32
    %dma_start3A_1451 = arith.constant 3 : i32
    %dma_start3A_1452 = arith.constant 0 : i32
    %dma_start3A_1453 = arith.constant 0 : i32
    %dma_start3A_1454 = tpu.memref_slice %arg8[%dma_start3A_1451, %dma_start3A_1452, %dma_start3A_1453] : memref<6x18x768xf32, #tpu.memory_space<vmem>> -> memref<1x18x768xf32, #tpu.memory_space<vmem>>
    %dma_start3A_1455 = tpu.memref_squeeze %dma_start3A_1454 : memref<1x18x768xf32, #tpu.memory_space<vmem>> -> memref<18x768xf32, #tpu.memory_space<vmem>>
    %dma_start3A_1456 = arith.constant 0 : i32
    %dma_start3A_1457 = arith.constant 0 : i32
    %dma_start3A_1458 = tpu.memref_slice %arg5[%add3A_1450, %dma_start3A_1456, %dma_start3A_1457] : memref<1024x17x768xf32, #tpu.memory_space<hbm>> -> memref<1x17x768xf32, #tpu.memory_space<hbm>>
    %dma_start3A_1459 = tpu.memref_squeeze %dma_start3A_1458 : memref<1x17x768xf32, #tpu.memory_space<hbm>> -> memref<17x768xf32, #tpu.memory_space<hbm>>
    %dma_start3A_1460 = arith.constant 0 : i32
    %dma_start3A_1461 = arith.constant 0 : i32
    %dma_start3A_1462 = tpu.memref_slice %dma_start3A_1459[%dma_start3A_1460, %dma_start3A_1461] : memref<17x768xf32, #tpu.memory_space<hbm>> -> memref<17x768xf32, #tpu.memory_space<hbm>>
    tpu.enqueue_indirect_dma source(%dma_start3A_1455 : memref<18x768xf32, #tpu.memory_space<vmem>>) target(%dma_start3A_1462 : memref<17x768xf32, #tpu.memory_space<hbm>>) offsets(%arg7 : memref<18xi32, #tpu.memory_space<vmem>>) semaphore(%arg18 : memref<!tpu.dma_semaphore, #tpu.memory_space<semaphore_mem>>)
    %dma_wait3A_1463 = arith.constant 1 : i32
    %dma_wait3A_1464 = arith.constant 0 : i32
    %dma_wait3A_1465 = arith.constant 0 : i32
    %dma_wait3A_1466 = tpu.memref_slice %arg8[%dma_wait3A_1463, %dma_wait3A_1464, %dma_wait3A_1465] : memref<6x18x768xf32, #tpu.memory_space<vmem>> -> memref<1x18x768xf32, #tpu.memory_space<vmem>>
    %dma_wait3A_1467 = tpu.memref_squeeze %dma_wait3A_1466 : memref<1x18x768xf32, #tpu.memory_space<vmem>> -> memref<18x768xf32, #tpu.memory_space<vmem>>
    %dma_wait3A_1468 = arith.constant 0 : i32
    %dma_wait3A_1469 = arith.constant 0 : i32
    %dma_wait3A_1470 = tpu.memref_slice %arg5[%add3A_1346, %dma_wait3A_1468, %dma_wait3A_1469] : memref<1024x17x768xf32, #tpu.memory_space<hbm>> -> memref<1x17x768xf32, #tpu.memory_space<hbm>>
    %dma_wait3A_1471 = tpu.memref_squeeze %dma_wait3A_1470 : memref<1x17x768xf32, #tpu.memory_space<hbm>> -> memref<17x768xf32, #tpu.memory_space<hbm>>
    %dma_wait3A_1472 = arith.constant 0 : i32
    %dma_wait3A_1473 = arith.constant 0 : i32
    %dma_wait3A_1474 = tpu.memref_slice %dma_wait3A_1471[%dma_wait3A_1472, %dma_wait3A_1473] : memref<17x768xf32, #tpu.memory_space<hbm>> -> memref<17x768xf32, #tpu.memory_space<hbm>>
    tpu.wait_indirect_dma semaphore(%arg16 : memref<!tpu.dma_semaphore, #tpu.memory_space<semaphore_mem>>) src(%dma_wait3A_1467 : memref<18x768xf32, #tpu.memory_space<vmem>>) dst(%dma_wait3A_1474 : memref<17x768xf32, #tpu.memory_space<hbm>>)
    %add3A_1475 = arith.constant 31 : i32
    %add3A_1476 = arith.addi %mul3A_2, %add3A_1475 : i32
    %dma_start3A_1477 = arith.constant 1 : i32
    %dma_start3A_1478 = arith.constant 0 : i32
    %dma_start3A_1479 = arith.constant 0 : i32
    %dma_start3A_1480 = tpu.memref_slice %arg8[%dma_start3A_1477, %dma_start3A_1478, %dma_start3A_1479] : memref<6x18x768xf32, #tpu.memory_space<vmem>> -> memref<1x18x768xf32, #tpu.memory_space<vmem>>
    %dma_start3A_1481 = tpu.memref_squeeze %dma_start3A_1480 : memref<1x18x768xf32, #tpu.memory_space<vmem>> -> memref<18x768xf32, #tpu.memory_space<vmem>>
    %dma_start3A_1482 = arith.constant 0 : i32
    %dma_start3A_1483 = arith.constant 0 : i32
    %dma_start3A_1484 = tpu.memref_slice %arg2[%add3A_1476, %dma_start3A_1482, %dma_start3A_1483] : memref<1024x65x768xf32, #tpu.memory_space<hbm>> -> memref<1x65x768xf32, #tpu.memory_space<hbm>>
    %dma_start3A_1485 = tpu.memref_squeeze %dma_start3A_1484 : memref<1x65x768xf32, #tpu.memory_space<hbm>> -> memref<65x768xf32, #tpu.memory_space<hbm>>
    %dma_start3A_1486 = arith.constant 0 : i32
    %dma_start3A_1487 = arith.constant 0 : i32
    %dma_start3A_1488 = tpu.memref_slice %dma_start3A_1485[%dma_start3A_1486, %dma_start3A_1487] : memref<65x768xf32, #tpu.memory_space<hbm>> -> memref<65x768xf32, #tpu.memory_space<hbm>>
    tpu.enqueue_indirect_dma source(%dma_start3A_1488 : memref<65x768xf32, #tpu.memory_space<hbm>>) target(%dma_start3A_1481 : memref<18x768xf32, #tpu.memory_space<vmem>>) offsets(%arg6 : memref<18xi32, #tpu.memory_space<vmem>>) semaphore(%arg10 : memref<!tpu.dma_semaphore, #tpu.memory_space<semaphore_mem>>)
    %dma_wait3A_1489 = arith.constant 4 : i32
    %dma_wait3A_1490 = arith.constant 0 : i32
    %dma_wait3A_1491 = arith.constant 0 : i32
    %dma_wait3A_1492 = tpu.memref_slice %arg8[%dma_wait3A_1489, %dma_wait3A_1490, %dma_wait3A_1491] : memref<6x18x768xf32, #tpu.memory_space<vmem>> -> memref<1x18x768xf32, #tpu.memory_space<vmem>>
    %dma_wait3A_1493 = tpu.memref_squeeze %dma_wait3A_1492 : memref<1x18x768xf32, #tpu.memory_space<vmem>> -> memref<18x768xf32, #tpu.memory_space<vmem>>
    %dma_wait3A_1494 = arith.constant 0 : i32
    %dma_wait3A_1495 = arith.constant 0 : i32
    %dma_wait3A_1496 = tpu.memref_slice %arg2[%add3A_1320, %dma_wait3A_1494, %dma_wait3A_1495] : memref<1024x65x768xf32, #tpu.memory_space<hbm>> -> memref<1x65x768xf32, #tpu.memory_space<hbm>>
    %dma_wait3A_1497 = tpu.memref_squeeze %dma_wait3A_1496 : memref<1x65x768xf32, #tpu.memory_space<hbm>> -> memref<65x768xf32, #tpu.memory_space<hbm>>
    %dma_wait3A_1498 = arith.constant 0 : i32
    %dma_wait3A_1499 = arith.constant 0 : i32
    %dma_wait3A_1500 = tpu.memref_slice %dma_wait3A_1497[%dma_wait3A_1498, %dma_wait3A_1499] : memref<65x768xf32, #tpu.memory_space<hbm>> -> memref<65x768xf32, #tpu.memory_space<hbm>>
    tpu.wait_indirect_dma semaphore(%arg13 : memref<!tpu.dma_semaphore, #tpu.memory_space<semaphore_mem>>) src(%dma_wait3A_1500 : memref<65x768xf32, #tpu.memory_space<hbm>>) dst(%dma_wait3A_1493 : memref<18x768xf32, #tpu.memory_space<vmem>>)
    %add3A_1501 = arith.constant 28 : i32
    %add3A_1502 = arith.addi %mul3A_2, %add3A_1501 : i32
    %dma_start3A_1503 = arith.constant 4 : i32
    %dma_start3A_1504 = arith.constant 0 : i32
    %dma_start3A_1505 = arith.constant 0 : i32
    %dma_start3A_1506 = tpu.memref_slice %arg8[%dma_start3A_1503, %dma_start3A_1504, %dma_start3A_1505] : memref<6x18x768xf32, #tpu.memory_space<vmem>> -> memref<1x18x768xf32, #tpu.memory_space<vmem>>
    %dma_start3A_1507 = tpu.memref_squeeze %dma_start3A_1506 : memref<1x18x768xf32, #tpu.memory_space<vmem>> -> memref<18x768xf32, #tpu.memory_space<vmem>>
    %dma_start3A_1508 = arith.constant 0 : i32
    %dma_start3A_1509 = arith.constant 0 : i32
    %dma_start3A_1510 = tpu.memref_slice %arg5[%add3A_1502, %dma_start3A_1508, %dma_start3A_1509] : memref<1024x17x768xf32, #tpu.memory_space<hbm>> -> memref<1x17x768xf32, #tpu.memory_space<hbm>>
    %dma_start3A_1511 = tpu.memref_squeeze %dma_start3A_1510 : memref<1x17x768xf32, #tpu.memory_space<hbm>> -> memref<17x768xf32, #tpu.memory_space<hbm>>
    %dma_start3A_1512 = arith.constant 0 : i32
    %dma_start3A_1513 = arith.constant 0 : i32
    %dma_start3A_1514 = tpu.memref_slice %dma_start3A_1511[%dma_start3A_1512, %dma_start3A_1513] : memref<17x768xf32, #tpu.memory_space<hbm>> -> memref<17x768xf32, #tpu.memory_space<hbm>>
    tpu.enqueue_indirect_dma source(%dma_start3A_1507 : memref<18x768xf32, #tpu.memory_space<vmem>>) target(%dma_start3A_1514 : memref<17x768xf32, #tpu.memory_space<hbm>>) offsets(%arg7 : memref<18xi32, #tpu.memory_space<vmem>>) semaphore(%arg19 : memref<!tpu.dma_semaphore, #tpu.memory_space<semaphore_mem>>)
    %dma_wait3A_1515 = arith.constant 5 : i32
    %dma_wait3A_1516 = arith.constant 0 : i32
    %dma_wait3A_1517 = arith.constant 0 : i32
    %dma_wait3A_1518 = tpu.memref_slice %arg8[%dma_wait3A_1515, %dma_wait3A_1516, %dma_wait3A_1517] : memref<6x18x768xf32, #tpu.memory_space<vmem>> -> memref<1x18x768xf32, #tpu.memory_space<vmem>>
    %dma_wait3A_1519 = tpu.memref_squeeze %dma_wait3A_1518 : memref<1x18x768xf32, #tpu.memory_space<vmem>> -> memref<18x768xf32, #tpu.memory_space<vmem>>
    %dma_wait3A_1520 = arith.constant 0 : i32
    %dma_wait3A_1521 = arith.constant 0 : i32
    %dma_wait3A_1522 = tpu.memref_slice %arg2[%add3A_1372, %dma_wait3A_1520, %dma_wait3A_1521] : memref<1024x65x768xf32, #tpu.memory_space<hbm>> -> memref<1x65x768xf32, #tpu.memory_space<hbm>>
    %dma_wait3A_1523 = tpu.memref_squeeze %dma_wait3A_1522 : memref<1x65x768xf32, #tpu.memory_space<hbm>> -> memref<65x768xf32, #tpu.memory_space<hbm>>
    %dma_wait3A_1524 = arith.constant 0 : i32
    %dma_wait3A_1525 = arith.constant 0 : i32
    %dma_wait3A_1526 = tpu.memref_slice %dma_wait3A_1523[%dma_wait3A_1524, %dma_wait3A_1525] : memref<65x768xf32, #tpu.memory_space<hbm>> -> memref<65x768xf32, #tpu.memory_space<hbm>>
    tpu.wait_indirect_dma semaphore(%arg14 : memref<!tpu.dma_semaphore, #tpu.memory_space<semaphore_mem>>) src(%dma_wait3A_1526 : memref<65x768xf32, #tpu.memory_space<hbm>>) dst(%dma_wait3A_1519 : memref<18x768xf32, #tpu.memory_space<vmem>>)
    %add3A_1527 = arith.constant 29 : i32
    %add3A_1528 = arith.addi %mul3A_2, %add3A_1527 : i32
    %dma_start3A_1529 = arith.constant 5 : i32
    %dma_start3A_1530 = arith.constant 0 : i32
    %dma_start3A_1531 = arith.constant 0 : i32
    %dma_start3A_1532 = tpu.memref_slice %arg8[%dma_start3A_1529, %dma_start3A_1530, %dma_start3A_1531] : memref<6x18x768xf32, #tpu.memory_space<vmem>> -> memref<1x18x768xf32, #tpu.memory_space<vmem>>
    %dma_start3A_1533 = tpu.memref_squeeze %dma_start3A_1532 : memref<1x18x768xf32, #tpu.memory_space<vmem>> -> memref<18x768xf32, #tpu.memory_space<vmem>>
    %dma_start3A_1534 = arith.constant 0 : i32
    %dma_start3A_1535 = arith.constant 0 : i32
    %dma_start3A_1536 = tpu.memref_slice %arg5[%add3A_1528, %dma_start3A_1534, %dma_start3A_1535] : memref<1024x17x768xf32, #tpu.memory_space<hbm>> -> memref<1x17x768xf32, #tpu.memory_space<hbm>>
    %dma_start3A_1537 = tpu.memref_squeeze %dma_start3A_1536 : memref<1x17x768xf32, #tpu.memory_space<hbm>> -> memref<17x768xf32, #tpu.memory_space<hbm>>
    %dma_start3A_1538 = arith.constant 0 : i32
    %dma_start3A_1539 = arith.constant 0 : i32
    %dma_start3A_1540 = tpu.memref_slice %dma_start3A_1537[%dma_start3A_1538, %dma_start3A_1539] : memref<17x768xf32, #tpu.memory_space<hbm>> -> memref<17x768xf32, #tpu.memory_space<hbm>>
    tpu.enqueue_indirect_dma source(%dma_start3A_1533 : memref<18x768xf32, #tpu.memory_space<vmem>>) target(%dma_start3A_1540 : memref<17x768xf32, #tpu.memory_space<hbm>>) offsets(%arg7 : memref<18xi32, #tpu.memory_space<vmem>>) semaphore(%arg20 : memref<!tpu.dma_semaphore, #tpu.memory_space<semaphore_mem>>)
    %dma_wait3A_1541 = arith.constant 0 : i32
    %dma_wait3A_1542 = arith.constant 0 : i32
    %dma_wait3A_1543 = arith.constant 0 : i32
    %dma_wait3A_1544 = tpu.memref_slice %arg8[%dma_wait3A_1541, %dma_wait3A_1542, %dma_wait3A_1543] : memref<6x18x768xf32, #tpu.memory_space<vmem>> -> memref<1x18x768xf32, #tpu.memory_space<vmem>>
    %dma_wait3A_1545 = tpu.memref_squeeze %dma_wait3A_1544 : memref<1x18x768xf32, #tpu.memory_space<vmem>> -> memref<18x768xf32, #tpu.memory_space<vmem>>
    %dma_wait3A_1546 = arith.constant 0 : i32
    %dma_wait3A_1547 = arith.constant 0 : i32
    %dma_wait3A_1548 = tpu.memref_slice %arg2[%add3A_1424, %dma_wait3A_1546, %dma_wait3A_1547] : memref<1024x65x768xf32, #tpu.memory_space<hbm>> -> memref<1x65x768xf32, #tpu.memory_space<hbm>>
    %dma_wait3A_1549 = tpu.memref_squeeze %dma_wait3A_1548 : memref<1x65x768xf32, #tpu.memory_space<hbm>> -> memref<65x768xf32, #tpu.memory_space<hbm>>
    %dma_wait3A_1550 = arith.constant 0 : i32
    %dma_wait3A_1551 = arith.constant 0 : i32
    %dma_wait3A_1552 = tpu.memref_slice %dma_wait3A_1549[%dma_wait3A_1550, %dma_wait3A_1551] : memref<65x768xf32, #tpu.memory_space<hbm>> -> memref<65x768xf32, #tpu.memory_space<hbm>>
    tpu.wait_indirect_dma semaphore(%arg9 : memref<!tpu.dma_semaphore, #tpu.memory_space<semaphore_mem>>) src(%dma_wait3A_1552 : memref<65x768xf32, #tpu.memory_space<hbm>>) dst(%dma_wait3A_1545 : memref<18x768xf32, #tpu.memory_space<vmem>>)
    %add3A_1553 = arith.constant 30 : i32
    %add3A_1554 = arith.addi %mul3A_2, %add3A_1553 : i32
    %dma_start3A_1555 = arith.constant 0 : i32
    %dma_start3A_1556 = arith.constant 0 : i32
    %dma_start3A_1557 = arith.constant 0 : i32
    %dma_start3A_1558 = tpu.memref_slice %arg8[%dma_start3A_1555, %dma_start3A_1556, %dma_start3A_1557] : memref<6x18x768xf32, #tpu.memory_space<vmem>> -> memref<1x18x768xf32, #tpu.memory_space<vmem>>
    %dma_start3A_1559 = tpu.memref_squeeze %dma_start3A_1558 : memref<1x18x768xf32, #tpu.memory_space<vmem>> -> memref<18x768xf32, #tpu.memory_space<vmem>>
    %dma_start3A_1560 = arith.constant 0 : i32
    %dma_start3A_1561 = arith.constant 0 : i32
    %dma_start3A_1562 = tpu.memref_slice %arg5[%add3A_1554, %dma_start3A_1560, %dma_start3A_1561] : memref<1024x17x768xf32, #tpu.memory_space<hbm>> -> memref<1x17x768xf32, #tpu.memory_space<hbm>>
    %dma_start3A_1563 = tpu.memref_squeeze %dma_start3A_1562 : memref<1x17x768xf32, #tpu.memory_space<hbm>> -> memref<17x768xf32, #tpu.memory_space<hbm>>
    %dma_start3A_1564 = arith.constant 0 : i32
    %dma_start3A_1565 = arith.constant 0 : i32
    %dma_start3A_1566 = tpu.memref_slice %dma_start3A_1563[%dma_start3A_1564, %dma_start3A_1565] : memref<17x768xf32, #tpu.memory_space<hbm>> -> memref<17x768xf32, #tpu.memory_space<hbm>>
    tpu.enqueue_indirect_dma source(%dma_start3A_1559 : memref<18x768xf32, #tpu.memory_space<vmem>>) target(%dma_start3A_1566 : memref<17x768xf32, #tpu.memory_space<hbm>>) offsets(%arg7 : memref<18xi32, #tpu.memory_space<vmem>>) semaphore(%arg15 : memref<!tpu.dma_semaphore, #tpu.memory_space<semaphore_mem>>)
    %dma_wait3A_1567 = arith.constant 1 : i32
    %dma_wait3A_1568 = arith.constant 0 : i32
    %dma_wait3A_1569 = arith.constant 0 : i32
    %dma_wait3A_1570 = tpu.memref_slice %arg8[%dma_wait3A_1567, %dma_wait3A_1568, %dma_wait3A_1569] : memref<6x18x768xf32, #tpu.memory_space<vmem>> -> memref<1x18x768xf32, #tpu.memory_space<vmem>>
    %dma_wait3A_1571 = tpu.memref_squeeze %dma_wait3A_1570 : memref<1x18x768xf32, #tpu.memory_space<vmem>> -> memref<18x768xf32, #tpu.memory_space<vmem>>
    %dma_wait3A_1572 = arith.constant 0 : i32
    %dma_wait3A_1573 = arith.constant 0 : i32
    %dma_wait3A_1574 = tpu.memref_slice %arg2[%add3A_1476, %dma_wait3A_1572, %dma_wait3A_1573] : memref<1024x65x768xf32, #tpu.memory_space<hbm>> -> memref<1x65x768xf32, #tpu.memory_space<hbm>>
    %dma_wait3A_1575 = tpu.memref_squeeze %dma_wait3A_1574 : memref<1x65x768xf32, #tpu.memory_space<hbm>> -> memref<65x768xf32, #tpu.memory_space<hbm>>
    %dma_wait3A_1576 = arith.constant 0 : i32
    %dma_wait3A_1577 = arith.constant 0 : i32
    %dma_wait3A_1578 = tpu.memref_slice %dma_wait3A_1575[%dma_wait3A_1576, %dma_wait3A_1577] : memref<65x768xf32, #tpu.memory_space<hbm>> -> memref<65x768xf32, #tpu.memory_space<hbm>>
    tpu.wait_indirect_dma semaphore(%arg10 : memref<!tpu.dma_semaphore, #tpu.memory_space<semaphore_mem>>) src(%dma_wait3A_1578 : memref<65x768xf32, #tpu.memory_space<hbm>>) dst(%dma_wait3A_1571 : memref<18x768xf32, #tpu.memory_space<vmem>>)
    %add3A_1579 = arith.constant 31 : i32
    %add3A_1580 = arith.addi %mul3A_2, %add3A_1579 : i32
    %dma_start3A_1581 = arith.constant 1 : i32
    %dma_start3A_1582 = arith.constant 0 : i32
    %dma_start3A_1583 = arith.constant 0 : i32
    %dma_start3A_1584 = tpu.memref_slice %arg8[%dma_start3A_1581, %dma_start3A_1582, %dma_start3A_1583] : memref<6x18x768xf32, #tpu.memory_space<vmem>> -> memref<1x18x768xf32, #tpu.memory_space<vmem>>
    %dma_start3A_1585 = tpu.memref_squeeze %dma_start3A_1584 : memref<1x18x768xf32, #tpu.memory_space<vmem>> -> memref<18x768xf32, #tpu.memory_space<vmem>>
    %dma_start3A_1586 = arith.constant 0 : i32
    %dma_start3A_1587 = arith.constant 0 : i32
    %dma_start3A_1588 = tpu.memref_slice %arg5[%add3A_1580, %dma_start3A_1586, %dma_start3A_1587] : memref<1024x17x768xf32, #tpu.memory_space<hbm>> -> memref<1x17x768xf32, #tpu.memory_space<hbm>>
    %dma_start3A_1589 = tpu.memref_squeeze %dma_start3A_1588 : memref<1x17x768xf32, #tpu.memory_space<hbm>> -> memref<17x768xf32, #tpu.memory_space<hbm>>
    %dma_start3A_1590 = arith.constant 0 : i32
    %dma_start3A_1591 = arith.constant 0 : i32
    %dma_start3A_1592 = tpu.memref_slice %dma_start3A_1589[%dma_start3A_1590, %dma_start3A_1591] : memref<17x768xf32, #tpu.memory_space<hbm>> -> memref<17x768xf32, #tpu.memory_space<hbm>>
    tpu.enqueue_indirect_dma source(%dma_start3A_1585 : memref<18x768xf32, #tpu.memory_space<vmem>>) target(%dma_start3A_1592 : memref<17x768xf32, #tpu.memory_space<hbm>>) offsets(%arg7 : memref<18xi32, #tpu.memory_space<vmem>>) semaphore(%arg16 : memref<!tpu.dma_semaphore, #tpu.memory_space<semaphore_mem>>)
    %dma_wait3A_1593 = arith.constant 0 : i32
    %dma_wait3A_1594 = arith.constant 0 : i32
    %dma_wait3A_1595 = arith.constant 0 : i32
    %dma_wait3A_1596 = tpu.memref_slice %arg8[%dma_wait3A_1593, %dma_wait3A_1594, %dma_wait3A_1595] : memref<6x18x768xf32, #tpu.memory_space<vmem>> -> memref<1x18x768xf32, #tpu.memory_space<vmem>>
    %dma_wait3A_1597 = tpu.memref_squeeze %dma_wait3A_1596 : memref<1x18x768xf32, #tpu.memory_space<vmem>> -> memref<18x768xf32, #tpu.memory_space<vmem>>
    %dma_wait3A_1598 = arith.constant 0 : i32
    %dma_wait3A_1599 = arith.constant 0 : i32
    %dma_wait3A_1600 = tpu.memref_slice %arg5[%add3A_1554, %dma_wait3A_1598, %dma_wait3A_1599] : memref<1024x17x768xf32, #tpu.memory_space<hbm>> -> memref<1x17x768xf32, #tpu.memory_space<hbm>>
    %dma_wait3A_1601 = tpu.memref_squeeze %dma_wait3A_1600 : memref<1x17x768xf32, #tpu.memory_space<hbm>> -> memref<17x768xf32, #tpu.memory_space<hbm>>
    %dma_wait3A_1602 = arith.constant 0 : i32
    %dma_wait3A_1603 = arith.constant 0 : i32
    %dma_wait3A_1604 = tpu.memref_slice %dma_wait3A_1601[%dma_wait3A_1602, %dma_wait3A_1603] : memref<17x768xf32, #tpu.memory_space<hbm>> -> memref<17x768xf32, #tpu.memory_space<hbm>>
    tpu.wait_indirect_dma semaphore(%arg15 : memref<!tpu.dma_semaphore, #tpu.memory_space<semaphore_mem>>) src(%dma_wait3A_1597 : memref<18x768xf32, #tpu.memory_space<vmem>>) dst(%dma_wait3A_1604 : memref<17x768xf32, #tpu.memory_space<hbm>>)
    %dma_wait3A_1605 = arith.constant 1 : i32
    %dma_wait3A_1606 = arith.constant 0 : i32
    %dma_wait3A_1607 = arith.constant 0 : i32
    %dma_wait3A_1608 = tpu.memref_slice %arg8[%dma_wait3A_1605, %dma_wait3A_1606, %dma_wait3A_1607] : memref<6x18x768xf32, #tpu.memory_space<vmem>> -> memref<1x18x768xf32, #tpu.memory_space<vmem>>
    %dma_wait3A_1609 = tpu.memref_squeeze %dma_wait3A_1608 : memref<1x18x768xf32, #tpu.memory_space<vmem>> -> memref<18x768xf32, #tpu.memory_space<vmem>>
    %dma_wait3A_1610 = arith.constant 0 : i32
    %dma_wait3A_1611 = arith.constant 0 : i32
    %dma_wait3A_1612 = tpu.memref_slice %arg5[%add3A_1580, %dma_wait3A_1610, %dma_wait3A_1611] : memref<1024x17x768xf32, #tpu.memory_space<hbm>> -> memref<1x17x768xf32, #tpu.memory_space<hbm>>
    %dma_wait3A_1613 = tpu.memref_squeeze %dma_wait3A_1612 : memref<1x17x768xf32, #tpu.memory_space<hbm>> -> memref<17x768xf32, #tpu.memory_space<hbm>>
    %dma_wait3A_1614 = arith.constant 0 : i32
    %dma_wait3A_1615 = arith.constant 0 : i32
    %dma_wait3A_1616 = tpu.memref_slice %dma_wait3A_1613[%dma_wait3A_1614, %dma_wait3A_1615] : memref<17x768xf32, #tpu.memory_space<hbm>> -> memref<17x768xf32, #tpu.memory_space<hbm>>
    tpu.wait_indirect_dma semaphore(%arg16 : memref<!tpu.dma_semaphore, #tpu.memory_space<semaphore_mem>>) src(%dma_wait3A_1609 : memref<18x768xf32, #tpu.memory_space<vmem>>) dst(%dma_wait3A_1616 : memref<17x768xf32, #tpu.memory_space<hbm>>)
    %dma_wait3A_1617 = arith.constant 2 : i32
    %dma_wait3A_1618 = arith.constant 0 : i32
    %dma_wait3A_1619 = arith.constant 0 : i32
    %dma_wait3A_1620 = tpu.memref_slice %arg8[%dma_wait3A_1617, %dma_wait3A_1618, %dma_wait3A_1619] : memref<6x18x768xf32, #tpu.memory_space<vmem>> -> memref<1x18x768xf32, #tpu.memory_space<vmem>>
    %dma_wait3A_1621 = tpu.memref_squeeze %dma_wait3A_1620 : memref<1x18x768xf32, #tpu.memory_space<vmem>> -> memref<18x768xf32, #tpu.memory_space<vmem>>
    %dma_wait3A_1622 = arith.constant 0 : i32
    %dma_wait3A_1623 = arith.constant 0 : i32
    %dma_wait3A_1624 = tpu.memref_slice %arg5[%add3A_1398, %dma_wait3A_1622, %dma_wait3A_1623] : memref<1024x17x768xf32, #tpu.memory_space<hbm>> -> memref<1x17x768xf32, #tpu.memory_space<hbm>>
    %dma_wait3A_1625 = tpu.memref_squeeze %dma_wait3A_1624 : memref<1x17x768xf32, #tpu.memory_space<hbm>> -> memref<17x768xf32, #tpu.memory_space<hbm>>
    %dma_wait3A_1626 = arith.constant 0 : i32
    %dma_wait3A_1627 = arith.constant 0 : i32
    %dma_wait3A_1628 = tpu.memref_slice %dma_wait3A_1625[%dma_wait3A_1626, %dma_wait3A_1627] : memref<17x768xf32, #tpu.memory_space<hbm>> -> memref<17x768xf32, #tpu.memory_space<hbm>>
    tpu.wait_indirect_dma semaphore(%arg17 : memref<!tpu.dma_semaphore, #tpu.memory_space<semaphore_mem>>) src(%dma_wait3A_1621 : memref<18x768xf32, #tpu.memory_space<vmem>>) dst(%dma_wait3A_1628 : memref<17x768xf32, #tpu.memory_space<hbm>>)
    %dma_wait3A_1629 = arith.constant 3 : i32
    %dma_wait3A_1630 = arith.constant 0 : i32
    %dma_wait3A_1631 = arith.constant 0 : i32
    %dma_wait3A_1632 = tpu.memref_slice %arg8[%dma_wait3A_1629, %dma_wait3A_1630, %dma_wait3A_1631] : memref<6x18x768xf32, #tpu.memory_space<vmem>> -> memref<1x18x768xf32, #tpu.memory_space<vmem>>
    %dma_wait3A_1633 = tpu.memref_squeeze %dma_wait3A_1632 : memref<1x18x768xf32, #tpu.memory_space<vmem>> -> memref<18x768xf32, #tpu.memory_space<vmem>>
    %dma_wait3A_1634 = arith.constant 0 : i32
    %dma_wait3A_1635 = arith.constant 0 : i32
    %dma_wait3A_1636 = tpu.memref_slice %arg5[%add3A_1450, %dma_wait3A_1634, %dma_wait3A_1635] : memref<1024x17x768xf32, #tpu.memory_space<hbm>> -> memref<1x17x768xf32, #tpu.memory_space<hbm>>
    %dma_wait3A_1637 = tpu.memref_squeeze %dma_wait3A_1636 : memref<1x17x768xf32, #tpu.memory_space<hbm>> -> memref<17x768xf32, #tpu.memory_space<hbm>>
    %dma_wait3A_1638 = arith.constant 0 : i32
    %dma_wait3A_1639 = arith.constant 0 : i32
    %dma_wait3A_1640 = tpu.memref_slice %dma_wait3A_1637[%dma_wait3A_1638, %dma_wait3A_1639] : memref<17x768xf32, #tpu.memory_space<hbm>> -> memref<17x768xf32, #tpu.memory_space<hbm>>
    tpu.wait_indirect_dma semaphore(%arg18 : memref<!tpu.dma_semaphore, #tpu.memory_space<semaphore_mem>>) src(%dma_wait3A_1633 : memref<18x768xf32, #tpu.memory_space<vmem>>) dst(%dma_wait3A_1640 : memref<17x768xf32, #tpu.memory_space<hbm>>)
    %dma_wait3A_1641 = arith.constant 4 : i32
    %dma_wait3A_1642 = arith.constant 0 : i32
    %dma_wait3A_1643 = arith.constant 0 : i32
    %dma_wait3A_1644 = tpu.memref_slice %arg8[%dma_wait3A_1641, %dma_wait3A_1642, %dma_wait3A_1643] : memref<6x18x768xf32, #tpu.memory_space<vmem>> -> memref<1x18x768xf32, #tpu.memory_space<vmem>>
    %dma_wait3A_1645 = tpu.memref_squeeze %dma_wait3A_1644 : memref<1x18x768xf32, #tpu.memory_space<vmem>> -> memref<18x768xf32, #tpu.memory_space<vmem>>
    %dma_wait3A_1646 = arith.constant 0 : i32
    %dma_wait3A_1647 = arith.constant 0 : i32
    %dma_wait3A_1648 = tpu.memref_slice %arg5[%add3A_1502, %dma_wait3A_1646, %dma_wait3A_1647] : memref<1024x17x768xf32, #tpu.memory_space<hbm>> -> memref<1x17x768xf32, #tpu.memory_space<hbm>>
    %dma_wait3A_1649 = tpu.memref_squeeze %dma_wait3A_1648 : memref<1x17x768xf32, #tpu.memory_space<hbm>> -> memref<17x768xf32, #tpu.memory_space<hbm>>
    %dma_wait3A_1650 = arith.constant 0 : i32
    %dma_wait3A_1651 = arith.constant 0 : i32
    %dma_wait3A_1652 = tpu.memref_slice %dma_wait3A_1649[%dma_wait3A_1650, %dma_wait3A_1651] : memref<17x768xf32, #tpu.memory_space<hbm>> -> memref<17x768xf32, #tpu.memory_space<hbm>>
    tpu.wait_indirect_dma semaphore(%arg19 : memref<!tpu.dma_semaphore, #tpu.memory_space<semaphore_mem>>) src(%dma_wait3A_1645 : memref<18x768xf32, #tpu.memory_space<vmem>>) dst(%dma_wait3A_1652 : memref<17x768xf32, #tpu.memory_space<hbm>>)
    %dma_wait3A_1653 = arith.constant 5 : i32
    %dma_wait3A_1654 = arith.constant 0 : i32
    %dma_wait3A_1655 = arith.constant 0 : i32
    %dma_wait3A_1656 = tpu.memref_slice %arg8[%dma_wait3A_1653, %dma_wait3A_1654, %dma_wait3A_1655] : memref<6x18x768xf32, #tpu.memory_space<vmem>> -> memref<1x18x768xf32, #tpu.memory_space<vmem>>
    %dma_wait3A_1657 = tpu.memref_squeeze %dma_wait3A_1656 : memref<1x18x768xf32, #tpu.memory_space<vmem>> -> memref<18x768xf32, #tpu.memory_space<vmem>>
    %dma_wait3A_1658 = arith.constant 0 : i32
    %dma_wait3A_1659 = arith.constant 0 : i32
    %dma_wait3A_1660 = tpu.memref_slice %arg5[%add3A_1528, %dma_wait3A_1658, %dma_wait3A_1659] : memref<1024x17x768xf32, #tpu.memory_space<hbm>> -> memref<1x17x768xf32, #tpu.memory_space<hbm>>
    %dma_wait3A_1661 = tpu.memref_squeeze %dma_wait3A_1660 : memref<1x17x768xf32, #tpu.memory_space<hbm>> -> memref<17x768xf32, #tpu.memory_space<hbm>>
    %dma_wait3A_1662 = arith.constant 0 : i32
    %dma_wait3A_1663 = arith.constant 0 : i32
    %dma_wait3A_1664 = tpu.memref_slice %dma_wait3A_1661[%dma_wait3A_1662, %dma_wait3A_1663] : memref<17x768xf32, #tpu.memory_space<hbm>> -> memref<17x768xf32, #tpu.memory_space<hbm>>
    tpu.wait_indirect_dma semaphore(%arg20 : memref<!tpu.dma_semaphore, #tpu.memory_space<semaphore_mem>>) src(%dma_wait3A_1657 : memref<18x768xf32, #tpu.memory_space<vmem>>) dst(%dma_wait3A_1664 : memref<17x768xf32, #tpu.memory_space<hbm>>)
    return
  }
}

</mosaic_0001>

<sc_bundles>
// kernel: kernel.3.cloned.1.call-start
scs
__scs_entry_jumppad:
0x0: {  	(pc) =	sbr.rel $0x88, $3  }
0x1: {  	(tag) =	ssettag $0x0;
	lr =	simm.s32 $0x1  }
0x2: {  	[smem:$0x3FA0] =	sst lr;
	_ =	strace $0xD0000000  }
0x3: {  	_ = 	snop  }
0x4: {  	_ = 	snop  }
0x5: {  	_ = 	snop  }
0x6: {  	_ = 	snop  }
0x7: {  	_ = 	snop  }
__scs_overlays_trampoline_lowered:
0x8: {  	[smem:$0x3FAF] =	sst s0  }
0x9: {  	[smem:$0x3FB0] =	sst s1  }
0xa: {  	[smem:$0x3FB1] =	sst s2  }
0xb: {  	[smem:$0x3FB2] =	sst s3  }
0xc: {  	[smem:$0x3FB3] =	sst s4  }
0xd: {  	[smem:$0x3FB4] =	sst s5  }
0xe: {  	[smem:$0x3FB5] =	sst s6  }
0xf: {  	[smem:$0x3FB6] =	sst s7  }
0x10: {  	[smem:$0x3FB7] =	sst s8  }
0x11: {  	[smem:$0x3FB8] =	sst s9;
	s0 =	simm.s32 @!p0 $0x0  }
0x12: {  	s1 =	sld [smem:$0x3F9E];
	s0 =	simm.s32 @p0 $0x1  }
0x13: {  	[smem:$0x3FB9] =	sst s0;
	s0 =	simm.s32 @!p1 $0x0  }
0x14: {  	s2 =	sld [smem:$0x3F9D];
	s0 =	simm.s32 @p1 $0x1  }
0x15: {  	[smem:$0x3FBA] =	sst s0;
	s0 =	simm.s32 @!p2 $0x0  }
0x16: {  	s3 =	sld [smem:$0x3FDB];
	s0 =	simm.s32 @p2 $0x1  }
0x17: {  	s4 =	simm.s32 $0x1BF5;
	[smem:$0x3FBC] =	sst s0  }
0x18: {  	s0 =	sld [smem:$0x3F9F];
	_ =	swait.ge [sflag:s4], $0x0  }
0x19: {  	s7 =	sld [smem:$0x3FA0]  }
0x1a: {  	s8 =	sadd.s32 $0xFFFFE003, lr  }
0x1b: {  	s9 =	sadd.s32 $0xFFFFFEF7, lr;
	s5 =	simm.s32 $0xFFFFFFFF;
	p2 =	slt.u32 s8, $0xFFFFF086  }
0x1c: {  	p1 =	slt.u32 s9, $0xF7A;
	s5 =	simm.s32 @!p2 $0x0  }
0x1d: {  	s5 =	simm.s32 @p1 $0x1;
	p0 =	seq.s32 s7, s2  }
0x1e: {  	s7 =	smul.u32 @!p0 $0xF7A, s2;
	p2 =	seq.s32 @!p0 s5, $0x0  }
0x1f: {  	s9 =	smul.u32 $0xF7A, s1;
	s8 =	simm.s32 @!p0 $0x1BF5;
	p2 =	por !p2, p0  }
0x20: {  	[sflag:s8] =	ssyncset.s32 @!p0 $0xFFFFF086;
	s6 =	sadd.s32 @!p0 s3, s7;
	s7 =	simm.s32 @!p0 $0x108  }
0x21: {  	s3 =	sadd.s32 s3, s9;
	s6 =	sadd.s32 @!p0 $0x88, s6;
	s7 =	simm.s32 @p2 $0x1082  }
0x22: {  	[simem:s7], [sflag:s8] =	dma.local @!p0 [hbm:s6], $0xF7A  }
0x23: {  	s9 =	sor.u32 $0xD0000000, s2;
	s6 =	simm.s32 $0x108;
	_ =	swait.ge @!p0 [sflag:s8], $0x0  }
0x24: {  	s3 =	sadd.s32 $0x88, s3;
	s6 =	simm.s32 @!p1 $0x1082;
	[sflag:s4] =	ssyncset.s32 $0xFFFFF086  }
0x25: {  	[simem:s6], [sflag:s4] =	dma.local [hbm:s3], $0xF7A  }
0x26: {  	[smem:$0x3FA0] =	sst s1;
	(tag) =	ssettag s2;
	_ =	strace s9  }
0x27: {  	s1 =	sld [smem:$0x3FB0]  }
0x28: {  	s2 =	sld [smem:$0x3FB1]  }
0x29: {  	s4 =	sld [smem:$0x3FB3]  }
0x2a: {  	p0 =	seq.s32 s5, $0x0;
	s5 =	sld [smem:$0x3FB4]  }
0x2b: {  	s6 =	sld [smem:$0x3FB5]  }
0x2c: {  	s7 =	sld [smem:$0x3FB6]  }
0x2d: {  	s3 =	simm.s32 $0x108;
	s8 =	sld [smem:$0x3FB7]  }
0x2e: {  	s3 =	simm.s32 @!p0 $0x1082;
	s9 =	sld [smem:$0x3FB8]  }
0x2f: {  	lr =	sadd.s32 s0, s3;
	s0 =	sld [smem:$0x3FAF]  }
0x30: {  	s3 =	sld [smem:$0x3FB2]  }
0x31: {  	[smem:$0x3FBB] =	sst s10  }
0x32: {  	s10 =	sld [smem:$0x3FB9];
	_ =	sdelay $0x3  }
0x33: {  	p0 =	seq.s32 s10, $0x1;
	s10 =	sld [smem:$0x3FBB];
	_ =	sdelay $0x3  }
0x34: {  	[smem:$0x3FBB] =	sst s10  }
0x35: {  	s10 =	sld [smem:$0x3FBA];
	_ =	sdelay $0x3  }
0x36: {  	p1 =	seq.s32 s10, $0x1;
	s10 =	sld [smem:$0x3FBB];
	_ =	sdelay $0x3  }
0x37: {  	[smem:$0x3FBB] =	sst s10  }
0x38: {  	s10 =	sld [smem:$0x3FBC]  }
0x39: {  	_ = 	snop;
	(pc) =	sbr.ind lr, $3  }
0x3a: {  	_ = 	snop  }
0x3b: {  	_ = 	snop  }
0x3c: {  	p2 =	seq.s32 s10, $0x1;
	s10 =	sld [smem:$0x3FBB]  }
0x3d: {  	_ =	shalt  }
0x3e: {  	_ =	shalt  }
0x3f: {  	_ =	shalt  }
0x40: {  	_ =	shalt  }
0x41: {  	_ =	shalt  }
0x42: {  	_ =	shalt  }
0x43: {  	_ =	shalt  }
0x44: {  	_ =	shalt  }
0x45: {  	_ =	shalt  }
0x46: {  	_ =	shalt  }
0x47: {  	_ =	shalt  }
0x48: {  	_ =	shalt  }
0x49: {  	_ =	shalt  }
0x4a: {  	_ =	shalt  }
0x4b: {  	_ =	shalt  }
0x4c: {  	_ =	shalt  }
0x4d: {  	_ =	shalt  }
0x4e: {  	_ =	shalt  }
0x4f: {  	_ =	shalt  }
0x50: {  	_ =	shalt  }
0x51: {  	_ =	shalt  }
0x52: {  	_ =	shalt  }
0x53: {  	_ =	shalt  }
0x54: {  	_ =	shalt  }
0x55: {  	_ =	shalt  }
0x56: {  	_ =	shalt  }
0x57: {  	_ =	shalt  }
0x58: {  	_ =	shalt  }
0x59: {  	_ =	shalt  }
0x5a: {  	_ =	shalt  }
0x5b: {  	_ =	shalt  }
0x5c: {  	_ =	shalt  }
0x5d: {  	_ =	shalt  }
0x5e: {  	_ =	shalt  }
0x5f: {  	_ =	shalt  }
0x60: {  	_ =	shalt  }
0x61: {  	_ =	shalt  }
0x62: {  	_ =	shalt  }
0x63: {  	_ =	shalt  }
0x64: {  	_ =	shalt  }
0x65: {  	_ =	shalt  }
0x66: {  	_ =	shalt  }
0x67: {  	_ =	shalt  }
0x68: {  	_ =	shalt  }
0x69: {  	_ =	shalt  }
0x6a: {  	_ =	shalt  }
0x6b: {  	_ =	shalt  }
0x6c: {  	_ =	shalt  }
0x6d: {  	_ =	shalt  }
0x6e: {  	_ =	shalt  }
0x6f: {  	_ =	shalt  }
0x70: {  	_ =	shalt  }
0x71: {  	_ =	shalt  }
0x72: {  	_ =	shalt  }
0x73: {  	_ =	shalt  }
0x74: {  	_ =	shalt  }
0x75: {  	_ =	shalt  }
0x76: {  	_ =	shalt  }
0x77: {  	_ =	shalt  }
0x78: {  	_ =	shalt  }
0x79: {  	_ =	shalt  }
0x7a: {  	_ =	shalt  }
0x7b: {  	_ =	shalt  }
0x7c: {  	_ =	shalt  }
0x7d: {  	_ =	shalt  }
0x7e: {  	_ =	shalt  }
0x7f: {  	_ =	shalt  }
0x80: {  	_ =	shalt  }
0x81: {  	_ =	shalt  }
0x82: {  	_ =	shalt  }
0x83: {  	_ =	shalt  }
0x84: {  	_ =	shalt  }
0x85: {  	_ =	shalt  }
0x86: {  	_ =	shalt  }
0x87: {  	_ =	shalt  }
.Lfunc_end0:
.L_simem_size_0:
called_computation_lowered:
.L_overlay_start_0:
0x88: {  	s2 =	sld [smem:$0x3FD9]  }
0x89: {  	s3 =	sld [smem:$0x3FFE];
	_ =	sdelay $0x1  }
0x8a: {  	s1 =	srdreg.scid  }
0x8b: {  	s0 =	sand.u32 $0x1, s1  }
0x8c: {  	s17 =	sshll.u32 s0, $0xA;
	s2 =	sadd.s32 s3, s2  }
0x8d: {  	s2 =	sadd.s32 s2, s17  }
0x8e: {  	[smem:$0x3FC7] =	sst s2  }
0x8f: {  	_ = 	snop  }
0x90: {  	s2 =	sld [smem:$0x3FD0];
	(tm) =	ssettm $0x1  }
0x91: {  	s18 =	sld [smem:$0x3FFB];
	_ =	sdelay $0x3  }
0x92: {  	_ =	strace s18  }
0x93: {  	s3 =	sld [smem:$0x3FFC];
	_ =	sdelay $0x3  }
0x94: {  	_ =	strace s3  }
0x95: {  	s3 =	sld [smem:$0x3FFD];
	_ =	sdelay $0x3  }
0x96: {  	_ =	strace s3  }
0x97: {  	_ =	strace $0x8FFFFFFF  }
0x98: {  	s19 =	sld [smem:$0x3FDB];
	_ =	sdelay $0x1  }
0x99: {  	s4 =	simm.s32 $_scs_section_size  }
0x9a: {  	s5 =	simm.s32 $_size__tile_overlayer_lowered;
	s6 =	simm.s32 $_tile_overlayer_lowered  }
0x9b: {  	s22 =	simm.s32 $0x1BFF;
	s21 =	sshll.u32 s6, $0x1;
	s3 =	sadd.s32 s4, s19  }
0x9c: {  	s7 =	simm.s32 $0x0;
	s20 =	sshll.u32 s5, $0x1;
	s5 =	sadd.s32 s21, s3  }
0x9d: {  	[timem:s7], [sflag:s22] =	dma.local [hbm:s5], s20  }
0x9e: {  	_ =	swait.ge [sflag:s22], s20  }
0x9f: {  	s4 =	ssub.s32 $0x0, s20;
	[sflag:s22] =	ssyncset.done $0x0  }
0xa0: {  	[sflag:s22] =	ssyncadd.s32 s4;
	_ =	sdelay $0x1  }
0xa1: {  	s23 =	simm.s32 $0x1B8B  }
0xa2: {  	_ =	swait.ge [sflag:s23], $0x1  }
0xa3: {  	[sflag:s23] =	ssyncset.done $0x0  }
0xa4: {  	s25 =	simm.s32 $0x1B8E;
	s24 =	sld [smem:$0x3FFE];
	[sflag:s23] =	ssyncadd.s32 $0xFFFFFFFF  }
0xa5: {  	s26 =	simm.s32 $execute0_lowered;
	[smem:$0x3FD2] =	sst s25  }
0xa6: {  	s5 =	sshll.u32 s26, $0x1;
	_ =	strace $0x80000046;
	[dreg:$0x1] =	wrdreg $0xFFFFFFFF  }
0xa7: {  	s28 =	simm.s32 $_size_execute0_lowered;
	s3 =	sadd.s32 s3, s5;
	[dreg:$0x0] =	wrdreg $0x0  }
0xa8: {  	s5 =	sshll.u32 s28, $0x1;
	[dreg:$0x2] =	wrdreg s3  }
0xa9: {  	[dreg:$0x3] =	wrdreg s5  }
0xaa: {  	[dreg:$0x4] =	wrdreg $0xC0  }
0xab: {  	_ =	task [dreg:s7], $0x5FFFF  }
0xac: {  	[dreg:$0x1] =	wrdreg $0xFFFFFFFF  }
0xad: {  	[dreg:$0x0] =	wrdreg $0x60  }
0xae: {  	[dreg:$0x2] =	wrdreg s24  }
0xaf: {  	[dreg:$0x3] =	wrdreg s2  }
0xb0: {  	[dreg:$0x4] =	wrdreg $0x9  }
0xb1: {  	_ =	task.clear_ibuf [dreg:s7], $0x5FFFF;
	_ =	strace $0x90000046  }
0xb2: {  	s29 =	simm.s32 $0x9;
	_ =	strace $0x80000048  }
0xb3: {  	_ =	swait.ge [sflag:s29], $0x1  }
0xb4: {  	[sflag:s29] =	ssyncadd.s32 $0xFFFFFFFF  }
0xb5: {  	_ =	strace $0x90000048  }
0xb6: {  	_ =	sfence  }
0xb7: {  	s30 =	sld [smem:$0x0];
	_ =	sdelay $0x2  }
0xb8: {  	s31 =	sshll.u32 s1, $0xD;
	s1 =	sshrl.u32 s1, $0x2  }
0xb9: {  	s3 =	sand.u32 $0x4000, s31;
	s1 =	sadd.s32 s1, s30  }
0xba: {  	s0 =	sor.u32 s3, s0;
	s1 =	sshll.u32 s1, $0x11  }
0xbb: {  	s0 =	sor.u32 s1, s0  }
0xbc: {  	s0 =	sadd.s32 $0x8F2B, s0  }
0xbd: {  	[sflag:s0] =	ssyncadd.remote.s32 $0x1  }
0xbe: {  	_ =	sfence.sel $0xFFFF  }
0xbf: {  	[dreg:$0x0] =	wrdreg $0xFFFFFFFF;
	(pc) =	sbr.abs _section_cstart, $3  }
0xc0: {  	[dreg:$0x1] =	wrdreg $0xFFFFFFFF  }
0xc1: {  	_ =	task.clear_ibuf [dreg:s7], $0x2FFFF;
	_ =	strace $0x9FFFFFFF  }
0xc2: {  	(tm) =	ssettm $0x7FFFFFFF  }
0xc3: {  	_ =	shalt  }
tec
execute0_lowered:
.L_overlay_start_1:
0x0: {  	(tag) =	ssettag $0x1  }
0x1: {  	s0 =	srdreg.scid  }
0x2: {  	s1 =	stileid.u32;
	s0 =	sand.u32 $0x1, s0  }
0x3: {  	s1 =	sshll.u32 s1, $0x6;
	s2 =	sshll.u32 s0, $0x5  }
0x4: {  	s3 =	sor.u32 s2, s1  }
0x5: {  	s1 =	sor.u32 $0x1, s3  }
0x6: {  	s2 =	sor.u32 $0x2, s3;
	s17 =	smul.u32 $0x1B00, s1  }
0x7: {  	s5 =	sor.u32 $0x3, s3;
	s18 =	smul.u32 $0x1B00, s2  }
0x8: {  	s7 =	sor.u32 $0x4, s3;
	s19 =	smul.u32 $0x1B00, s5  }
0x9: {  	s20 =	smul.u32 $0x1B00, s7  }
0xa: {  	s8 =	sor.u32 $0x5, s3;
	s1 =	smul.u32 $0x900, s1  }
0xb: {  	s22 =	smul.u32 $0x1B00, s8  }
0xc: {  	s6 =	sor.u32 $0x6, s3;
	s4 =	smul.u32 $0x900, s2  }
0xd: {  	s23 =	smul.u32 $0x1B00, s6  }
0xe: {  	s10 =	sor.u32 $0x7, s3;
	s9 =	smul.u32 $0x900, s5  }
0xf: {  	s29 =	rddreg [dreg:$0x0];
	s24 =	smul.u32 $0x1B00, s10  }
0x10: {  	s16 =	rddreg [dreg:$0x1];
	s11 =	sor.u32 $0x8, s3;
	s12 =	smul.u32 $0x900, s7  }
0x11: {  	[dreg:$0x3] =	wrdreg s16;
	s25 =	smul.u32 $0x1B00, s11  }
0x12: {  	s0 =	ssub.s32 $0x2, s0;
	s13 =	smul.u32 $0x900, s8;
	s2 =	simm.s32 $0x0  }
0x13: {  	s16 =	sshrl.u32 s0, $0x1;
	s14 =	smul.u32 $0x900, s6;
	[smem:$0x7FF] =	sst s2  }
0x14: {  	s31 =	sor.u32 $0xB, s3;
	s15 =	smul.u32 $0x900, s10;
	[smem:$0x7D5] =	sst s1  }
0x15: {  	s0 =	ssub.s32 s0, s16;
	s21 =	smul.u32 $0x900, s11;
	[smem:$0x7D7] =	sst s4  }
0x16: {  	s6 =	smul.u32 $0x1B00, s3;
	s7 =	sor.u32 $0xE, s3;
	[smem:$0x7DD] =	sst s13  }
0x17: {  	[smem:$0x7DF] =	sst s14;
	s13 =	sor.u32 $0xA, s3;
	s14 =	smul.u32 $0x900, s31  }
0x18: {  	[smem:$0x7DB] =	sst s12;
	s12 =	sor.u32 $0x9, s3;
	s28 =	smul.u32 $0x1B00, s13  }
0x19: {  	s5 =	sadd.s32 $0x6C0A00, s29;
	[smem:$0x7D9] =	sst s9;
	s30 =	smul.u32 $0x900, s12  }
0x1a: {  	[smem:$0x7E1] =	sst s15;
	s1 =	sor.u32 $0xC, s3;
	s13 =	smul.u32 $0x900, s13  }
0x1b: {  	[smem:$0x7E3] =	sst s21;
	s21 =	sor.u32 $0xD, s3;
	s15 =	smul.u32 $0x900, s1  }
0x1c: {  	s4 =	sadd.s32 $0x6C0800, s29;
	s16 =	smul.u32 $0x900, s21;
	[smem:$0x7E5] =	sst s30  }
0x1d: {  	s14 =	sadd.s32 s5, s14;
	_ =	strace $0x80000047;
	[dreg:$0x4] =	wrdreg s4  }
0x1e: {  	s30 =	smul.u32 $0x1B00, s31;
	s13 =	sadd.s32 s5, s13;
	[smem:$0x7FD] =	sst s0  }
0x1f: {  	s4 =	smul.u32 $0x1B00, s21;
	s21 =	sadd.s32 $0x800, s29;
	[smem:$0x7E7] =	sst s13  }
0x20: {  	s31 =	smul.u32 $0x1B00, s1;
	[smem:$0x7E8] =	sst s14;
	s1 =	sadd.s32 s21, s6  }
0x21: {  	s8 =	sor.u32 $0xF, s3;
	s6 =	sadd.s32 s21, s17;
	[dreg:$0x6] =	wrdreg s1  }
0x22: {  	s11 =	smul.u32 $0x1B00, s8;
	s9 =	sadd.s32 s21, s18;
	[dreg:$0x7] =	wrdreg s6  }
0x23: {  	s26 =	smul.u32 $0x1B00, s12;
	s10 =	sadd.s32 s21, s19;
	[dreg:$0x8] =	wrdreg s9  }
0x24: {  	s12 =	smul.u32 $0x900, s3;
	s18 =	sadd.s32 s21, s20;
	[dreg:$0x9] =	wrdreg s10  }
0x25: {  	s17 =	smul.u32 $0x900, s7;
	s20 =	sadd.s32 s21, s22;
	[dreg:$0xa] =	wrdreg s18  }
0x26: {  	s19 =	sor.u32 $0x10, s3;
	s22 =	sadd.s32 s21, s23;
	[dreg:$0xb] =	wrdreg s20  }
0x27: {  	s23 =	sadd.s32 s21, s24;
	s24 =	sor.u32 $0x11, s3;
	[dreg:$0xc] =	wrdreg s22  }
0x28: {  	s25 =	sadd.s32 s21, s25;
	s1 =	smul.u32 $0x1B00, s7;
	[dreg:$0xd] =	wrdreg s23  }
0x29: {  	s26 =	sadd.s32 s21, s26;
	s18 =	smul.u32 $0x900, s8;
	[dreg:$0xe] =	wrdreg s25  }
0x2a: {  	s28 =	sadd.s32 s21, s28;
	s22 =	smul.u32 $0x1B00, s19;
	[dreg:$0xf] =	wrdreg s26  }
0x2b: {  	s30 =	sadd.s32 s21, s30;
	s23 =	smul.u32 $0x1B00, s24;
	[dreg:$0x10] =	wrdreg s28  }
0x2c: {  	s29 =	sor.u32 $0x15, s3;
	[dreg:$0x11] =	wrdreg s30;
	s20 =	smul.u32 $0x900, s24  }
0x2d: {  	s7 =	sadd.s32 s21, s31;
	s24 =	sor.u32 $0x12, s3;
	s8 =	sadd.s32 s21, s4  }
0x2e: {  	s25 =	sor.u32 $0x13, s3;
	s26 =	sor.u32 $0x14, s3;
	s10 =	sadd.s32 s21, s11  }
0x2f: {  	s30 =	sor.u32 $0x16, s3;
	[dreg:$0x12] =	wrdreg s7;
	s9 =	smul.u32 $0x1B00, s24  }
0x30: {  	s31 =	sor.u32 $0x17, s3;
	[dreg:$0x13] =	wrdreg s8;
	s6 =	smul.u32 $0x1B00, s25  }
0x31: {  	[dreg:$0x15] =	wrdreg s10;
	s11 =	smul.u32 $0x1B00, s26;
	s1 =	sadd.s32 s21, s1  }
0x32: {  	s10 =	smul.u32 $0x1B00, s31;
	s7 =	sadd.s32 s21, s22;
	[dreg:$0x14] =	wrdreg s1  }
0x33: {  	s22 =	smul.u32 $0x1B00, s29;
	s8 =	sadd.s32 s21, s23;
	[dreg:$0x16] =	wrdreg s7  }
0x34: {  	s0 =	sor.u32 $0x18, s3;
	s23 =	smul.u32 $0x1B00, s30;
	[dreg:$0x17] =	wrdreg s8  }
0x35: {  	s9 =	sadd.s32 s21, s9;
	s1 =	sadd.s32 s21, s6;
	s6 =	sor.u32 $0x19, s3  }
0x36: {  	s11 =	sadd.s32 s21, s11;
	s7 =	sor.u32 $0x1A, s3;
	[dreg:$0x18] =	wrdreg s9  }
0x37: {  	s8 =	sor.u32 $0x1B, s3;
	s4 =	sadd.s32 s21, s10;
	[dreg:$0x19] =	wrdreg s1  }
0x38: {  	s10 =	sor.u32 $0x1D, s3;
	s1 =	smul.u32 $0x1B00, s0;
	[dreg:$0x1a] =	wrdreg s11  }
0x39: {  	s28 =	smul.u32 $0x1B00, s6;
	s22 =	sadd.s32 s21, s22;
	[dreg:$0x1d] =	wrdreg s4  }
0x3a: {  	s9 =	sadd.s32 s21, s23;
	s23 =	smul.u32 $0x1B00, s8;
	[dreg:$0x1b] =	wrdreg s22  }
0x3b: {  	s11 =	sor.u32 $0x1E, s3;
	[dreg:$0x1c] =	wrdreg s9;
	s1 =	sadd.s32 s21, s1  }
0x3c: {  	s0 =	smul.u32 $0x900, s0;
	s28 =	sadd.s32 s21, s28;
	[dreg:$0x1e] =	wrdreg s1  }
0x3d: {  	s6 =	smul.u32 $0x900, s6;
	s23 =	sadd.s32 s21, s23;
	[dreg:$0x1f] =	wrdreg s28  }
0x3e: {  	s22 =	smul.u32 $0x1B00, s7;
	s0 =	sadd.s32 s5, s0;
	[smem:$0x7CF] =	sst s23  }
0x3f: {  	s9 =	sor.u32 $0x1C, s3;
	s6 =	sadd.s32 s5, s6;
	[smem:$0x7F5] =	sst s0  }
0x40: {  	s4 =	smul.u32 $0x1B00, s9;
	s22 =	sadd.s32 s21, s22;
	[smem:$0x7F6] =	sst s6  }
0x41: {  	s3 =	sor.u32 $0x1F, s3;
	s1 =	smul.u32 $0x1B00, s10;
	[smem:$0x7CE] =	sst s22  }
0x42: {  	s23 =	smul.u32 $0x1B00, s3;
	s4 =	sadd.s32 s21, s4;
	s22 =	sld [smem:$0x7D5]  }
0x43: {  	s28 =	smul.u32 $0x1B00, s11;
	[smem:$0x7D0] =	sst s4  }
0x44: {  	s1 =	sadd.s32 s21, s1;
	s4 =	sadd.s32 s21, s23;
	s23 =	sld [smem:$0x7D7]  }
0x45: {  	s28 =	sadd.s32 s21, s28;
	[smem:$0x7D1] =	sst s1  }
0x46: {  	[smem:$0x7D2] =	sst s28  }
0x47: {  	s21 =	sadd.s32 s5, s12;
	[smem:$0x7D3] =	sst s4  }
0x48: {  	[smem:$0x7D4] =	sst s21  }
0x49: {  	s1 =	smul.u32 $0x900, s24;
	s24 =	sld [smem:$0x7D9]  }
0x4a: {  	s28 =	sld [smem:$0x7DF];
	s4 =	sadd.s32 s5, s22  }
0x4b: {  	[smem:$0x7D6] =	sst s4  }
0x4c: {  	s4 =	sadd.s32 s5, s23;
	s23 =	sld [smem:$0x7E3]  }
0x4d: {  	[smem:$0x7D8] =	sst s4  }
0x4e: {  	s1 =	sadd.s32 s5, s1;
	s4 =	smul.u32 $0x900, s25;
	s25 =	sld [smem:$0x7DB]  }
0x4f: {  	s12 =	sadd.s32 s5, s24;
	[smem:$0x7EF] =	sst s1  }
0x50: {  	s24 =	smul.u32 $0x900, s30;
	s30 =	sadd.s32 s5, s17;
	[smem:$0x7DA] =	sst s12  }
0x51: {  	[smem:$0x7EB] =	sst s30;
	s30 =	simm.s32 $0x80  }
0x52: {  	[dreg:$0x5] =	wrdreg s30;
	s12 =	sadd.s32 s5, s25  }
0x53: {  	s17 =	smul.u32 $0x900, s8;
	[smem:$0x7DC] =	sst s12  }
0x54: {  	s12 =	smul.u32 $0x900, s26;
	s26 =	sld [smem:$0x7DD]  }
0x55: {  	s4 =	sadd.s32 s5, s4;
	s25 =	sld [smem:$0x7E5]  }
0x56: {  	s1 =	sadd.s32 s5, s17;
	[smem:$0x7F0] =	sst s4  }
0x57: {  	[smem:$0x7F8] =	sst s1;
	s21 =	sadd.s32 s5, s26  }
0x58: {  	s26 =	smul.u32 $0x900, s31;
	s31 =	sadd.s32 s5, s18;
	[smem:$0x7DE] =	sst s21  }
0x59: {  	s18 =	sadd.s32 s5, s12;
	[smem:$0x7EC] =	sst s31  }
0x5a: {  	s21 =	sadd.s32 s5, s28;
	[smem:$0x7F1] =	sst s18  }
0x5b: {  	s19 =	smul.u32 $0x900, s19;
	[smem:$0x7E0] =	sst s21  }
0x5c: {  	s21 =	smul.u32 $0x900, s29;
	s29 =	sld [smem:$0x7E1]  }
0x5d: {  	s28 =	sadd.s32 s5, s15;
	s31 =	sld [smem:$0x7FD]  }
0x5e: {  	s15 =	sadd.s32 s5, s19;
	[smem:$0x7E9] =	sst s28  }
0x5f: {  	[smem:$0x7ED] =	sst s15;
	s22 =	sadd.s32 s5, s29  }
0x60: {  	s29 =	sadd.s32 s5, s16;
	[smem:$0x7E2] =	sst s22  }
0x61: {  	s16 =	sadd.s32 s5, s20;
	[smem:$0x7EA] =	sst s29  }
0x62: {  	s20 =	sadd.s32 s5, s21;
	[smem:$0x7EE] =	sst s16  }
0x63: {  	s21 =	sadd.s32 s5, s24;
	[smem:$0x7F2] =	sst s20  }
0x64: {  	s7 =	smul.u32 $0x900, s7;
	s22 =	sadd.s32 s5, s23;
	[smem:$0x7F3] =	sst s21  }
0x65: {  	s3 =	smul.u32 $0x900, s3;
	s23 =	sadd.s32 s5, s25;
	[smem:$0x7E4] =	sst s22  }
0x66: {  	s25 =	sadd.s32 s5, s7;
	[smem:$0x7E6] =	sst s23  }
0x67: {  	s19 =	smul.u32 $0x900, s9;
	s29 =	sadd.s32 s5, s3;
	[smem:$0x7F7] =	sst s25  }
0x68: {  	s24 =	smul.u32 $0x900, s11;
	s23 =	sadd.s32 s5, s26;
	[smem:$0x7FC] =	sst s29  }
0x69: {  	s22 =	smul.u32 $0x900, s10;
	s26 =	sadd.s32 s5, s19;
	[smem:$0x7F4] =	sst s23  }
0x6a: {  	v2 =	vlaneseq.u32;
	vm1 =	vcmask $0x2720;
	vm2 =	vcmask $0x700;
	s0 =	sadd.s32 s5, s24;
	[smem:$0x7F9] =	sst s26  }
0x6b: {  	vm0 =	vmmov $0xffff;
	v0 =	vand.u32 $0x7, v2;
	v1 =	vshrl.u32 v2, $0x3;
	[smem:$0x7FB] =	sst s0;
	s28 =	sadd.s32 s5, s22  }
0x6c: {  	v2 =	vor.u32 $0x8, v2;
	vm1 =	vmor vm2, vm1;
	v1 =	vmul.u32 $0x8, v1;
	s7 =	smax.u32 s31, $0x1;
	[smem:$0x7FA] =	sst s28  }
.LBB2_1:
0x6d: {  	[smem:$0x7CD] =	sst s7  }
0x6e: {  	s9 =	rddreg [dreg:$0x3];
	s11 =	simm.s32 $0xD  }
0x6f: {  	[tilespmem:s2], [sflag:$0xD] =	stream.linear.gather [hbm4b:s9+s2], $0x80, $0x38;
	[tilespmem:$0x1B100] =	vst v63  }
0x70: {  	_ =	swait.ge [sflag:s11], $0x80  }
0x71: {  	s22 =	rddreg [dreg:$0x4];
	[sflag:s11] =	ssyncset.done $0x0  }
0x72: {  	s10 =	rddreg [dreg:$0x5];
	[sflag:s11] =	ssyncadd.s32 $0xFFFFFF80  }
0x73: {  	[tilespmem:s10], [sflag:$0xD] =	stream.linear.gather [hbm4b:s22+s2], $0x80, $0x38;
	[tilespmem:$0x1B100] =	vst v63  }
0x74: {  	_ =	swait.ge [sflag:s11], $0x80  }
0x75: {  	[sflag:s11] =	ssyncset.done $0x0  }
0x76: {  	[sflag:s11] =	ssyncadd.s32 $0xFFFFFF80  }
0x77: {  	v3 =	vld [tilespmem:$0x0];
	_ =	sdelay $0x4  }
0x78: {  	v4 =	vshrl.u32 v3, $0x3  }
0x79: {  	v4 =	vmul.u32 $0x30, v4  }
0x7a: {  	v3 =	vand.u32 $0x7, v3  }
0x7b: {  	v3 =	vor.u32 v3, v4  }
0x7c: {  	v4 =	vperm.xlane v3, v0;
	_ =	sdelay $0x1  }
0x7d: {  	v4 =	vadd.s32 v1, v4;
	_ =	sdelay $0x3  }
0x7e: {  	s4 =	simm.s32 $0x100;
	s23 =	rddreg [dreg:$0x6];
	v3 =	vperm.xlane v3, v2  }
0x7f: {  	[tilespmem:s4], [sflag:$0x1] =	stream.indirect_vreg.gather [hbm4b:s23+s2], $0x80, v4, vm0, $0xb8;
	[tilespmem:$0x1B100] =	vst v63  }
0x80: {  	s26 =	simm.s32 $0x900;
	s24 =	sadd.s32 $0x100, s23;
	v3 =	vadd.s32 v1, v3  }
0x81: {  	[tilespmem:s26], [sflag:$0x1] =	stream.indirect_vreg.gather [hbm4b:s24+s2], $0x80, v4, vm0, $0xb8;
	[tilespmem:$0x1B100] =	vst v63  }
0x82: {  	s29 =	simm.s32 $0x1100;
	s28 =	sadd.s32 $0x200, s23  }
0x83: {  	[tilespmem:s29], [sflag:$0x1] =	stream.indirect_vreg.gather [hbm4b:s28+s2], $0x80, v4, vm0, $0xb8;
	[tilespmem:$0x1B100] =	vst v63  }
0x84: {  	s30 =	simm.s32 $0x1900  }
0x85: {  	[tilespmem:s30], [sflag:$0x1] =	stream.indirect_vreg.gather [hbm4b:s23+s2], $0x80, v3, vm0, $0xb8;
	[tilespmem:$0x1B100] =	vst v63  }
0x86: {  	s31 =	simm.s32 $0x2100  }
0x87: {  	[tilespmem:s31], [sflag:$0x1] =	stream.indirect_vreg.gather [hbm4b:s24+s2], $0x80, v3, vm0, $0xb8;
	[tilespmem:$0x1B100] =	vst v63  }
0x88: {  	s0 =	simm.s32 $0x2900  }
0x89: {  	[tilespmem:s0], [sflag:$0x1] =	stream.indirect_vreg.gather [hbm4b:s28+s2], $0x80, v3, vm0, $0xb8;
	[tilespmem:$0x1B100] =	vst v63  }
0x8a: {  	v3 =	vld.msk [tilespmem:$0x10], $0x3;
	_ =	sdelay $0x4  }
0x8b: {  	v49 =	vshrl.u32 v3, $0x3  }
0x8c: {  	v4 =	vmul.u32 $0x30, v49  }
0x8d: {  	v3 =	vand.u32 $0x7, v3  }
0x8e: {  	v3 =	vor.u32 v3, v4  }
0x8f: {  	v3 =	vperm.xlane v3, v0;
	_ =	sdelay $0x1  }
0x90: {  	v3 =	vadd.s32 v1, v3;
	_ =	sdelay $0x3  }
0x91: {  	s1 =	simm.s32 $0x3100  }
0x92: {  	[tilespmem:s1], [sflag:$0x1] =	stream.indirect_vreg.gather [hbm4b:s23+s2], $0x80, v3, vm1, $0xb8;
	[tilespmem:$0x1B100] =	vst v63  }
0x93: {  	s3 =	simm.s32 $0x3900  }
0x94: {  	[tilespmem:s3], [sflag:$0x1] =	stream.indirect_vreg.gather [hbm4b:s24+s2], $0x80, v3, vm1, $0xb8;
	[tilespmem:$0x1B100] =	vst v63  }
0x95: {  	s5 =	simm.s32 $0x4100  }
0x96: {  	[tilespmem:s5], [sflag:$0x1] =	stream.indirect_vreg.gather [hbm4b:s28+s2], $0x80, v3, vm1, $0xb8;
	[tilespmem:$0x1B100] =	vst v63  }
0x97: {  	v3 =	vld [tilespmem:$0x0];
	_ =	sdelay $0x4  }
0x98: {  	v50 =	vshrl.u32 v3, $0x3  }
0x99: {  	v4 =	vmul.u32 $0x30, v50  }
0x9a: {  	v3 =	vand.u32 $0x7, v3  }
0x9b: {  	v3 =	vor.u32 v3, v4  }
0x9c: {  	v4 =	vperm.xlane v3, v0;
	_ =	sdelay $0x1  }
0x9d: {  	v4 =	vadd.s32 v1, v4;
	_ =	sdelay $0x3  }
0x9e: {  	s7 =	simm.s32 $0x4900;
	s6 =	rddreg [dreg:$0x7];
	v3 =	vperm.xlane v3, v2  }
0x9f: {  	[tilespmem:s7], [sflag:$0x2] =	stream.indirect_vreg.gather [hbm4b:s6+s2], $0x80, v4, vm0, $0xb8;
	[tilespmem:$0x1B100] =	vst v63  }
0xa0: {  	s10 =	simm.s32 $0x5100;
	s8 =	sadd.s32 $0x100, s6;
	v3 =	vadd.s32 v1, v3  }
0xa1: {  	[tilespmem:s10], [sflag:$0x2] =	stream.indirect_vreg.gather [hbm4b:s8+s2], $0x80, v4, vm0, $0xb8;
	[tilespmem:$0x1B100] =	vst v63  }
0xa2: {  	s15 =	simm.s32 $0x5900;
	s12 =	sadd.s32 $0x200, s6  }
0xa3: {  	[tilespmem:s15], [sflag:$0x2] =	stream.indirect_vreg.gather [hbm4b:s12+s2], $0x80, v4, vm0, $0xb8;
	[tilespmem:$0x1B100] =	vst v63  }
0xa4: {  	s16 =	simm.s32 $0x6100  }
0xa5: {  	[tilespmem:s16], [sflag:$0x2] =	stream.indirect_vreg.gather [hbm4b:s6+s2], $0x80, v3, vm0, $0xb8;
	[tilespmem:$0x1B100] =	vst v63  }
0xa6: {  	s17 =	simm.s32 $0x6900  }
0xa7: {  	[tilespmem:s17], [sflag:$0x2] =	stream.indirect_vreg.gather [hbm4b:s8+s2], $0x80, v3, vm0, $0xb8;
	[tilespmem:$0x1B100] =	vst v63  }
0xa8: {  	s0 =	simm.s32 $0x7100  }
0xa9: {  	[tilespmem:s0], [sflag:$0x2] =	stream.indirect_vreg.gather [hbm4b:s12+s2], $0x80, v3, vm0, $0xb8;
	[tilespmem:$0x1B100] =	vst v63  }
0xaa: {  	v3 =	vld.msk [tilespmem:$0x10], $0x3;
	_ =	sdelay $0x4  }
0xab: {  	v51 =	vshrl.u32 v3, $0x3  }
0xac: {  	v4 =	vmul.u32 $0x30, v51  }
0xad: {  	v3 =	vand.u32 $0x7, v3  }
0xae: {  	v3 =	vor.u32 v3, v4  }
0xaf: {  	v3 =	vperm.xlane v3, v0;
	_ =	sdelay $0x1  }
0xb0: {  	v3 =	vadd.s32 v1, v3;
	_ =	sdelay $0x3  }
0xb1: {  	s18 =	simm.s32 $0x7900  }
0xb2: {  	[tilespmem:s18], [sflag:$0x2] =	stream.indirect_vreg.gather [hbm4b:s6+s2], $0x80, v3, vm1, $0xb8;
	[tilespmem:$0x1B100] =	vst v63  }
0xb3: {  	s20 =	simm.s32 $0x8100  }
0xb4: {  	[tilespmem:s20], [sflag:$0x2] =	stream.indirect_vreg.gather [hbm4b:s8+s2], $0x80, v3, vm1, $0xb8;
	[tilespmem:$0x1B100] =	vst v63  }
0xb5: {  	s21 =	simm.s32 $0x8900  }
0xb6: {  	[tilespmem:s21], [sflag:$0x2] =	stream.indirect_vreg.gather [hbm4b:s12+s2], $0x80, v3, vm1, $0xb8;
	[tilespmem:$0x1B100] =	vst v63  }
0xb7: {  	v3 =	vld [tilespmem:$0x0];
	_ =	sdelay $0x4  }
0xb8: {  	v52 =	vshrl.u32 v3, $0x3  }
0xb9: {  	v4 =	vmul.u32 $0x30, v52  }
0xba: {  	v3 =	vand.u32 $0x7, v3  }
0xbb: {  	v3 =	vor.u32 v3, v4  }
0xbc: {  	v4 =	vperm.xlane v3, v0;
	_ =	sdelay $0x1  }
0xbd: {  	v4 =	vadd.s32 v1, v4;
	_ =	sdelay $0x3  }
0xbe: {  	s26 =	rddreg [dreg:$0x8];
	s1 =	simm.s32 $0x9100;
	v3 =	vperm.xlane v3, v2  }
0xbf: {  	[tilespmem:s1], [sflag:$0x3] =	stream.indirect_vreg.gather [hbm4b:s26+s2], $0x80, v4, vm0, $0xb8;
	[tilespmem:$0x1B100] =	vst v63  }
0xc0: {  	s29 =	sadd.s32 $0x100, s26;
	s30 =	simm.s32 $0x9900;
	v3 =	vadd.s32 v1, v3  }
0xc1: {  	[tilespmem:s30], [sflag:$0x3] =	stream.indirect_vreg.gather [hbm4b:s29+s2], $0x80, v4, vm0, $0xb8;
	[tilespmem:$0x1B100] =	vst v63  }
0xc2: {  	s31 =	sadd.s32 $0x200, s26;
	s5 =	simm.s32 $0xA100  }
0xc3: {  	[tilespmem:s5], [sflag:$0x3] =	stream.indirect_vreg.gather [hbm4b:s31+s2], $0x80, v4, vm0, $0xb8;
	[tilespmem:$0x1B100] =	vst v63  }
0xc4: {  	s6 =	simm.s32 $0xA900  }
0xc5: {  	[tilespmem:s6], [sflag:$0x3] =	stream.indirect_vreg.gather [hbm4b:s26+s2], $0x80, v3, vm0, $0xb8;
	[tilespmem:$0x1B100] =	vst v63  }
0xc6: {  	s8 =	simm.s32 $0xB100  }
0xc7: {  	[tilespmem:s8], [sflag:$0x3] =	stream.indirect_vreg.gather [hbm4b:s29+s2], $0x80, v3, vm0, $0xb8;
	[tilespmem:$0x1B100] =	vst v63  }
0xc8: {  	s12 =	simm.s32 $0xB900  }
0xc9: {  	[tilespmem:s12], [sflag:$0x3] =	stream.indirect_vreg.gather [hbm4b:s31+s2], $0x80, v3, vm0, $0xb8;
	[tilespmem:$0x1B100] =	vst v63  }
0xca: {  	v3 =	vld.msk [tilespmem:$0x10], $0x3;
	_ =	sdelay $0x4  }
0xcb: {  	v53 =	vshrl.u32 v3, $0x3  }
0xcc: {  	v4 =	vmul.u32 $0x30, v53  }
0xcd: {  	v3 =	vand.u32 $0x7, v3  }
0xce: {  	v3 =	vor.u32 v3, v4  }
0xcf: {  	v3 =	vperm.xlane v3, v0;
	_ =	sdelay $0x1  }
0xd0: {  	v3 =	vadd.s32 v1, v3;
	_ =	sdelay $0x3  }
0xd1: {  	s15 =	simm.s32 $0xC100  }
0xd2: {  	[tilespmem:s15], [sflag:$0x3] =	stream.indirect_vreg.gather [hbm4b:s26+s2], $0x80, v3, vm1, $0xb8;
	[tilespmem:$0x1B100] =	vst v63  }
0xd3: {  	s16 =	simm.s32 $0xC900  }
0xd4: {  	[tilespmem:s16], [sflag:$0x3] =	stream.indirect_vreg.gather [hbm4b:s29+s2], $0x80, v3, vm1, $0xb8;
	[tilespmem:$0x1B100] =	vst v63  }
0xd5: {  	s17 =	simm.s32 $0xD100  }
0xd6: {  	[tilespmem:s17], [sflag:$0x3] =	stream.indirect_vreg.gather [hbm4b:s31+s2], $0x80, v3, vm1, $0xb8;
	[tilespmem:$0x1B100] =	vst v63  }
0xd7: {  	v3 =	vld [tilespmem:$0x0];
	_ =	sdelay $0x4  }
0xd8: {  	v54 =	vshrl.u32 v3, $0x3  }
0xd9: {  	v4 =	vmul.u32 $0x30, v54  }
0xda: {  	v3 =	vand.u32 $0x7, v3  }
0xdb: {  	v3 =	vor.u32 v3, v4  }
0xdc: {  	v4 =	vperm.xlane v3, v0;
	_ =	sdelay $0x1  }
0xdd: {  	v4 =	vadd.s32 v1, v4;
	_ =	sdelay $0x3  }
0xde: {  	s18 =	rddreg [dreg:$0x9];
	s20 =	simm.s32 $0xD900;
	v3 =	vperm.xlane v3, v2  }
0xdf: {  	[tilespmem:s20], [sflag:$0x4] =	stream.indirect_vreg.gather [hbm4b:s18+s2], $0x80, v4, vm0, $0xb8;
	[tilespmem:$0x1B100] =	vst v63  }
0xe0: {  	s26 =	sadd.s32 $0x100, s18;
	s29 =	simm.s32 $0xE100;
	v3 =	vadd.s32 v1, v3  }
0xe1: {  	[tilespmem:s29], [sflag:$0x4] =	stream.indirect_vreg.gather [hbm4b:s26+s2], $0x80, v4, vm0, $0xb8;
	[tilespmem:$0x1B100] =	vst v63  }
0xe2: {  	s30 =	sadd.s32 $0x200, s18;
	s31 =	simm.s32 $0xE900  }
0xe3: {  	[tilespmem:s31], [sflag:$0x4] =	stream.indirect_vreg.gather [hbm4b:s30+s2], $0x80, v4, vm0, $0xb8;
	[tilespmem:$0x1B100] =	vst v63  }
0xe4: {  	s12 =	simm.s32 $0xF100  }
0xe5: {  	[tilespmem:s12], [sflag:$0x4] =	stream.indirect_vreg.gather [hbm4b:s18+s2], $0x80, v3, vm0, $0xb8;
	[tilespmem:$0x1B100] =	vst v63  }
0xe6: {  	s15 =	simm.s32 $0xF900  }
0xe7: {  	[tilespmem:s15], [sflag:$0x4] =	stream.indirect_vreg.gather [hbm4b:s26+s2], $0x80, v3, vm0, $0xb8;
	[tilespmem:$0x1B100] =	vst v63  }
0xe8: {  	s16 =	simm.s32 $0x10100  }
0xe9: {  	[tilespmem:s16], [sflag:$0x4] =	stream.indirect_vreg.gather [hbm4b:s30+s2], $0x80, v3, vm0, $0xb8;
	[tilespmem:$0x1B100] =	vst v63  }
0xea: {  	v3 =	vld.msk [tilespmem:$0x10], $0x3;
	_ =	sdelay $0x4  }
0xeb: {  	v55 =	vshrl.u32 v3, $0x3  }
0xec: {  	v4 =	vmul.u32 $0x30, v55  }
0xed: {  	v3 =	vand.u32 $0x7, v3  }
0xee: {  	v3 =	vor.u32 v3, v4  }
0xef: {  	v3 =	vperm.xlane v3, v0;
	_ =	sdelay $0x1  }
0xf0: {  	v3 =	vadd.s32 v1, v3;
	_ =	sdelay $0x3  }
0xf1: {  	s17 =	simm.s32 $0x10900  }
0xf2: {  	[tilespmem:s17], [sflag:$0x4] =	stream.indirect_vreg.gather [hbm4b:s18+s2], $0x80, v3, vm1, $0xb8;
	[tilespmem:$0x1B100] =	vst v63  }
0xf3: {  	s18 =	simm.s32 $0x11100  }
0xf4: {  	[tilespmem:s18], [sflag:$0x4] =	stream.indirect_vreg.gather [hbm4b:s26+s2], $0x80, v3, vm1, $0xb8;
	[tilespmem:$0x1B100] =	vst v63  }
0xf5: {  	s20 =	simm.s32 $0x11900;
	s26 =	simm.s32 $0x1  }
0xf6: {  	[tilespmem:s20], [sflag:$0x4] =	stream.indirect_vreg.gather [hbm4b:s30+s2], $0x80, v3, vm1, $0xb8;
	[tilespmem:$0x1B100] =	vst v63  }
0xf7: {  	_ =	swait.ge [sflag:s26], $0x3600  }
0xf8: {  	[sflag:s26] =	ssyncset.done $0x0  }
0xf9: {  	[sflag:s26] =	ssyncadd.s32 $0xFFFFCA00  }
0xfa: {  	v3 =	vld [tilespmem:$0x80];
	_ =	sdelay $0x4  }
0xfb: {  	v56 =	vshrl.u32 v3, $0x3  }
0xfc: {  	v4 =	vmul.u32 $0x30, v56  }
0xfd: {  	v3 =	vand.u32 $0x7, v3  }
0xfe: {  	v3 =	vor.u32 v3, v4  }
0xff: {  	v4 =	vperm.xlane v3, v0;
	_ =	sdelay $0x1  }
0x100: {  	v4 =	vadd.s32 v1, v4;
	_ =	sdelay $0x1  }
0x101: {  	s29 =	sld [smem:$0x7D4];
	_ =	sdelay $0x1  }
0x102: {  	s14 =	simm.s32 $0x100;
	v3 =	vperm.xlane v3, v2  }
0x103: {  	[hbm4b:s29+s2] =	stream.indirect_vreg.scatter [tilespmem:s14], [sflag:$0x7], $0x80, v4, vm0, $0xb8;
	[tilespmem:$0x1B100] =	vst v63  }
0x104: {  	s25 =	simm.s32 $0x900;
	s30 =	sadd.s32 $0x100, s29;
	v3 =	vadd.s32 v1, v3  }
0x105: {  	[hbm4b:s30+s2] =	stream.indirect_vreg.scatter [tilespmem:s25], [sflag:$0x7], $0x80, v4, vm0, $0xb8;
	[tilespmem:$0x1B100] =	vst v63  }
0x106: {  	s13 =	simm.s32 $0x1100;
	s1 =	sadd.s32 $0x200, s29  }
0x107: {  	[hbm4b:s1+s2] =	stream.indirect_vreg.scatter [tilespmem:s13], [sflag:$0x7], $0x80, v4, vm0, $0xb8;
	[tilespmem:$0x1B100] =	vst v63  }
0x108: {  	s15 =	simm.s32 $0x1900  }
0x109: {  	[hbm4b:s29+s2] =	stream.indirect_vreg.scatter [tilespmem:s15], [sflag:$0x7], $0x80, v3, vm0, $0xb8;
	[tilespmem:$0x1B100] =	vst v63  }
0x10a: {  	s16 =	simm.s32 $0x2100  }
0x10b: {  	[hbm4b:s30+s2] =	stream.indirect_vreg.scatter [tilespmem:s16], [sflag:$0x7], $0x80, v3, vm0, $0xb8;
	[tilespmem:$0x1B100] =	vst v63  }
0x10c: {  	s17 =	simm.s32 $0x2900  }
0x10d: {  	[hbm4b:s1+s2] =	stream.indirect_vreg.scatter [tilespmem:s17], [sflag:$0x7], $0x80, v3, vm0, $0xb8;
	[tilespmem:$0x1B100] =	vst v63  }
0x10e: {  	v3 =	vld.msk [tilespmem:$0x90], $0x3;
	_ =	sdelay $0x4  }
0x10f: {  	v57 =	vshrl.u32 v3, $0x3  }
0x110: {  	v4 =	vmul.u32 $0x30, v57  }
0x111: {  	v3 =	vand.u32 $0x7, v3  }
0x112: {  	v3 =	vor.u32 v3, v4  }
0x113: {  	v3 =	vperm.xlane v3, v0;
	_ =	sdelay $0x1  }
0x114: {  	v3 =	vadd.s32 v1, v3;
	_ =	sdelay $0x3  }
0x115: {  	s19 =	simm.s32 $0x3100  }
0x116: {  	[hbm4b:s29+s2] =	stream.indirect_vreg.scatter [tilespmem:s19], [sflag:$0x7], $0x80, v3, vm1, $0xb8;
	[tilespmem:$0x1B100] =	vst v63  }
0x117: {  	s19 =	simm.s32 $0x3900  }
0x118: {  	[hbm4b:s30+s2] =	stream.indirect_vreg.scatter [tilespmem:s19], [sflag:$0x7], $0x80, v3, vm1, $0xb8;
	[tilespmem:$0x1B100] =	vst v63  }
0x119: {  	s20 =	simm.s32 $0x4100  }
0x11a: {  	[hbm4b:s1+s2] =	stream.indirect_vreg.scatter [tilespmem:s20], [sflag:$0x7], $0x80, v3, vm1, $0xb8;
	[tilespmem:$0x1B100] =	vst v63  }
0x11b: {  	v3 =	vld [tilespmem:$0x0];
	_ =	sdelay $0x4  }
0x11c: {  	v58 =	vshrl.u32 v3, $0x3  }
0x11d: {  	v4 =	vmul.u32 $0x30, v58  }
0x11e: {  	v3 =	vand.u32 $0x7, v3  }
0x11f: {  	v3 =	vor.u32 v3, v4  }
0x120: {  	v4 =	vperm.xlane v3, v0;
	_ =	sdelay $0x1  }
0x121: {  	v4 =	vadd.s32 v1, v4;
	_ =	sdelay $0x3  }
0x122: {  	s11 =	rddreg [dreg:$0xa];
	s13 =	simm.s32 $0x12100;
	v3 =	vperm.xlane v3, v2  }
0x123: {  	[tilespmem:s13], [sflag:$0x5] =	stream.indirect_vreg.gather [hbm4b:s11+s2], $0x80, v4, vm0, $0xb8;
	[tilespmem:$0x1B100] =	vst v63  }
0x124: {  	s9 =	sadd.s32 $0x100, s11;
	s25 =	simm.s32 $0x12900;
	v3 =	vadd.s32 v1, v3  }
0x125: {  	[tilespmem:s25], [sflag:$0x5] =	stream.indirect_vreg.gather [hbm4b:s9+s2], $0x80, v4, vm0, $0xb8;
	[tilespmem:$0x1B100] =	vst v63  }
0x126: {  	s10 =	sadd.s32 $0x200, s11;
	s26 =	simm.s32 $0x13100  }
0x127: {  	[tilespmem:s26], [sflag:$0x5] =	stream.indirect_vreg.gather [hbm4b:s10+s2], $0x80, v4, vm0, $0xb8;
	[tilespmem:$0x1B100] =	vst v63  }
0x128: {  	s29 =	simm.s32 $0x13900  }
0x129: {  	[tilespmem:s29], [sflag:$0x5] =	stream.indirect_vreg.gather [hbm4b:s11+s2], $0x80, v3, vm0, $0xb8;
	[tilespmem:$0x1B100] =	vst v63  }
0x12a: {  	s30 =	simm.s32 $0x14100  }
0x12b: {  	[tilespmem:s30], [sflag:$0x5] =	stream.indirect_vreg.gather [hbm4b:s9+s2], $0x80, v3, vm0, $0xb8;
	[tilespmem:$0x1B100] =	vst v63  }
0x12c: {  	s1 =	simm.s32 $0x14900  }
0x12d: {  	[tilespmem:s1], [sflag:$0x5] =	stream.indirect_vreg.gather [hbm4b:s10+s2], $0x80, v3, vm0, $0xb8;
	[tilespmem:$0x1B100] =	vst v63  }
0x12e: {  	v3 =	vld.msk [tilespmem:$0x10], $0x3;
	_ =	sdelay $0x4  }
0x12f: {  	v59 =	vshrl.u32 v3, $0x3  }
0x130: {  	v4 =	vmul.u32 $0x30, v59  }
0x131: {  	v3 =	vand.u32 $0x7, v3  }
0x132: {  	v3 =	vor.u32 v3, v4  }
0x133: {  	v3 =	vperm.xlane v3, v0;
	_ =	sdelay $0x1  }
0x134: {  	v3 =	vadd.s32 v1, v3;
	_ =	sdelay $0x3  }
0x135: {  	s25 =	simm.s32 $0x15100  }
0x136: {  	[tilespmem:s25], [sflag:$0x5] =	stream.indirect_vreg.gather [hbm4b:s11+s2], $0x80, v3, vm1, $0xb8;
	[tilespmem:$0x1B100] =	vst v63  }
0x137: {  	s26 =	simm.s32 $0x15900  }
0x138: {  	[tilespmem:s26], [sflag:$0x5] =	stream.indirect_vreg.gather [hbm4b:s9+s2], $0x80, v3, vm1, $0xb8;
	[tilespmem:$0x1B100] =	vst v63  }
0x139: {  	s29 =	simm.s32 $0x16100;
	s30 =	simm.s32 $0x2  }
0x13a: {  	[tilespmem:s29], [sflag:$0x5] =	stream.indirect_vreg.gather [hbm4b:s10+s2], $0x80, v3, vm1, $0xb8;
	[tilespmem:$0x1B100] =	vst v63  }
0x13b: {  	_ =	swait.ge [sflag:s30], $0x3600  }
0x13c: {  	[sflag:s30] =	ssyncset.done $0x0  }
0x13d: {  	[sflag:s30] =	ssyncadd.s32 $0xFFFFCA00  }
0x13e: {  	v3 =	vld [tilespmem:$0x80];
	_ =	sdelay $0x4  }
0x13f: {  	v60 =	vshrl.u32 v3, $0x3  }
0x140: {  	v4 =	vmul.u32 $0x30, v60  }
0x141: {  	v3 =	vand.u32 $0x7, v3  }
0x142: {  	v3 =	vor.u32 v3, v4  }
0x143: {  	v4 =	vperm.xlane v3, v0;
	_ =	sdelay $0x1  }
0x144: {  	v4 =	vadd.s32 v1, v4;
	_ =	sdelay $0x1  }
0x145: {  	s9 =	sld [smem:$0x7D6];
	_ =	sdelay $0x1  }
0x146: {  	s13 =	simm.s32 $0x4900;
	v3 =	vperm.xlane v3, v2  }
0x147: {  	[hbm4b:s9+s2] =	stream.indirect_vreg.scatter [tilespmem:s13], [sflag:$0x8], $0x80, v4, vm0, $0xb8;
	[tilespmem:$0x1B100] =	vst v63  }
0x148: {  	s25 =	simm.s32 $0x5100;
	s10 =	sadd.s32 $0x100, s9;
	v3 =	vadd.s32 v1, v3  }
0x149: {  	[hbm4b:s10+s2] =	stream.indirect_vreg.scatter [tilespmem:s25], [sflag:$0x8], $0x80, v4, vm0, $0xb8;
	[tilespmem:$0x1B100] =	vst v63  }
0x14a: {  	s23 =	simm.s32 $0x5900;
	s1 =	sadd.s32 $0x200, s9  }
0x14b: {  	[hbm4b:s1+s2] =	stream.indirect_vreg.scatter [tilespmem:s23], [sflag:$0x8], $0x80, v4, vm0, $0xb8;
	[tilespmem:$0x1B100] =	vst v63  }
0x14c: {  	s24 =	simm.s32 $0x6100  }
0x14d: {  	[hbm4b:s9+s2] =	stream.indirect_vreg.scatter [tilespmem:s24], [sflag:$0x8], $0x80, v3, vm0, $0xb8;
	[tilespmem:$0x1B100] =	vst v63  }
0x14e: {  	s24 =	simm.s32 $0x6900  }
0x14f: {  	[hbm4b:s10+s2] =	stream.indirect_vreg.scatter [tilespmem:s24], [sflag:$0x8], $0x80, v3, vm0, $0xb8;
	[tilespmem:$0x1B100] =	vst v63  }
0x150: {  	s0 =	simm.s32 $0x7100  }
0x151: {  	[hbm4b:s1+s2] =	stream.indirect_vreg.scatter [tilespmem:s0], [sflag:$0x8], $0x80, v3, vm0, $0xb8;
	[tilespmem:$0x1B100] =	vst v63  }
0x152: {  	v3 =	vld.msk [tilespmem:$0x90], $0x3;
	_ =	sdelay $0x4  }
0x153: {  	v61 =	vshrl.u32 v3, $0x3  }
0x154: {  	v4 =	vmul.u32 $0x30, v61  }
0x155: {  	v3 =	vand.u32 $0x7, v3  }
0x156: {  	v3 =	vor.u32 v3, v4  }
0x157: {  	v3 =	vperm.xlane v3, v0;
	_ =	sdelay $0x1  }
0x158: {  	v3 =	vadd.s32 v1, v3;
	_ =	sdelay $0x3  }
0x159: {  	s22 =	simm.s32 $0x7900  }
0x15a: {  	[hbm4b:s9+s2] =	stream.indirect_vreg.scatter [tilespmem:s22], [sflag:$0x8], $0x80, v3, vm1, $0xb8;
	[tilespmem:$0x1B100] =	vst v63  }
0x15b: {  	s4 =	simm.s32 $0x8100  }
0x15c: {  	[hbm4b:s10+s2] =	stream.indirect_vreg.scatter [tilespmem:s4], [sflag:$0x8], $0x80, v3, vm1, $0xb8;
	[tilespmem:$0x1B100] =	vst v63  }
0x15d: {  	s21 =	simm.s32 $0x8900  }
0x15e: {  	[hbm4b:s1+s2] =	stream.indirect_vreg.scatter [tilespmem:s21], [sflag:$0x8], $0x80, v3, vm1, $0xb8;
	[tilespmem:$0x1B100] =	vst v63  }
0x15f: {  	v3 =	vld [tilespmem:$0x0];
	_ =	sdelay $0x4  }
0x160: {  	v62 =	vshrl.u32 v3, $0x3  }
0x161: {  	v4 =	vmul.u32 $0x30, v62  }
0x162: {  	v3 =	vand.u32 $0x7, v3  }
0x163: {  	v3 =	vor.u32 v3, v4  }
0x164: {  	v4 =	vperm.xlane v3, v0;
	_ =	sdelay $0x1  }
0x165: {  	v4 =	vadd.s32 v1, v4;
	_ =	sdelay $0x3  }
0x166: {  	s11 =	rddreg [dreg:$0xb];
	s10 =	simm.s32 $0x16900;
	v3 =	vperm.xlane v3, v2  }
0x167: {  	[tilespmem:s10], [sflag:$0x6] =	stream.indirect_vreg.gather [hbm4b:s11+s2], $0x80, v4, vm0, $0xb8;
	[tilespmem:$0x1B100] =	vst v63  }
0x168: {  	s9 =	sadd.s32 $0x100, s11;
	s21 =	simm.s32 $0x17100;
	v3 =	vadd.s32 v1, v3  }
0x169: {  	[tilespmem:s21], [sflag:$0x6] =	stream.indirect_vreg.gather [hbm4b:s9+s2], $0x80, v4, vm0, $0xb8;
	[tilespmem:$0x1B100] =	vst v63  }
0x16a: {  	s22 =	simm.s32 $0x17900;
	s10 =	sadd.s32 $0x200, s11  }
0x16b: {  	[tilespmem:s22], [sflag:$0x6] =	stream.indirect_vreg.gather [hbm4b:s10+s2], $0x80, v4, vm0, $0xb8;
	[tilespmem:$0x1B100] =	vst v63  }
0x16c: {  	s21 =	simm.s32 $0x18100  }
0x16d: {  	[tilespmem:s21], [sflag:$0x6] =	stream.indirect_vreg.gather [hbm4b:s11+s2], $0x80, v3, vm0, $0xb8;
	[tilespmem:$0x1B100] =	vst v63  }
0x16e: {  	s22 =	simm.s32 $0x18900  }
0x16f: {  	[tilespmem:s22], [sflag:$0x6] =	stream.indirect_vreg.gather [hbm4b:s9+s2], $0x80, v3, vm0, $0xb8;
	[tilespmem:$0x1B100] =	vst v63  }
0x170: {  	s21 =	simm.s32 $0x19100  }
0x171: {  	[tilespmem:s21], [sflag:$0x6] =	stream.indirect_vreg.gather [hbm4b:s10+s2], $0x80, v3, vm0, $0xb8;
	[tilespmem:$0x1B100] =	vst v63  }
0x172: {  	v3 =	vld.msk [tilespmem:$0x10], $0x3;
	_ =	sdelay $0x4  }
0x173: {  	v63 =	vshrl.u32 v3, $0x3  }
0x174: {  	v4 =	vmul.u32 $0x30, v63  }
0x175: {  	v3 =	vand.u32 $0x7, v3  }
0x176: {  	v3 =	vor.u32 v3, v4  }
0x177: {  	v3 =	vperm.xlane v3, v0;
	_ =	sdelay $0x1  }
0x178: {  	v3 =	vadd.s32 v1, v3;
	_ =	sdelay $0x3  }
0x179: {  	s22 =	simm.s32 $0x19900  }
0x17a: {  	[tilespmem:s22], [sflag:$0x6] =	stream.indirect_vreg.gather [hbm4b:s11+s2], $0x80, v3, vm1, $0xb8;
	[tilespmem:$0x1B100] =	vst v63  }
0x17b: {  	s21 =	simm.s32 $0x1A100  }
0x17c: {  	[tilespmem:s21], [sflag:$0x6] =	stream.indirect_vreg.gather [hbm4b:s9+s2], $0x80, v3, vm1, $0xb8;
	[tilespmem:$0x1B100] =	vst v63  }
0x17d: {  	s22 =	simm.s32 $0x1A900;
	s9 =	simm.s32 $0x3  }
0x17e: {  	[tilespmem:s22], [sflag:$0x6] =	stream.indirect_vreg.gather [hbm4b:s10+s2], $0x80, v3, vm1, $0xb8;
	[tilespmem:$0x1B100] =	vst v63  }
0x17f: {  	_ =	swait.ge [sflag:s9], $0x3600  }
0x180: {  	[sflag:s9] =	ssyncset.done $0x0  }
0x181: {  	[sflag:s9] =	ssyncadd.s32 $0xFFFFCA00  }
0x182: {  	v3 =	vld [tilespmem:$0x80];
	_ =	sdelay $0x4  }
0x183: {  	v8 =	vshrl.u32 v3, $0x3  }
0x184: {  	v4 =	vmul.u32 $0x30, v8  }
0x185: {  	v3 =	vand.u32 $0x7, v3  }
0x186: {  	v3 =	vor.u32 v3, v4  }
0x187: {  	v4 =	vperm.xlane v3, v0;
	_ =	sdelay $0x1  }
0x188: {  	v4 =	vadd.s32 v1, v4;
	_ =	sdelay $0x1  }
0x189: {  	s10 =	sld [smem:$0x7D8];
	_ =	sdelay $0x1  }
0x18a: {  	s7 =	simm.s32 $0x9100;
	v3 =	vperm.xlane v3, v2  }
0x18b: {  	[hbm4b:s10+s2] =	stream.indirect_vreg.scatter [tilespmem:s7], [sflag:$0x9], $0x80, v4, vm0, $0xb8;
	[tilespmem:$0x1B100] =	vst v63  }
0x18c: {  	s28 =	simm.s32 $0x9900;
	s22 =	sadd.s32 $0x100, s10;
	v3 =	vadd.s32 v1, v3  }
0x18d: {  	[hbm4b:s22+s2] =	stream.indirect_vreg.scatter [tilespmem:s28], [sflag:$0x9], $0x80, v4, vm0, $0xb8;
	[tilespmem:$0x1B100] =	vst v63  }
0x18e: {  	s3 =	simm.s32 $0xA100;
	s0 =	sadd.s32 $0x200, s10  }
0x18f: {  	[hbm4b:s0+s2] =	stream.indirect_vreg.scatter [tilespmem:s3], [sflag:$0x9], $0x80, v4, vm0, $0xb8;
	[tilespmem:$0x1B100] =	vst v63  }
0x190: {  	s6 =	simm.s32 $0xA900  }
0x191: {  	[hbm4b:s10+s2] =	stream.indirect_vreg.scatter [tilespmem:s6], [sflag:$0x9], $0x80, v3, vm0, $0xb8;
	[tilespmem:$0x1B100] =	vst v63  }
0x192: {  	s28 =	simm.s32 $0xB100  }
0x193: {  	[hbm4b:s22+s2] =	stream.indirect_vreg.scatter [tilespmem:s28], [sflag:$0x9], $0x80, v3, vm0, $0xb8;
	[tilespmem:$0x1B100] =	vst v63  }
0x194: {  	s6 =	simm.s32 $0xB900  }
0x195: {  	[hbm4b:s0+s2] =	stream.indirect_vreg.scatter [tilespmem:s6], [sflag:$0x9], $0x80, v3, vm0, $0xb8;
	[tilespmem:$0x1B100] =	vst v63  }
0x196: {  	v3 =	vld.msk [tilespmem:$0x90], $0x3;
	_ =	sdelay $0x4  }
0x197: {  	v9 =	vshrl.u32 v3, $0x3  }
0x198: {  	v4 =	vmul.u32 $0x30, v9  }
0x199: {  	v3 =	vand.u32 $0x7, v3  }
0x19a: {  	v3 =	vor.u32 v3, v4  }
0x19b: {  	v3 =	vperm.xlane v3, v0;
	_ =	sdelay $0x1  }
0x19c: {  	v3 =	vadd.s32 v1, v3;
	_ =	sdelay $0x3  }
0x19d: {  	s5 =	simm.s32 $0xC100  }
0x19e: {  	[hbm4b:s10+s2] =	stream.indirect_vreg.scatter [tilespmem:s5], [sflag:$0x9], $0x80, v3, vm1, $0xb8;
	[tilespmem:$0x1B100] =	vst v63  }
0x19f: {  	s5 =	simm.s32 $0xC900  }
0x1a0: {  	[hbm4b:s22+s2] =	stream.indirect_vreg.scatter [tilespmem:s5], [sflag:$0x9], $0x80, v3, vm1, $0xb8;
	[tilespmem:$0x1B100] =	vst v63  }
0x1a1: {  	s7 =	simm.s32 $0xD100;
	s3 =	simm.s32 $0x7  }
0x1a2: {  	[hbm4b:s0+s2] =	stream.indirect_vreg.scatter [tilespmem:s7], [sflag:$0x9], $0x80, v3, vm1, $0xb8;
	[tilespmem:$0x1B100] =	vst v63  }
0x1a3: {  	_ =	swait.ge [sflag:s3], $0x3600  }
0x1a4: {  	[sflag:s3] =	ssyncset.done $0x0  }
0x1a5: {  	[sflag:s3] =	ssyncadd.s32 $0xFFFFCA00  }
0x1a6: {  	v3 =	vld [tilespmem:$0x0];
	_ =	sdelay $0x4  }
0x1a7: {  	v10 =	vshrl.u32 v3, $0x3  }
0x1a8: {  	v4 =	vmul.u32 $0x30, v10  }
0x1a9: {  	v3 =	vand.u32 $0x7, v3  }
0x1aa: {  	v3 =	vor.u32 v3, v4  }
0x1ab: {  	v4 =	vperm.xlane v3, v0;
	_ =	sdelay $0x1  }
0x1ac: {  	v4 =	vadd.s32 v1, v4;
	_ =	sdelay $0x3  }
0x1ad: {  	s31 =	simm.s32 $0x100;
	s9 =	rddreg [dreg:$0xc];
	v3 =	vperm.xlane v3, v2  }
0x1ae: {  	[tilespmem:s31], [sflag:$0x1] =	stream.indirect_vreg.gather [hbm4b:s9+s2], $0x80, v4, vm0, $0xb8;
	[tilespmem:$0x1B100] =	vst v63  }
0x1af: {  	s12 =	simm.s32 $0x900;
	s10 =	sadd.s32 $0x100, s9;
	v3 =	vadd.s32 v1, v3  }
0x1b0: {  	[tilespmem:s12], [sflag:$0x1] =	stream.indirect_vreg.gather [hbm4b:s10+s2], $0x80, v4, vm0, $0xb8;
	[tilespmem:$0x1B100] =	vst v63  }
0x1b1: {  	s14 =	simm.s32 $0x1100;
	s12 =	sadd.s32 $0x200, s9  }
0x1b2: {  	[tilespmem:s14], [sflag:$0x1] =	stream.indirect_vreg.gather [hbm4b:s12+s2], $0x80, v4, vm0, $0xb8;
	[tilespmem:$0x1B100] =	vst v63  }
0x1b3: {  	_ = 	snop  }
0x1b4: {  	[tilespmem:s15], [sflag:$0x1] =	stream.indirect_vreg.gather [hbm4b:s9+s2], $0x80, v3, vm0, $0xb8;
	[tilespmem:$0x1B100] =	vst v63  }
0x1b5: {  	_ = 	snop  }
0x1b6: {  	[tilespmem:s16], [sflag:$0x1] =	stream.indirect_vreg.gather [hbm4b:s10+s2], $0x80, v3, vm0, $0xb8;
	[tilespmem:$0x1B100] =	vst v63  }
0x1b7: {  	_ = 	snop  }
0x1b8: {  	[tilespmem:s17], [sflag:$0x1] =	stream.indirect_vreg.gather [hbm4b:s12+s2], $0x80, v3, vm0, $0xb8;
	[tilespmem:$0x1B100] =	vst v63  }
0x1b9: {  	v3 =	vld.msk [tilespmem:$0x10], $0x3;
	_ =	sdelay $0x4  }
0x1ba: {  	v11 =	vshrl.u32 v3, $0x3  }
0x1bb: {  	v4 =	vmul.u32 $0x30, v11  }
0x1bc: {  	v3 =	vand.u32 $0x7, v3  }
0x1bd: {  	v3 =	vor.u32 v3, v4  }
0x1be: {  	v3 =	vperm.xlane v3, v0;
	_ =	sdelay $0x1  }
0x1bf: {  	v3 =	vadd.s32 v1, v3;
	_ =	sdelay $0x3  }
0x1c0: {  	s18 =	simm.s32 $0x3100  }
0x1c1: {  	[tilespmem:s18], [sflag:$0x1] =	stream.indirect_vreg.gather [hbm4b:s9+s2], $0x80, v3, vm1, $0xb8;
	[tilespmem:$0x1B100] =	vst v63  }
0x1c2: {  	_ = 	snop  }
0x1c3: {  	[tilespmem:s19], [sflag:$0x1] =	stream.indirect_vreg.gather [hbm4b:s10+s2], $0x80, v3, vm1, $0xb8;
	[tilespmem:$0x1B100] =	vst v63  }
0x1c4: {  	s15 =	simm.s32 $0x4  }
0x1c5: {  	[tilespmem:s20], [sflag:$0x1] =	stream.indirect_vreg.gather [hbm4b:s12+s2], $0x80, v3, vm1, $0xb8;
	[tilespmem:$0x1B100] =	vst v63  }
0x1c6: {  	_ =	swait.ge [sflag:s15], $0x3600  }
0x1c7: {  	[sflag:s15] =	ssyncset.done $0x0  }
0x1c8: {  	[sflag:s15] =	ssyncadd.s32 $0xFFFFCA00  }
0x1c9: {  	v3 =	vld [tilespmem:$0x80];
	_ =	sdelay $0x4  }
0x1ca: {  	v12 =	vshrl.u32 v3, $0x3  }
0x1cb: {  	v4 =	vmul.u32 $0x30, v12  }
0x1cc: {  	v3 =	vand.u32 $0x7, v3  }
0x1cd: {  	v3 =	vor.u32 v3, v4  }
0x1ce: {  	v4 =	vperm.xlane v3, v0;
	_ =	sdelay $0x1  }
0x1cf: {  	v4 =	vadd.s32 v1, v4;
	_ =	sdelay $0x1  }
0x1d0: {  	s16 =	sld [smem:$0x7DA];
	_ =	sdelay $0x1  }
0x1d1: {  	s8 =	simm.s32 $0xD900;
	v3 =	vperm.xlane v3, v2  }
0x1d2: {  	[hbm4b:s16+s2] =	stream.indirect_vreg.scatter [tilespmem:s8], [sflag:$0xA], $0x80, v4, vm0, $0xb8;
	[tilespmem:$0x1B100] =	vst v63  }
0x1d3: {  	s3 =	simm.s32 $0xE100;
	s17 =	sadd.s32 $0x100, s16;
	v3 =	vadd.s32 v1, v3  }
0x1d4: {  	[hbm4b:s17+s2] =	stream.indirect_vreg.scatter [tilespmem:s3], [sflag:$0xA], $0x80, v4, vm0, $0xb8;
	[tilespmem:$0x1B100] =	vst v63  }
0x1d5: {  	s12 =	simm.s32 $0xE900;
	s19 =	sadd.s32 $0x200, s16  }
0x1d6: {  	[hbm4b:s19+s2] =	stream.indirect_vreg.scatter [tilespmem:s12], [sflag:$0xA], $0x80, v4, vm0, $0xb8;
	[tilespmem:$0x1B100] =	vst v63  }
0x1d7: {  	s14 =	simm.s32 $0xF100  }
0x1d8: {  	[hbm4b:s16+s2] =	stream.indirect_vreg.scatter [tilespmem:s14], [sflag:$0xA], $0x80, v3, vm0, $0xb8;
	[tilespmem:$0x1B100] =	vst v63  }
0x1d9: {  	s18 =	simm.s32 $0xF900  }
0x1da: {  	[hbm4b:s17+s2] =	stream.indirect_vreg.scatter [tilespmem:s18], [sflag:$0xA], $0x80, v3, vm0, $0xb8;
	[tilespmem:$0x1B100] =	vst v63  }
0x1db: {  	s8 =	simm.s32 $0x10100  }
0x1dc: {  	[hbm4b:s19+s2] =	stream.indirect_vreg.scatter [tilespmem:s8], [sflag:$0xA], $0x80, v3, vm0, $0xb8;
	[tilespmem:$0x1B100] =	vst v63  }
0x1dd: {  	v3 =	vld.msk [tilespmem:$0x90], $0x3;
	_ =	sdelay $0x4  }
0x1de: {  	v13 =	vshrl.u32 v3, $0x3  }
0x1df: {  	v4 =	vmul.u32 $0x30, v13  }
0x1e0: {  	v3 =	vand.u32 $0x7, v3  }
0x1e1: {  	v3 =	vor.u32 v3, v4  }
0x1e2: {  	v3 =	vperm.xlane v3, v0;
	_ =	sdelay $0x1  }
0x1e3: {  	v3 =	vadd.s32 v1, v3;
	_ =	sdelay $0x3  }
0x1e4: {  	s22 =	simm.s32 $0x10900  }
0x1e5: {  	[hbm4b:s16+s2] =	stream.indirect_vreg.scatter [tilespmem:s22], [sflag:$0xA], $0x80, v3, vm1, $0xb8;
	[tilespmem:$0x1B100] =	vst v63  }
0x1e6: {  	s20 =	simm.s32 $0x11100  }
0x1e7: {  	[hbm4b:s17+s2] =	stream.indirect_vreg.scatter [tilespmem:s20], [sflag:$0xA], $0x80, v3, vm1, $0xb8;
	[tilespmem:$0x1B100] =	vst v63  }
0x1e8: {  	s31 =	simm.s32 $0x8;
	s16 =	simm.s32 $0x11900  }
0x1e9: {  	[hbm4b:s19+s2] =	stream.indirect_vreg.scatter [tilespmem:s16], [sflag:$0xA], $0x80, v3, vm1, $0xb8;
	[tilespmem:$0x1B100] =	vst v63  }
0x1ea: {  	_ =	swait.ge [sflag:s31], $0x3600  }
0x1eb: {  	[sflag:s31] =	ssyncset.done $0x0  }
0x1ec: {  	[sflag:s31] =	ssyncadd.s32 $0xFFFFCA00  }
0x1ed: {  	v3 =	vld [tilespmem:$0x0];
	_ =	sdelay $0x4  }
0x1ee: {  	v14 =	vshrl.u32 v3, $0x3  }
0x1ef: {  	v4 =	vmul.u32 $0x30, v14  }
0x1f0: {  	v3 =	vand.u32 $0x7, v3  }
0x1f1: {  	v3 =	vor.u32 v3, v4  }
0x1f2: {  	v4 =	vperm.xlane v3, v0;
	_ =	sdelay $0x1  }
0x1f3: {  	v4 =	vadd.s32 v1, v4;
	_ =	sdelay $0x3  }
0x1f4: {  	s9 =	rddreg [dreg:$0xd];
	v3 =	vperm.xlane v3, v2  }
0x1f5: {  	[tilespmem:s13], [sflag:$0x2] =	stream.indirect_vreg.gather [hbm4b:s9+s2], $0x80, v4, vm0, $0xb8;
	[tilespmem:$0x1B100] =	vst v63  }
0x1f6: {  	s10 =	sadd.s32 $0x100, s9;
	v3 =	vadd.s32 v1, v3  }
0x1f7: {  	[tilespmem:s25], [sflag:$0x2] =	stream.indirect_vreg.gather [hbm4b:s10+s2], $0x80, v4, vm0, $0xb8;
	[tilespmem:$0x1B100] =	vst v63  }
0x1f8: {  	s29 =	simm.s32 $0x5900;
	s13 =	sadd.s32 $0x200, s9  }
0x1f9: {  	[tilespmem:s29], [sflag:$0x2] =	stream.indirect_vreg.gather [hbm4b:s13+s2], $0x80, v4, vm0, $0xb8;
	[tilespmem:$0x1B100] =	vst v63  }
0x1fa: {  	s26 =	simm.s32 $0x6100  }
0x1fb: {  	[tilespmem:s26], [sflag:$0x2] =	stream.indirect_vreg.gather [hbm4b:s9+s2], $0x80, v3, vm0, $0xb8;
	[tilespmem:$0x1B100] =	vst v63  }
0x1fc: {  	_ = 	snop  }
0x1fd: {  	[tilespmem:s24], [sflag:$0x2] =	stream.indirect_vreg.gather [hbm4b:s10+s2], $0x80, v3, vm0, $0xb8;
	[tilespmem:$0x1B100] =	vst v63  }
0x1fe: {  	s23 =	simm.s32 $0x7100  }
0x1ff: {  	[tilespmem:s23], [sflag:$0x2] =	stream.indirect_vreg.gather [hbm4b:s13+s2], $0x80, v3, vm0, $0xb8;
	[tilespmem:$0x1B100] =	vst v63  }
0x200: {  	v3 =	vld.msk [tilespmem:$0x10], $0x3;
	_ =	sdelay $0x4  }
0x201: {  	v15 =	vshrl.u32 v3, $0x3  }
0x202: {  	v4 =	vmul.u32 $0x30, v15  }
0x203: {  	v3 =	vand.u32 $0x7, v3  }
0x204: {  	v3 =	vor.u32 v3, v4  }
0x205: {  	v3 =	vperm.xlane v3, v0;
	_ =	sdelay $0x1  }
0x206: {  	v3 =	vadd.s32 v1, v3;
	_ =	sdelay $0x3  }
0x207: {  	s30 =	simm.s32 $0x7900  }
0x208: {  	[tilespmem:s30], [sflag:$0x2] =	stream.indirect_vreg.gather [hbm4b:s9+s2], $0x80, v3, vm1, $0xb8;
	[tilespmem:$0x1B100] =	vst v63  }
0x209: {  	s4 =	simm.s32 $0x8100  }
0x20a: {  	[tilespmem:s4], [sflag:$0x2] =	stream.indirect_vreg.gather [hbm4b:s10+s2], $0x80, v3, vm1, $0xb8;
	[tilespmem:$0x1B100] =	vst v63  }
0x20b: {  	s1 =	simm.s32 $0x8900;
	s15 =	simm.s32 $0x5  }
0x20c: {  	[tilespmem:s1], [sflag:$0x2] =	stream.indirect_vreg.gather [hbm4b:s13+s2], $0x80, v3, vm1, $0xb8;
	[tilespmem:$0x1B100] =	vst v63  }
0x20d: {  	_ =	swait.ge [sflag:s15], $0x3600  }
0x20e: {  	[sflag:s15] =	ssyncset.done $0x0  }
0x20f: {  	[sflag:s15] =	ssyncadd.s32 $0xFFFFCA00  }
0x210: {  	v3 =	vld [tilespmem:$0x80];
	_ =	sdelay $0x4  }
0x211: {  	v16 =	vshrl.u32 v3, $0x3  }
0x212: {  	v4 =	vmul.u32 $0x30, v16  }
0x213: {  	v3 =	vand.u32 $0x7, v3  }
0x214: {  	v3 =	vor.u32 v3, v4  }
0x215: {  	v4 =	vperm.xlane v3, v0;
	_ =	sdelay $0x1  }
0x216: {  	v4 =	vadd.s32 v1, v4;
	_ =	sdelay $0x1  }
0x217: {  	s17 =	sld [smem:$0x7DC];
	_ =	sdelay $0x1  }
0x218: {  	s0 =	simm.s32 $0x12100;
	v3 =	vperm.xlane v3, v2  }
0x219: {  	[hbm4b:s17+s2] =	stream.indirect_vreg.scatter [tilespmem:s0], [sflag:$0xB], $0x80, v4, vm0, $0xb8;
	[tilespmem:$0x1B100] =	vst v63  }
0x21a: {  	s4 =	simm.s32 $0x12900;
	s23 =	sadd.s32 $0x100, s17;
	v3 =	vadd.s32 v1, v3  }
0x21b: {  	[hbm4b:s23+s2] =	stream.indirect_vreg.scatter [tilespmem:s4], [sflag:$0xB], $0x80, v4, vm0, $0xb8;
	[tilespmem:$0x1B100] =	vst v63  }
0x21c: {  	s30 =	simm.s32 $0x13100;
	s24 =	sadd.s32 $0x200, s17  }
0x21d: {  	[hbm4b:s24+s2] =	stream.indirect_vreg.scatter [tilespmem:s30], [sflag:$0xB], $0x80, v4, vm0, $0xb8;
	[tilespmem:$0x1B100] =	vst v63  }
0x21e: {  	s31 =	simm.s32 $0x13900  }
0x21f: {  	[hbm4b:s17+s2] =	stream.indirect_vreg.scatter [tilespmem:s31], [sflag:$0xB], $0x80, v3, vm0, $0xb8;
	[tilespmem:$0x1B100] =	vst v63  }
0x220: {  	s15 =	simm.s32 $0x14100  }
0x221: {  	[hbm4b:s23+s2] =	stream.indirect_vreg.scatter [tilespmem:s15], [sflag:$0xB], $0x80, v3, vm0, $0xb8;
	[tilespmem:$0x1B100] =	vst v63  }
0x222: {  	s19 =	simm.s32 $0x14900  }
0x223: {  	[hbm4b:s24+s2] =	stream.indirect_vreg.scatter [tilespmem:s19], [sflag:$0xB], $0x80, v3, vm0, $0xb8;
	[tilespmem:$0x1B100] =	vst v63  }
0x224: {  	v3 =	vld.msk [tilespmem:$0x90], $0x3;
	_ =	sdelay $0x4  }
0x225: {  	v17 =	vshrl.u32 v3, $0x3  }
0x226: {  	v4 =	vmul.u32 $0x30, v17  }
0x227: {  	v3 =	vand.u32 $0x7, v3  }
0x228: {  	v3 =	vor.u32 v3, v4  }
0x229: {  	v3 =	vperm.xlane v3, v0;
	_ =	sdelay $0x1  }
0x22a: {  	v3 =	vadd.s32 v1, v3;
	_ =	sdelay $0x3  }
0x22b: {  	s25 =	simm.s32 $0x15100  }
0x22c: {  	[hbm4b:s17+s2] =	stream.indirect_vreg.scatter [tilespmem:s25], [sflag:$0xB], $0x80, v3, vm1, $0xb8;
	[tilespmem:$0x1B100] =	vst v63  }
0x22d: {  	s26 =	simm.s32 $0x15900  }
0x22e: {  	[hbm4b:s23+s2] =	stream.indirect_vreg.scatter [tilespmem:s26], [sflag:$0xB], $0x80, v3, vm1, $0xb8;
	[tilespmem:$0x1B100] =	vst v63  }
0x22f: {  	s29 =	simm.s32 $0x16100;
	s9 =	simm.s32 $0x9  }
0x230: {  	[hbm4b:s24+s2] =	stream.indirect_vreg.scatter [tilespmem:s29], [sflag:$0xB], $0x80, v3, vm1, $0xb8;
	[tilespmem:$0x1B100] =	vst v63  }
0x231: {  	_ =	swait.ge [sflag:s9], $0x3600  }
0x232: {  	[sflag:s9] =	ssyncset.done $0x0  }
0x233: {  	[sflag:s9] =	ssyncadd.s32 $0xFFFFCA00  }
0x234: {  	v3 =	vld [tilespmem:$0x0];
	_ =	sdelay $0x4  }
0x235: {  	v18 =	vshrl.u32 v3, $0x3  }
0x236: {  	v4 =	vmul.u32 $0x30, v18  }
0x237: {  	v3 =	vand.u32 $0x7, v3  }
0x238: {  	v3 =	vor.u32 v3, v4  }
0x239: {  	v4 =	vperm.xlane v3, v0;
	_ =	sdelay $0x1  }
0x23a: {  	v4 =	vadd.s32 v1, v4;
	_ =	sdelay $0x3  }
0x23b: {  	s13 =	simm.s32 $0x9100;
	s10 =	rddreg [dreg:$0xe];
	v3 =	vperm.xlane v3, v2  }
0x23c: {  	[tilespmem:s13], [sflag:$0x3] =	stream.indirect_vreg.gather [hbm4b:s10+s2], $0x80, v4, vm0, $0xb8;
	[tilespmem:$0x1B100] =	vst v63  }
0x23d: {  	s21 =	simm.s32 $0x9900;
	s23 =	sadd.s32 $0x100, s10;
	v3 =	vadd.s32 v1, v3  }
0x23e: {  	[tilespmem:s21], [sflag:$0x3] =	stream.indirect_vreg.gather [hbm4b:s23+s2], $0x80, v4, vm0, $0xb8;
	[tilespmem:$0x1B100] =	vst v63  }
0x23f: {  	s26 =	simm.s32 $0xA100;
	s24 =	sadd.s32 $0x200, s10  }
0x240: {  	[tilespmem:s26], [sflag:$0x3] =	stream.indirect_vreg.gather [hbm4b:s24+s2], $0x80, v4, vm0, $0xb8;
	[tilespmem:$0x1B100] =	vst v63  }
0x241: {  	s29 =	simm.s32 $0xA900  }
0x242: {  	[tilespmem:s29], [sflag:$0x3] =	stream.indirect_vreg.gather [hbm4b:s10+s2], $0x80, v3, vm0, $0xb8;
	[tilespmem:$0x1B100] =	vst v63  }
0x243: {  	_ = 	snop  }
0x244: {  	[tilespmem:s28], [sflag:$0x3] =	stream.indirect_vreg.gather [hbm4b:s23+s2], $0x80, v3, vm0, $0xb8;
	[tilespmem:$0x1B100] =	vst v63  }
0x245: {  	_ = 	snop  }
0x246: {  	[tilespmem:s6], [sflag:$0x3] =	stream.indirect_vreg.gather [hbm4b:s24+s2], $0x80, v3, vm0, $0xb8;
	[tilespmem:$0x1B100] =	vst v63  }
0x247: {  	v3 =	vld.msk [tilespmem:$0x10], $0x3;
	_ =	sdelay $0x4  }
0x248: {  	v19 =	vshrl.u32 v3, $0x3  }
0x249: {  	v4 =	vmul.u32 $0x30, v19  }
0x24a: {  	v3 =	vand.u32 $0x7, v3  }
0x24b: {  	v3 =	vor.u32 v3, v4  }
0x24c: {  	v3 =	vperm.xlane v3, v0;
	_ =	sdelay $0x1  }
0x24d: {  	v3 =	vadd.s32 v1, v3;
	_ =	sdelay $0x3  }
0x24e: {  	s6 =	simm.s32 $0xC100  }
0x24f: {  	[tilespmem:s6], [sflag:$0x3] =	stream.indirect_vreg.gather [hbm4b:s10+s2], $0x80, v3, vm1, $0xb8;
	[tilespmem:$0x1B100] =	vst v63  }
0x250: {  	_ = 	snop  }
0x251: {  	[tilespmem:s5], [sflag:$0x3] =	stream.indirect_vreg.gather [hbm4b:s23+s2], $0x80, v3, vm1, $0xb8;
	[tilespmem:$0x1B100] =	vst v63  }
0x252: {  	s13 =	simm.s32 $0x6  }
0x253: {  	[tilespmem:s7], [sflag:$0x3] =	stream.indirect_vreg.gather [hbm4b:s24+s2], $0x80, v3, vm1, $0xb8;
	[tilespmem:$0x1B100] =	vst v63  }
0x254: {  	_ =	swait.ge [sflag:s13], $0x3600  }
0x255: {  	[sflag:s13] =	ssyncset.done $0x0  }
0x256: {  	[sflag:s13] =	ssyncadd.s32 $0xFFFFCA00  }
0x257: {  	v3 =	vld [tilespmem:$0x80];
	_ =	sdelay $0x4  }
0x258: {  	v20 =	vshrl.u32 v3, $0x3  }
0x259: {  	v4 =	vmul.u32 $0x30, v20  }
0x25a: {  	v3 =	vand.u32 $0x7, v3  }
0x25b: {  	v3 =	vor.u32 v3, v4  }
0x25c: {  	v4 =	vperm.xlane v3, v0;
	_ =	sdelay $0x1  }
0x25d: {  	v4 =	vadd.s32 v1, v4;
	_ =	sdelay $0x1  }
0x25e: {  	s21 =	sld [smem:$0x7DE];
	_ =	sdelay $0x1  }
0x25f: {  	s23 =	simm.s32 $0x16900;
	v3 =	vperm.xlane v3, v2  }
0x260: {  	[hbm4b:s21+s2] =	stream.indirect_vreg.scatter [tilespmem:s23], [sflag:$0xC], $0x80, v4, vm0, $0xb8;
	[tilespmem:$0x1B100] =	vst v63  }
0x261: {  	s24 =	simm.s32 $0x17100;
	s9 =	sadd.s32 $0x100, s21;
	v3 =	vadd.s32 v1, v3  }
0x262: {  	[hbm4b:s9+s2] =	stream.indirect_vreg.scatter [tilespmem:s24], [sflag:$0xC], $0x80, v4, vm0, $0xb8;
	[tilespmem:$0x1B100] =	vst v63  }
0x263: {  	s26 =	simm.s32 $0x17900;
	s10 =	sadd.s32 $0x200, s21  }
0x264: {  	[hbm4b:s10+s2] =	stream.indirect_vreg.scatter [tilespmem:s26], [sflag:$0xC], $0x80, v4, vm0, $0xb8;
	[tilespmem:$0x1B100] =	vst v63  }
0x265: {  	s28 =	simm.s32 $0x18100  }
0x266: {  	[hbm4b:s21+s2] =	stream.indirect_vreg.scatter [tilespmem:s28], [sflag:$0xC], $0x80, v3, vm0, $0xb8;
	[tilespmem:$0x1B100] =	vst v63  }
0x267: {  	s5 =	simm.s32 $0x18900  }
0x268: {  	[hbm4b:s9+s2] =	stream.indirect_vreg.scatter [tilespmem:s5], [sflag:$0xC], $0x80, v3, vm0, $0xb8;
	[tilespmem:$0x1B100] =	vst v63  }
0x269: {  	s7 =	simm.s32 $0x19100  }
0x26a: {  	[hbm4b:s10+s2] =	stream.indirect_vreg.scatter [tilespmem:s7], [sflag:$0xC], $0x80, v3, vm0, $0xb8;
	[tilespmem:$0x1B100] =	vst v63  }
0x26b: {  	v3 =	vld.msk [tilespmem:$0x90], $0x3;
	_ =	sdelay $0x4  }
0x26c: {  	v21 =	vshrl.u32 v3, $0x3  }
0x26d: {  	v4 =	vmul.u32 $0x30, v21  }
0x26e: {  	v3 =	vand.u32 $0x7, v3  }
0x26f: {  	v3 =	vor.u32 v3, v4  }
0x270: {  	v3 =	vperm.xlane v3, v0;
	_ =	sdelay $0x1  }
0x271: {  	v3 =	vadd.s32 v1, v3;
	_ =	sdelay $0x3  }
0x272: {  	s13 =	simm.s32 $0x19900  }
0x273: {  	[hbm4b:s21+s2] =	stream.indirect_vreg.scatter [tilespmem:s13], [sflag:$0xC], $0x80, v3, vm1, $0xb8;
	[tilespmem:$0x1B100] =	vst v63  }
0x274: {  	s21 =	simm.s32 $0x1A100  }
0x275: {  	[hbm4b:s9+s2] =	stream.indirect_vreg.scatter [tilespmem:s21], [sflag:$0xC], $0x80, v3, vm1, $0xb8;
	[tilespmem:$0x1B100] =	vst v63  }
0x276: {  	s24 =	simm.s32 $0x1A900;
	s5 =	simm.s32 $0xA  }
0x277: {  	[hbm4b:s10+s2] =	stream.indirect_vreg.scatter [tilespmem:s24], [sflag:$0xC], $0x80, v3, vm1, $0xb8;
	[tilespmem:$0x1B100] =	vst v63  }
0x278: {  	_ =	swait.ge [sflag:s5], $0x3600  }
0x279: {  	[sflag:s5] =	ssyncset.done $0x0  }
0x27a: {  	[sflag:s5] =	ssyncadd.s32 $0xFFFFCA00  }
0x27b: {  	v3 =	vld [tilespmem:$0x0];
	_ =	sdelay $0x4  }
0x27c: {  	v22 =	vshrl.u32 v3, $0x3  }
0x27d: {  	v4 =	vmul.u32 $0x30, v22  }
0x27e: {  	v3 =	vand.u32 $0x7, v3  }
0x27f: {  	v3 =	vor.u32 v3, v4  }
0x280: {  	v4 =	vperm.xlane v3, v0;
	_ =	sdelay $0x1  }
0x281: {  	v4 =	vadd.s32 v1, v4;
	_ =	sdelay $0x3  }
0x282: {  	s9 =	simm.s32 $0xD900;
	s7 =	rddreg [dreg:$0xf];
	v3 =	vperm.xlane v3, v2  }
0x283: {  	[tilespmem:s9], [sflag:$0x4] =	stream.indirect_vreg.gather [hbm4b:s7+s2], $0x80, v4, vm0, $0xb8;
	[tilespmem:$0x1B100] =	vst v63  }
0x284: {  	s10 =	sadd.s32 $0x100, s7;
	v3 =	vadd.s32 v1, v3  }
0x285: {  	[tilespmem:s3], [sflag:$0x4] =	stream.indirect_vreg.gather [hbm4b:s10+s2], $0x80, v4, vm0, $0xb8;
	[tilespmem:$0x1B100] =	vst v63  }
0x286: {  	s13 =	sadd.s32 $0x200, s7  }
0x287: {  	[tilespmem:s12], [sflag:$0x4] =	stream.indirect_vreg.gather [hbm4b:s13+s2], $0x80, v4, vm0, $0xb8;
	[tilespmem:$0x1B100] =	vst v63  }
0x288: {  	_ = 	snop  }
0x289: {  	[tilespmem:s14], [sflag:$0x4] =	stream.indirect_vreg.gather [hbm4b:s7+s2], $0x80, v3, vm0, $0xb8;
	[tilespmem:$0x1B100] =	vst v63  }
0x28a: {  	_ = 	snop  }
0x28b: {  	[tilespmem:s18], [sflag:$0x4] =	stream.indirect_vreg.gather [hbm4b:s10+s2], $0x80, v3, vm0, $0xb8;
	[tilespmem:$0x1B100] =	vst v63  }
0x28c: {  	_ = 	snop  }
0x28d: {  	[tilespmem:s8], [sflag:$0x4] =	stream.indirect_vreg.gather [hbm4b:s13+s2], $0x80, v3, vm0, $0xb8;
	[tilespmem:$0x1B100] =	vst v63  }
0x28e: {  	v3 =	vld.msk [tilespmem:$0x10], $0x3;
	_ =	sdelay $0x4  }
0x28f: {  	v23 =	vshrl.u32 v3, $0x3  }
0x290: {  	v4 =	vmul.u32 $0x30, v23  }
0x291: {  	v3 =	vand.u32 $0x7, v3  }
0x292: {  	v3 =	vor.u32 v3, v4  }
0x293: {  	v3 =	vperm.xlane v3, v0;
	_ =	sdelay $0x1  }
0x294: {  	v3 =	vadd.s32 v1, v3;
	_ =	sdelay $0x4  }
0x295: {  	[tilespmem:s22], [sflag:$0x4] =	stream.indirect_vreg.gather [hbm4b:s7+s2], $0x80, v3, vm1, $0xb8;
	[tilespmem:$0x1B100] =	vst v63  }
0x296: {  	_ = 	snop  }
0x297: {  	[tilespmem:s20], [sflag:$0x4] =	stream.indirect_vreg.gather [hbm4b:s10+s2], $0x80, v3, vm1, $0xb8;
	[tilespmem:$0x1B100] =	vst v63  }
0x298: {  	s14 =	simm.s32 $0x1  }
0x299: {  	[tilespmem:s16], [sflag:$0x4] =	stream.indirect_vreg.gather [hbm4b:s13+s2], $0x80, v3, vm1, $0xb8;
	[tilespmem:$0x1B100] =	vst v63  }
0x29a: {  	_ =	swait.ge [sflag:s14], $0x3600  }
0x29b: {  	[sflag:s14] =	ssyncset.done $0x0  }
0x29c: {  	[sflag:s14] =	ssyncadd.s32 $0xFFFFCA00  }
0x29d: {  	v3 =	vld [tilespmem:$0x80];
	_ =	sdelay $0x4  }
0x29e: {  	v24 =	vshrl.u32 v3, $0x3  }
0x29f: {  	v4 =	vmul.u32 $0x30, v24  }
0x2a0: {  	v3 =	vand.u32 $0x7, v3  }
0x2a1: {  	v3 =	vor.u32 v3, v4  }
0x2a2: {  	v4 =	vperm.xlane v3, v0;
	_ =	sdelay $0x1  }
0x2a3: {  	v4 =	vadd.s32 v1, v4;
	_ =	sdelay $0x1  }
0x2a4: {  	s16 =	sld [smem:$0x7E0];
	_ =	sdelay $0x1  }
0x2a5: {  	s3 =	simm.s32 $0x100;
	v3 =	vperm.xlane v3, v2  }
0x2a6: {  	[hbm4b:s16+s2] =	stream.indirect_vreg.scatter [tilespmem:s3], [sflag:$0x7], $0x80, v4, vm0, $0xb8;
	[tilespmem:$0x1B100] =	vst v63  }
0x2a7: {  	s14 =	simm.s32 $0x900;
	s18 =	sadd.s32 $0x100, s16;
	v3 =	vadd.s32 v1, v3  }
0x2a8: {  	[hbm4b:s18+s2] =	stream.indirect_vreg.scatter [tilespmem:s14], [sflag:$0x7], $0x80, v4, vm0, $0xb8;
	[tilespmem:$0x1B100] =	vst v63  }
0x2a9: {  	s20 =	simm.s32 $0x1100;
	s21 =	sadd.s32 $0x200, s16  }
0x2aa: {  	[hbm4b:s21+s2] =	stream.indirect_vreg.scatter [tilespmem:s20], [sflag:$0x7], $0x80, v4, vm0, $0xb8;
	[tilespmem:$0x1B100] =	vst v63  }
0x2ab: {  	s24 =	simm.s32 $0x1900  }
0x2ac: {  	[hbm4b:s16+s2] =	stream.indirect_vreg.scatter [tilespmem:s24], [sflag:$0x7], $0x80, v3, vm0, $0xb8;
	[tilespmem:$0x1B100] =	vst v63  }
0x2ad: {  	s7 =	simm.s32 $0x2100  }
0x2ae: {  	[hbm4b:s18+s2] =	stream.indirect_vreg.scatter [tilespmem:s7], [sflag:$0x7], $0x80, v3, vm0, $0xb8;
	[tilespmem:$0x1B100] =	vst v63  }
0x2af: {  	s8 =	simm.s32 $0x2900  }
0x2b0: {  	[hbm4b:s21+s2] =	stream.indirect_vreg.scatter [tilespmem:s8], [sflag:$0x7], $0x80, v3, vm0, $0xb8;
	[tilespmem:$0x1B100] =	vst v63  }
0x2b1: {  	v3 =	vld.msk [tilespmem:$0x90], $0x3;
	_ =	sdelay $0x4  }
0x2b2: {  	v25 =	vshrl.u32 v3, $0x3  }
0x2b3: {  	v4 =	vmul.u32 $0x30, v25  }
0x2b4: {  	v3 =	vand.u32 $0x7, v3  }
0x2b5: {  	v3 =	vor.u32 v3, v4  }
0x2b6: {  	v3 =	vperm.xlane v3, v0;
	_ =	sdelay $0x1  }
0x2b7: {  	v3 =	vadd.s32 v1, v3;
	_ =	sdelay $0x3  }
0x2b8: {  	s1 =	simm.s32 $0x3100  }
0x2b9: {  	[hbm4b:s16+s2] =	stream.indirect_vreg.scatter [tilespmem:s1], [sflag:$0x7], $0x80, v3, vm1, $0xb8;
	[tilespmem:$0x1B100] =	vst v63  }
0x2ba: {  	s12 =	simm.s32 $0x3900  }
0x2bb: {  	[hbm4b:s18+s2] =	stream.indirect_vreg.scatter [tilespmem:s12], [sflag:$0x7], $0x80, v3, vm1, $0xb8;
	[tilespmem:$0x1B100] =	vst v63  }
0x2bc: {  	s22 =	simm.s32 $0xB;
	s13 =	simm.s32 $0x4100  }
0x2bd: {  	[hbm4b:s21+s2] =	stream.indirect_vreg.scatter [tilespmem:s13], [sflag:$0x7], $0x80, v3, vm1, $0xb8;
	[tilespmem:$0x1B100] =	vst v63  }
0x2be: {  	_ =	swait.ge [sflag:s22], $0x3600  }
0x2bf: {  	[sflag:s22] =	ssyncset.done $0x0  }
0x2c0: {  	[sflag:s22] =	ssyncadd.s32 $0xFFFFCA00  }
0x2c1: {  	v3 =	vld [tilespmem:$0x0];
	_ =	sdelay $0x4  }
0x2c2: {  	v26 =	vshrl.u32 v3, $0x3  }
0x2c3: {  	v4 =	vmul.u32 $0x30, v26  }
0x2c4: {  	v3 =	vand.u32 $0x7, v3  }
0x2c5: {  	v3 =	vor.u32 v3, v4  }
0x2c6: {  	v4 =	vperm.xlane v3, v0;
	_ =	sdelay $0x1  }
0x2c7: {  	v4 =	vadd.s32 v1, v4;
	_ =	sdelay $0x3  }
0x2c8: {  	s9 =	rddreg [dreg:$0x10];
	v3 =	vperm.xlane v3, v2  }
0x2c9: {  	[tilespmem:s0], [sflag:$0x5] =	stream.indirect_vreg.gather [hbm4b:s9+s2], $0x80, v4, vm0, $0xb8;
	[tilespmem:$0x1B100] =	vst v63  }
0x2ca: {  	s10 =	sadd.s32 $0x100, s9;
	v3 =	vadd.s32 v1, v3  }
0x2cb: {  	[tilespmem:s4], [sflag:$0x5] =	stream.indirect_vreg.gather [hbm4b:s10+s2], $0x80, v4, vm0, $0xb8;
	[tilespmem:$0x1B100] =	vst v63  }
0x2cc: {  	s16 =	sadd.s32 $0x200, s9  }
0x2cd: {  	[tilespmem:s30], [sflag:$0x5] =	stream.indirect_vreg.gather [hbm4b:s16+s2], $0x80, v4, vm0, $0xb8;
	[tilespmem:$0x1B100] =	vst v63  }
0x2ce: {  	_ = 	snop  }
0x2cf: {  	[tilespmem:s31], [sflag:$0x5] =	stream.indirect_vreg.gather [hbm4b:s9+s2], $0x80, v3, vm0, $0xb8;
	[tilespmem:$0x1B100] =	vst v63  }
0x2d0: {  	_ = 	snop  }
0x2d1: {  	[tilespmem:s15], [sflag:$0x5] =	stream.indirect_vreg.gather [hbm4b:s10+s2], $0x80, v3, vm0, $0xb8;
	[tilespmem:$0x1B100] =	vst v63  }
0x2d2: {  	_ = 	snop  }
0x2d3: {  	[tilespmem:s19], [sflag:$0x5] =	stream.indirect_vreg.gather [hbm4b:s16+s2], $0x80, v3, vm0, $0xb8;
	[tilespmem:$0x1B100] =	vst v63  }
0x2d4: {  	v3 =	vld.msk [tilespmem:$0x10], $0x3;
	_ =	sdelay $0x4  }
0x2d5: {  	v27 =	vshrl.u32 v3, $0x3  }
0x2d6: {  	v4 =	vmul.u32 $0x30, v27  }
0x2d7: {  	v3 =	vand.u32 $0x7, v3  }
0x2d8: {  	v3 =	vor.u32 v3, v4  }
0x2d9: {  	v3 =	vperm.xlane v3, v0;
	_ =	sdelay $0x1  }
0x2da: {  	v3 =	vadd.s32 v1, v3;
	_ =	sdelay $0x3  }
0x2db: {  	s17 =	simm.s32 $0x15100  }
0x2dc: {  	[tilespmem:s17], [sflag:$0x5] =	stream.indirect_vreg.gather [hbm4b:s9+s2], $0x80, v3, vm1, $0xb8;
	[tilespmem:$0x1B100] =	vst v63  }
0x2dd: {  	s25 =	simm.s32 $0x15900  }
0x2de: {  	[tilespmem:s25], [sflag:$0x5] =	stream.indirect_vreg.gather [hbm4b:s10+s2], $0x80, v3, vm1, $0xb8;
	[tilespmem:$0x1B100] =	vst v63  }
0x2df: {  	s17 =	simm.s32 $0x2;
	s25 =	simm.s32 $0x16100  }
0x2e0: {  	[tilespmem:s25], [sflag:$0x5] =	stream.indirect_vreg.gather [hbm4b:s16+s2], $0x80, v3, vm1, $0xb8;
	[tilespmem:$0x1B100] =	vst v63  }
0x2e1: {  	_ =	swait.ge [sflag:s17], $0x3600  }
0x2e2: {  	[sflag:s17] =	ssyncset.done $0x0  }
0x2e3: {  	[sflag:s17] =	ssyncadd.s32 $0xFFFFCA00  }
0x2e4: {  	v3 =	vld [tilespmem:$0x80];
	_ =	sdelay $0x4  }
0x2e5: {  	v28 =	vshrl.u32 v3, $0x3  }
0x2e6: {  	v4 =	vmul.u32 $0x30, v28  }
0x2e7: {  	v3 =	vand.u32 $0x7, v3  }
0x2e8: {  	v3 =	vor.u32 v3, v4  }
0x2e9: {  	v4 =	vperm.xlane v3, v0;
	_ =	sdelay $0x1  }
0x2ea: {  	v4 =	vadd.s32 v1, v4;
	_ =	sdelay $0x1  }
0x2eb: {  	s18 =	sld [smem:$0x7E2];
	_ =	sdelay $0x1  }
0x2ec: {  	s4 =	simm.s32 $0x4900;
	v3 =	vperm.xlane v3, v2  }
0x2ed: {  	[hbm4b:s18+s2] =	stream.indirect_vreg.scatter [tilespmem:s4], [sflag:$0x8], $0x80, v4, vm0, $0xb8;
	[tilespmem:$0x1B100] =	vst v63  }
0x2ee: {  	s16 =	simm.s32 $0x5100;
	s30 =	sadd.s32 $0x100, s18;
	v3 =	vadd.s32 v1, v3  }
0x2ef: {  	[hbm4b:s30+s2] =	stream.indirect_vreg.scatter [tilespmem:s16], [sflag:$0x8], $0x80, v4, vm0, $0xb8;
	[tilespmem:$0x1B100] =	vst v63  }
0x2f0: {  	s19 =	simm.s32 $0x5900;
	s0 =	sadd.s32 $0x200, s18  }
0x2f1: {  	[hbm4b:s0+s2] =	stream.indirect_vreg.scatter [tilespmem:s19], [sflag:$0x8], $0x80, v4, vm0, $0xb8;
	[tilespmem:$0x1B100] =	vst v63  }
0x2f2: {  	s22 =	simm.s32 $0x6100  }
0x2f3: {  	[hbm4b:s18+s2] =	stream.indirect_vreg.scatter [tilespmem:s22], [sflag:$0x8], $0x80, v3, vm0, $0xb8;
	[tilespmem:$0x1B100] =	vst v63  }
0x2f4: {  	s17 =	simm.s32 $0x6900  }
0x2f5: {  	[hbm4b:s30+s2] =	stream.indirect_vreg.scatter [tilespmem:s17], [sflag:$0x8], $0x80, v3, vm0, $0xb8;
	[tilespmem:$0x1B100] =	vst v63  }
0x2f6: {  	s21 =	simm.s32 $0x7100  }
0x2f7: {  	[hbm4b:s0+s2] =	stream.indirect_vreg.scatter [tilespmem:s21], [sflag:$0x8], $0x80, v3, vm0, $0xb8;
	[tilespmem:$0x1B100] =	vst v63  }
0x2f8: {  	v3 =	vld.msk [tilespmem:$0x90], $0x3;
	_ =	sdelay $0x4  }
0x2f9: {  	v29 =	vshrl.u32 v3, $0x3  }
0x2fa: {  	v4 =	vmul.u32 $0x30, v29  }
0x2fb: {  	v3 =	vand.u32 $0x7, v3  }
0x2fc: {  	v3 =	vor.u32 v3, v4  }
0x2fd: {  	v3 =	vperm.xlane v3, v0;
	_ =	sdelay $0x1  }
0x2fe: {  	v3 =	vadd.s32 v1, v3;
	_ =	sdelay $0x3  }
0x2ff: {  	s5 =	simm.s32 $0x7900  }
0x300: {  	[hbm4b:s18+s2] =	stream.indirect_vreg.scatter [tilespmem:s5], [sflag:$0x8], $0x80, v3, vm1, $0xb8;
	[tilespmem:$0x1B100] =	vst v63  }
0x301: {  	s18 =	simm.s32 $0x8100  }
0x302: {  	[hbm4b:s30+s2] =	stream.indirect_vreg.scatter [tilespmem:s18], [sflag:$0x8], $0x80, v3, vm1, $0xb8;
	[tilespmem:$0x1B100] =	vst v63  }
0x303: {  	s15 =	simm.s32 $0x8900;
	s30 =	simm.s32 $0xC  }
0x304: {  	[hbm4b:s0+s2] =	stream.indirect_vreg.scatter [tilespmem:s15], [sflag:$0x8], $0x80, v3, vm1, $0xb8;
	[tilespmem:$0x1B100] =	vst v63  }
0x305: {  	_ =	swait.ge [sflag:s30], $0x3600  }
0x306: {  	[sflag:s30] =	ssyncset.done $0x0  }
0x307: {  	[sflag:s30] =	ssyncadd.s32 $0xFFFFCA00  }
0x308: {  	v3 =	vld [tilespmem:$0x0];
	_ =	sdelay $0x4  }
0x309: {  	v30 =	vshrl.u32 v3, $0x3  }
0x30a: {  	v4 =	vmul.u32 $0x30, v30  }
0x30b: {  	v3 =	vand.u32 $0x7, v3  }
0x30c: {  	v3 =	vor.u32 v3, v4  }
0x30d: {  	v4 =	vperm.xlane v3, v0;
	_ =	sdelay $0x1  }
0x30e: {  	v4 =	vadd.s32 v1, v4;
	_ =	sdelay $0x3  }
0x30f: {  	s29 =	simm.s32 $0x16900;
	s9 =	rddreg [dreg:$0x11];
	v3 =	vperm.xlane v3, v2  }
0x310: {  	[tilespmem:s29], [sflag:$0x6] =	stream.indirect_vreg.gather [hbm4b:s9+s2], $0x80, v4, vm0, $0xb8;
	[tilespmem:$0x1B100] =	vst v63  }
0x311: {  	s23 =	simm.s32 $0x17100;
	s10 =	sadd.s32 $0x100, s9;
	v3 =	vadd.s32 v1, v3  }
0x312: {  	[tilespmem:s23], [sflag:$0x6] =	stream.indirect_vreg.gather [hbm4b:s10+s2], $0x80, v4, vm0, $0xb8;
	[tilespmem:$0x1B100] =	vst v63  }
0x313: {  	s29 =	simm.s32 $0x17900;
	s23 =	sadd.s32 $0x200, s9  }
0x314: {  	[tilespmem:s29], [sflag:$0x6] =	stream.indirect_vreg.gather [hbm4b:s23+s2], $0x80, v4, vm0, $0xb8;
	[tilespmem:$0x1B100] =	vst v63  }
0x315: {  	s6 =	simm.s32 $0x18100  }
0x316: {  	[tilespmem:s6], [sflag:$0x6] =	stream.indirect_vreg.gather [hbm4b:s9+s2], $0x80, v3, vm0, $0xb8;
	[tilespmem:$0x1B100] =	vst v63  }
0x317: {  	s30 =	simm.s32 $0x18900  }
0x318: {  	[tilespmem:s30], [sflag:$0x6] =	stream.indirect_vreg.gather [hbm4b:s10+s2], $0x80, v3, vm0, $0xb8;
	[tilespmem:$0x1B100] =	vst v63  }
0x319: {  	s28 =	simm.s32 $0x19100  }
0x31a: {  	[tilespmem:s28], [sflag:$0x6] =	stream.indirect_vreg.gather [hbm4b:s23+s2], $0x80, v3, vm0, $0xb8;
	[tilespmem:$0x1B100] =	vst v63  }
0x31b: {  	v3 =	vld.msk [tilespmem:$0x10], $0x3;
	_ =	sdelay $0x4  }
0x31c: {  	v31 =	vshrl.u32 v3, $0x3  }
0x31d: {  	v4 =	vmul.u32 $0x30, v31  }
0x31e: {  	v3 =	vand.u32 $0x7, v3  }
0x31f: {  	v3 =	vor.u32 v3, v4  }
0x320: {  	v3 =	vperm.xlane v3, v0;
	_ =	sdelay $0x1  }
0x321: {  	v3 =	vadd.s32 v1, v3;
	_ =	sdelay $0x3  }
0x322: {  	s6 =	simm.s32 $0x19900  }
0x323: {  	[tilespmem:s6], [sflag:$0x6] =	stream.indirect_vreg.gather [hbm4b:s9+s2], $0x80, v3, vm1, $0xb8;
	[tilespmem:$0x1B100] =	vst v63  }
0x324: {  	s26 =	simm.s32 $0x1A100  }
0x325: {  	[tilespmem:s26], [sflag:$0x6] =	stream.indirect_vreg.gather [hbm4b:s10+s2], $0x80, v3, vm1, $0xb8;
	[tilespmem:$0x1B100] =	vst v63  }
0x326: {  	s11 =	simm.s32 $0x1A900  }
0x327: {  	[tilespmem:s11], [sflag:$0x6] =	stream.indirect_vreg.gather [hbm4b:s23+s2], $0x80, v3, vm1, $0xb8;
	[tilespmem:$0x1B100] =	vst v63  }
0x328: {  	s23 =	simm.s32 $0x3  }
0x329: {  	_ =	swait.ge [sflag:s23], $0x3600  }
0x32a: {  	[sflag:s23] =	ssyncset.done $0x0  }
0x32b: {  	[sflag:s23] =	ssyncadd.s32 $0xFFFFCA00  }
0x32c: {  	v3 =	vld [tilespmem:$0x80];
	_ =	sdelay $0x4  }
0x32d: {  	v32 =	vshrl.u32 v3, $0x3  }
0x32e: {  	v4 =	vmul.u32 $0x30, v32  }
0x32f: {  	v3 =	vand.u32 $0x7, v3  }
0x330: {  	v3 =	vor.u32 v3, v4  }
0x331: {  	v4 =	vperm.xlane v3, v0;
	_ =	sdelay $0x1  }
0x332: {  	v4 =	vadd.s32 v1, v4;
	_ =	sdelay $0x1  }
0x333: {  	s11 =	sld [smem:$0x7E4];
	_ =	sdelay $0x1  }
0x334: {  	s6 =	simm.s32 $0x9100;
	v3 =	vperm.xlane v3, v2  }
0x335: {  	[hbm4b:s11+s2] =	stream.indirect_vreg.scatter [tilespmem:s6], [sflag:$0x9], $0x80, v4, vm0, $0xb8;
	[tilespmem:$0x1B100] =	vst v63  }
0x336: {  	s23 =	simm.s32 $0x9900;
	s9 =	sadd.s32 $0x100, s11;
	v3 =	vadd.s32 v1, v3  }
0x337: {  	[hbm4b:s9+s2] =	stream.indirect_vreg.scatter [tilespmem:s23], [sflag:$0x9], $0x80, v4, vm0, $0xb8;
	[tilespmem:$0x1B100] =	vst v63  }
0x338: {  	s26 =	simm.s32 $0xA100;
	s10 =	sadd.s32 $0x200, s11  }
0x339: {  	[hbm4b:s10+s2] =	stream.indirect_vreg.scatter [tilespmem:s26], [sflag:$0x9], $0x80, v4, vm0, $0xb8;
	[tilespmem:$0x1B100] =	vst v63  }
0x33a: {  	s28 =	simm.s32 $0xA900  }
0x33b: {  	[hbm4b:s11+s2] =	stream.indirect_vreg.scatter [tilespmem:s28], [sflag:$0x9], $0x80, v3, vm0, $0xb8;
	[tilespmem:$0x1B100] =	vst v63  }
0x33c: {  	s29 =	simm.s32 $0xB100  }
0x33d: {  	[hbm4b:s9+s2] =	stream.indirect_vreg.scatter [tilespmem:s29], [sflag:$0x9], $0x80, v3, vm0, $0xb8;
	[tilespmem:$0x1B100] =	vst v63  }
0x33e: {  	s30 =	simm.s32 $0xB900  }
0x33f: {  	[hbm4b:s10+s2] =	stream.indirect_vreg.scatter [tilespmem:s30], [sflag:$0x9], $0x80, v3, vm0, $0xb8;
	[tilespmem:$0x1B100] =	vst v63  }
0x340: {  	v3 =	vld.msk [tilespmem:$0x90], $0x3;
	_ =	sdelay $0x4  }
0x341: {  	v33 =	vshrl.u32 v3, $0x3  }
0x342: {  	v4 =	vmul.u32 $0x30, v33  }
0x343: {  	v3 =	vand.u32 $0x7, v3  }
0x344: {  	v3 =	vor.u32 v3, v4  }
0x345: {  	v3 =	vperm.xlane v3, v0;
	_ =	sdelay $0x1  }
0x346: {  	v3 =	vadd.s32 v1, v3;
	_ =	sdelay $0x3  }
0x347: {  	s26 =	simm.s32 $0xC100  }
0x348: {  	[hbm4b:s11+s2] =	stream.indirect_vreg.scatter [tilespmem:s26], [sflag:$0x9], $0x80, v3, vm1, $0xb8;
	[tilespmem:$0x1B100] =	vst v63  }
0x349: {  	s28 =	simm.s32 $0xC900  }
0x34a: {  	[hbm4b:s9+s2] =	stream.indirect_vreg.scatter [tilespmem:s28], [sflag:$0x9], $0x80, v3, vm1, $0xb8;
	[tilespmem:$0x1B100] =	vst v63  }
0x34b: {  	s30 =	simm.s32 $0x7;
	s28 =	simm.s32 $0xD100  }
0x34c: {  	[hbm4b:s10+s2] =	stream.indirect_vreg.scatter [tilespmem:s28], [sflag:$0x9], $0x80, v3, vm1, $0xb8;
	[tilespmem:$0x1B100] =	vst v63  }
0x34d: {  	_ =	swait.ge [sflag:s30], $0x3600  }
0x34e: {  	[sflag:s30] =	ssyncset.done $0x0  }
0x34f: {  	[sflag:s30] =	ssyncadd.s32 $0xFFFFCA00  }
0x350: {  	v3 =	vld [tilespmem:$0x0];
	_ =	sdelay $0x4  }
0x351: {  	v34 =	vshrl.u32 v3, $0x3  }
0x352: {  	v4 =	vmul.u32 $0x30, v34  }
0x353: {  	v3 =	vand.u32 $0x7, v3  }
0x354: {  	v3 =	vor.u32 v3, v4  }
0x355: {  	v4 =	vperm.xlane v3, v0;
	_ =	sdelay $0x1  }
0x356: {  	v4 =	vadd.s32 v1, v4;
	_ =	sdelay $0x3  }
0x357: {  	s9 =	rddreg [dreg:$0x12];
	v3 =	vperm.xlane v3, v2  }
0x358: {  	[tilespmem:s3], [sflag:$0x1] =	stream.indirect_vreg.gather [hbm4b:s9+s2], $0x80, v4, vm0, $0xb8;
	[tilespmem:$0x1B100] =	vst v63  }
0x359: {  	s10 =	sadd.s32 $0x100, s9;
	v3 =	vadd.s32 v1, v3  }
0x35a: {  	[tilespmem:s14], [sflag:$0x1] =	stream.indirect_vreg.gather [hbm4b:s10+s2], $0x80, v4, vm0, $0xb8;
	[tilespmem:$0x1B100] =	vst v63  }
0x35b: {  	s14 =	sadd.s32 $0x200, s9  }
0x35c: {  	[tilespmem:s20], [sflag:$0x1] =	stream.indirect_vreg.gather [hbm4b:s14+s2], $0x80, v4, vm0, $0xb8;
	[tilespmem:$0x1B100] =	vst v63  }
0x35d: {  	_ = 	snop  }
0x35e: {  	[tilespmem:s24], [sflag:$0x1] =	stream.indirect_vreg.gather [hbm4b:s9+s2], $0x80, v3, vm0, $0xb8;
	[tilespmem:$0x1B100] =	vst v63  }
0x35f: {  	_ = 	snop  }
0x360: {  	[tilespmem:s7], [sflag:$0x1] =	stream.indirect_vreg.gather [hbm4b:s10+s2], $0x80, v3, vm0, $0xb8;
	[tilespmem:$0x1B100] =	vst v63  }
0x361: {  	_ = 	snop  }
0x362: {  	[tilespmem:s8], [sflag:$0x1] =	stream.indirect_vreg.gather [hbm4b:s14+s2], $0x80, v3, vm0, $0xb8;
	[tilespmem:$0x1B100] =	vst v63  }
0x363: {  	v3 =	vld.msk [tilespmem:$0x10], $0x3;
	_ =	sdelay $0x4  }
0x364: {  	v35 =	vshrl.u32 v3, $0x3  }
0x365: {  	v4 =	vmul.u32 $0x30, v35  }
0x366: {  	v3 =	vand.u32 $0x7, v3  }
0x367: {  	v3 =	vor.u32 v3, v4  }
0x368: {  	v3 =	vperm.xlane v3, v0;
	_ =	sdelay $0x1  }
0x369: {  	v3 =	vadd.s32 v1, v3;
	_ =	sdelay $0x4  }
0x36a: {  	[tilespmem:s1], [sflag:$0x1] =	stream.indirect_vreg.gather [hbm4b:s9+s2], $0x80, v3, vm1, $0xb8;
	[tilespmem:$0x1B100] =	vst v63  }
0x36b: {  	_ = 	snop  }
0x36c: {  	[tilespmem:s12], [sflag:$0x1] =	stream.indirect_vreg.gather [hbm4b:s10+s2], $0x80, v3, vm1, $0xb8;
	[tilespmem:$0x1B100] =	vst v63  }
0x36d: {  	s24 =	simm.s32 $0x4  }
0x36e: {  	[tilespmem:s13], [sflag:$0x1] =	stream.indirect_vreg.gather [hbm4b:s14+s2], $0x80, v3, vm1, $0xb8;
	[tilespmem:$0x1B100] =	vst v63  }
0x36f: {  	_ =	swait.ge [sflag:s24], $0x3600  }
0x370: {  	[sflag:s24] =	ssyncset.done $0x0  }
0x371: {  	[sflag:s24] =	ssyncadd.s32 $0xFFFFCA00  }
0x372: {  	v3 =	vld [tilespmem:$0x80];
	_ =	sdelay $0x4  }
0x373: {  	v36 =	vshrl.u32 v3, $0x3  }
0x374: {  	v4 =	vmul.u32 $0x30, v36  }
0x375: {  	v3 =	vand.u32 $0x7, v3  }
0x376: {  	v3 =	vor.u32 v3, v4  }
0x377: {  	v4 =	vperm.xlane v3, v0;
	_ =	sdelay $0x1  }
0x378: {  	v4 =	vadd.s32 v1, v4;
	_ =	sdelay $0x1  }
0x379: {  	s26 =	sld [smem:$0x7E6];
	_ =	sdelay $0x1  }
0x37a: {  	s0 =	simm.s32 $0xD900;
	v3 =	vperm.xlane v3, v2  }
0x37b: {  	[hbm4b:s26+s2] =	stream.indirect_vreg.scatter [tilespmem:s0], [sflag:$0xA], $0x80, v4, vm0, $0xb8;
	[tilespmem:$0x1B100] =	vst v63  }
0x37c: {  	s14 =	simm.s32 $0xE100;
	s1 =	sadd.s32 $0x100, s26;
	v3 =	vadd.s32 v1, v3  }
0x37d: {  	[hbm4b:s1+s2] =	stream.indirect_vreg.scatter [tilespmem:s14], [sflag:$0xA], $0x80, v4, vm0, $0xb8;
	[tilespmem:$0x1B100] =	vst v63  }
0x37e: {  	s12 =	simm.s32 $0xE900;
	s3 =	sadd.s32 $0x200, s26  }
0x37f: {  	[hbm4b:s3+s2] =	stream.indirect_vreg.scatter [tilespmem:s12], [sflag:$0xA], $0x80, v4, vm0, $0xb8;
	[tilespmem:$0x1B100] =	vst v63  }
0x380: {  	s8 =	simm.s32 $0xF100  }
0x381: {  	[hbm4b:s26+s2] =	stream.indirect_vreg.scatter [tilespmem:s8], [sflag:$0xA], $0x80, v3, vm0, $0xb8;
	[tilespmem:$0x1B100] =	vst v63  }
0x382: {  	s20 =	simm.s32 $0xF900  }
0x383: {  	[hbm4b:s1+s2] =	stream.indirect_vreg.scatter [tilespmem:s20], [sflag:$0xA], $0x80, v3, vm0, $0xb8;
	[tilespmem:$0x1B100] =	vst v63  }
0x384: {  	s7 =	simm.s32 $0x10100  }
0x385: {  	[hbm4b:s3+s2] =	stream.indirect_vreg.scatter [tilespmem:s7], [sflag:$0xA], $0x80, v3, vm0, $0xb8;
	[tilespmem:$0x1B100] =	vst v63  }
0x386: {  	v3 =	vld.msk [tilespmem:$0x90], $0x3;
	_ =	sdelay $0x4  }
0x387: {  	v37 =	vshrl.u32 v3, $0x3  }
0x388: {  	v4 =	vmul.u32 $0x30, v37  }
0x389: {  	v3 =	vand.u32 $0x7, v3  }
0x38a: {  	v3 =	vor.u32 v3, v4  }
0x38b: {  	v3 =	vperm.xlane v3, v0;
	_ =	sdelay $0x1  }
0x38c: {  	v3 =	vadd.s32 v1, v3;
	_ =	sdelay $0x3  }
0x38d: {  	s30 =	simm.s32 $0x10900  }
0x38e: {  	[hbm4b:s26+s2] =	stream.indirect_vreg.scatter [tilespmem:s30], [sflag:$0xA], $0x80, v3, vm1, $0xb8;
	[tilespmem:$0x1B100] =	vst v63  }
0x38f: {  	s24 =	simm.s32 $0x11100  }
0x390: {  	[hbm4b:s1+s2] =	stream.indirect_vreg.scatter [tilespmem:s24], [sflag:$0xA], $0x80, v3, vm1, $0xb8;
	[tilespmem:$0x1B100] =	vst v63  }
0x391: {  	s13 =	simm.s32 $0x11900;
	s26 =	simm.s32 $0x8  }
0x392: {  	[hbm4b:s3+s2] =	stream.indirect_vreg.scatter [tilespmem:s13], [sflag:$0xA], $0x80, v3, vm1, $0xb8;
	[tilespmem:$0x1B100] =	vst v63  }
0x393: {  	_ =	swait.ge [sflag:s26], $0x3600  }
0x394: {  	[sflag:s26] =	ssyncset.done $0x0  }
0x395: {  	[sflag:s26] =	ssyncadd.s32 $0xFFFFCA00  }
0x396: {  	v3 =	vld [tilespmem:$0x0];
	_ =	sdelay $0x4  }
0x397: {  	v38 =	vshrl.u32 v3, $0x3  }
0x398: {  	v4 =	vmul.u32 $0x30, v38  }
0x399: {  	v3 =	vand.u32 $0x7, v3  }
0x39a: {  	v3 =	vor.u32 v3, v4  }
0x39b: {  	v4 =	vperm.xlane v3, v0;
	_ =	sdelay $0x1  }
0x39c: {  	v4 =	vadd.s32 v1, v4;
	_ =	sdelay $0x3  }
0x39d: {  	s1 =	rddreg [dreg:$0x13];
	v3 =	vperm.xlane v3, v2  }
0x39e: {  	[tilespmem:s4], [sflag:$0x2] =	stream.indirect_vreg.gather [hbm4b:s1+s2], $0x80, v4, vm0, $0xb8;
	[tilespmem:$0x1B100] =	vst v63  }
0x39f: {  	s3 =	sadd.s32 $0x100, s1;
	v3 =	vadd.s32 v1, v3  }
0x3a0: {  	[tilespmem:s16], [sflag:$0x2] =	stream.indirect_vreg.gather [hbm4b:s3+s2], $0x80, v4, vm0, $0xb8;
	[tilespmem:$0x1B100] =	vst v63  }
0x3a1: {  	s4 =	sadd.s32 $0x200, s1  }
0x3a2: {  	[tilespmem:s19], [sflag:$0x2] =	stream.indirect_vreg.gather [hbm4b:s4+s2], $0x80, v4, vm0, $0xb8;
	[tilespmem:$0x1B100] =	vst v63  }
0x3a3: {  	_ = 	snop  }
0x3a4: {  	[tilespmem:s22], [sflag:$0x2] =	stream.indirect_vreg.gather [hbm4b:s1+s2], $0x80, v3, vm0, $0xb8;
	[tilespmem:$0x1B100] =	vst v63  }
0x3a5: {  	_ = 	snop  }
0x3a6: {  	[tilespmem:s17], [sflag:$0x2] =	stream.indirect_vreg.gather [hbm4b:s3+s2], $0x80, v3, vm0, $0xb8;
	[tilespmem:$0x1B100] =	vst v63  }
0x3a7: {  	_ = 	snop  }
0x3a8: {  	[tilespmem:s21], [sflag:$0x2] =	stream.indirect_vreg.gather [hbm4b:s4+s2], $0x80, v3, vm0, $0xb8;
	[tilespmem:$0x1B100] =	vst v63  }
0x3a9: {  	v3 =	vld.msk [tilespmem:$0x10], $0x3;
	_ =	sdelay $0x4  }
0x3aa: {  	v39 =	vshrl.u32 v3, $0x3  }
0x3ab: {  	v4 =	vmul.u32 $0x30, v39  }
0x3ac: {  	v3 =	vand.u32 $0x7, v3  }
0x3ad: {  	v3 =	vor.u32 v3, v4  }
0x3ae: {  	v3 =	vperm.xlane v3, v0;
	_ =	sdelay $0x1  }
0x3af: {  	v3 =	vadd.s32 v1, v3;
	_ =	sdelay $0x4  }
0x3b0: {  	[tilespmem:s5], [sflag:$0x2] =	stream.indirect_vreg.gather [hbm4b:s1+s2], $0x80, v3, vm1, $0xb8;
	[tilespmem:$0x1B100] =	vst v63  }
0x3b1: {  	_ = 	snop  }
0x3b2: {  	[tilespmem:s18], [sflag:$0x2] =	stream.indirect_vreg.gather [hbm4b:s3+s2], $0x80, v3, vm1, $0xb8;
	[tilespmem:$0x1B100] =	vst v63  }
0x3b3: {  	_ = 	snop  }
0x3b4: {  	[tilespmem:s15], [sflag:$0x2] =	stream.indirect_vreg.gather [hbm4b:s4+s2], $0x80, v3, vm1, $0xb8;
	[tilespmem:$0x1B100] =	vst v63  }
0x3b5: {  	s15 =	simm.s32 $0x5  }
0x3b6: {  	_ =	swait.ge [sflag:s15], $0x3600  }
0x3b7: {  	[sflag:s15] =	ssyncset.done $0x0  }
0x3b8: {  	[sflag:s15] =	ssyncadd.s32 $0xFFFFCA00  }
0x3b9: {  	v3 =	vld [tilespmem:$0x80];
	_ =	sdelay $0x4  }
0x3ba: {  	v40 =	vshrl.u32 v3, $0x3  }
0x3bb: {  	v4 =	vmul.u32 $0x30, v40  }
0x3bc: {  	v3 =	vand.u32 $0x7, v3  }
0x3bd: {  	v3 =	vor.u32 v3, v4  }
0x3be: {  	v4 =	vperm.xlane v3, v0;
	_ =	sdelay $0x1  }
0x3bf: {  	v4 =	vadd.s32 v1, v4;
	_ =	sdelay $0x1  }
0x3c0: {  	s16 =	sld [smem:$0x7E7];
	_ =	sdelay $0x1  }
0x3c1: {  	s18 =	simm.s32 $0x12100;
	v3 =	vperm.xlane v3, v2  }
0x3c2: {  	[hbm4b:s16+s2] =	stream.indirect_vreg.scatter [tilespmem:s18], [sflag:$0xB], $0x80, v4, vm0, $0xb8;
	[tilespmem:$0x1B100] =	vst v63  }
0x3c3: {  	s21 =	simm.s32 $0x12900;
	s19 =	sadd.s32 $0x100, s16;
	v3 =	vadd.s32 v1, v3  }
0x3c4: {  	[hbm4b:s19+s2] =	stream.indirect_vreg.scatter [tilespmem:s21], [sflag:$0xB], $0x80, v4, vm0, $0xb8;
	[tilespmem:$0x1B100] =	vst v63  }
0x3c5: {  	s17 =	simm.s32 $0x13100;
	s22 =	sadd.s32 $0x200, s16  }
0x3c6: {  	[hbm4b:s22+s2] =	stream.indirect_vreg.scatter [tilespmem:s17], [sflag:$0xB], $0x80, v4, vm0, $0xb8;
	[tilespmem:$0x1B100] =	vst v63  }
0x3c7: {  	s31 =	simm.s32 $0x13900  }
0x3c8: {  	[hbm4b:s16+s2] =	stream.indirect_vreg.scatter [tilespmem:s31], [sflag:$0xB], $0x80, v3, vm0, $0xb8;
	[tilespmem:$0x1B100] =	vst v63  }
0x3c9: {  	s3 =	simm.s32 $0x14100  }
0x3ca: {  	[hbm4b:s19+s2] =	stream.indirect_vreg.scatter [tilespmem:s3], [sflag:$0xB], $0x80, v3, vm0, $0xb8;
	[tilespmem:$0x1B100] =	vst v63  }
0x3cb: {  	s4 =	simm.s32 $0x14900  }
0x3cc: {  	[hbm4b:s22+s2] =	stream.indirect_vreg.scatter [tilespmem:s4], [sflag:$0xB], $0x80, v3, vm0, $0xb8;
	[tilespmem:$0x1B100] =	vst v63  }
0x3cd: {  	v3 =	vld.msk [tilespmem:$0x90], $0x3;
	_ =	sdelay $0x4  }
0x3ce: {  	v41 =	vshrl.u32 v3, $0x3  }
0x3cf: {  	v4 =	vmul.u32 $0x30, v41  }
0x3d0: {  	v3 =	vand.u32 $0x7, v3  }
0x3d1: {  	v3 =	vor.u32 v3, v4  }
0x3d2: {  	v3 =	vperm.xlane v3, v0;
	_ =	sdelay $0x1  }
0x3d3: {  	v3 =	vadd.s32 v1, v3;
	_ =	sdelay $0x3  }
0x3d4: {  	s5 =	simm.s32 $0x15100  }
0x3d5: {  	[hbm4b:s16+s2] =	stream.indirect_vreg.scatter [tilespmem:s5], [sflag:$0xB], $0x80, v3, vm1, $0xb8;
	[tilespmem:$0x1B100] =	vst v63  }
0x3d6: {  	s18 =	simm.s32 $0x15900  }
0x3d7: {  	[hbm4b:s19+s2] =	stream.indirect_vreg.scatter [tilespmem:s18], [sflag:$0xB], $0x80, v3, vm1, $0xb8;
	[tilespmem:$0x1B100] =	vst v63  }
0x3d8: {  	s15 =	simm.s32 $0x9  }
0x3d9: {  	[hbm4b:s22+s2] =	stream.indirect_vreg.scatter [tilespmem:s25], [sflag:$0xB], $0x80, v3, vm1, $0xb8;
	[tilespmem:$0x1B100] =	vst v63  }
0x3da: {  	_ =	swait.ge [sflag:s15], $0x3600  }
0x3db: {  	[sflag:s15] =	ssyncset.done $0x0  }
0x3dc: {  	[sflag:s15] =	ssyncadd.s32 $0xFFFFCA00  }
0x3dd: {  	v3 =	vld [tilespmem:$0x0];
	_ =	sdelay $0x4  }
0x3de: {  	v42 =	vshrl.u32 v3, $0x3  }
0x3df: {  	v4 =	vmul.u32 $0x30, v42  }
0x3e0: {  	v3 =	vand.u32 $0x7, v3  }
0x3e1: {  	v3 =	vor.u32 v3, v4  }
0x3e2: {  	v4 =	vperm.xlane v3, v0;
	_ =	sdelay $0x1  }
0x3e3: {  	v4 =	vadd.s32 v1, v4;
	_ =	sdelay $0x3  }
0x3e4: {  	s16 =	rddreg [dreg:$0x14];
	v3 =	vperm.xlane v3, v2  }
0x3e5: {  	[tilespmem:s6], [sflag:$0x3] =	stream.indirect_vreg.gather [hbm4b:s16+s2], $0x80, v4, vm0, $0xb8;
	[tilespmem:$0x1B100] =	vst v63  }
0x3e6: {  	s19 =	sadd.s32 $0x100, s16;
	v3 =	vadd.s32 v1, v3  }
0x3e7: {  	[tilespmem:s23], [sflag:$0x3] =	stream.indirect_vreg.gather [hbm4b:s19+s2], $0x80, v4, vm0, $0xb8;
	[tilespmem:$0x1B100] =	vst v63  }
0x3e8: {  	s22 =	simm.s32 $0xA100;
	s21 =	sadd.s32 $0x200, s16  }
0x3e9: {  	[tilespmem:s22], [sflag:$0x3] =	stream.indirect_vreg.gather [hbm4b:s21+s2], $0x80, v4, vm0, $0xb8;
	[tilespmem:$0x1B100] =	vst v63  }
0x3ea: {  	s23 =	simm.s32 $0xA900  }
0x3eb: {  	[tilespmem:s23], [sflag:$0x3] =	stream.indirect_vreg.gather [hbm4b:s16+s2], $0x80, v3, vm0, $0xb8;
	[tilespmem:$0x1B100] =	vst v63  }
0x3ec: {  	s29 =	simm.s32 $0xB100  }
0x3ed: {  	[tilespmem:s29], [sflag:$0x3] =	stream.indirect_vreg.gather [hbm4b:s19+s2], $0x80, v3, vm0, $0xb8;
	[tilespmem:$0x1B100] =	vst v63  }
0x3ee: {  	s3 =	simm.s32 $0xB900  }
0x3ef: {  	[tilespmem:s3], [sflag:$0x3] =	stream.indirect_vreg.gather [hbm4b:s21+s2], $0x80, v3, vm0, $0xb8;
	[tilespmem:$0x1B100] =	vst v63  }
0x3f0: {  	v3 =	vld.msk [tilespmem:$0x10], $0x3;
	_ =	sdelay $0x4  }
0x3f1: {  	v43 =	vshrl.u32 v3, $0x3  }
0x3f2: {  	v4 =	vmul.u32 $0x30, v43  }
0x3f3: {  	v3 =	vand.u32 $0x7, v3  }
0x3f4: {  	v3 =	vor.u32 v3, v4  }
0x3f5: {  	v3 =	vperm.xlane v3, v0;
	_ =	sdelay $0x1  }
0x3f6: {  	v3 =	vadd.s32 v1, v3;
	_ =	sdelay $0x3  }
0x3f7: {  	s4 =	simm.s32 $0xC100  }
0x3f8: {  	[tilespmem:s4], [sflag:$0x3] =	stream.indirect_vreg.gather [hbm4b:s16+s2], $0x80, v3, vm1, $0xb8;
	[tilespmem:$0x1B100] =	vst v63  }
0x3f9: {  	s5 =	simm.s32 $0xC900  }
0x3fa: {  	[tilespmem:s5], [sflag:$0x3] =	stream.indirect_vreg.gather [hbm4b:s19+s2], $0x80, v3, vm1, $0xb8;
	[tilespmem:$0x1B100] =	vst v63  }
0x3fb: {  	s6 =	simm.s32 $0x6  }
0x3fc: {  	[tilespmem:s28], [sflag:$0x3] =	stream.indirect_vreg.gather [hbm4b:s21+s2], $0x80, v3, vm1, $0xb8;
	[tilespmem:$0x1B100] =	vst v63  }
0x3fd: {  	_ =	swait.ge [sflag:s6], $0x3600  }
0x3fe: {  	[sflag:s6] =	ssyncset.done $0x0  }
0x3ff: {  	[sflag:s6] =	ssyncadd.s32 $0xFFFFCA00  }
0x400: {  	v3 =	vld [tilespmem:$0x80];
	_ =	sdelay $0x4  }
0x401: {  	v44 =	vshrl.u32 v3, $0x3  }
0x402: {  	v4 =	vmul.u32 $0x30, v44  }
0x403: {  	v3 =	vand.u32 $0x7, v3  }
0x404: {  	v3 =	vor.u32 v3, v4  }
0x405: {  	v4 =	vperm.xlane v3, v0;
	_ =	sdelay $0x1  }
0x406: {  	v4 =	vadd.s32 v1, v4;
	_ =	sdelay $0x1  }
0x407: {  	s9 =	sld [smem:$0x7E8];
	_ =	sdelay $0x1  }
0x408: {  	s4 =	simm.s32 $0x16900;
	v3 =	vperm.xlane v3, v2  }
0x409: {  	[hbm4b:s9+s2] =	stream.indirect_vreg.scatter [tilespmem:s4], [sflag:$0xC], $0x80, v4, vm0, $0xb8;
	[tilespmem:$0x1B100] =	vst v63  }
0x40a: {  	s28 =	simm.s32 $0x17100;
	s10 =	sadd.s32 $0x100, s9;
	v3 =	vadd.s32 v1, v3  }
0x40b: {  	[hbm4b:s10+s2] =	stream.indirect_vreg.scatter [tilespmem:s28], [sflag:$0xC], $0x80, v4, vm0, $0xb8;
	[tilespmem:$0x1B100] =	vst v63  }
0x40c: {  	s16 =	simm.s32 $0x17900;
	s15 =	sadd.s32 $0x200, s9  }
0x40d: {  	[hbm4b:s15+s2] =	stream.indirect_vreg.scatter [tilespmem:s16], [sflag:$0xC], $0x80, v4, vm0, $0xb8;
	[tilespmem:$0x1B100] =	vst v63  }
0x40e: {  	s3 =	simm.s32 $0x18100  }
0x40f: {  	[hbm4b:s9+s2] =	stream.indirect_vreg.scatter [tilespmem:s3], [sflag:$0xC], $0x80, v3, vm0, $0xb8;
	[tilespmem:$0x1B100] =	vst v63  }
0x410: {  	s19 =	simm.s32 $0x18900  }
0x411: {  	[hbm4b:s10+s2] =	stream.indirect_vreg.scatter [tilespmem:s19], [sflag:$0xC], $0x80, v3, vm0, $0xb8;
	[tilespmem:$0x1B100] =	vst v63  }
0x412: {  	s29 =	simm.s32 $0x19100  }
0x413: {  	[hbm4b:s15+s2] =	stream.indirect_vreg.scatter [tilespmem:s29], [sflag:$0xC], $0x80, v3, vm0, $0xb8;
	[tilespmem:$0x1B100] =	vst v63  }
0x414: {  	v3 =	vld.msk [tilespmem:$0x90], $0x3;
	_ =	sdelay $0x4  }
0x415: {  	v45 =	vshrl.u32 v3, $0x3  }
0x416: {  	v4 =	vmul.u32 $0x30, v45  }
0x417: {  	v3 =	vand.u32 $0x7, v3  }
0x418: {  	v3 =	vor.u32 v3, v4  }
0x419: {  	v3 =	vperm.xlane v3, v0;
	_ =	sdelay $0x1  }
0x41a: {  	v3 =	vadd.s32 v1, v3;
	_ =	sdelay $0x3  }
0x41b: {  	s1 =	simm.s32 $0x19900  }
0x41c: {  	[hbm4b:s9+s2] =	stream.indirect_vreg.scatter [tilespmem:s1], [sflag:$0xC], $0x80, v3, vm1, $0xb8;
	[tilespmem:$0x1B100] =	vst v63  }
0x41d: {  	s22 =	simm.s32 $0x1A100  }
0x41e: {  	[hbm4b:s10+s2] =	stream.indirect_vreg.scatter [tilespmem:s22], [sflag:$0xC], $0x80, v3, vm1, $0xb8;
	[tilespmem:$0x1B100] =	vst v63  }
0x41f: {  	s5 =	simm.s32 $0xA;
	s6 =	simm.s32 $0x1A900  }
0x420: {  	[hbm4b:s15+s2] =	stream.indirect_vreg.scatter [tilespmem:s6], [sflag:$0xC], $0x80, v3, vm1, $0xb8;
	[tilespmem:$0x1B100] =	vst v63  }
0x421: {  	_ =	swait.ge [sflag:s5], $0x3600  }
0x422: {  	[sflag:s5] =	ssyncset.done $0x0  }
0x423: {  	[sflag:s5] =	ssyncadd.s32 $0xFFFFCA00  }
0x424: {  	v3 =	vld [tilespmem:$0x0];
	_ =	sdelay $0x4  }
0x425: {  	v46 =	vshrl.u32 v3, $0x3  }
0x426: {  	v4 =	vmul.u32 $0x30, v46  }
0x427: {  	v3 =	vand.u32 $0x7, v3  }
0x428: {  	v3 =	vor.u32 v3, v4  }
0x429: {  	v4 =	vperm.xlane v3, v0;
	_ =	sdelay $0x1  }
0x42a: {  	v4 =	vadd.s32 v1, v4;
	_ =	sdelay $0x3  }
0x42b: {  	s9 =	rddreg [dreg:$0x15];
	v3 =	vperm.xlane v3, v2  }
0x42c: {  	[tilespmem:s0], [sflag:$0x4] =	stream.indirect_vreg.gather [hbm4b:s9+s2], $0x80, v4, vm0, $0xb8;
	[tilespmem:$0x1B100] =	vst v63  }
0x42d: {  	s10 =	sadd.s32 $0x100, s9;
	v3 =	vadd.s32 v1, v3  }
0x42e: {  	[tilespmem:s14], [sflag:$0x4] =	stream.indirect_vreg.gather [hbm4b:s10+s2], $0x80, v4, vm0, $0xb8;
	[tilespmem:$0x1B100] =	vst v63  }
0x42f: {  	s14 =	sadd.s32 $0x200, s9  }
0x430: {  	[tilespmem:s12], [sflag:$0x4] =	stream.indirect_vreg.gather [hbm4b:s14+s2], $0x80, v4, vm0, $0xb8;
	[tilespmem:$0x1B100] =	vst v63  }
0x431: {  	_ = 	snop  }
0x432: {  	[tilespmem:s8], [sflag:$0x4] =	stream.indirect_vreg.gather [hbm4b:s9+s2], $0x80, v3, vm0, $0xb8;
	[tilespmem:$0x1B100] =	vst v63  }
0x433: {  	_ = 	snop  }
0x434: {  	[tilespmem:s20], [sflag:$0x4] =	stream.indirect_vreg.gather [hbm4b:s10+s2], $0x80, v3, vm0, $0xb8;
	[tilespmem:$0x1B100] =	vst v63  }
0x435: {  	_ = 	snop  }
0x436: {  	[tilespmem:s7], [sflag:$0x4] =	stream.indirect_vreg.gather [hbm4b:s14+s2], $0x80, v3, vm0, $0xb8;
	[tilespmem:$0x1B100] =	vst v63  }
0x437: {  	v3 =	vld.msk [tilespmem:$0x10], $0x3;
	_ =	sdelay $0x4  }
0x438: {  	v47 =	vshrl.u32 v3, $0x3  }
0x439: {  	v4 =	vmul.u32 $0x30, v47  }
0x43a: {  	v3 =	vand.u32 $0x7, v3  }
0x43b: {  	v3 =	vor.u32 v3, v4  }
0x43c: {  	v3 =	vperm.xlane v3, v0;
	_ =	sdelay $0x1  }
0x43d: {  	v3 =	vadd.s32 v1, v3;
	_ =	sdelay $0x4  }
0x43e: {  	[tilespmem:s30], [sflag:$0x4] =	stream.indirect_vreg.gather [hbm4b:s9+s2], $0x80, v3, vm1, $0xb8;
	[tilespmem:$0x1B100] =	vst v63  }
0x43f: {  	_ = 	snop  }
0x440: {  	[tilespmem:s24], [sflag:$0x4] =	stream.indirect_vreg.gather [hbm4b:s10+s2], $0x80, v3, vm1, $0xb8;
	[tilespmem:$0x1B100] =	vst v63  }
0x441: {  	s15 =	simm.s32 $0x1  }
0x442: {  	[tilespmem:s13], [sflag:$0x4] =	stream.indirect_vreg.gather [hbm4b:s14+s2], $0x80, v3, vm1, $0xb8;
	[tilespmem:$0x1B100] =	vst v63  }
0x443: {  	_ =	swait.ge [sflag:s15], $0x3600  }
0x444: {  	[sflag:s15] =	ssyncset.done $0x0  }
0x445: {  	[sflag:s15] =	ssyncadd.s32 $0xFFFFCA00  }
0x446: {  	v3 =	vld [tilespmem:$0x80];
	_ =	sdelay $0x4  }
0x447: {  	v48 =	vshrl.u32 v3, $0x3  }
0x448: {  	v4 =	vmul.u32 $0x30, v48  }
0x449: {  	v3 =	vand.u32 $0x7, v3  }
0x44a: {  	v3 =	vor.u32 v3, v4  }
0x44b: {  	v4 =	vperm.xlane v3, v0;
	_ =	sdelay $0x1  }
0x44c: {  	v4 =	vadd.s32 v1, v4;
	_ =	sdelay $0x1  }
0x44d: {  	s16 =	sld [smem:$0x7E9];
	_ =	sdelay $0x1  }
0x44e: {  	s8 =	simm.s32 $0x100;
	v3 =	vperm.xlane v3, v2  }
0x44f: {  	[hbm4b:s16+s2] =	stream.indirect_vreg.scatter [tilespmem:s8], [sflag:$0x7], $0x80, v4, vm0, $0xb8;
	[tilespmem:$0x1B100] =	vst v63  }
0x450: {  	s30 =	simm.s32 $0x900;
	s20 =	sadd.s32 $0x100, s16;
	v3 =	vadd.s32 v1, v3  }
0x451: {  	[hbm4b:s20+s2] =	stream.indirect_vreg.scatter [tilespmem:s30], [sflag:$0x7], $0x80, v4, vm0, $0xb8;
	[tilespmem:$0x1B100] =	vst v63  }
0x452: {  	s22 =	simm.s32 $0x1100;
	s24 =	sadd.s32 $0x200, s16  }
0x453: {  	[hbm4b:s24+s2] =	stream.indirect_vreg.scatter [tilespmem:s22], [sflag:$0x7], $0x80, v4, vm0, $0xb8;
	[tilespmem:$0x1B100] =	vst v63  }
0x454: {  	s7 =	simm.s32 $0x1900  }
0x455: {  	[hbm4b:s16+s2] =	stream.indirect_vreg.scatter [tilespmem:s7], [sflag:$0x7], $0x80, v3, vm0, $0xb8;
	[tilespmem:$0x1B100] =	vst v63  }
0x456: {  	s13 =	simm.s32 $0x2100  }
0x457: {  	[hbm4b:s20+s2] =	stream.indirect_vreg.scatter [tilespmem:s13], [sflag:$0x7], $0x80, v3, vm0, $0xb8;
	[tilespmem:$0x1B100] =	vst v63  }
0x458: {  	s19 =	simm.s32 $0x2900  }
0x459: {  	[hbm4b:s24+s2] =	stream.indirect_vreg.scatter [tilespmem:s19], [sflag:$0x7], $0x80, v3, vm0, $0xb8;
	[tilespmem:$0x1B100] =	vst v63  }
0x45a: {  	v3 =	vld.msk [tilespmem:$0x90], $0x3;
	_ =	sdelay $0x4  }
0x45b: {  	v49 =	vshrl.u32 v3, $0x3  }
0x45c: {  	v4 =	vmul.u32 $0x30, v49  }
0x45d: {  	v3 =	vand.u32 $0x7, v3  }
0x45e: {  	v3 =	vor.u32 v3, v4  }
0x45f: {  	v3 =	vperm.xlane v3, v0;
	_ =	sdelay $0x1  }
0x460: {  	v3 =	vadd.s32 v1, v3;
	_ =	sdelay $0x3  }
0x461: {  	s5 =	simm.s32 $0x3100  }
0x462: {  	[hbm4b:s16+s2] =	stream.indirect_vreg.scatter [tilespmem:s5], [sflag:$0x7], $0x80, v3, vm1, $0xb8;
	[tilespmem:$0x1B100] =	vst v63  }
0x463: {  	s15 =	simm.s32 $0x3900  }
0x464: {  	[hbm4b:s20+s2] =	stream.indirect_vreg.scatter [tilespmem:s15], [sflag:$0x7], $0x80, v3, vm1, $0xb8;
	[tilespmem:$0x1B100] =	vst v63  }
0x465: {  	s9 =	simm.s32 $0xB;
	s16 =	simm.s32 $0x4100  }
0x466: {  	[hbm4b:s24+s2] =	stream.indirect_vreg.scatter [tilespmem:s16], [sflag:$0x7], $0x80, v3, vm1, $0xb8;
	[tilespmem:$0x1B100] =	vst v63  }
0x467: {  	_ =	swait.ge [sflag:s9], $0x3600  }
0x468: {  	[sflag:s9] =	ssyncset.done $0x0  }
0x469: {  	[sflag:s9] =	ssyncadd.s32 $0xFFFFCA00  }
0x46a: {  	v3 =	vld [tilespmem:$0x0];
	_ =	sdelay $0x4  }
0x46b: {  	v50 =	vshrl.u32 v3, $0x3  }
0x46c: {  	v4 =	vmul.u32 $0x30, v50  }
0x46d: {  	v3 =	vand.u32 $0x7, v3  }
0x46e: {  	v3 =	vor.u32 v3, v4  }
0x46f: {  	v4 =	vperm.xlane v3, v0;
	_ =	sdelay $0x1  }
0x470: {  	v4 =	vadd.s32 v1, v4;
	_ =	sdelay $0x3  }
0x471: {  	s12 =	simm.s32 $0x12100;
	s10 =	rddreg [dreg:$0x16];
	v3 =	vperm.xlane v3, v2  }
0x472: {  	[tilespmem:s12], [sflag:$0x5] =	stream.indirect_vreg.gather [hbm4b:s10+s2], $0x80, v4, vm0, $0xb8;
	[tilespmem:$0x1B100] =	vst v63  }
0x473: {  	s20 =	simm.s32 $0x12900;
	s14 =	sadd.s32 $0x100, s10;
	v3 =	vadd.s32 v1, v3  }
0x474: {  	[tilespmem:s20], [sflag:$0x5] =	stream.indirect_vreg.gather [hbm4b:s14+s2], $0x80, v4, vm0, $0xb8;
	[tilespmem:$0x1B100] =	vst v63  }
0x475: {  	s24 =	sadd.s32 $0x200, s10  }
0x476: {  	[tilespmem:s17], [sflag:$0x5] =	stream.indirect_vreg.gather [hbm4b:s24+s2], $0x80, v4, vm0, $0xb8;
	[tilespmem:$0x1B100] =	vst v63  }
0x477: {  	s31 =	simm.s32 $0x13900  }
0x478: {  	[tilespmem:s31], [sflag:$0x5] =	stream.indirect_vreg.gather [hbm4b:s10+s2], $0x80, v3, vm0, $0xb8;
	[tilespmem:$0x1B100] =	vst v63  }
0x479: {  	s7 =	simm.s32 $0x14100  }
0x47a: {  	[tilespmem:s7], [sflag:$0x5] =	stream.indirect_vreg.gather [hbm4b:s14+s2], $0x80, v3, vm0, $0xb8;
	[tilespmem:$0x1B100] =	vst v63  }
0x47b: {  	s12 =	simm.s32 $0x14900  }
0x47c: {  	[tilespmem:s12], [sflag:$0x5] =	stream.indirect_vreg.gather [hbm4b:s24+s2], $0x80, v3, vm0, $0xb8;
	[tilespmem:$0x1B100] =	vst v63  }
0x47d: {  	v3 =	vld.msk [tilespmem:$0x10], $0x3;
	_ =	sdelay $0x4  }
0x47e: {  	v51 =	vshrl.u32 v3, $0x3  }
0x47f: {  	v4 =	vmul.u32 $0x30, v51  }
0x480: {  	v3 =	vand.u32 $0x7, v3  }
0x481: {  	v3 =	vor.u32 v3, v4  }
0x482: {  	v3 =	vperm.xlane v3, v0;
	_ =	sdelay $0x1  }
0x483: {  	v3 =	vadd.s32 v1, v3;
	_ =	sdelay $0x3  }
0x484: {  	s26 =	simm.s32 $0x15100  }
0x485: {  	[tilespmem:s26], [sflag:$0x5] =	stream.indirect_vreg.gather [hbm4b:s10+s2], $0x80, v3, vm1, $0xb8;
	[tilespmem:$0x1B100] =	vst v63  }
0x486: {  	_ = 	snop  }
0x487: {  	[tilespmem:s18], [sflag:$0x5] =	stream.indirect_vreg.gather [hbm4b:s14+s2], $0x80, v3, vm1, $0xb8;
	[tilespmem:$0x1B100] =	vst v63  }
0x488: {  	s25 =	simm.s32 $0x16100;
	s14 =	simm.s32 $0x2  }
0x489: {  	[tilespmem:s25], [sflag:$0x5] =	stream.indirect_vreg.gather [hbm4b:s24+s2], $0x80, v3, vm1, $0xb8;
	[tilespmem:$0x1B100] =	vst v63  }
0x48a: {  	_ =	swait.ge [sflag:s14], $0x3600  }
0x48b: {  	[sflag:s14] =	ssyncset.done $0x0  }
0x48c: {  	[sflag:s14] =	ssyncadd.s32 $0xFFFFCA00  }
0x48d: {  	v3 =	vld [tilespmem:$0x80];
	_ =	sdelay $0x4  }
0x48e: {  	v52 =	vshrl.u32 v3, $0x3  }
0x48f: {  	v4 =	vmul.u32 $0x30, v52  }
0x490: {  	v3 =	vand.u32 $0x7, v3  }
0x491: {  	v3 =	vor.u32 v3, v4  }
0x492: {  	v4 =	vperm.xlane v3, v0;
	_ =	sdelay $0x1  }
0x493: {  	v4 =	vadd.s32 v1, v4;
	_ =	sdelay $0x1  }
0x494: {  	s17 =	sld [smem:$0x7EA];
	_ =	sdelay $0x1  }
0x495: {  	s7 =	simm.s32 $0x4900;
	v3 =	vperm.xlane v3, v2  }
0x496: {  	[hbm4b:s17+s2] =	stream.indirect_vreg.scatter [tilespmem:s7], [sflag:$0x8], $0x80, v4, vm0, $0xb8;
	[tilespmem:$0x1B100] =	vst v63  }
0x497: {  	s24 =	simm.s32 $0x5100;
	s18 =	sadd.s32 $0x100, s17;
	v3 =	vadd.s32 v1, v3  }
0x498: {  	[hbm4b:s18+s2] =	stream.indirect_vreg.scatter [tilespmem:s24], [sflag:$0x8], $0x80, v4, vm0, $0xb8;
	[tilespmem:$0x1B100] =	vst v63  }
0x499: {  	s26 =	simm.s32 $0x5900;
	s20 =	sadd.s32 $0x200, s17  }
0x49a: {  	[hbm4b:s20+s2] =	stream.indirect_vreg.scatter [tilespmem:s26], [sflag:$0x8], $0x80, v4, vm0, $0xb8;
	[tilespmem:$0x1B100] =	vst v63  }
0x49b: {  	s31 =	simm.s32 $0x6100  }
0x49c: {  	[hbm4b:s17+s2] =	stream.indirect_vreg.scatter [tilespmem:s31], [sflag:$0x8], $0x80, v3, vm0, $0xb8;
	[tilespmem:$0x1B100] =	vst v63  }
0x49d: {  	s25 =	simm.s32 $0x6900  }
0x49e: {  	[hbm4b:s18+s2] =	stream.indirect_vreg.scatter [tilespmem:s25], [sflag:$0x8], $0x80, v3, vm0, $0xb8;
	[tilespmem:$0x1B100] =	vst v63  }
0x49f: {  	s12 =	simm.s32 $0x7100  }
0x4a0: {  	[hbm4b:s20+s2] =	stream.indirect_vreg.scatter [tilespmem:s12], [sflag:$0x8], $0x80, v3, vm0, $0xb8;
	[tilespmem:$0x1B100] =	vst v63  }
0x4a1: {  	v3 =	vld.msk [tilespmem:$0x90], $0x3;
	_ =	sdelay $0x4  }
0x4a2: {  	v53 =	vshrl.u32 v3, $0x3  }
0x4a3: {  	v4 =	vmul.u32 $0x30, v53  }
0x4a4: {  	v3 =	vand.u32 $0x7, v3  }
0x4a5: {  	v3 =	vor.u32 v3, v4  }
0x4a6: {  	v3 =	vperm.xlane v3, v0;
	_ =	sdelay $0x1  }
0x4a7: {  	v3 =	vadd.s32 v1, v3;
	_ =	sdelay $0x3  }
0x4a8: {  	s12 =	simm.s32 $0x7900  }
0x4a9: {  	[hbm4b:s17+s2] =	stream.indirect_vreg.scatter [tilespmem:s12], [sflag:$0x8], $0x80, v3, vm1, $0xb8;
	[tilespmem:$0x1B100] =	vst v63  }
0x4aa: {  	s31 =	simm.s32 $0x8100  }
0x4ab: {  	[hbm4b:s18+s2] =	stream.indirect_vreg.scatter [tilespmem:s31], [sflag:$0x8], $0x80, v3, vm1, $0xb8;
	[tilespmem:$0x1B100] =	vst v63  }
0x4ac: {  	s14 =	simm.s32 $0xC;
	s26 =	simm.s32 $0x8900  }
0x4ad: {  	[hbm4b:s20+s2] =	stream.indirect_vreg.scatter [tilespmem:s26], [sflag:$0x8], $0x80, v3, vm1, $0xb8;
	[tilespmem:$0x1B100] =	vst v63  }
0x4ae: {  	_ =	swait.ge [sflag:s14], $0x3600  }
0x4af: {  	[sflag:s14] =	ssyncset.done $0x0  }
0x4b0: {  	[sflag:s14] =	ssyncadd.s32 $0xFFFFCA00  }
0x4b1: {  	v3 =	vld [tilespmem:$0x0];
	_ =	sdelay $0x4  }
0x4b2: {  	v54 =	vshrl.u32 v3, $0x3  }
0x4b3: {  	v4 =	vmul.u32 $0x30, v54  }
0x4b4: {  	v3 =	vand.u32 $0x7, v3  }
0x4b5: {  	v3 =	vor.u32 v3, v4  }
0x4b6: {  	v4 =	vperm.xlane v3, v0;
	_ =	sdelay $0x1  }
0x4b7: {  	v4 =	vadd.s32 v1, v4;
	_ =	sdelay $0x3  }
0x4b8: {  	s17 =	rddreg [dreg:$0x17];
	v3 =	vperm.xlane v3, v2  }
0x4b9: {  	[tilespmem:s4], [sflag:$0x6] =	stream.indirect_vreg.gather [hbm4b:s17+s2], $0x80, v4, vm0, $0xb8;
	[tilespmem:$0x1B100] =	vst v63  }
0x4ba: {  	s18 =	sadd.s32 $0x100, s17;
	v3 =	vadd.s32 v1, v3  }
0x4bb: {  	[tilespmem:s28], [sflag:$0x6] =	stream.indirect_vreg.gather [hbm4b:s18+s2], $0x80, v4, vm0, $0xb8;
	[tilespmem:$0x1B100] =	vst v63  }
0x4bc: {  	s21 =	simm.s32 $0x17900;
	s20 =	sadd.s32 $0x200, s17  }
0x4bd: {  	[tilespmem:s21], [sflag:$0x6] =	stream.indirect_vreg.gather [hbm4b:s20+s2], $0x80, v4, vm0, $0xb8;
	[tilespmem:$0x1B100] =	vst v63  }
0x4be: {  	_ = 	snop  }
0x4bf: {  	[tilespmem:s3], [sflag:$0x6] =	stream.indirect_vreg.gather [hbm4b:s17+s2], $0x80, v3, vm0, $0xb8;
	[tilespmem:$0x1B100] =	vst v63  }
0x4c0: {  	s23 =	simm.s32 $0x18900  }
0x4c1: {  	[tilespmem:s23], [sflag:$0x6] =	stream.indirect_vreg.gather [hbm4b:s18+s2], $0x80, v3, vm0, $0xb8;
	[tilespmem:$0x1B100] =	vst v63  }
0x4c2: {  	_ = 	snop  }
0x4c3: {  	[tilespmem:s29], [sflag:$0x6] =	stream.indirect_vreg.gather [hbm4b:s20+s2], $0x80, v3, vm0, $0xb8;
	[tilespmem:$0x1B100] =	vst v63  }
0x4c4: {  	v3 =	vld.msk [tilespmem:$0x10], $0x3;
	_ =	sdelay $0x4  }
0x4c5: {  	v55 =	vshrl.u32 v3, $0x3  }
0x4c6: {  	v4 =	vmul.u32 $0x30, v55  }
0x4c7: {  	v3 =	vand.u32 $0x7, v3  }
0x4c8: {  	v3 =	vor.u32 v3, v4  }
0x4c9: {  	v3 =	vperm.xlane v3, v0;
	_ =	sdelay $0x1  }
0x4ca: {  	v3 =	vadd.s32 v1, v3;
	_ =	sdelay $0x4  }
0x4cb: {  	[tilespmem:s1], [sflag:$0x6] =	stream.indirect_vreg.gather [hbm4b:s17+s2], $0x80, v3, vm1, $0xb8;
	[tilespmem:$0x1B100] =	vst v63  }
0x4cc: {  	s21 =	simm.s32 $0x1A100  }
0x4cd: {  	[tilespmem:s21], [sflag:$0x6] =	stream.indirect_vreg.gather [hbm4b:s18+s2], $0x80, v3, vm1, $0xb8;
	[tilespmem:$0x1B100] =	vst v63  }
0x4ce: {  	s23 =	simm.s32 $0x3  }
0x4cf: {  	[tilespmem:s6], [sflag:$0x6] =	stream.indirect_vreg.gather [hbm4b:s20+s2], $0x80, v3, vm1, $0xb8;
	[tilespmem:$0x1B100] =	vst v63  }
0x4d0: {  	_ =	swait.ge [sflag:s23], $0x3600  }
0x4d1: {  	[sflag:s23] =	ssyncset.done $0x0  }
0x4d2: {  	[sflag:s23] =	ssyncadd.s32 $0xFFFFCA00  }
0x4d3: {  	v3 =	vld [tilespmem:$0x80];
	_ =	sdelay $0x4  }
0x4d4: {  	v56 =	vshrl.u32 v3, $0x3  }
0x4d5: {  	v4 =	vmul.u32 $0x30, v56  }
0x4d6: {  	v3 =	vand.u32 $0x7, v3  }
0x4d7: {  	v3 =	vor.u32 v3, v4  }
0x4d8: {  	v4 =	vperm.xlane v3, v0;
	_ =	sdelay $0x1  }
0x4d9: {  	v4 =	vadd.s32 v1, v4;
	_ =	sdelay $0x1  }
0x4da: {  	s28 =	sld [smem:$0x7EB];
	_ =	sdelay $0x1  }
0x4db: {  	s4 =	simm.s32 $0x9100;
	v3 =	vperm.xlane v3, v2  }
0x4dc: {  	[hbm4b:s28+s2] =	stream.indirect_vreg.scatter [tilespmem:s4], [sflag:$0x9], $0x80, v4, vm0, $0xb8;
	[tilespmem:$0x1B100] =	vst v63  }
0x4dd: {  	s1 =	simm.s32 $0x9900;
	s29 =	sadd.s32 $0x100, s28;
	v3 =	vadd.s32 v1, v3  }
0x4de: {  	[hbm4b:s29+s2] =	stream.indirect_vreg.scatter [tilespmem:s1], [sflag:$0x9], $0x80, v4, vm0, $0xb8;
	[tilespmem:$0x1B100] =	vst v63  }
0x4df: {  	s21 =	simm.s32 $0xA100;
	s3 =	sadd.s32 $0x200, s28  }
0x4e0: {  	[hbm4b:s3+s2] =	stream.indirect_vreg.scatter [tilespmem:s21], [sflag:$0x9], $0x80, v4, vm0, $0xb8;
	[tilespmem:$0x1B100] =	vst v63  }
0x4e1: {  	s23 =	simm.s32 $0xA900  }
0x4e2: {  	[hbm4b:s28+s2] =	stream.indirect_vreg.scatter [tilespmem:s23], [sflag:$0x9], $0x80, v3, vm0, $0xb8;
	[tilespmem:$0x1B100] =	vst v63  }
0x4e3: {  	s14 =	simm.s32 $0xB100  }
0x4e4: {  	[hbm4b:s29+s2] =	stream.indirect_vreg.scatter [tilespmem:s14], [sflag:$0x9], $0x80, v3, vm0, $0xb8;
	[tilespmem:$0x1B100] =	vst v63  }
0x4e5: {  	s18 =	simm.s32 $0xB900  }
0x4e6: {  	[hbm4b:s3+s2] =	stream.indirect_vreg.scatter [tilespmem:s18], [sflag:$0x9], $0x80, v3, vm0, $0xb8;
	[tilespmem:$0x1B100] =	vst v63  }
0x4e7: {  	v3 =	vld.msk [tilespmem:$0x90], $0x3;
	_ =	sdelay $0x4  }
0x4e8: {  	v57 =	vshrl.u32 v3, $0x3  }
0x4e9: {  	v4 =	vmul.u32 $0x30, v57  }
0x4ea: {  	v3 =	vand.u32 $0x7, v3  }
0x4eb: {  	v3 =	vor.u32 v3, v4  }
0x4ec: {  	v3 =	vperm.xlane v3, v0;
	_ =	sdelay $0x1  }
0x4ed: {  	v3 =	vadd.s32 v1, v3;
	_ =	sdelay $0x3  }
0x4ee: {  	s20 =	simm.s32 $0xC100  }
0x4ef: {  	[hbm4b:s28+s2] =	stream.indirect_vreg.scatter [tilespmem:s20], [sflag:$0x9], $0x80, v3, vm1, $0xb8;
	[tilespmem:$0x1B100] =	vst v63  }
0x4f0: {  	s17 =	simm.s32 $0xC900  }
0x4f1: {  	[hbm4b:s29+s2] =	stream.indirect_vreg.scatter [tilespmem:s17], [sflag:$0x9], $0x80, v3, vm1, $0xb8;
	[tilespmem:$0x1B100] =	vst v63  }
0x4f2: {  	s6 =	simm.s32 $0xD100;
	s28 =	simm.s32 $0x7  }
0x4f3: {  	[hbm4b:s3+s2] =	stream.indirect_vreg.scatter [tilespmem:s6], [sflag:$0x9], $0x80, v3, vm1, $0xb8;
	[tilespmem:$0x1B100] =	vst v63  }
0x4f4: {  	_ =	swait.ge [sflag:s28], $0x3600  }
0x4f5: {  	[sflag:s28] =	ssyncset.done $0x0  }
0x4f6: {  	[sflag:s28] =	ssyncadd.s32 $0xFFFFCA00  }
0x4f7: {  	v3 =	vld [tilespmem:$0x0];
	_ =	sdelay $0x4  }
0x4f8: {  	v58 =	vshrl.u32 v3, $0x3  }
0x4f9: {  	v4 =	vmul.u32 $0x30, v58  }
0x4fa: {  	v3 =	vand.u32 $0x7, v3  }
0x4fb: {  	v3 =	vor.u32 v3, v4  }
0x4fc: {  	v4 =	vperm.xlane v3, v0;
	_ =	sdelay $0x1  }
0x4fd: {  	v4 =	vadd.s32 v1, v4;
	_ =	sdelay $0x3  }
0x4fe: {  	s29 =	rddreg [dreg:$0x18];
	v3 =	vperm.xlane v3, v2  }
0x4ff: {  	[tilespmem:s8], [sflag:$0x1] =	stream.indirect_vreg.gather [hbm4b:s29+s2], $0x80, v4, vm0, $0xb8;
	[tilespmem:$0x1B100] =	vst v63  }
0x500: {  	s1 =	sadd.s32 $0x100, s29;
	v3 =	vadd.s32 v1, v3  }
0x501: {  	[tilespmem:s30], [sflag:$0x1] =	stream.indirect_vreg.gather [hbm4b:s1+s2], $0x80, v4, vm0, $0xb8;
	[tilespmem:$0x1B100] =	vst v63  }
0x502: {  	s3 =	sadd.s32 $0x200, s29  }
0x503: {  	[tilespmem:s22], [sflag:$0x1] =	stream.indirect_vreg.gather [hbm4b:s3+s2], $0x80, v4, vm0, $0xb8;
	[tilespmem:$0x1B100] =	vst v63  }
0x504: {  	s8 =	simm.s32 $0x1900  }
0x505: {  	[tilespmem:s8], [sflag:$0x1] =	stream.indirect_vreg.gather [hbm4b:s29+s2], $0x80, v3, vm0, $0xb8;
	[tilespmem:$0x1B100] =	vst v63  }
0x506: {  	_ = 	snop  }
0x507: {  	[tilespmem:s13], [sflag:$0x1] =	stream.indirect_vreg.gather [hbm4b:s1+s2], $0x80, v3, vm0, $0xb8;
	[tilespmem:$0x1B100] =	vst v63  }
0x508: {  	_ = 	snop  }
0x509: {  	[tilespmem:s19], [sflag:$0x1] =	stream.indirect_vreg.gather [hbm4b:s3+s2], $0x80, v3, vm0, $0xb8;
	[tilespmem:$0x1B100] =	vst v63  }
0x50a: {  	v3 =	vld.msk [tilespmem:$0x10], $0x3;
	_ =	sdelay $0x4  }
0x50b: {  	v59 =	vshrl.u32 v3, $0x3  }
0x50c: {  	v4 =	vmul.u32 $0x30, v59  }
0x50d: {  	v3 =	vand.u32 $0x7, v3  }
0x50e: {  	v3 =	vor.u32 v3, v4  }
0x50f: {  	v3 =	vperm.xlane v3, v0;
	_ =	sdelay $0x1  }
0x510: {  	v3 =	vadd.s32 v1, v3;
	_ =	sdelay $0x4  }
0x511: {  	[tilespmem:s5], [sflag:$0x1] =	stream.indirect_vreg.gather [hbm4b:s29+s2], $0x80, v3, vm1, $0xb8;
	[tilespmem:$0x1B100] =	vst v63  }
0x512: {  	_ = 	snop  }
0x513: {  	[tilespmem:s15], [sflag:$0x1] =	stream.indirect_vreg.gather [hbm4b:s1+s2], $0x80, v3, vm1, $0xb8;
	[tilespmem:$0x1B100] =	vst v63  }
0x514: {  	s19 =	simm.s32 $0x4  }
0x515: {  	[tilespmem:s16], [sflag:$0x1] =	stream.indirect_vreg.gather [hbm4b:s3+s2], $0x80, v3, vm1, $0xb8;
	[tilespmem:$0x1B100] =	vst v63  }
0x516: {  	_ =	swait.ge [sflag:s19], $0x3600  }
0x517: {  	[sflag:s19] =	ssyncset.done $0x0  }
0x518: {  	[sflag:s19] =	ssyncadd.s32 $0xFFFFCA00  }
0x519: {  	v3 =	vld [tilespmem:$0x80];
	_ =	sdelay $0x4  }
0x51a: {  	v60 =	vshrl.u32 v3, $0x3  }
0x51b: {  	v4 =	vmul.u32 $0x30, v60  }
0x51c: {  	v3 =	vand.u32 $0x7, v3  }
0x51d: {  	v3 =	vor.u32 v3, v4  }
0x51e: {  	v4 =	vperm.xlane v3, v0;
	_ =	sdelay $0x1  }
0x51f: {  	v4 =	vadd.s32 v1, v4;
	_ =	sdelay $0x1  }
0x520: {  	s22 =	sld [smem:$0x7EC];
	_ =	sdelay $0x1  }
0x521: {  	s3 =	simm.s32 $0xD900;
	v3 =	vperm.xlane v3, v2  }
0x522: {  	[hbm4b:s22+s2] =	stream.indirect_vreg.scatter [tilespmem:s3], [sflag:$0xA], $0x80, v4, vm0, $0xb8;
	[tilespmem:$0x1B100] =	vst v63  }
0x523: {  	s30 =	simm.s32 $0xE100;
	s29 =	sadd.s32 $0x100, s22;
	v3 =	vadd.s32 v1, v3  }
0x524: {  	[hbm4b:s29+s2] =	stream.indirect_vreg.scatter [tilespmem:s30], [sflag:$0xA], $0x80, v4, vm0, $0xb8;
	[tilespmem:$0x1B100] =	vst v63  }
0x525: {  	s5 =	simm.s32 $0xE900;
	s1 =	sadd.s32 $0x200, s22  }
0x526: {  	[hbm4b:s1+s2] =	stream.indirect_vreg.scatter [tilespmem:s5], [sflag:$0xA], $0x80, v4, vm0, $0xb8;
	[tilespmem:$0x1B100] =	vst v63  }
0x527: {  	s15 =	simm.s32 $0xF100  }
0x528: {  	[hbm4b:s22+s2] =	stream.indirect_vreg.scatter [tilespmem:s15], [sflag:$0xA], $0x80, v3, vm0, $0xb8;
	[tilespmem:$0x1B100] =	vst v63  }
0x529: {  	s16 =	simm.s32 $0xF900  }
0x52a: {  	[hbm4b:s29+s2] =	stream.indirect_vreg.scatter [tilespmem:s16], [sflag:$0xA], $0x80, v3, vm0, $0xb8;
	[tilespmem:$0x1B100] =	vst v63  }
0x52b: {  	s8 =	simm.s32 $0x10100  }
0x52c: {  	[hbm4b:s1+s2] =	stream.indirect_vreg.scatter [tilespmem:s8], [sflag:$0xA], $0x80, v3, vm0, $0xb8;
	[tilespmem:$0x1B100] =	vst v63  }
0x52d: {  	v3 =	vld.msk [tilespmem:$0x90], $0x3;
	_ =	sdelay $0x4  }
0x52e: {  	v61 =	vshrl.u32 v3, $0x3  }
0x52f: {  	v4 =	vmul.u32 $0x30, v61  }
0x530: {  	v3 =	vand.u32 $0x7, v3  }
0x531: {  	v3 =	vor.u32 v3, v4  }
0x532: {  	v3 =	vperm.xlane v3, v0;
	_ =	sdelay $0x1  }
0x533: {  	v3 =	vadd.s32 v1, v3;
	_ =	sdelay $0x3  }
0x534: {  	s28 =	simm.s32 $0x10900  }
0x535: {  	[hbm4b:s22+s2] =	stream.indirect_vreg.scatter [tilespmem:s28], [sflag:$0xA], $0x80, v3, vm1, $0xb8;
	[tilespmem:$0x1B100] =	vst v63  }
0x536: {  	s19 =	simm.s32 $0x11100  }
0x537: {  	[hbm4b:s29+s2] =	stream.indirect_vreg.scatter [tilespmem:s19], [sflag:$0xA], $0x80, v3, vm1, $0xb8;
	[tilespmem:$0x1B100] =	vst v63  }
0x538: {  	s11 =	simm.s32 $0x8;
	s22 =	simm.s32 $0x11900  }
0x539: {  	[hbm4b:s1+s2] =	stream.indirect_vreg.scatter [tilespmem:s22], [sflag:$0xA], $0x80, v3, vm1, $0xb8;
	[tilespmem:$0x1B100] =	vst v63  }
0x53a: {  	_ =	swait.ge [sflag:s11], $0x3600  }
0x53b: {  	[sflag:s11] =	ssyncset.done $0x0  }
0x53c: {  	[sflag:s11] =	ssyncadd.s32 $0xFFFFCA00  }
0x53d: {  	v3 =	vld [tilespmem:$0x0];
	_ =	sdelay $0x4  }
0x53e: {  	v62 =	vshrl.u32 v3, $0x3  }
0x53f: {  	v4 =	vmul.u32 $0x30, v62  }
0x540: {  	v3 =	vand.u32 $0x7, v3  }
0x541: {  	v3 =	vor.u32 v3, v4  }
0x542: {  	v4 =	vperm.xlane v3, v0;
	_ =	sdelay $0x1  }
0x543: {  	v4 =	vadd.s32 v1, v4;
	_ =	sdelay $0x3  }
0x544: {  	s13 =	rddreg [dreg:$0x19];
	v3 =	vperm.xlane v3, v2  }
0x545: {  	[tilespmem:s7], [sflag:$0x2] =	stream.indirect_vreg.gather [hbm4b:s13+s2], $0x80, v4, vm0, $0xb8;
	[tilespmem:$0x1B100] =	vst v63  }
0x546: {  	s29 =	sadd.s32 $0x100, s13;
	v3 =	vadd.s32 v1, v3  }
0x547: {  	[tilespmem:s24], [sflag:$0x2] =	stream.indirect_vreg.gather [hbm4b:s29+s2], $0x80, v4, vm0, $0xb8;
	[tilespmem:$0x1B100] =	vst v63  }
0x548: {  	s5 =	simm.s32 $0x5900;
	s1 =	sadd.s32 $0x200, s13  }
0x549: {  	[tilespmem:s5], [sflag:$0x2] =	stream.indirect_vreg.gather [hbm4b:s1+s2], $0x80, v4, vm0, $0xb8;
	[tilespmem:$0x1B100] =	vst v63  }
0x54a: {  	s7 =	simm.s32 $0x6100  }
0x54b: {  	[tilespmem:s7], [sflag:$0x2] =	stream.indirect_vreg.gather [hbm4b:s13+s2], $0x80, v3, vm0, $0xb8;
	[tilespmem:$0x1B100] =	vst v63  }
0x54c: {  	_ = 	snop  }
0x54d: {  	[tilespmem:s25], [sflag:$0x2] =	stream.indirect_vreg.gather [hbm4b:s29+s2], $0x80, v3, vm0, $0xb8;
	[tilespmem:$0x1B100] =	vst v63  }
0x54e: {  	s8 =	simm.s32 $0x7100  }
0x54f: {  	[tilespmem:s8], [sflag:$0x2] =	stream.indirect_vreg.gather [hbm4b:s1+s2], $0x80, v3, vm0, $0xb8;
	[tilespmem:$0x1B100] =	vst v63  }
0x550: {  	v3 =	vld.msk [tilespmem:$0x10], $0x3;
	_ =	sdelay $0x4  }
0x551: {  	v63 =	vshrl.u32 v3, $0x3  }
0x552: {  	v4 =	vmul.u32 $0x30, v63  }
0x553: {  	v3 =	vand.u32 $0x7, v3  }
0x554: {  	v3 =	vor.u32 v3, v4  }
0x555: {  	v3 =	vperm.xlane v3, v0;
	_ =	sdelay $0x1  }
0x556: {  	v3 =	vadd.s32 v1, v3;
	_ =	sdelay $0x4  }
0x557: {  	[tilespmem:s12], [sflag:$0x2] =	stream.indirect_vreg.gather [hbm4b:s13+s2], $0x80, v3, vm1, $0xb8;
	[tilespmem:$0x1B100] =	vst v63  }
0x558: {  	_ = 	snop  }
0x559: {  	[tilespmem:s31], [sflag:$0x2] =	stream.indirect_vreg.gather [hbm4b:s29+s2], $0x80, v3, vm1, $0xb8;
	[tilespmem:$0x1B100] =	vst v63  }
0x55a: {  	s13 =	simm.s32 $0x5  }
0x55b: {  	[tilespmem:s26], [sflag:$0x2] =	stream.indirect_vreg.gather [hbm4b:s1+s2], $0x80, v3, vm1, $0xb8;
	[tilespmem:$0x1B100] =	vst v63  }
0x55c: {  	_ =	swait.ge [sflag:s13], $0x3600  }
0x55d: {  	[sflag:s13] =	ssyncset.done $0x0  }
0x55e: {  	[sflag:s13] =	ssyncadd.s32 $0xFFFFCA00  }
0x55f: {  	v3 =	vld [tilespmem:$0x80];
	_ =	sdelay $0x4  }
0x560: {  	v8 =	vshrl.u32 v3, $0x3  }
0x561: {  	v4 =	vmul.u32 $0x30, v8  }
0x562: {  	v3 =	vand.u32 $0x7, v3  }
0x563: {  	v3 =	vor.u32 v3, v4  }
0x564: {  	v4 =	vperm.xlane v3, v0;
	_ =	sdelay $0x1  }
0x565: {  	v4 =	vadd.s32 v1, v4;
	_ =	sdelay $0x1  }
0x566: {  	s24 =	sld [smem:$0x7ED];
	_ =	sdelay $0x1  }
0x567: {  	s13 =	simm.s32 $0x12100;
	v3 =	vperm.xlane v3, v2  }
0x568: {  	[hbm4b:s24+s2] =	stream.indirect_vreg.scatter [tilespmem:s13], [sflag:$0xB], $0x80, v4, vm0, $0xb8;
	[tilespmem:$0x1B100] =	vst v63  }
0x569: {  	s8 =	simm.s32 $0x12900;
	s25 =	sadd.s32 $0x100, s24;
	v3 =	vadd.s32 v1, v3  }
0x56a: {  	[hbm4b:s25+s2] =	stream.indirect_vreg.scatter [tilespmem:s8], [sflag:$0xB], $0x80, v4, vm0, $0xb8;
	[tilespmem:$0x1B100] =	vst v63  }
0x56b: {  	s31 =	simm.s32 $0x13100;
	s26 =	sadd.s32 $0x200, s24  }
0x56c: {  	[hbm4b:s26+s2] =	stream.indirect_vreg.scatter [tilespmem:s31], [sflag:$0xB], $0x80, v4, vm0, $0xb8;
	[tilespmem:$0x1B100] =	vst v63  }
0x56d: {  	s1 =	simm.s32 $0x13900  }
0x56e: {  	[hbm4b:s24+s2] =	stream.indirect_vreg.scatter [tilespmem:s1], [sflag:$0xB], $0x80, v3, vm0, $0xb8;
	[tilespmem:$0x1B100] =	vst v63  }
0x56f: {  	s5 =	simm.s32 $0x14100  }
0x570: {  	[hbm4b:s25+s2] =	stream.indirect_vreg.scatter [tilespmem:s5], [sflag:$0xB], $0x80, v3, vm0, $0xb8;
	[tilespmem:$0x1B100] =	vst v63  }
0x571: {  	s12 =	simm.s32 $0x14900  }
0x572: {  	[hbm4b:s26+s2] =	stream.indirect_vreg.scatter [tilespmem:s12], [sflag:$0xB], $0x80, v3, vm0, $0xb8;
	[tilespmem:$0x1B100] =	vst v63  }
0x573: {  	v3 =	vld.msk [tilespmem:$0x90], $0x3;
	_ =	sdelay $0x4  }
0x574: {  	v9 =	vshrl.u32 v3, $0x3  }
0x575: {  	v4 =	vmul.u32 $0x30, v9  }
0x576: {  	v3 =	vand.u32 $0x7, v3  }
0x577: {  	v3 =	vor.u32 v3, v4  }
0x578: {  	v3 =	vperm.xlane v3, v0;
	_ =	sdelay $0x1  }
0x579: {  	v3 =	vadd.s32 v1, v3;
	_ =	sdelay $0x3  }
0x57a: {  	s0 =	simm.s32 $0x15100  }
0x57b: {  	[hbm4b:s24+s2] =	stream.indirect_vreg.scatter [tilespmem:s0], [sflag:$0xB], $0x80, v3, vm1, $0xb8;
	[tilespmem:$0x1B100] =	vst v63  }
0x57c: {  	s29 =	simm.s32 $0x15900  }
0x57d: {  	[hbm4b:s25+s2] =	stream.indirect_vreg.scatter [tilespmem:s29], [sflag:$0xB], $0x80, v3, vm1, $0xb8;
	[tilespmem:$0x1B100] =	vst v63  }
0x57e: {  	s7 =	simm.s32 $0x9;
	s5 =	simm.s32 $0x16100  }
0x57f: {  	[hbm4b:s26+s2] =	stream.indirect_vreg.scatter [tilespmem:s5], [sflag:$0xB], $0x80, v3, vm1, $0xb8;
	[tilespmem:$0x1B100] =	vst v63  }
0x580: {  	_ =	swait.ge [sflag:s7], $0x3600  }
0x581: {  	[sflag:s7] =	ssyncset.done $0x0  }
0x582: {  	[sflag:s7] =	ssyncadd.s32 $0xFFFFCA00  }
0x583: {  	v3 =	vld [tilespmem:$0x0];
	_ =	sdelay $0x4  }
0x584: {  	v10 =	vshrl.u32 v3, $0x3  }
0x585: {  	v4 =	vmul.u32 $0x30, v10  }
0x586: {  	v3 =	vand.u32 $0x7, v3  }
0x587: {  	v3 =	vor.u32 v3, v4  }
0x588: {  	v4 =	vperm.xlane v3, v0;
	_ =	sdelay $0x1  }
0x589: {  	v4 =	vadd.s32 v1, v4;
	_ =	sdelay $0x3  }
0x58a: {  	s9 =	rddreg [dreg:$0x1a];
	v3 =	vperm.xlane v3, v2  }
0x58b: {  	[tilespmem:s4], [sflag:$0x3] =	stream.indirect_vreg.gather [hbm4b:s9+s2], $0x80, v4, vm0, $0xb8;
	[tilespmem:$0x1B100] =	vst v63  }
0x58c: {  	s24 =	simm.s32 $0x9900;
	s10 =	sadd.s32 $0x100, s9;
	v3 =	vadd.s32 v1, v3  }
0x58d: {  	[tilespmem:s24], [sflag:$0x3] =	stream.indirect_vreg.gather [hbm4b:s10+s2], $0x80, v4, vm0, $0xb8;
	[tilespmem:$0x1B100] =	vst v63  }
0x58e: {  	s25 =	sadd.s32 $0x200, s9  }
0x58f: {  	[tilespmem:s21], [sflag:$0x3] =	stream.indirect_vreg.gather [hbm4b:s25+s2], $0x80, v4, vm0, $0xb8;
	[tilespmem:$0x1B100] =	vst v63  }
0x590: {  	_ = 	snop  }
0x591: {  	[tilespmem:s23], [sflag:$0x3] =	stream.indirect_vreg.gather [hbm4b:s9+s2], $0x80, v3, vm0, $0xb8;
	[tilespmem:$0x1B100] =	vst v63  }
0x592: {  	_ = 	snop  }
0x593: {  	[tilespmem:s14], [sflag:$0x3] =	stream.indirect_vreg.gather [hbm4b:s10+s2], $0x80, v3, vm0, $0xb8;
	[tilespmem:$0x1B100] =	vst v63  }
0x594: {  	_ = 	snop  }
0x595: {  	[tilespmem:s18], [sflag:$0x3] =	stream.indirect_vreg.gather [hbm4b:s25+s2], $0x80, v3, vm0, $0xb8;
	[tilespmem:$0x1B100] =	vst v63  }
0x596: {  	v3 =	vld.msk [tilespmem:$0x10], $0x3;
	_ =	sdelay $0x4  }
0x597: {  	v11 =	vshrl.u32 v3, $0x3  }
0x598: {  	v4 =	vmul.u32 $0x30, v11  }
0x599: {  	v3 =	vand.u32 $0x7, v3  }
0x59a: {  	v3 =	vor.u32 v3, v4  }
0x59b: {  	v3 =	vperm.xlane v3, v0;
	_ =	sdelay $0x1  }
0x59c: {  	v3 =	vadd.s32 v1, v3;
	_ =	sdelay $0x4  }
0x59d: {  	[tilespmem:s20], [sflag:$0x3] =	stream.indirect_vreg.gather [hbm4b:s9+s2], $0x80, v3, vm1, $0xb8;
	[tilespmem:$0x1B100] =	vst v63  }
0x59e: {  	_ = 	snop  }
0x59f: {  	[tilespmem:s17], [sflag:$0x3] =	stream.indirect_vreg.gather [hbm4b:s10+s2], $0x80, v3, vm1, $0xb8;
	[tilespmem:$0x1B100] =	vst v63  }
0x5a0: {  	s26 =	simm.s32 $0x6  }
0x5a1: {  	[tilespmem:s6], [sflag:$0x3] =	stream.indirect_vreg.gather [hbm4b:s25+s2], $0x80, v3, vm1, $0xb8;
	[tilespmem:$0x1B100] =	vst v63  }
0x5a2: {  	_ =	swait.ge [sflag:s26], $0x3600  }
0x5a3: {  	[sflag:s26] =	ssyncset.done $0x0  }
0x5a4: {  	[sflag:s26] =	ssyncadd.s32 $0xFFFFCA00  }
0x5a5: {  	v3 =	vld [tilespmem:$0x80];
	_ =	sdelay $0x4  }
0x5a6: {  	v12 =	vshrl.u32 v3, $0x3  }
0x5a7: {  	v4 =	vmul.u32 $0x30, v12  }
0x5a8: {  	v3 =	vand.u32 $0x7, v3  }
0x5a9: {  	v3 =	vor.u32 v3, v4  }
0x5aa: {  	v4 =	vperm.xlane v3, v0;
	_ =	sdelay $0x1  }
0x5ab: {  	v4 =	vadd.s32 v1, v4;
	_ =	sdelay $0x1  }
0x5ac: {  	s1 =	sld [smem:$0x7EE];
	_ =	sdelay $0x1  }
0x5ad: {  	s24 =	simm.s32 $0x16900;
	v3 =	vperm.xlane v3, v2  }
0x5ae: {  	[hbm4b:s1+s2] =	stream.indirect_vreg.scatter [tilespmem:s24], [sflag:$0xC], $0x80, v4, vm0, $0xb8;
	[tilespmem:$0x1B100] =	vst v63  }
0x5af: {  	s21 =	simm.s32 $0x17100;
	s4 =	sadd.s32 $0x100, s1;
	v3 =	vadd.s32 v1, v3  }
0x5b0: {  	[hbm4b:s4+s2] =	stream.indirect_vreg.scatter [tilespmem:s21], [sflag:$0xC], $0x80, v4, vm0, $0xb8;
	[tilespmem:$0x1B100] =	vst v63  }
0x5b1: {  	s25 =	simm.s32 $0x17900;
	s6 =	sadd.s32 $0x200, s1  }
0x5b2: {  	[hbm4b:s6+s2] =	stream.indirect_vreg.scatter [tilespmem:s25], [sflag:$0xC], $0x80, v4, vm0, $0xb8;
	[tilespmem:$0x1B100] =	vst v63  }
0x5b3: {  	s20 =	simm.s32 $0x18100  }
0x5b4: {  	[hbm4b:s1+s2] =	stream.indirect_vreg.scatter [tilespmem:s20], [sflag:$0xC], $0x80, v3, vm0, $0xb8;
	[tilespmem:$0x1B100] =	vst v63  }
0x5b5: {  	s14 =	simm.s32 $0x18900  }
0x5b6: {  	[hbm4b:s4+s2] =	stream.indirect_vreg.scatter [tilespmem:s14], [sflag:$0xC], $0x80, v3, vm0, $0xb8;
	[tilespmem:$0x1B100] =	vst v63  }
0x5b7: {  	s23 =	simm.s32 $0x19100  }
0x5b8: {  	[hbm4b:s6+s2] =	stream.indirect_vreg.scatter [tilespmem:s23], [sflag:$0xC], $0x80, v3, vm0, $0xb8;
	[tilespmem:$0x1B100] =	vst v63  }
0x5b9: {  	v3 =	vld.msk [tilespmem:$0x90], $0x3;
	_ =	sdelay $0x4  }
0x5ba: {  	v13 =	vshrl.u32 v3, $0x3  }
0x5bb: {  	v4 =	vmul.u32 $0x30, v13  }
0x5bc: {  	v3 =	vand.u32 $0x7, v3  }
0x5bd: {  	v3 =	vor.u32 v3, v4  }
0x5be: {  	v3 =	vperm.xlane v3, v0;
	_ =	sdelay $0x1  }
0x5bf: {  	v3 =	vadd.s32 v1, v3;
	_ =	sdelay $0x3  }
0x5c0: {  	s18 =	simm.s32 $0x19900  }
0x5c1: {  	[hbm4b:s1+s2] =	stream.indirect_vreg.scatter [tilespmem:s18], [sflag:$0xC], $0x80, v3, vm1, $0xb8;
	[tilespmem:$0x1B100] =	vst v63  }
0x5c2: {  	s7 =	simm.s32 $0x1A100  }
0x5c3: {  	[hbm4b:s4+s2] =	stream.indirect_vreg.scatter [tilespmem:s7], [sflag:$0xC], $0x80, v3, vm1, $0xb8;
	[tilespmem:$0x1B100] =	vst v63  }
0x5c4: {  	s11 =	simm.s32 $0xA;
	s17 =	simm.s32 $0x1A900  }
0x5c5: {  	[hbm4b:s6+s2] =	stream.indirect_vreg.scatter [tilespmem:s17], [sflag:$0xC], $0x80, v3, vm1, $0xb8;
	[tilespmem:$0x1B100] =	vst v63  }
0x5c6: {  	_ =	swait.ge [sflag:s11], $0x3600  }
0x5c7: {  	[sflag:s11] =	ssyncset.done $0x0  }
0x5c8: {  	[sflag:s11] =	ssyncadd.s32 $0xFFFFCA00  }
0x5c9: {  	v3 =	vld [tilespmem:$0x0];
	_ =	sdelay $0x4  }
0x5ca: {  	v14 =	vshrl.u32 v3, $0x3  }
0x5cb: {  	v4 =	vmul.u32 $0x30, v14  }
0x5cc: {  	v3 =	vand.u32 $0x7, v3  }
0x5cd: {  	v3 =	vor.u32 v3, v4  }
0x5ce: {  	v4 =	vperm.xlane v3, v0;
	_ =	sdelay $0x1  }
0x5cf: {  	v4 =	vadd.s32 v1, v4;
	_ =	sdelay $0x3  }
0x5d0: {  	s26 =	rddreg [dreg:$0x1b];
	v3 =	vperm.xlane v3, v2  }
0x5d1: {  	[tilespmem:s3], [sflag:$0x4] =	stream.indirect_vreg.gather [hbm4b:s26+s2], $0x80, v4, vm0, $0xb8;
	[tilespmem:$0x1B100] =	vst v63  }
0x5d2: {  	v3 =	vadd.s32 v1, v3;
	s3 =	sadd.s32 $0x100, s26  }
0x5d3: {  	[tilespmem:s30], [sflag:$0x4] =	stream.indirect_vreg.gather [hbm4b:s3+s2], $0x80, v4, vm0, $0xb8;
	[tilespmem:$0x1B100] =	vst v63  }
0x5d4: {  	s6 =	simm.s32 $0xE900;
	s4 =	sadd.s32 $0x200, s26  }
0x5d5: {  	[tilespmem:s6], [sflag:$0x4] =	stream.indirect_vreg.gather [hbm4b:s4+s2], $0x80, v4, vm0, $0xb8;
	[tilespmem:$0x1B100] =	vst v63  }
0x5d6: {  	_ = 	snop  }
0x5d7: {  	[tilespmem:s15], [sflag:$0x4] =	stream.indirect_vreg.gather [hbm4b:s26+s2], $0x80, v3, vm0, $0xb8;
	[tilespmem:$0x1B100] =	vst v63  }
0x5d8: {  	_ = 	snop  }
0x5d9: {  	[tilespmem:s16], [sflag:$0x4] =	stream.indirect_vreg.gather [hbm4b:s3+s2], $0x80, v3, vm0, $0xb8;
	[tilespmem:$0x1B100] =	vst v63  }
0x5da: {  	s16 =	simm.s32 $0x10100  }
0x5db: {  	[tilespmem:s16], [sflag:$0x4] =	stream.indirect_vreg.gather [hbm4b:s4+s2], $0x80, v3, vm0, $0xb8;
	[tilespmem:$0x1B100] =	vst v63  }
0x5dc: {  	v3 =	vld.msk [tilespmem:$0x10], $0x3;
	_ =	sdelay $0x4  }
0x5dd: {  	v15 =	vshrl.u32 v3, $0x3  }
0x5de: {  	v4 =	vmul.u32 $0x30, v15  }
0x5df: {  	v3 =	vand.u32 $0x7, v3  }
0x5e0: {  	v3 =	vor.u32 v3, v4  }
0x5e1: {  	v3 =	vperm.xlane v3, v0;
	_ =	sdelay $0x1  }
0x5e2: {  	v3 =	vadd.s32 v1, v3;
	_ =	sdelay $0x4  }
0x5e3: {  	[tilespmem:s28], [sflag:$0x4] =	stream.indirect_vreg.gather [hbm4b:s26+s2], $0x80, v3, vm1, $0xb8;
	[tilespmem:$0x1B100] =	vst v63  }
0x5e4: {  	_ = 	snop  }
0x5e5: {  	[tilespmem:s19], [sflag:$0x4] =	stream.indirect_vreg.gather [hbm4b:s3+s2], $0x80, v3, vm1, $0xb8;
	[tilespmem:$0x1B100] =	vst v63  }
0x5e6: {  	s26 =	simm.s32 $0x1  }
0x5e7: {  	[tilespmem:s22], [sflag:$0x4] =	stream.indirect_vreg.gather [hbm4b:s4+s2], $0x80, v3, vm1, $0xb8;
	[tilespmem:$0x1B100] =	vst v63  }
0x5e8: {  	_ =	swait.ge [sflag:s26], $0x3600  }
0x5e9: {  	[sflag:s26] =	ssyncset.done $0x0  }
0x5ea: {  	[sflag:s26] =	ssyncadd.s32 $0xFFFFCA00  }
0x5eb: {  	v3 =	vld [tilespmem:$0x80];
	_ =	sdelay $0x4  }
0x5ec: {  	v16 =	vshrl.u32 v3, $0x3  }
0x5ed: {  	v4 =	vmul.u32 $0x30, v16  }
0x5ee: {  	v3 =	vand.u32 $0x7, v3  }
0x5ef: {  	v3 =	vor.u32 v3, v4  }
0x5f0: {  	v4 =	vperm.xlane v3, v0;
	_ =	sdelay $0x1  }
0x5f1: {  	v4 =	vadd.s32 v1, v4;
	_ =	sdelay $0x1  }
0x5f2: {  	s28 =	sld [smem:$0x7EF];
	_ =	sdelay $0x1  }
0x5f3: {  	s3 =	simm.s32 $0x100;
	v3 =	vperm.xlane v3, v2  }
0x5f4: {  	[hbm4b:s28+s2] =	stream.indirect_vreg.scatter [tilespmem:s3], [sflag:$0x7], $0x80, v4, vm0, $0xb8;
	[tilespmem:$0x1B100] =	vst v63  }
0x5f5: {  	s30 =	simm.s32 $0x900;
	s4 =	sadd.s32 $0x100, s28;
	v3 =	vadd.s32 v1, v3  }
0x5f6: {  	[hbm4b:s4+s2] =	stream.indirect_vreg.scatter [tilespmem:s30], [sflag:$0x7], $0x80, v4, vm0, $0xb8;
	[tilespmem:$0x1B100] =	vst v63  }
0x5f7: {  	s15 =	simm.s32 $0x1100;
	s6 =	sadd.s32 $0x200, s28  }
0x5f8: {  	[hbm4b:s6+s2] =	stream.indirect_vreg.scatter [tilespmem:s15], [sflag:$0x7], $0x80, v4, vm0, $0xb8;
	[tilespmem:$0x1B100] =	vst v63  }
0x5f9: {  	s16 =	simm.s32 $0x1900  }
0x5fa: {  	[hbm4b:s28+s2] =	stream.indirect_vreg.scatter [tilespmem:s16], [sflag:$0x7], $0x80, v3, vm0, $0xb8;
	[tilespmem:$0x1B100] =	vst v63  }
0x5fb: {  	s19 =	simm.s32 $0x2100  }
0x5fc: {  	[hbm4b:s4+s2] =	stream.indirect_vreg.scatter [tilespmem:s19], [sflag:$0x7], $0x80, v3, vm0, $0xb8;
	[tilespmem:$0x1B100] =	vst v63  }
0x5fd: {  	s22 =	simm.s32 $0x2900  }
0x5fe: {  	[hbm4b:s6+s2] =	stream.indirect_vreg.scatter [tilespmem:s22], [sflag:$0x7], $0x80, v3, vm0, $0xb8;
	[tilespmem:$0x1B100] =	vst v63  }
0x5ff: {  	v3 =	vld.msk [tilespmem:$0x90], $0x3;
	_ =	sdelay $0x4  }
0x600: {  	v17 =	vshrl.u32 v3, $0x3  }
0x601: {  	v4 =	vmul.u32 $0x30, v17  }
0x602: {  	v3 =	vand.u32 $0x7, v3  }
0x603: {  	v3 =	vor.u32 v3, v4  }
0x604: {  	v3 =	vperm.xlane v3, v0;
	_ =	sdelay $0x1  }
0x605: {  	v3 =	vadd.s32 v1, v3;
	_ =	sdelay $0x3  }
0x606: {  	s1 =	simm.s32 $0x3100  }
0x607: {  	[hbm4b:s28+s2] =	stream.indirect_vreg.scatter [tilespmem:s1], [sflag:$0x7], $0x80, v3, vm1, $0xb8;
	[tilespmem:$0x1B100] =	vst v63  }
0x608: {  	s26 =	simm.s32 $0x3900  }
0x609: {  	[hbm4b:s4+s2] =	stream.indirect_vreg.scatter [tilespmem:s26], [sflag:$0x7], $0x80, v3, vm1, $0xb8;
	[tilespmem:$0x1B100] =	vst v63  }
0x60a: {  	s28 =	simm.s32 $0x4100;
	s4 =	simm.s32 $0xB  }
0x60b: {  	[hbm4b:s6+s2] =	stream.indirect_vreg.scatter [tilespmem:s28], [sflag:$0x7], $0x80, v3, vm1, $0xb8;
	[tilespmem:$0x1B100] =	vst v63  }
0x60c: {  	_ =	swait.ge [sflag:s4], $0x3600  }
0x60d: {  	[sflag:s4] =	ssyncset.done $0x0  }
0x60e: {  	[sflag:s4] =	ssyncadd.s32 $0xFFFFCA00  }
0x60f: {  	v3 =	vld [tilespmem:$0x0];
	_ =	sdelay $0x4  }
0x610: {  	v18 =	vshrl.u32 v3, $0x3  }
0x611: {  	v4 =	vmul.u32 $0x30, v18  }
0x612: {  	v3 =	vand.u32 $0x7, v3  }
0x613: {  	v3 =	vor.u32 v3, v4  }
0x614: {  	v4 =	vperm.xlane v3, v0;
	_ =	sdelay $0x1  }
0x615: {  	v4 =	vadd.s32 v1, v4;
	_ =	sdelay $0x3  }
0x616: {  	s9 =	rddreg [dreg:$0x1c];
	v3 =	vperm.xlane v3, v2  }
0x617: {  	[tilespmem:s13], [sflag:$0x5] =	stream.indirect_vreg.gather [hbm4b:s9+s2], $0x80, v4, vm0, $0xb8;
	[tilespmem:$0x1B100] =	vst v63  }
0x618: {  	s10 =	sadd.s32 $0x100, s9;
	v3 =	vadd.s32 v1, v3  }
0x619: {  	[tilespmem:s8], [sflag:$0x5] =	stream.indirect_vreg.gather [hbm4b:s10+s2], $0x80, v4, vm0, $0xb8;
	[tilespmem:$0x1B100] =	vst v63  }
0x61a: {  	s13 =	sadd.s32 $0x200, s9  }
0x61b: {  	[tilespmem:s31], [sflag:$0x5] =	stream.indirect_vreg.gather [hbm4b:s13+s2], $0x80, v4, vm0, $0xb8;
	[tilespmem:$0x1B100] =	vst v63  }
0x61c: {  	s6 =	simm.s32 $0x13900  }
0x61d: {  	[tilespmem:s6], [sflag:$0x5] =	stream.indirect_vreg.gather [hbm4b:s9+s2], $0x80, v3, vm0, $0xb8;
	[tilespmem:$0x1B100] =	vst v63  }
0x61e: {  	s8 =	simm.s32 $0x14100  }
0x61f: {  	[tilespmem:s8], [sflag:$0x5] =	stream.indirect_vreg.gather [hbm4b:s10+s2], $0x80, v3, vm0, $0xb8;
	[tilespmem:$0x1B100] =	vst v63  }
0x620: {  	_ = 	snop  }
0x621: {  	[tilespmem:s12], [sflag:$0x5] =	stream.indirect_vreg.gather [hbm4b:s13+s2], $0x80, v3, vm0, $0xb8;
	[tilespmem:$0x1B100] =	vst v63  }
0x622: {  	v3 =	vld.msk [tilespmem:$0x10], $0x3;
	_ =	sdelay $0x4  }
0x623: {  	v19 =	vshrl.u32 v3, $0x3  }
0x624: {  	v4 =	vmul.u32 $0x30, v19  }
0x625: {  	v3 =	vand.u32 $0x7, v3  }
0x626: {  	v3 =	vor.u32 v3, v4  }
0x627: {  	v3 =	vperm.xlane v3, v0;
	_ =	sdelay $0x1  }
0x628: {  	v3 =	vadd.s32 v1, v3;
	_ =	sdelay $0x4  }
0x629: {  	[tilespmem:s0], [sflag:$0x5] =	stream.indirect_vreg.gather [hbm4b:s9+s2], $0x80, v3, vm1, $0xb8;
	[tilespmem:$0x1B100] =	vst v63  }
0x62a: {  	_ = 	snop  }
0x62b: {  	[tilespmem:s29], [sflag:$0x5] =	stream.indirect_vreg.gather [hbm4b:s10+s2], $0x80, v3, vm1, $0xb8;
	[tilespmem:$0x1B100] =	vst v63  }
0x62c: {  	s9 =	simm.s32 $0x2  }
0x62d: {  	[tilespmem:s5], [sflag:$0x5] =	stream.indirect_vreg.gather [hbm4b:s13+s2], $0x80, v3, vm1, $0xb8;
	[tilespmem:$0x1B100] =	vst v63  }
0x62e: {  	_ =	swait.ge [sflag:s9], $0x3600  }
0x62f: {  	[sflag:s9] =	ssyncset.done $0x0  }
0x630: {  	[sflag:s9] =	ssyncadd.s32 $0xFFFFCA00  }
0x631: {  	v3 =	vld [tilespmem:$0x80];
	_ =	sdelay $0x4  }
0x632: {  	v20 =	vshrl.u32 v3, $0x3  }
0x633: {  	v4 =	vmul.u32 $0x30, v20  }
0x634: {  	v3 =	vand.u32 $0x7, v3  }
0x635: {  	v3 =	vor.u32 v3, v4  }
0x636: {  	v4 =	vperm.xlane v3, v0;
	_ =	sdelay $0x1  }
0x637: {  	v4 =	vadd.s32 v1, v4;
	_ =	sdelay $0x1  }
0x638: {  	s10 =	sld [smem:$0x7F0];
	_ =	sdelay $0x1  }
0x639: {  	s4 =	simm.s32 $0x4900;
	v3 =	vperm.xlane v3, v2  }
0x63a: {  	[hbm4b:s10+s2] =	stream.indirect_vreg.scatter [tilespmem:s4], [sflag:$0x8], $0x80, v4, vm0, $0xb8;
	[tilespmem:$0x1B100] =	vst v63  }
0x63b: {  	s29 =	simm.s32 $0x5100;
	s12 =	sadd.s32 $0x100, s10;
	v3 =	vadd.s32 v1, v3  }
0x63c: {  	[hbm4b:s12+s2] =	stream.indirect_vreg.scatter [tilespmem:s29], [sflag:$0x8], $0x80, v4, vm0, $0xb8;
	[tilespmem:$0x1B100] =	vst v63  }
0x63d: {  	s5 =	simm.s32 $0x5900;
	s13 =	sadd.s32 $0x200, s10  }
0x63e: {  	[hbm4b:s13+s2] =	stream.indirect_vreg.scatter [tilespmem:s5], [sflag:$0x8], $0x80, v4, vm0, $0xb8;
	[tilespmem:$0x1B100] =	vst v63  }
0x63f: {  	s6 =	simm.s32 $0x6100  }
0x640: {  	[hbm4b:s10+s2] =	stream.indirect_vreg.scatter [tilespmem:s6], [sflag:$0x8], $0x80, v3, vm0, $0xb8;
	[tilespmem:$0x1B100] =	vst v63  }
0x641: {  	s31 =	simm.s32 $0x6900  }
0x642: {  	[hbm4b:s12+s2] =	stream.indirect_vreg.scatter [tilespmem:s31], [sflag:$0x8], $0x80, v3, vm0, $0xb8;
	[tilespmem:$0x1B100] =	vst v63  }
0x643: {  	s8 =	simm.s32 $0x7100  }
0x644: {  	[hbm4b:s13+s2] =	stream.indirect_vreg.scatter [tilespmem:s8], [sflag:$0x8], $0x80, v3, vm0, $0xb8;
	[tilespmem:$0x1B100] =	vst v63  }
0x645: {  	v3 =	vld.msk [tilespmem:$0x90], $0x3;
	_ =	sdelay $0x4  }
0x646: {  	v21 =	vshrl.u32 v3, $0x3  }
0x647: {  	v4 =	vmul.u32 $0x30, v21  }
0x648: {  	v3 =	vand.u32 $0x7, v3  }
0x649: {  	v3 =	vor.u32 v3, v4  }
0x64a: {  	v3 =	vperm.xlane v3, v0;
	_ =	sdelay $0x1  }
0x64b: {  	v3 =	vadd.s32 v1, v3;
	_ =	sdelay $0x3  }
0x64c: {  	s5 =	simm.s32 $0x7900  }
0x64d: {  	[hbm4b:s10+s2] =	stream.indirect_vreg.scatter [tilespmem:s5], [sflag:$0x8], $0x80, v3, vm1, $0xb8;
	[tilespmem:$0x1B100] =	vst v63  }
0x64e: {  	s11 =	simm.s32 $0x8100  }
0x64f: {  	[hbm4b:s12+s2] =	stream.indirect_vreg.scatter [tilespmem:s11], [sflag:$0x8], $0x80, v3, vm1, $0xb8;
	[tilespmem:$0x1B100] =	vst v63  }
0x650: {  	s12 =	simm.s32 $0x8900  }
0x651: {  	[hbm4b:s13+s2] =	stream.indirect_vreg.scatter [tilespmem:s12], [sflag:$0x8], $0x80, v3, vm1, $0xb8;
	[tilespmem:$0x1B100] =	vst v63  }
0x652: {  	s13 =	simm.s32 $0xC  }
0x653: {  	_ =	swait.ge [sflag:s13], $0x3600  }
0x654: {  	[sflag:s13] =	ssyncset.done $0x0  }
0x655: {  	[sflag:s13] =	ssyncadd.s32 $0xFFFFCA00  }
0x656: {  	v3 =	vld [tilespmem:$0x0];
	_ =	sdelay $0x4  }
0x657: {  	v22 =	vshrl.u32 v3, $0x3  }
0x658: {  	v4 =	vmul.u32 $0x30, v22  }
0x659: {  	v3 =	vand.u32 $0x7, v3  }
0x65a: {  	v3 =	vor.u32 v3, v4  }
0x65b: {  	v4 =	vperm.xlane v3, v0;
	_ =	sdelay $0x1  }
0x65c: {  	v4 =	vadd.s32 v1, v4;
	_ =	sdelay $0x3  }
0x65d: {  	s0 =	rddreg [dreg:$0x1d];
	v3 =	vperm.xlane v3, v2  }
0x65e: {  	[tilespmem:s24], [sflag:$0x6] =	stream.indirect_vreg.gather [hbm4b:s0+s2], $0x80, v4, vm0, $0xb8;
	[tilespmem:$0x1B100] =	vst v63  }
0x65f: {  	s6 =	sadd.s32 $0x100, s0;
	v3 =	vadd.s32 v1, v3  }
0x660: {  	[tilespmem:s21], [sflag:$0x6] =	stream.indirect_vreg.gather [hbm4b:s6+s2], $0x80, v4, vm0, $0xb8;
	[tilespmem:$0x1B100] =	vst v63  }
0x661: {  	s8 =	sadd.s32 $0x200, s0  }
0x662: {  	[tilespmem:s25], [sflag:$0x6] =	stream.indirect_vreg.gather [hbm4b:s8+s2], $0x80, v4, vm0, $0xb8;
	[tilespmem:$0x1B100] =	vst v63  }
0x663: {  	_ = 	snop  }
0x664: {  	[tilespmem:s20], [sflag:$0x6] =	stream.indirect_vreg.gather [hbm4b:s0+s2], $0x80, v3, vm0, $0xb8;
	[tilespmem:$0x1B100] =	vst v63  }
0x665: {  	_ = 	snop  }
0x666: {  	[tilespmem:s14], [sflag:$0x6] =	stream.indirect_vreg.gather [hbm4b:s6+s2], $0x80, v3, vm0, $0xb8;
	[tilespmem:$0x1B100] =	vst v63  }
0x667: {  	_ = 	snop  }
0x668: {  	[tilespmem:s23], [sflag:$0x6] =	stream.indirect_vreg.gather [hbm4b:s8+s2], $0x80, v3, vm0, $0xb8;
	[tilespmem:$0x1B100] =	vst v63  }
0x669: {  	v3 =	vld.msk [tilespmem:$0x10], $0x3;
	_ =	sdelay $0x4  }
0x66a: {  	v23 =	vshrl.u32 v3, $0x3  }
0x66b: {  	v4 =	vmul.u32 $0x30, v23  }
0x66c: {  	v3 =	vand.u32 $0x7, v3  }
0x66d: {  	v3 =	vor.u32 v3, v4  }
0x66e: {  	v3 =	vperm.xlane v3, v0;
	_ =	sdelay $0x1  }
0x66f: {  	v3 =	vadd.s32 v1, v3;
	_ =	sdelay $0x4  }
0x670: {  	[tilespmem:s18], [sflag:$0x6] =	stream.indirect_vreg.gather [hbm4b:s0+s2], $0x80, v3, vm1, $0xb8;
	[tilespmem:$0x1B100] =	vst v63  }
0x671: {  	_ = 	snop  }
0x672: {  	[tilespmem:s7], [sflag:$0x6] =	stream.indirect_vreg.gather [hbm4b:s6+s2], $0x80, v3, vm1, $0xb8;
	[tilespmem:$0x1B100] =	vst v63  }
0x673: {  	s9 =	simm.s32 $0x3  }
0x674: {  	[tilespmem:s17], [sflag:$0x6] =	stream.indirect_vreg.gather [hbm4b:s8+s2], $0x80, v3, vm1, $0xb8;
	[tilespmem:$0x1B100] =	vst v63  }
0x675: {  	_ =	swait.ge [sflag:s9], $0x3600  }
0x676: {  	[sflag:s9] =	ssyncset.done $0x0  }
0x677: {  	[sflag:s9] =	ssyncadd.s32 $0xFFFFCA00  }
0x678: {  	v3 =	vld [tilespmem:$0x80];
	_ =	sdelay $0x4  }
0x679: {  	v24 =	vshrl.u32 v3, $0x3  }
0x67a: {  	v4 =	vmul.u32 $0x30, v24  }
0x67b: {  	v3 =	vand.u32 $0x7, v3  }
0x67c: {  	v3 =	vor.u32 v3, v4  }
0x67d: {  	v4 =	vperm.xlane v3, v0;
	_ =	sdelay $0x1  }
0x67e: {  	v4 =	vadd.s32 v1, v4;
	_ =	sdelay $0x1  }
0x67f: {  	s10 =	sld [smem:$0x7F1];
	_ =	sdelay $0x1  }
0x680: {  	s21 =	simm.s32 $0x9100;
	v3 =	vperm.xlane v3, v2  }
0x681: {  	[hbm4b:s10+s2] =	stream.indirect_vreg.scatter [tilespmem:s21], [sflag:$0x9], $0x80, v4, vm0, $0xb8;
	[tilespmem:$0x1B100] =	vst v63  }
0x682: {  	s20 =	simm.s32 $0x9900;
	s12 =	sadd.s32 $0x100, s10;
	v3 =	vadd.s32 v1, v3  }
0x683: {  	[hbm4b:s12+s2] =	stream.indirect_vreg.scatter [tilespmem:s20], [sflag:$0x9], $0x80, v4, vm0, $0xb8;
	[tilespmem:$0x1B100] =	vst v63  }
0x684: {  	s14 =	simm.s32 $0xA100;
	s13 =	sadd.s32 $0x200, s10  }
0x685: {  	[hbm4b:s13+s2] =	stream.indirect_vreg.scatter [tilespmem:s14], [sflag:$0x9], $0x80, v4, vm0, $0xb8;
	[tilespmem:$0x1B100] =	vst v63  }
0x686: {  	s17 =	simm.s32 $0xA900  }
0x687: {  	[hbm4b:s10+s2] =	stream.indirect_vreg.scatter [tilespmem:s17], [sflag:$0x9], $0x80, v3, vm0, $0xb8;
	[tilespmem:$0x1B100] =	vst v63  }
0x688: {  	s25 =	simm.s32 $0xB100  }
0x689: {  	[hbm4b:s12+s2] =	stream.indirect_vreg.scatter [tilespmem:s25], [sflag:$0x9], $0x80, v3, vm0, $0xb8;
	[tilespmem:$0x1B100] =	vst v63  }
0x68a: {  	s23 =	simm.s32 $0xB900  }
0x68b: {  	[hbm4b:s13+s2] =	stream.indirect_vreg.scatter [tilespmem:s23], [sflag:$0x9], $0x80, v3, vm0, $0xb8;
	[tilespmem:$0x1B100] =	vst v63  }
0x68c: {  	v3 =	vld.msk [tilespmem:$0x90], $0x3;
	_ =	sdelay $0x4  }
0x68d: {  	v25 =	vshrl.u32 v3, $0x3  }
0x68e: {  	v4 =	vmul.u32 $0x30, v25  }
0x68f: {  	v3 =	vand.u32 $0x7, v3  }
0x690: {  	v3 =	vor.u32 v3, v4  }
0x691: {  	v3 =	vperm.xlane v3, v0;
	_ =	sdelay $0x1  }
0x692: {  	v3 =	vadd.s32 v1, v3;
	_ =	sdelay $0x3  }
0x693: {  	s6 =	simm.s32 $0xC100  }
0x694: {  	[hbm4b:s10+s2] =	stream.indirect_vreg.scatter [tilespmem:s6], [sflag:$0x9], $0x80, v3, vm1, $0xb8;
	[tilespmem:$0x1B100] =	vst v63  }
0x695: {  	s14 =	simm.s32 $0xC900  }
0x696: {  	[hbm4b:s12+s2] =	stream.indirect_vreg.scatter [tilespmem:s14], [sflag:$0x9], $0x80, v3, vm1, $0xb8;
	[tilespmem:$0x1B100] =	vst v63  }
0x697: {  	s24 =	simm.s32 $0xD100;
	s18 =	simm.s32 $0x7  }
0x698: {  	[hbm4b:s13+s2] =	stream.indirect_vreg.scatter [tilespmem:s24], [sflag:$0x9], $0x80, v3, vm1, $0xb8;
	[tilespmem:$0x1B100] =	vst v63  }
0x699: {  	_ =	swait.ge [sflag:s18], $0x3600  }
0x69a: {  	[sflag:s18] =	ssyncset.done $0x0  }
0x69b: {  	[sflag:s18] =	ssyncadd.s32 $0xFFFFCA00  }
0x69c: {  	v3 =	vld [tilespmem:$0x0];
	_ =	sdelay $0x4  }
0x69d: {  	v26 =	vshrl.u32 v3, $0x3  }
0x69e: {  	v4 =	vmul.u32 $0x30, v26  }
0x69f: {  	v3 =	vand.u32 $0x7, v3  }
0x6a0: {  	v3 =	vor.u32 v3, v4  }
0x6a1: {  	v4 =	vperm.xlane v3, v0;
	_ =	sdelay $0x1  }
0x6a2: {  	v4 =	vadd.s32 v1, v4;
	_ =	sdelay $0x3  }
0x6a3: {  	s0 =	rddreg [dreg:$0x1e];
	v3 =	vperm.xlane v3, v2  }
0x6a4: {  	[tilespmem:s3], [sflag:$0x1] =	stream.indirect_vreg.gather [hbm4b:s0+s2], $0x80, v4, vm0, $0xb8;
	[tilespmem:$0x1B100] =	vst v63  }
0x6a5: {  	s7 =	sadd.s32 $0x100, s0;
	v3 =	vadd.s32 v1, v3  }
0x6a6: {  	[tilespmem:s30], [sflag:$0x1] =	stream.indirect_vreg.gather [hbm4b:s7+s2], $0x80, v4, vm0, $0xb8;
	[tilespmem:$0x1B100] =	vst v63  }
0x6a7: {  	s8 =	sadd.s32 $0x200, s0  }
0x6a8: {  	[tilespmem:s15], [sflag:$0x1] =	stream.indirect_vreg.gather [hbm4b:s8+s2], $0x80, v4, vm0, $0xb8;
	[tilespmem:$0x1B100] =	vst v63  }
0x6a9: {  	_ = 	snop  }
0x6aa: {  	[tilespmem:s16], [sflag:$0x1] =	stream.indirect_vreg.gather [hbm4b:s0+s2], $0x80, v3, vm0, $0xb8;
	[tilespmem:$0x1B100] =	vst v63  }
0x6ab: {  	_ = 	snop  }
0x6ac: {  	[tilespmem:s19], [sflag:$0x1] =	stream.indirect_vreg.gather [hbm4b:s7+s2], $0x80, v3, vm0, $0xb8;
	[tilespmem:$0x1B100] =	vst v63  }
0x6ad: {  	_ = 	snop  }
0x6ae: {  	[tilespmem:s22], [sflag:$0x1] =	stream.indirect_vreg.gather [hbm4b:s8+s2], $0x80, v3, vm0, $0xb8;
	[tilespmem:$0x1B100] =	vst v63  }
0x6af: {  	v3 =	vld.msk [tilespmem:$0x10], $0x3;
	_ =	sdelay $0x4  }
0x6b0: {  	v27 =	vshrl.u32 v3, $0x3  }
0x6b1: {  	v4 =	vmul.u32 $0x30, v27  }
0x6b2: {  	v3 =	vand.u32 $0x7, v3  }
0x6b3: {  	v3 =	vor.u32 v3, v4  }
0x6b4: {  	v3 =	vperm.xlane v3, v0;
	_ =	sdelay $0x1  }
0x6b5: {  	v3 =	vadd.s32 v1, v3;
	_ =	sdelay $0x4  }
0x6b6: {  	[tilespmem:s1], [sflag:$0x1] =	stream.indirect_vreg.gather [hbm4b:s0+s2], $0x80, v3, vm1, $0xb8;
	[tilespmem:$0x1B100] =	vst v63  }
0x6b7: {  	_ = 	snop  }
0x6b8: {  	[tilespmem:s26], [sflag:$0x1] =	stream.indirect_vreg.gather [hbm4b:s7+s2], $0x80, v3, vm1, $0xb8;
	[tilespmem:$0x1B100] =	vst v63  }
0x6b9: {  	s9 =	simm.s32 $0x4  }
0x6ba: {  	[tilespmem:s28], [sflag:$0x1] =	stream.indirect_vreg.gather [hbm4b:s8+s2], $0x80, v3, vm1, $0xb8;
	[tilespmem:$0x1B100] =	vst v63  }
0x6bb: {  	_ =	swait.ge [sflag:s9], $0x3600  }
0x6bc: {  	[sflag:s9] =	ssyncset.done $0x0  }
0x6bd: {  	[sflag:s9] =	ssyncadd.s32 $0xFFFFCA00  }
0x6be: {  	v3 =	vld [tilespmem:$0x80];
	_ =	sdelay $0x4  }
0x6bf: {  	v28 =	vshrl.u32 v3, $0x3  }
0x6c0: {  	v4 =	vmul.u32 $0x30, v28  }
0x6c1: {  	v3 =	vand.u32 $0x7, v3  }
0x6c2: {  	v3 =	vor.u32 v3, v4  }
0x6c3: {  	v4 =	vperm.xlane v3, v0;
	_ =	sdelay $0x1  }
0x6c4: {  	v4 =	vadd.s32 v1, v4;
	_ =	sdelay $0x1  }
0x6c5: {  	s10 =	sld [smem:$0x7F2];
	_ =	sdelay $0x1  }
0x6c6: {  	s18 =	simm.s32 $0xD900;
	v3 =	vperm.xlane v3, v2  }
0x6c7: {  	[hbm4b:s10+s2] =	stream.indirect_vreg.scatter [tilespmem:s18], [sflag:$0xA], $0x80, v4, vm0, $0xb8;
	[tilespmem:$0x1B100] =	vst v63  }
0x6c8: {  	s13 =	simm.s32 $0xE100;
	s15 =	sadd.s32 $0x100, s10;
	v3 =	vadd.s32 v1, v3  }
0x6c9: {  	[hbm4b:s15+s2] =	stream.indirect_vreg.scatter [tilespmem:s13], [sflag:$0xA], $0x80, v4, vm0, $0xb8;
	[tilespmem:$0x1B100] =	vst v63  }
0x6ca: {  	s7 =	simm.s32 $0xE900;
	s16 =	sadd.s32 $0x200, s10  }
0x6cb: {  	[hbm4b:s16+s2] =	stream.indirect_vreg.scatter [tilespmem:s7], [sflag:$0xA], $0x80, v4, vm0, $0xb8;
	[tilespmem:$0x1B100] =	vst v63  }
0x6cc: {  	s3 =	simm.s32 $0xF100  }
0x6cd: {  	[hbm4b:s10+s2] =	stream.indirect_vreg.scatter [tilespmem:s3], [sflag:$0xA], $0x80, v3, vm0, $0xb8;
	[tilespmem:$0x1B100] =	vst v63  }
0x6ce: {  	s1 =	simm.s32 $0xF900  }
0x6cf: {  	[hbm4b:s15+s2] =	stream.indirect_vreg.scatter [tilespmem:s1], [sflag:$0xA], $0x80, v3, vm0, $0xb8;
	[tilespmem:$0x1B100] =	vst v63  }
0x6d0: {  	s17 =	simm.s32 $0x10100  }
0x6d1: {  	[hbm4b:s16+s2] =	stream.indirect_vreg.scatter [tilespmem:s17], [sflag:$0xA], $0x80, v3, vm0, $0xb8;
	[tilespmem:$0x1B100] =	vst v63  }
0x6d2: {  	v3 =	vld.msk [tilespmem:$0x90], $0x3;
	_ =	sdelay $0x4  }
0x6d3: {  	v29 =	vshrl.u32 v3, $0x3  }
0x6d4: {  	v4 =	vmul.u32 $0x30, v29  }
0x6d5: {  	v3 =	vand.u32 $0x7, v3  }
0x6d6: {  	v3 =	vor.u32 v3, v4  }
0x6d7: {  	v3 =	vperm.xlane v3, v0;
	_ =	sdelay $0x1  }
0x6d8: {  	v3 =	vadd.s32 v1, v3;
	_ =	sdelay $0x3  }
0x6d9: {  	s12 =	simm.s32 $0x10900  }
0x6da: {  	[hbm4b:s10+s2] =	stream.indirect_vreg.scatter [tilespmem:s12], [sflag:$0xA], $0x80, v3, vm1, $0xb8;
	[tilespmem:$0x1B100] =	vst v63  }
0x6db: {  	s0 =	simm.s32 $0x11100  }
0x6dc: {  	[hbm4b:s15+s2] =	stream.indirect_vreg.scatter [tilespmem:s0], [sflag:$0xA], $0x80, v3, vm1, $0xb8;
	[tilespmem:$0x1B100] =	vst v63  }
0x6dd: {  	s19 =	simm.s32 $0x8;
	s8 =	simm.s32 $0x11900  }
0x6de: {  	[hbm4b:s16+s2] =	stream.indirect_vreg.scatter [tilespmem:s8], [sflag:$0xA], $0x80, v3, vm1, $0xb8;
	[tilespmem:$0x1B100] =	vst v63  }
0x6df: {  	_ =	swait.ge [sflag:s19], $0x3600  }
0x6e0: {  	[sflag:s19] =	ssyncset.done $0x0  }
0x6e1: {  	[sflag:s19] =	ssyncadd.s32 $0xFFFFCA00  }
0x6e2: {  	v3 =	vld [tilespmem:$0x0];
	_ =	sdelay $0x4  }
0x6e3: {  	v30 =	vshrl.u32 v3, $0x3  }
0x6e4: {  	v4 =	vmul.u32 $0x30, v30  }
0x6e5: {  	v3 =	vand.u32 $0x7, v3  }
0x6e6: {  	v3 =	vor.u32 v3, v4  }
0x6e7: {  	v4 =	vperm.xlane v3, v0;
	_ =	sdelay $0x1  }
0x6e8: {  	v4 =	vadd.s32 v1, v4;
	_ =	sdelay $0x3  }
0x6e9: {  	s22 =	rddreg [dreg:$0x1f];
	v3 =	vperm.xlane v3, v2  }
0x6ea: {  	[tilespmem:s4], [sflag:$0x2] =	stream.indirect_vreg.gather [hbm4b:s22+s2], $0x80, v4, vm0, $0xb8;
	[tilespmem:$0x1B100] =	vst v63  }
0x6eb: {  	s26 =	sadd.s32 $0x100, s22;
	v3 =	vadd.s32 v1, v3  }
0x6ec: {  	[tilespmem:s29], [sflag:$0x2] =	stream.indirect_vreg.gather [hbm4b:s26+s2], $0x80, v4, vm0, $0xb8;
	[tilespmem:$0x1B100] =	vst v63  }
0x6ed: {  	s28 =	sadd.s32 $0x200, s22;
	s29 =	simm.s32 $0x5900  }
0x6ee: {  	[tilespmem:s29], [sflag:$0x2] =	stream.indirect_vreg.gather [hbm4b:s28+s2], $0x80, v4, vm0, $0xb8;
	[tilespmem:$0x1B100] =	vst v63  }
0x6ef: {  	s30 =	simm.s32 $0x6100  }
0x6f0: {  	[tilespmem:s30], [sflag:$0x2] =	stream.indirect_vreg.gather [hbm4b:s22+s2], $0x80, v3, vm0, $0xb8;
	[tilespmem:$0x1B100] =	vst v63  }
0x6f1: {  	_ = 	snop  }
0x6f2: {  	[tilespmem:s31], [sflag:$0x2] =	stream.indirect_vreg.gather [hbm4b:s26+s2], $0x80, v3, vm0, $0xb8;
	[tilespmem:$0x1B100] =	vst v63  }
0x6f3: {  	s31 =	simm.s32 $0x7100  }
0x6f4: {  	[tilespmem:s31], [sflag:$0x2] =	stream.indirect_vreg.gather [hbm4b:s28+s2], $0x80, v3, vm0, $0xb8;
	[tilespmem:$0x1B100] =	vst v63  }
0x6f5: {  	v3 =	vld.msk [tilespmem:$0x10], $0x3;
	_ =	sdelay $0x4  }
0x6f6: {  	v31 =	vshrl.u32 v3, $0x3  }
0x6f7: {  	v4 =	vmul.u32 $0x30, v31  }
0x6f8: {  	v3 =	vand.u32 $0x7, v3  }
0x6f9: {  	v3 =	vor.u32 v3, v4  }
0x6fa: {  	v3 =	vperm.xlane v3, v0;
	_ =	sdelay $0x1  }
0x6fb: {  	v3 =	vadd.s32 v1, v3;
	_ =	sdelay $0x4  }
0x6fc: {  	[tilespmem:s5], [sflag:$0x2] =	stream.indirect_vreg.gather [hbm4b:s22+s2], $0x80, v3, vm1, $0xb8;
	[tilespmem:$0x1B100] =	vst v63  }
0x6fd: {  	s5 =	simm.s32 $0x8100  }
0x6fe: {  	[tilespmem:s5], [sflag:$0x2] =	stream.indirect_vreg.gather [hbm4b:s26+s2], $0x80, v3, vm1, $0xb8;
	[tilespmem:$0x1B100] =	vst v63  }
0x6ff: {  	s11 =	simm.s32 $0x8900;
	s15 =	simm.s32 $0x5  }
0x700: {  	[tilespmem:s11], [sflag:$0x2] =	stream.indirect_vreg.gather [hbm4b:s28+s2], $0x80, v3, vm1, $0xb8;
	[tilespmem:$0x1B100] =	vst v63  }
0x701: {  	_ =	swait.ge [sflag:s15], $0x3600  }
0x702: {  	[sflag:s15] =	ssyncset.done $0x0  }
0x703: {  	[sflag:s15] =	ssyncadd.s32 $0xFFFFCA00  }
0x704: {  	v3 =	vld [tilespmem:$0x80];
	_ =	sdelay $0x4  }
0x705: {  	v32 =	vshrl.u32 v3, $0x3  }
0x706: {  	v4 =	vmul.u32 $0x30, v32  }
0x707: {  	v3 =	vand.u32 $0x7, v3  }
0x708: {  	v3 =	vor.u32 v3, v4  }
0x709: {  	v4 =	vperm.xlane v3, v0;
	_ =	sdelay $0x1  }
0x70a: {  	v4 =	vadd.s32 v1, v4;
	_ =	sdelay $0x1  }
0x70b: {  	s16 =	sld [smem:$0x7F3];
	_ =	sdelay $0x1  }
0x70c: {  	s19 =	simm.s32 $0x12100;
	v3 =	vperm.xlane v3, v2  }
0x70d: {  	[hbm4b:s16+s2] =	stream.indirect_vreg.scatter [tilespmem:s19], [sflag:$0xB], $0x80, v4, vm0, $0xb8;
	[tilespmem:$0x1B100] =	vst v63  }
0x70e: {  	s26 =	simm.s32 $0x12900;
	s22 =	sadd.s32 $0x100, s16;
	v3 =	vadd.s32 v1, v3  }
0x70f: {  	[hbm4b:s22+s2] =	stream.indirect_vreg.scatter [tilespmem:s26], [sflag:$0xB], $0x80, v4, vm0, $0xb8;
	[tilespmem:$0x1B100] =	vst v63  }
0x710: {  	s29 =	simm.s32 $0x13100;
	s28 =	sadd.s32 $0x200, s16  }
0x711: {  	[hbm4b:s28+s2] =	stream.indirect_vreg.scatter [tilespmem:s29], [sflag:$0xB], $0x80, v4, vm0, $0xb8;
	[tilespmem:$0x1B100] =	vst v63  }
0x712: {  	s30 =	simm.s32 $0x13900  }
0x713: {  	[hbm4b:s16+s2] =	stream.indirect_vreg.scatter [tilespmem:s30], [sflag:$0xB], $0x80, v3, vm0, $0xb8;
	[tilespmem:$0x1B100] =	vst v63  }
0x714: {  	s31 =	simm.s32 $0x14100  }
0x715: {  	[hbm4b:s22+s2] =	stream.indirect_vreg.scatter [tilespmem:s31], [sflag:$0xB], $0x80, v3, vm0, $0xb8;
	[tilespmem:$0x1B100] =	vst v63  }
0x716: {  	s5 =	simm.s32 $0x14900  }
0x717: {  	[hbm4b:s28+s2] =	stream.indirect_vreg.scatter [tilespmem:s5], [sflag:$0xB], $0x80, v3, vm0, $0xb8;
	[tilespmem:$0x1B100] =	vst v63  }
0x718: {  	v3 =	vld.msk [tilespmem:$0x90], $0x3;
	_ =	sdelay $0x4  }
0x719: {  	v33 =	vshrl.u32 v3, $0x3  }
0x71a: {  	v4 =	vmul.u32 $0x30, v33  }
0x71b: {  	v3 =	vand.u32 $0x7, v3  }
0x71c: {  	v3 =	vor.u32 v3, v4  }
0x71d: {  	v3 =	vperm.xlane v3, v0;
	_ =	sdelay $0x1  }
0x71e: {  	v3 =	vadd.s32 v1, v3;
	_ =	sdelay $0x3  }
0x71f: {  	s15 =	simm.s32 $0x15100  }
0x720: {  	[hbm4b:s16+s2] =	stream.indirect_vreg.scatter [tilespmem:s15], [sflag:$0xB], $0x80, v3, vm1, $0xb8;
	[tilespmem:$0x1B100] =	vst v63  }
0x721: {  	s16 =	simm.s32 $0x15900  }
0x722: {  	[hbm4b:s22+s2] =	stream.indirect_vreg.scatter [tilespmem:s16], [sflag:$0xB], $0x80, v3, vm1, $0xb8;
	[tilespmem:$0x1B100] =	vst v63  }
0x723: {  	s19 =	simm.s32 $0x16100;
	s22 =	simm.s32 $0x9  }
0x724: {  	[hbm4b:s28+s2] =	stream.indirect_vreg.scatter [tilespmem:s19], [sflag:$0xB], $0x80, v3, vm1, $0xb8;
	[tilespmem:$0x1B100] =	vst v63  }
0x725: {  	_ =	swait.ge [sflag:s22], $0x3600  }
0x726: {  	[sflag:s22] =	ssyncset.done $0x0  }
0x727: {  	[sflag:s22] =	ssyncadd.s32 $0xFFFFCA00  }
0x728: {  	v3 =	vld [tilespmem:$0x0];
	_ =	sdelay $0x4  }
0x729: {  	v34 =	vshrl.u32 v3, $0x3  }
0x72a: {  	v4 =	vmul.u32 $0x30, v34  }
0x72b: {  	v3 =	vand.u32 $0x7, v3  }
0x72c: {  	v3 =	vor.u32 v3, v4  }
0x72d: {  	v4 =	vperm.xlane v3, v0;
	_ =	sdelay $0x1  }
0x72e: {  	v4 =	vadd.s32 v1, v4;
	_ =	sdelay $0x1  }
0x72f: {  	s26 =	sld [smem:$0x7CE];
	_ =	sdelay $0x1  }
0x730: {  	v3 =	vperm.xlane v3, v2  }
0x731: {  	[tilespmem:s21], [sflag:$0x3] =	stream.indirect_vreg.gather [hbm4b:s26+s2], $0x80, v4, vm0, $0xb8;
	[tilespmem:$0x1B100] =	vst v63  }
0x732: {  	s28 =	sadd.s32 $0x100, s26;
	v3 =	vadd.s32 v1, v3  }
0x733: {  	[tilespmem:s20], [sflag:$0x3] =	stream.indirect_vreg.gather [hbm4b:s28+s2], $0x80, v4, vm0, $0xb8;
	[tilespmem:$0x1B100] =	vst v63  }
0x734: {  	s30 =	simm.s32 $0xA100;
	s29 =	sadd.s32 $0x200, s26  }
0x735: {  	[tilespmem:s30], [sflag:$0x3] =	stream.indirect_vreg.gather [hbm4b:s29+s2], $0x80, v4, vm0, $0xb8;
	[tilespmem:$0x1B100] =	vst v63  }
0x736: {  	s31 =	simm.s32 $0xA900  }
0x737: {  	[tilespmem:s31], [sflag:$0x3] =	stream.indirect_vreg.gather [hbm4b:s26+s2], $0x80, v3, vm0, $0xb8;
	[tilespmem:$0x1B100] =	vst v63  }
0x738: {  	_ = 	snop  }
0x739: {  	[tilespmem:s25], [sflag:$0x3] =	stream.indirect_vreg.gather [hbm4b:s28+s2], $0x80, v3, vm0, $0xb8;
	[tilespmem:$0x1B100] =	vst v63  }
0x73a: {  	_ = 	snop  }
0x73b: {  	[tilespmem:s23], [sflag:$0x3] =	stream.indirect_vreg.gather [hbm4b:s29+s2], $0x80, v3, vm0, $0xb8;
	[tilespmem:$0x1B100] =	vst v63  }
0x73c: {  	v3 =	vld.msk [tilespmem:$0x10], $0x3;
	_ =	sdelay $0x4  }
0x73d: {  	v35 =	vshrl.u32 v3, $0x3  }
0x73e: {  	v4 =	vmul.u32 $0x30, v35  }
0x73f: {  	v3 =	vand.u32 $0x7, v3  }
0x740: {  	v3 =	vor.u32 v3, v4  }
0x741: {  	v3 =	vperm.xlane v3, v0;
	_ =	sdelay $0x1  }
0x742: {  	v3 =	vadd.s32 v1, v3;
	_ =	sdelay $0x4  }
0x743: {  	[tilespmem:s6], [sflag:$0x3] =	stream.indirect_vreg.gather [hbm4b:s26+s2], $0x80, v3, vm1, $0xb8;
	[tilespmem:$0x1B100] =	vst v63  }
0x744: {  	_ = 	snop  }
0x745: {  	[tilespmem:s14], [sflag:$0x3] =	stream.indirect_vreg.gather [hbm4b:s28+s2], $0x80, v3, vm1, $0xb8;
	[tilespmem:$0x1B100] =	vst v63  }
0x746: {  	s5 =	simm.s32 $0x6  }
0x747: {  	[tilespmem:s24], [sflag:$0x3] =	stream.indirect_vreg.gather [hbm4b:s29+s2], $0x80, v3, vm1, $0xb8;
	[tilespmem:$0x1B100] =	vst v63  }
0x748: {  	_ =	swait.ge [sflag:s5], $0x3600  }
0x749: {  	[sflag:s5] =	ssyncset.done $0x0  }
0x74a: {  	[sflag:s5] =	ssyncadd.s32 $0xFFFFCA00  }
0x74b: {  	v3 =	vld [tilespmem:$0x80];
	_ =	sdelay $0x4  }
0x74c: {  	v36 =	vshrl.u32 v3, $0x3  }
0x74d: {  	v4 =	vmul.u32 $0x30, v36  }
0x74e: {  	v3 =	vand.u32 $0x7, v3  }
0x74f: {  	v3 =	vor.u32 v3, v4  }
0x750: {  	v4 =	vperm.xlane v3, v0;
	_ =	sdelay $0x1  }
0x751: {  	v4 =	vadd.s32 v1, v4;
	_ =	sdelay $0x1  }
0x752: {  	s6 =	sld [smem:$0x7F4];
	_ =	sdelay $0x1  }
0x753: {  	s9 =	simm.s32 $0x16900;
	v3 =	vperm.xlane v3, v2  }
0x754: {  	[hbm4b:s6+s2] =	stream.indirect_vreg.scatter [tilespmem:s9], [sflag:$0xC], $0x80, v4, vm0, $0xb8;
	[tilespmem:$0x1B100] =	vst v63  }
0x755: {  	s14 =	simm.s32 $0x17100;
	s10 =	sadd.s32 $0x100, s6;
	v3 =	vadd.s32 v1, v3  }
0x756: {  	[hbm4b:s10+s2] =	stream.indirect_vreg.scatter [tilespmem:s14], [sflag:$0xC], $0x80, v4, vm0, $0xb8;
	[tilespmem:$0x1B100] =	vst v63  }
0x757: {  	s16 =	simm.s32 $0x17900;
	s15 =	sadd.s32 $0x200, s6  }
0x758: {  	[hbm4b:s15+s2] =	stream.indirect_vreg.scatter [tilespmem:s16], [sflag:$0xC], $0x80, v4, vm0, $0xb8;
	[tilespmem:$0x1B100] =	vst v63  }
0x759: {  	s19 =	simm.s32 $0x18100  }
0x75a: {  	[hbm4b:s6+s2] =	stream.indirect_vreg.scatter [tilespmem:s19], [sflag:$0xC], $0x80, v3, vm0, $0xb8;
	[tilespmem:$0x1B100] =	vst v63  }
0x75b: {  	s20 =	simm.s32 $0x18900  }
0x75c: {  	[hbm4b:s10+s2] =	stream.indirect_vreg.scatter [tilespmem:s20], [sflag:$0xC], $0x80, v3, vm0, $0xb8;
	[tilespmem:$0x1B100] =	vst v63  }
0x75d: {  	s21 =	simm.s32 $0x19100  }
0x75e: {  	[hbm4b:s15+s2] =	stream.indirect_vreg.scatter [tilespmem:s21], [sflag:$0xC], $0x80, v3, vm0, $0xb8;
	[tilespmem:$0x1B100] =	vst v63  }
0x75f: {  	v3 =	vld.msk [tilespmem:$0x90], $0x3;
	_ =	sdelay $0x4  }
0x760: {  	v37 =	vshrl.u32 v3, $0x3  }
0x761: {  	v4 =	vmul.u32 $0x30, v37  }
0x762: {  	v3 =	vand.u32 $0x7, v3  }
0x763: {  	v3 =	vor.u32 v3, v4  }
0x764: {  	v3 =	vperm.xlane v3, v0;
	_ =	sdelay $0x1  }
0x765: {  	v3 =	vadd.s32 v1, v3;
	_ =	sdelay $0x3  }
0x766: {  	s22 =	simm.s32 $0x19900  }
0x767: {  	[hbm4b:s6+s2] =	stream.indirect_vreg.scatter [tilespmem:s22], [sflag:$0xC], $0x80, v3, vm1, $0xb8;
	[tilespmem:$0x1B100] =	vst v63  }
0x768: {  	s23 =	simm.s32 $0x1A100  }
0x769: {  	[hbm4b:s10+s2] =	stream.indirect_vreg.scatter [tilespmem:s23], [sflag:$0xC], $0x80, v3, vm1, $0xb8;
	[tilespmem:$0x1B100] =	vst v63  }
0x76a: {  	s25 =	simm.s32 $0xA;
	s24 =	simm.s32 $0x1A900  }
0x76b: {  	[hbm4b:s15+s2] =	stream.indirect_vreg.scatter [tilespmem:s24], [sflag:$0xC], $0x80, v3, vm1, $0xb8;
	[tilespmem:$0x1B100] =	vst v63  }
0x76c: {  	_ =	swait.ge [sflag:s25], $0x3600  }
0x76d: {  	[sflag:s25] =	ssyncset.done $0x0  }
0x76e: {  	[sflag:s25] =	ssyncadd.s32 $0xFFFFCA00  }
0x76f: {  	v3 =	vld [tilespmem:$0x0];
	_ =	sdelay $0x4  }
0x770: {  	v38 =	vshrl.u32 v3, $0x3  }
0x771: {  	v4 =	vmul.u32 $0x30, v38  }
0x772: {  	v3 =	vand.u32 $0x7, v3  }
0x773: {  	v3 =	vor.u32 v3, v4  }
0x774: {  	v4 =	vperm.xlane v3, v0;
	_ =	sdelay $0x1  }
0x775: {  	v4 =	vadd.s32 v1, v4;
	_ =	sdelay $0x1  }
0x776: {  	s26 =	sld [smem:$0x7CF];
	_ =	sdelay $0x1  }
0x777: {  	v3 =	vperm.xlane v3, v2  }
0x778: {  	[tilespmem:s18], [sflag:$0x4] =	stream.indirect_vreg.gather [hbm4b:s26+s2], $0x80, v4, vm0, $0xb8;
	[tilespmem:$0x1B100] =	vst v63  }
0x779: {  	s28 =	sadd.s32 $0x100, s26;
	v3 =	vadd.s32 v1, v3  }
0x77a: {  	[tilespmem:s13], [sflag:$0x4] =	stream.indirect_vreg.gather [hbm4b:s28+s2], $0x80, v4, vm0, $0xb8;
	[tilespmem:$0x1B100] =	vst v63  }
0x77b: {  	s29 =	sadd.s32 $0x200, s26  }
0x77c: {  	[tilespmem:s7], [sflag:$0x4] =	stream.indirect_vreg.gather [hbm4b:s29+s2], $0x80, v4, vm0, $0xb8;
	[tilespmem:$0x1B100] =	vst v63  }
0x77d: {  	_ = 	snop  }
0x77e: {  	[tilespmem:s3], [sflag:$0x4] =	stream.indirect_vreg.gather [hbm4b:s26+s2], $0x80, v3, vm0, $0xb8;
	[tilespmem:$0x1B100] =	vst v63  }
0x77f: {  	_ = 	snop  }
0x780: {  	[tilespmem:s1], [sflag:$0x4] =	stream.indirect_vreg.gather [hbm4b:s28+s2], $0x80, v3, vm0, $0xb8;
	[tilespmem:$0x1B100] =	vst v63  }
0x781: {  	_ = 	snop  }
0x782: {  	[tilespmem:s17], [sflag:$0x4] =	stream.indirect_vreg.gather [hbm4b:s29+s2], $0x80, v3, vm0, $0xb8;
	[tilespmem:$0x1B100] =	vst v63  }
0x783: {  	v3 =	vld.msk [tilespmem:$0x10], $0x3;
	_ =	sdelay $0x4  }
0x784: {  	v39 =	vshrl.u32 v3, $0x3  }
0x785: {  	v4 =	vmul.u32 $0x30, v39  }
0x786: {  	v3 =	vand.u32 $0x7, v3  }
0x787: {  	v3 =	vor.u32 v3, v4  }
0x788: {  	v3 =	vperm.xlane v3, v0;
	_ =	sdelay $0x1  }
0x789: {  	v3 =	vadd.s32 v1, v3;
	_ =	sdelay $0x4  }
0x78a: {  	[tilespmem:s12], [sflag:$0x4] =	stream.indirect_vreg.gather [hbm4b:s26+s2], $0x80, v3, vm1, $0xb8;
	[tilespmem:$0x1B100] =	vst v63  }
0x78b: {  	_ = 	snop  }
0x78c: {  	[tilespmem:s0], [sflag:$0x4] =	stream.indirect_vreg.gather [hbm4b:s28+s2], $0x80, v3, vm1, $0xb8;
	[tilespmem:$0x1B100] =	vst v63  }
0x78d: {  	s30 =	simm.s32 $0x1  }
0x78e: {  	[tilespmem:s8], [sflag:$0x4] =	stream.indirect_vreg.gather [hbm4b:s29+s2], $0x80, v3, vm1, $0xb8;
	[tilespmem:$0x1B100] =	vst v63  }
0x78f: {  	_ =	swait.ge [sflag:s30], $0x3600  }
0x790: {  	[sflag:s30] =	ssyncset.done $0x0  }
0x791: {  	[sflag:s30] =	ssyncadd.s32 $0xFFFFCA00  }
0x792: {  	v3 =	vld [tilespmem:$0x80];
	_ =	sdelay $0x4  }
0x793: {  	v40 =	vshrl.u32 v3, $0x3  }
0x794: {  	v4 =	vmul.u32 $0x30, v40  }
0x795: {  	v3 =	vand.u32 $0x7, v3  }
0x796: {  	v3 =	vor.u32 v3, v4  }
0x797: {  	v4 =	vperm.xlane v3, v0;
	_ =	sdelay $0x1  }
0x798: {  	v4 =	vadd.s32 v1, v4;
	_ =	sdelay $0x1  }
0x799: {  	s31 =	sld [smem:$0x7F5];
	_ =	sdelay $0x1  }
0x79a: {  	s3 =	simm.s32 $0x100;
	v3 =	vperm.xlane v3, v2  }
0x79b: {  	[hbm4b:s31+s2] =	stream.indirect_vreg.scatter [tilespmem:s3], [sflag:$0x7], $0x80, v4, vm0, $0xb8;
	[tilespmem:$0x1B100] =	vst v63  }
0x79c: {  	s8 =	simm.s32 $0x900;
	s0 =	sadd.s32 $0x100, s31;
	v3 =	vadd.s32 v1, v3  }
0x79d: {  	[hbm4b:s0+s2] =	stream.indirect_vreg.scatter [tilespmem:s8], [sflag:$0x7], $0x80, v4, vm0, $0xb8;
	[tilespmem:$0x1B100] =	vst v63  }
0x79e: {  	s12 =	simm.s32 $0x1100;
	s4 =	sadd.s32 $0x200, s31  }
0x79f: {  	[hbm4b:s4+s2] =	stream.indirect_vreg.scatter [tilespmem:s12], [sflag:$0x7], $0x80, v4, vm0, $0xb8;
	[tilespmem:$0x1B100] =	vst v63  }
0x7a0: {  	s13 =	simm.s32 $0x1900  }
0x7a1: {  	[hbm4b:s31+s2] =	stream.indirect_vreg.scatter [tilespmem:s13], [sflag:$0x7], $0x80, v3, vm0, $0xb8;
	[tilespmem:$0x1B100] =	vst v63  }
0x7a2: {  	s17 =	simm.s32 $0x2100  }
0x7a3: {  	[hbm4b:s0+s2] =	stream.indirect_vreg.scatter [tilespmem:s17], [sflag:$0x7], $0x80, v3, vm0, $0xb8;
	[tilespmem:$0x1B100] =	vst v63  }
0x7a4: {  	s20 =	simm.s32 $0x2900  }
0x7a5: {  	[hbm4b:s4+s2] =	stream.indirect_vreg.scatter [tilespmem:s20], [sflag:$0x7], $0x80, v3, vm0, $0xb8;
	[tilespmem:$0x1B100] =	vst v63  }
0x7a6: {  	v3 =	vld.msk [tilespmem:$0x90], $0x3;
	_ =	sdelay $0x4  }
0x7a7: {  	v41 =	vshrl.u32 v3, $0x3  }
0x7a8: {  	v4 =	vmul.u32 $0x30, v41  }
0x7a9: {  	v3 =	vand.u32 $0x7, v3  }
0x7aa: {  	v3 =	vor.u32 v3, v4  }
0x7ab: {  	v3 =	vperm.xlane v3, v0;
	_ =	sdelay $0x1  }
0x7ac: {  	v3 =	vadd.s32 v1, v3;
	_ =	sdelay $0x3  }
0x7ad: {  	s1 =	simm.s32 $0x3100  }
0x7ae: {  	[hbm4b:s31+s2] =	stream.indirect_vreg.scatter [tilespmem:s1], [sflag:$0x7], $0x80, v3, vm1, $0xb8;
	[tilespmem:$0x1B100] =	vst v63  }
0x7af: {  	s6 =	simm.s32 $0x3900  }
0x7b0: {  	[hbm4b:s0+s2] =	stream.indirect_vreg.scatter [tilespmem:s6], [sflag:$0x7], $0x80, v3, vm1, $0xb8;
	[tilespmem:$0x1B100] =	vst v63  }
0x7b1: {  	s5 =	simm.s32 $0xB;
	s7 =	simm.s32 $0x4100  }
0x7b2: {  	[hbm4b:s4+s2] =	stream.indirect_vreg.scatter [tilespmem:s7], [sflag:$0x7], $0x80, v3, vm1, $0xb8;
	[tilespmem:$0x1B100] =	vst v63  }
0x7b3: {  	_ =	swait.ge [sflag:s5], $0x3600  }
0x7b4: {  	[sflag:s5] =	ssyncset.done $0x0  }
0x7b5: {  	[sflag:s5] =	ssyncadd.s32 $0xFFFFCA00  }
0x7b6: {  	v3 =	vld [tilespmem:$0x0];
	_ =	sdelay $0x4  }
0x7b7: {  	v42 =	vshrl.u32 v3, $0x3  }
0x7b8: {  	v4 =	vmul.u32 $0x30, v42  }
0x7b9: {  	v3 =	vand.u32 $0x7, v3  }
0x7ba: {  	v3 =	vor.u32 v3, v4  }
0x7bb: {  	v4 =	vperm.xlane v3, v0;
	_ =	sdelay $0x1  }
0x7bc: {  	v4 =	vadd.s32 v1, v4;
	_ =	sdelay $0x1  }
0x7bd: {  	s9 =	sld [smem:$0x7D0];
	_ =	sdelay $0x1  }
0x7be: {  	s10 =	simm.s32 $0x12100;
	v3 =	vperm.xlane v3, v2  }
0x7bf: {  	[tilespmem:s10], [sflag:$0x5] =	stream.indirect_vreg.gather [hbm4b:s9+s2], $0x80, v4, vm0, $0xb8;
	[tilespmem:$0x1B100] =	vst v63  }
0x7c0: {  	s15 =	simm.s32 $0x12900;
	s14 =	sadd.s32 $0x100, s9;
	v3 =	vadd.s32 v1, v3  }
0x7c1: {  	[tilespmem:s15], [sflag:$0x5] =	stream.indirect_vreg.gather [hbm4b:s14+s2], $0x80, v4, vm0, $0xb8;
	[tilespmem:$0x1B100] =	vst v63  }
0x7c2: {  	s18 =	simm.s32 $0x13100;
	s16 =	sadd.s32 $0x200, s9  }
0x7c3: {  	[tilespmem:s18], [sflag:$0x5] =	stream.indirect_vreg.gather [hbm4b:s16+s2], $0x80, v4, vm0, $0xb8;
	[tilespmem:$0x1B100] =	vst v63  }
0x7c4: {  	s19 =	simm.s32 $0x13900  }
0x7c5: {  	[tilespmem:s19], [sflag:$0x5] =	stream.indirect_vreg.gather [hbm4b:s9+s2], $0x80, v3, vm0, $0xb8;
	[tilespmem:$0x1B100] =	vst v63  }
0x7c6: {  	s21 =	simm.s32 $0x14100  }
0x7c7: {  	[tilespmem:s21], [sflag:$0x5] =	stream.indirect_vreg.gather [hbm4b:s14+s2], $0x80, v3, vm0, $0xb8;
	[tilespmem:$0x1B100] =	vst v63  }
0x7c8: {  	s22 =	simm.s32 $0x14900  }
0x7c9: {  	[tilespmem:s22], [sflag:$0x5] =	stream.indirect_vreg.gather [hbm4b:s16+s2], $0x80, v3, vm0, $0xb8;
	[tilespmem:$0x1B100] =	vst v63  }
0x7ca: {  	v3 =	vld.msk [tilespmem:$0x10], $0x3;
	_ =	sdelay $0x4  }
0x7cb: {  	v43 =	vshrl.u32 v3, $0x3  }
0x7cc: {  	v4 =	vmul.u32 $0x30, v43  }
0x7cd: {  	v3 =	vand.u32 $0x7, v3  }
0x7ce: {  	v3 =	vor.u32 v3, v4  }
0x7cf: {  	v3 =	vperm.xlane v3, v0;
	_ =	sdelay $0x1  }
0x7d0: {  	v3 =	vadd.s32 v1, v3;
	_ =	sdelay $0x3  }
0x7d1: {  	s23 =	simm.s32 $0x15100  }
0x7d2: {  	[tilespmem:s23], [sflag:$0x5] =	stream.indirect_vreg.gather [hbm4b:s9+s2], $0x80, v3, vm1, $0xb8;
	[tilespmem:$0x1B100] =	vst v63  }
0x7d3: {  	s24 =	simm.s32 $0x15900  }
0x7d4: {  	[tilespmem:s24], [sflag:$0x5] =	stream.indirect_vreg.gather [hbm4b:s14+s2], $0x80, v3, vm1, $0xb8;
	[tilespmem:$0x1B100] =	vst v63  }
0x7d5: {  	s25 =	simm.s32 $0x16100;
	s26 =	simm.s32 $0x2  }
0x7d6: {  	[tilespmem:s25], [sflag:$0x5] =	stream.indirect_vreg.gather [hbm4b:s16+s2], $0x80, v3, vm1, $0xb8;
	[tilespmem:$0x1B100] =	vst v63  }
0x7d7: {  	_ =	swait.ge [sflag:s26], $0x3600  }
0x7d8: {  	[sflag:s26] =	ssyncset.done $0x0  }
0x7d9: {  	[sflag:s26] =	ssyncadd.s32 $0xFFFFCA00  }
0x7da: {  	v3 =	vld [tilespmem:$0x80];
	_ =	sdelay $0x4  }
0x7db: {  	v44 =	vshrl.u32 v3, $0x3  }
0x7dc: {  	v4 =	vmul.u32 $0x30, v44  }
0x7dd: {  	v3 =	vand.u32 $0x7, v3  }
0x7de: {  	v3 =	vor.u32 v3, v4  }
0x7df: {  	v4 =	vperm.xlane v3, v0;
	_ =	sdelay $0x1  }
0x7e0: {  	v4 =	vadd.s32 v1, v4;
	_ =	sdelay $0x1  }
0x7e1: {  	s28 =	sld [smem:$0x7F6];
	_ =	sdelay $0x1  }
0x7e2: {  	s4 =	simm.s32 $0x4900;
	v3 =	vperm.xlane v3, v2  }
0x7e3: {  	[hbm4b:s28+s2] =	stream.indirect_vreg.scatter [tilespmem:s4], [sflag:$0x8], $0x80, v4, vm0, $0xb8;
	[tilespmem:$0x1B100] =	vst v63  }
0x7e4: {  	s15 =	simm.s32 $0x5100;
	s29 =	sadd.s32 $0x100, s28;
	v3 =	vadd.s32 v1, v3  }
0x7e5: {  	[hbm4b:s29+s2] =	stream.indirect_vreg.scatter [tilespmem:s15], [sflag:$0x8], $0x80, v4, vm0, $0xb8;
	[tilespmem:$0x1B100] =	vst v63  }
0x7e6: {  	s19 =	simm.s32 $0x5900;
	s30 =	sadd.s32 $0x200, s28  }
0x7e7: {  	[hbm4b:s30+s2] =	stream.indirect_vreg.scatter [tilespmem:s19], [sflag:$0x8], $0x80, v4, vm0, $0xb8;
	[tilespmem:$0x1B100] =	vst v63  }
0x7e8: {  	s22 =	simm.s32 $0x6100  }
0x7e9: {  	[hbm4b:s28+s2] =	stream.indirect_vreg.scatter [tilespmem:s22], [sflag:$0x8], $0x80, v3, vm0, $0xb8;
	[tilespmem:$0x1B100] =	vst v63  }
0x7ea: {  	s16 =	simm.s32 $0x6900  }
0x7eb: {  	[hbm4b:s29+s2] =	stream.indirect_vreg.scatter [tilespmem:s16], [sflag:$0x8], $0x80, v3, vm0, $0xb8;
	[tilespmem:$0x1B100] =	vst v63  }
0x7ec: {  	s21 =	simm.s32 $0x7100  }
0x7ed: {  	[hbm4b:s30+s2] =	stream.indirect_vreg.scatter [tilespmem:s21], [sflag:$0x8], $0x80, v3, vm0, $0xb8;
	[tilespmem:$0x1B100] =	vst v63  }
0x7ee: {  	v3 =	vld.msk [tilespmem:$0x90], $0x3;
	_ =	sdelay $0x4  }
0x7ef: {  	v45 =	vshrl.u32 v3, $0x3  }
0x7f0: {  	v4 =	vmul.u32 $0x30, v45  }
0x7f1: {  	v3 =	vand.u32 $0x7, v3  }
0x7f2: {  	v3 =	vor.u32 v3, v4  }
0x7f3: {  	v3 =	vperm.xlane v3, v0;
	_ =	sdelay $0x1  }
0x7f4: {  	v3 =	vadd.s32 v1, v3;
	_ =	sdelay $0x3  }
0x7f5: {  	s5 =	simm.s32 $0x7900  }
0x7f6: {  	[hbm4b:s28+s2] =	stream.indirect_vreg.scatter [tilespmem:s5], [sflag:$0x8], $0x80, v3, vm1, $0xb8;
	[tilespmem:$0x1B100] =	vst v63  }
0x7f7: {  	s18 =	simm.s32 $0x8100  }
0x7f8: {  	[hbm4b:s29+s2] =	stream.indirect_vreg.scatter [tilespmem:s18], [sflag:$0x8], $0x80, v3, vm1, $0xb8;
	[tilespmem:$0x1B100] =	vst v63  }
0x7f9: {  	s31 =	simm.s32 $0xC;
	s14 =	simm.s32 $0x8900  }
0x7fa: {  	[hbm4b:s30+s2] =	stream.indirect_vreg.scatter [tilespmem:s14], [sflag:$0x8], $0x80, v3, vm1, $0xb8;
	[tilespmem:$0x1B100] =	vst v63  }
0x7fb: {  	_ =	swait.ge [sflag:s31], $0x3600  }
0x7fc: {  	[sflag:s31] =	ssyncset.done $0x0  }
0x7fd: {  	[sflag:s31] =	ssyncadd.s32 $0xFFFFCA00  }
0x7fe: {  	v3 =	vld [tilespmem:$0x0];
	_ =	sdelay $0x4  }
0x7ff: {  	v46 =	vshrl.u32 v3, $0x3  }
0x800: {  	v4 =	vmul.u32 $0x30, v46  }
0x801: {  	v3 =	vand.u32 $0x7, v3  }
0x802: {  	v3 =	vor.u32 v3, v4  }
0x803: {  	v4 =	vperm.xlane v3, v0;
	_ =	sdelay $0x1  }
0x804: {  	v4 =	vadd.s32 v1, v4;
	_ =	sdelay $0x1  }
0x805: {  	s9 =	sld [smem:$0x7D1];
	_ =	sdelay $0x1  }
0x806: {  	s24 =	simm.s32 $0x16900;
	v3 =	vperm.xlane v3, v2  }
0x807: {  	[tilespmem:s24], [sflag:$0x6] =	stream.indirect_vreg.gather [hbm4b:s9+s2], $0x80, v4, vm0, $0xb8;
	[tilespmem:$0x1B100] =	vst v63  }
0x808: {  	s31 =	simm.s32 $0x17100;
	s25 =	sadd.s32 $0x100, s9;
	v3 =	vadd.s32 v1, v3  }
0x809: {  	[tilespmem:s31], [sflag:$0x6] =	stream.indirect_vreg.gather [hbm4b:s25+s2], $0x80, v4, vm0, $0xb8;
	[tilespmem:$0x1B100] =	vst v63  }
0x80a: {  	s26 =	simm.s32 $0x17900;
	s10 =	sadd.s32 $0x200, s9  }
0x80b: {  	[tilespmem:s26], [sflag:$0x6] =	stream.indirect_vreg.gather [hbm4b:s10+s2], $0x80, v4, vm0, $0xb8;
	[tilespmem:$0x1B100] =	vst v63  }
0x80c: {  	s30 =	simm.s32 $0x18100  }
0x80d: {  	[tilespmem:s30], [sflag:$0x6] =	stream.indirect_vreg.gather [hbm4b:s9+s2], $0x80, v3, vm0, $0xb8;
	[tilespmem:$0x1B100] =	vst v63  }
0x80e: {  	s28 =	simm.s32 $0x18900  }
0x80f: {  	[tilespmem:s28], [sflag:$0x6] =	stream.indirect_vreg.gather [hbm4b:s25+s2], $0x80, v3, vm0, $0xb8;
	[tilespmem:$0x1B100] =	vst v63  }
0x810: {  	s29 =	simm.s32 $0x19100  }
0x811: {  	[tilespmem:s29], [sflag:$0x6] =	stream.indirect_vreg.gather [hbm4b:s10+s2], $0x80, v3, vm0, $0xb8;
	[tilespmem:$0x1B100] =	vst v63  }
0x812: {  	v3 =	vld.msk [tilespmem:$0x10], $0x3;
	_ =	sdelay $0x4  }
0x813: {  	v47 =	vshrl.u32 v3, $0x3  }
0x814: {  	v4 =	vmul.u32 $0x30, v47  }
0x815: {  	v3 =	vand.u32 $0x7, v3  }
0x816: {  	v3 =	vor.u32 v3, v4  }
0x817: {  	v3 =	vperm.xlane v3, v0;
	_ =	sdelay $0x1  }
0x818: {  	v3 =	vadd.s32 v1, v3;
	_ =	sdelay $0x3  }
0x819: {  	s23 =	simm.s32 $0x19900  }
0x81a: {  	[tilespmem:s23], [sflag:$0x6] =	stream.indirect_vreg.gather [hbm4b:s9+s2], $0x80, v3, vm1, $0xb8;
	[tilespmem:$0x1B100] =	vst v63  }
0x81b: {  	s29 =	simm.s32 $0x1A100  }
0x81c: {  	[tilespmem:s29], [sflag:$0x6] =	stream.indirect_vreg.gather [hbm4b:s25+s2], $0x80, v3, vm1, $0xb8;
	[tilespmem:$0x1B100] =	vst v63  }
0x81d: {  	s11 =	simm.s32 $0x3;
	s25 =	simm.s32 $0x1A900  }
0x81e: {  	[tilespmem:s25], [sflag:$0x6] =	stream.indirect_vreg.gather [hbm4b:s10+s2], $0x80, v3, vm1, $0xb8;
	[tilespmem:$0x1B100] =	vst v63  }
0x81f: {  	_ =	swait.ge [sflag:s11], $0x3600  }
0x820: {  	[sflag:s11] =	ssyncset.done $0x0  }
0x821: {  	[sflag:s11] =	ssyncadd.s32 $0xFFFFCA00  }
0x822: {  	v3 =	vld [tilespmem:$0x80];
	_ =	sdelay $0x4  }
0x823: {  	v48 =	vshrl.u32 v3, $0x3  }
0x824: {  	v4 =	vmul.u32 $0x30, v48  }
0x825: {  	v3 =	vand.u32 $0x7, v3  }
0x826: {  	v3 =	vor.u32 v3, v4  }
0x827: {  	v4 =	vperm.xlane v3, v0;
	_ =	sdelay $0x1  }
0x828: {  	v4 =	vadd.s32 v1, v4;
	_ =	sdelay $0x1  }
0x829: {  	s11 =	sld [smem:$0x7F7];
	_ =	sdelay $0x1  }
0x82a: {  	s9 =	simm.s32 $0x9100;
	v3 =	vperm.xlane v3, v2  }
0x82b: {  	[hbm4b:s11+s2] =	stream.indirect_vreg.scatter [tilespmem:s9], [sflag:$0x9], $0x80, v4, vm0, $0xb8;
	[tilespmem:$0x1B100] =	vst v63  }
0x82c: {  	s10 =	simm.s32 $0x9900;
	v3 =	vadd.s32 v1, v3;
	s9 =	sadd.s32 $0x100, s11  }
0x82d: {  	[hbm4b:s9+s2] =	stream.indirect_vreg.scatter [tilespmem:s10], [sflag:$0x9], $0x80, v4, vm0, $0xb8;
	[tilespmem:$0x1B100] =	vst v63  }
0x82e: {  	s0 =	simm.s32 $0xA100;
	s10 =	sadd.s32 $0x200, s11  }
0x82f: {  	[hbm4b:s10+s2] =	stream.indirect_vreg.scatter [tilespmem:s0], [sflag:$0x9], $0x80, v4, vm0, $0xb8;
	[tilespmem:$0x1B100] =	vst v63  }
0x830: {  	s0 =	simm.s32 $0xA900  }
0x831: {  	[hbm4b:s11+s2] =	stream.indirect_vreg.scatter [tilespmem:s0], [sflag:$0x9], $0x80, v3, vm0, $0xb8;
	[tilespmem:$0x1B100] =	vst v63  }
0x832: {  	s0 =	simm.s32 $0xB100  }
0x833: {  	[hbm4b:s9+s2] =	stream.indirect_vreg.scatter [tilespmem:s0], [sflag:$0x9], $0x80, v3, vm0, $0xb8;
	[tilespmem:$0x1B100] =	vst v63  }
0x834: {  	s0 =	simm.s32 $0xB900  }
0x835: {  	[hbm4b:s10+s2] =	stream.indirect_vreg.scatter [tilespmem:s0], [sflag:$0x9], $0x80, v3, vm0, $0xb8;
	[tilespmem:$0x1B100] =	vst v63  }
0x836: {  	v3 =	vld.msk [tilespmem:$0x90], $0x3;
	_ =	sdelay $0x4  }
0x837: {  	v49 =	vshrl.u32 v3, $0x3  }
0x838: {  	v4 =	vmul.u32 $0x30, v49  }
0x839: {  	v3 =	vand.u32 $0x7, v3  }
0x83a: {  	v3 =	vor.u32 v3, v4  }
0x83b: {  	v3 =	vperm.xlane v3, v0;
	_ =	sdelay $0x1  }
0x83c: {  	v3 =	vadd.s32 v1, v3;
	_ =	sdelay $0x3  }
0x83d: {  	s0 =	simm.s32 $0xC100  }
0x83e: {  	[hbm4b:s11+s2] =	stream.indirect_vreg.scatter [tilespmem:s0], [sflag:$0x9], $0x80, v3, vm1, $0xb8;
	[tilespmem:$0x1B100] =	vst v63  }
0x83f: {  	s11 =	simm.s32 $0xC900  }
0x840: {  	[hbm4b:s9+s2] =	stream.indirect_vreg.scatter [tilespmem:s11], [sflag:$0x9], $0x80, v3, vm1, $0xb8;
	[tilespmem:$0x1B100] =	vst v63  }
0x841: {  	s0 =	simm.s32 $0x7;
	s11 =	simm.s32 $0xD100  }
0x842: {  	[hbm4b:s10+s2] =	stream.indirect_vreg.scatter [tilespmem:s11], [sflag:$0x9], $0x80, v3, vm1, $0xb8;
	[tilespmem:$0x1B100] =	vst v63  }
0x843: {  	_ =	swait.ge [sflag:s0], $0x3600  }
0x844: {  	[sflag:s0] =	ssyncset.done $0x0  }
0x845: {  	[sflag:s0] =	ssyncadd.s32 $0xFFFFCA00  }
0x846: {  	v3 =	vld [tilespmem:$0x0];
	_ =	sdelay $0x4  }
0x847: {  	v50 =	vshrl.u32 v3, $0x3  }
0x848: {  	v4 =	vmul.u32 $0x30, v50  }
0x849: {  	v3 =	vand.u32 $0x7, v3  }
0x84a: {  	v3 =	vor.u32 v3, v4  }
0x84b: {  	v4 =	vperm.xlane v3, v0;
	_ =	sdelay $0x1  }
0x84c: {  	v4 =	vadd.s32 v1, v4;
	_ =	sdelay $0x1  }
0x84d: {  	s11 =	sld [smem:$0x7D2];
	_ =	sdelay $0x1  }
0x84e: {  	v3 =	vperm.xlane v3, v2  }
0x84f: {  	[tilespmem:s3], [sflag:$0x1] =	stream.indirect_vreg.gather [hbm4b:s11+s2], $0x80, v4, vm0, $0xb8;
	[tilespmem:$0x1B100] =	vst v63  }
0x850: {  	s9 =	sadd.s32 $0x100, s11;
	v3 =	vadd.s32 v1, v3  }
0x851: {  	[tilespmem:s8], [sflag:$0x1] =	stream.indirect_vreg.gather [hbm4b:s9+s2], $0x80, v4, vm0, $0xb8;
	[tilespmem:$0x1B100] =	vst v63  }
0x852: {  	s10 =	sadd.s32 $0x200, s11  }
0x853: {  	[tilespmem:s12], [sflag:$0x1] =	stream.indirect_vreg.gather [hbm4b:s10+s2], $0x80, v4, vm0, $0xb8;
	[tilespmem:$0x1B100] =	vst v63  }
0x854: {  	_ = 	snop  }
0x855: {  	[tilespmem:s13], [sflag:$0x1] =	stream.indirect_vreg.gather [hbm4b:s11+s2], $0x80, v3, vm0, $0xb8;
	[tilespmem:$0x1B100] =	vst v63  }
0x856: {  	_ = 	snop  }
0x857: {  	[tilespmem:s17], [sflag:$0x1] =	stream.indirect_vreg.gather [hbm4b:s9+s2], $0x80, v3, vm0, $0xb8;
	[tilespmem:$0x1B100] =	vst v63  }
0x858: {  	_ = 	snop  }
0x859: {  	[tilespmem:s20], [sflag:$0x1] =	stream.indirect_vreg.gather [hbm4b:s10+s2], $0x80, v3, vm0, $0xb8;
	[tilespmem:$0x1B100] =	vst v63  }
0x85a: {  	v3 =	vld.msk [tilespmem:$0x10], $0x3;
	_ =	sdelay $0x4  }
0x85b: {  	v51 =	vshrl.u32 v3, $0x3  }
0x85c: {  	v4 =	vmul.u32 $0x30, v51  }
0x85d: {  	v3 =	vand.u32 $0x7, v3  }
0x85e: {  	v3 =	vor.u32 v3, v4  }
0x85f: {  	v3 =	vperm.xlane v3, v0;
	_ =	sdelay $0x1  }
0x860: {  	v3 =	vadd.s32 v1, v3;
	_ =	sdelay $0x4  }
0x861: {  	[tilespmem:s1], [sflag:$0x1] =	stream.indirect_vreg.gather [hbm4b:s11+s2], $0x80, v3, vm1, $0xb8;
	[tilespmem:$0x1B100] =	vst v63  }
0x862: {  	_ = 	snop  }
0x863: {  	[tilespmem:s6], [sflag:$0x1] =	stream.indirect_vreg.gather [hbm4b:s9+s2], $0x80, v3, vm1, $0xb8;
	[tilespmem:$0x1B100] =	vst v63  }
0x864: {  	s1 =	simm.s32 $0x4  }
0x865: {  	[tilespmem:s7], [sflag:$0x1] =	stream.indirect_vreg.gather [hbm4b:s10+s2], $0x80, v3, vm1, $0xb8;
	[tilespmem:$0x1B100] =	vst v63  }
0x866: {  	_ =	swait.ge [sflag:s1], $0x3600  }
0x867: {  	[sflag:s1] =	ssyncset.done $0x0  }
0x868: {  	[sflag:s1] =	ssyncadd.s32 $0xFFFFCA00  }
0x869: {  	v3 =	vld [tilespmem:$0x80];
	_ =	sdelay $0x4  }
0x86a: {  	v52 =	vshrl.u32 v3, $0x3  }
0x86b: {  	v4 =	vmul.u32 $0x30, v52  }
0x86c: {  	v3 =	vand.u32 $0x7, v3  }
0x86d: {  	v3 =	vor.u32 v3, v4  }
0x86e: {  	v4 =	vperm.xlane v3, v0;
	_ =	sdelay $0x1  }
0x86f: {  	v4 =	vadd.s32 v1, v4;
	_ =	sdelay $0x1  }
0x870: {  	s11 =	sld [smem:$0x7F8];
	_ =	sdelay $0x1  }
0x871: {  	s9 =	simm.s32 $0xD900;
	v3 =	vperm.xlane v3, v2  }
0x872: {  	[hbm4b:s11+s2] =	stream.indirect_vreg.scatter [tilespmem:s9], [sflag:$0xA], $0x80, v4, vm0, $0xb8;
	[tilespmem:$0x1B100] =	vst v63  }
0x873: {  	s10 =	simm.s32 $0xE100;
	v3 =	vadd.s32 v1, v3;
	s9 =	sadd.s32 $0x100, s11  }
0x874: {  	[hbm4b:s9+s2] =	stream.indirect_vreg.scatter [tilespmem:s10], [sflag:$0xA], $0x80, v4, vm0, $0xb8;
	[tilespmem:$0x1B100] =	vst v63  }
0x875: {  	s13 =	simm.s32 $0xE900;
	s10 =	sadd.s32 $0x200, s11  }
0x876: {  	[hbm4b:s10+s2] =	stream.indirect_vreg.scatter [tilespmem:s13], [sflag:$0xA], $0x80, v4, vm0, $0xb8;
	[tilespmem:$0x1B100] =	vst v63  }
0x877: {  	s13 =	simm.s32 $0xF100  }
0x878: {  	[hbm4b:s11+s2] =	stream.indirect_vreg.scatter [tilespmem:s13], [sflag:$0xA], $0x80, v3, vm0, $0xb8;
	[tilespmem:$0x1B100] =	vst v63  }
0x879: {  	s13 =	simm.s32 $0xF900  }
0x87a: {  	[hbm4b:s9+s2] =	stream.indirect_vreg.scatter [tilespmem:s13], [sflag:$0xA], $0x80, v3, vm0, $0xb8;
	[tilespmem:$0x1B100] =	vst v63  }
0x87b: {  	s13 =	simm.s32 $0x10100  }
0x87c: {  	[hbm4b:s10+s2] =	stream.indirect_vreg.scatter [tilespmem:s13], [sflag:$0xA], $0x80, v3, vm0, $0xb8;
	[tilespmem:$0x1B100] =	vst v63  }
0x87d: {  	v3 =	vld.msk [tilespmem:$0x90], $0x3;
	_ =	sdelay $0x4  }
0x87e: {  	v53 =	vshrl.u32 v3, $0x3  }
0x87f: {  	v4 =	vmul.u32 $0x30, v53  }
0x880: {  	v3 =	vand.u32 $0x7, v3  }
0x881: {  	v3 =	vor.u32 v3, v4  }
0x882: {  	v3 =	vperm.xlane v3, v0;
	_ =	sdelay $0x1  }
0x883: {  	v3 =	vadd.s32 v1, v3;
	_ =	sdelay $0x3  }
0x884: {  	s13 =	simm.s32 $0x10900  }
0x885: {  	[hbm4b:s11+s2] =	stream.indirect_vreg.scatter [tilespmem:s13], [sflag:$0xA], $0x80, v3, vm1, $0xb8;
	[tilespmem:$0x1B100] =	vst v63  }
0x886: {  	s11 =	simm.s32 $0x11100  }
0x887: {  	[hbm4b:s9+s2] =	stream.indirect_vreg.scatter [tilespmem:s11], [sflag:$0xA], $0x80, v3, vm1, $0xb8;
	[tilespmem:$0x1B100] =	vst v63  }
0x888: {  	s1 =	simm.s32 $0x8;
	s13 =	simm.s32 $0x11900  }
0x889: {  	[hbm4b:s10+s2] =	stream.indirect_vreg.scatter [tilespmem:s13], [sflag:$0xA], $0x80, v3, vm1, $0xb8;
	[tilespmem:$0x1B100] =	vst v63  }
0x88a: {  	_ =	swait.ge [sflag:s1], $0x3600  }
0x88b: {  	[sflag:s1] =	ssyncset.done $0x0  }
0x88c: {  	[sflag:s1] =	ssyncadd.s32 $0xFFFFCA00  }
0x88d: {  	v3 =	vld [tilespmem:$0x0];
	_ =	sdelay $0x4  }
0x88e: {  	v54 =	vshrl.u32 v3, $0x3  }
0x88f: {  	v4 =	vmul.u32 $0x30, v54  }
0x890: {  	v3 =	vand.u32 $0x7, v3  }
0x891: {  	v3 =	vor.u32 v3, v4  }
0x892: {  	v4 =	vperm.xlane v3, v0;
	_ =	sdelay $0x1  }
0x893: {  	v4 =	vadd.s32 v1, v4;
	_ =	sdelay $0x1  }
0x894: {  	s9 =	sld [smem:$0x7D3];
	_ =	sdelay $0x1  }
0x895: {  	v3 =	vperm.xlane v3, v2  }
0x896: {  	[tilespmem:s4], [sflag:$0x2] =	stream.indirect_vreg.gather [hbm4b:s9+s2], $0x80, v4, vm0, $0xb8;
	[tilespmem:$0x1B100] =	vst v63  }
0x897: {  	s10 =	sadd.s32 $0x100, s9;
	v3 =	vadd.s32 v1, v3  }
0x898: {  	[tilespmem:s15], [sflag:$0x2] =	stream.indirect_vreg.gather [hbm4b:s10+s2], $0x80, v4, vm0, $0xb8;
	[tilespmem:$0x1B100] =	vst v63  }
0x899: {  	s1 =	sadd.s32 $0x200, s9  }
0x89a: {  	[tilespmem:s19], [sflag:$0x2] =	stream.indirect_vreg.gather [hbm4b:s1+s2], $0x80, v4, vm0, $0xb8;
	[tilespmem:$0x1B100] =	vst v63  }
0x89b: {  	_ = 	snop  }
0x89c: {  	[tilespmem:s22], [sflag:$0x2] =	stream.indirect_vreg.gather [hbm4b:s9+s2], $0x80, v3, vm0, $0xb8;
	[tilespmem:$0x1B100] =	vst v63  }
0x89d: {  	_ = 	snop  }
0x89e: {  	[tilespmem:s16], [sflag:$0x2] =	stream.indirect_vreg.gather [hbm4b:s10+s2], $0x80, v3, vm0, $0xb8;
	[tilespmem:$0x1B100] =	vst v63  }
0x89f: {  	_ = 	snop  }
0x8a0: {  	[tilespmem:s21], [sflag:$0x2] =	stream.indirect_vreg.gather [hbm4b:s1+s2], $0x80, v3, vm0, $0xb8;
	[tilespmem:$0x1B100] =	vst v63  }
0x8a1: {  	v3 =	vld.msk [tilespmem:$0x10], $0x3;
	_ =	sdelay $0x4  }
0x8a2: {  	v55 =	vshrl.u32 v3, $0x3  }
0x8a3: {  	v4 =	vmul.u32 $0x30, v55  }
0x8a4: {  	v3 =	vand.u32 $0x7, v3  }
0x8a5: {  	v3 =	vor.u32 v3, v4  }
0x8a6: {  	v3 =	vperm.xlane v3, v0;
	_ =	sdelay $0x1  }
0x8a7: {  	v3 =	vadd.s32 v1, v3;
	_ =	sdelay $0x4  }
0x8a8: {  	[tilespmem:s5], [sflag:$0x2] =	stream.indirect_vreg.gather [hbm4b:s9+s2], $0x80, v3, vm1, $0xb8;
	[tilespmem:$0x1B100] =	vst v63  }
0x8a9: {  	_ = 	snop  }
0x8aa: {  	[tilespmem:s18], [sflag:$0x2] =	stream.indirect_vreg.gather [hbm4b:s10+s2], $0x80, v3, vm1, $0xb8;
	[tilespmem:$0x1B100] =	vst v63  }
0x8ab: {  	_ = 	snop  }
0x8ac: {  	[tilespmem:s14], [sflag:$0x2] =	stream.indirect_vreg.gather [hbm4b:s1+s2], $0x80, v3, vm1, $0xb8;
	[tilespmem:$0x1B100] =	vst v63  }
0x8ad: {  	s1 =	simm.s32 $0x5  }
0x8ae: {  	_ =	swait.ge [sflag:s1], $0x3600  }
0x8af: {  	[sflag:s1] =	ssyncset.done $0x0  }
0x8b0: {  	[sflag:s1] =	ssyncadd.s32 $0xFFFFCA00  }
0x8b1: {  	v3 =	vld [tilespmem:$0x80];
	_ =	sdelay $0x4  }
0x8b2: {  	v56 =	vshrl.u32 v3, $0x3  }
0x8b3: {  	v4 =	vmul.u32 $0x30, v56  }
0x8b4: {  	v3 =	vand.u32 $0x7, v3  }
0x8b5: {  	v3 =	vor.u32 v3, v4  }
0x8b6: {  	v4 =	vperm.xlane v3, v0;
	_ =	sdelay $0x1  }
0x8b7: {  	v4 =	vadd.s32 v1, v4;
	_ =	sdelay $0x1  }
0x8b8: {  	s11 =	sld [smem:$0x7F9];
	_ =	sdelay $0x1  }
0x8b9: {  	s9 =	simm.s32 $0x12100;
	v3 =	vperm.xlane v3, v2  }
0x8ba: {  	[hbm4b:s11+s2] =	stream.indirect_vreg.scatter [tilespmem:s9], [sflag:$0xB], $0x80, v4, vm0, $0xb8;
	[tilespmem:$0x1B100] =	vst v63  }
0x8bb: {  	s10 =	simm.s32 $0x12900;
	v3 =	vadd.s32 v1, v3;
	s9 =	sadd.s32 $0x100, s11  }
0x8bc: {  	[hbm4b:s9+s2] =	stream.indirect_vreg.scatter [tilespmem:s10], [sflag:$0xB], $0x80, v4, vm0, $0xb8;
	[tilespmem:$0x1B100] =	vst v63  }
0x8bd: {  	s1 =	simm.s32 $0x13100;
	s10 =	sadd.s32 $0x200, s11  }
0x8be: {  	[hbm4b:s10+s2] =	stream.indirect_vreg.scatter [tilespmem:s1], [sflag:$0xB], $0x80, v4, vm0, $0xb8;
	[tilespmem:$0x1B100] =	vst v63  }
0x8bf: {  	s1 =	simm.s32 $0x13900  }
0x8c0: {  	[hbm4b:s11+s2] =	stream.indirect_vreg.scatter [tilespmem:s1], [sflag:$0xB], $0x80, v3, vm0, $0xb8;
	[tilespmem:$0x1B100] =	vst v63  }
0x8c1: {  	s1 =	simm.s32 $0x14100  }
0x8c2: {  	[hbm4b:s9+s2] =	stream.indirect_vreg.scatter [tilespmem:s1], [sflag:$0xB], $0x80, v3, vm0, $0xb8;
	[tilespmem:$0x1B100] =	vst v63  }
0x8c3: {  	s1 =	simm.s32 $0x14900  }
0x8c4: {  	[hbm4b:s10+s2] =	stream.indirect_vreg.scatter [tilespmem:s1], [sflag:$0xB], $0x80, v3, vm0, $0xb8;
	[tilespmem:$0x1B100] =	vst v63  }
0x8c5: {  	v3 =	vld.msk [tilespmem:$0x90], $0x3;
	_ =	sdelay $0x4  }
0x8c6: {  	v57 =	vshrl.u32 v3, $0x3  }
0x8c7: {  	v4 =	vmul.u32 $0x30, v57  }
0x8c8: {  	v3 =	vand.u32 $0x7, v3  }
0x8c9: {  	v3 =	vor.u32 v3, v4  }
0x8ca: {  	v3 =	vperm.xlane v3, v0;
	_ =	sdelay $0x1  }
0x8cb: {  	v3 =	vadd.s32 v1, v3;
	_ =	sdelay $0x3  }
0x8cc: {  	s1 =	simm.s32 $0x15100  }
0x8cd: {  	[hbm4b:s11+s2] =	stream.indirect_vreg.scatter [tilespmem:s1], [sflag:$0xB], $0x80, v3, vm1, $0xb8;
	[tilespmem:$0x1B100] =	vst v63  }
0x8ce: {  	s1 =	simm.s32 $0x15900  }
0x8cf: {  	[hbm4b:s9+s2] =	stream.indirect_vreg.scatter [tilespmem:s1], [sflag:$0xB], $0x80, v3, vm1, $0xb8;
	[tilespmem:$0x1B100] =	vst v63  }
0x8d0: {  	s11 =	simm.s32 $0x16100;
	s1 =	simm.s32 $0x6  }
0x8d1: {  	[hbm4b:s10+s2] =	stream.indirect_vreg.scatter [tilespmem:s11], [sflag:$0xB], $0x80, v3, vm1, $0xb8;
	[tilespmem:$0x1B100] =	vst v63  }
0x8d2: {  	_ =	swait.ge [sflag:s1], $0x3600  }
0x8d3: {  	[sflag:s1] =	ssyncset.done $0x0  }
0x8d4: {  	[sflag:s1] =	ssyncadd.s32 $0xFFFFCA00  }
0x8d5: {  	v3 =	vld [tilespmem:$0x80];
	_ =	sdelay $0x4  }
0x8d6: {  	v58 =	vshrl.u32 v3, $0x3  }
0x8d7: {  	v4 =	vmul.u32 $0x30, v58  }
0x8d8: {  	v3 =	vand.u32 $0x7, v3  }
0x8d9: {  	v3 =	vor.u32 v3, v4  }
0x8da: {  	v4 =	vperm.xlane v3, v0;
	_ =	sdelay $0x1  }
0x8db: {  	v4 =	vadd.s32 v1, v4;
	_ =	sdelay $0x1  }
0x8dc: {  	s9 =	sld [smem:$0x7FA];
	_ =	sdelay $0x1  }
0x8dd: {  	v3 =	vperm.xlane v3, v2  }
0x8de: {  	[hbm4b:s9+s2] =	stream.indirect_vreg.scatter [tilespmem:s24], [sflag:$0xC], $0x80, v4, vm0, $0xb8;
	[tilespmem:$0x1B100] =	vst v63  }
0x8df: {  	s10 =	sadd.s32 $0x100, s9;
	v3 =	vadd.s32 v1, v3  }
0x8e0: {  	[hbm4b:s10+s2] =	stream.indirect_vreg.scatter [tilespmem:s31], [sflag:$0xC], $0x80, v4, vm0, $0xb8;
	[tilespmem:$0x1B100] =	vst v63  }
0x8e1: {  	s24 =	sadd.s32 $0x200, s9  }
0x8e2: {  	[hbm4b:s24+s2] =	stream.indirect_vreg.scatter [tilespmem:s26], [sflag:$0xC], $0x80, v4, vm0, $0xb8;
	[tilespmem:$0x1B100] =	vst v63  }
0x8e3: {  	_ = 	snop  }
0x8e4: {  	[hbm4b:s9+s2] =	stream.indirect_vreg.scatter [tilespmem:s30], [sflag:$0xC], $0x80, v3, vm0, $0xb8;
	[tilespmem:$0x1B100] =	vst v63  }
0x8e5: {  	_ = 	snop  }
0x8e6: {  	[hbm4b:s10+s2] =	stream.indirect_vreg.scatter [tilespmem:s28], [sflag:$0xC], $0x80, v3, vm0, $0xb8;
	[tilespmem:$0x1B100] =	vst v63  }
0x8e7: {  	s26 =	simm.s32 $0x19100  }
0x8e8: {  	[hbm4b:s24+s2] =	stream.indirect_vreg.scatter [tilespmem:s26], [sflag:$0xC], $0x80, v3, vm0, $0xb8;
	[tilespmem:$0x1B100] =	vst v63  }
0x8e9: {  	v3 =	vld.msk [tilespmem:$0x90], $0x3;
	_ =	sdelay $0x4  }
0x8ea: {  	v59 =	vshrl.u32 v3, $0x3  }
0x8eb: {  	v4 =	vmul.u32 $0x30, v59  }
0x8ec: {  	v3 =	vand.u32 $0x7, v3  }
0x8ed: {  	v3 =	vor.u32 v3, v4  }
0x8ee: {  	v3 =	vperm.xlane v3, v0;
	_ =	sdelay $0x1  }
0x8ef: {  	v3 =	vadd.s32 v1, v3;
	_ =	sdelay $0x4  }
0x8f0: {  	[hbm4b:s9+s2] =	stream.indirect_vreg.scatter [tilespmem:s23], [sflag:$0xC], $0x80, v3, vm1, $0xb8;
	[tilespmem:$0x1B100] =	vst v63  }
0x8f1: {  	_ = 	snop  }
0x8f2: {  	[hbm4b:s10+s2] =	stream.indirect_vreg.scatter [tilespmem:s29], [sflag:$0xC], $0x80, v3, vm1, $0xb8;
	[tilespmem:$0x1B100] =	vst v63  }
0x8f3: {  	s28 =	simm.s32 $0x1  }
0x8f4: {  	[hbm4b:s24+s2] =	stream.indirect_vreg.scatter [tilespmem:s25], [sflag:$0xC], $0x80, v3, vm1, $0xb8;
	[tilespmem:$0x1B100] =	vst v63  }
0x8f5: {  	_ =	swait.ge [sflag:s28], $0x3600  }
0x8f6: {  	[sflag:s28] =	ssyncset.done $0x0  }
0x8f7: {  	[sflag:s28] =	ssyncadd.s32 $0xFFFFCA00  }
0x8f8: {  	v3 =	vld [tilespmem:$0x80];
	_ =	sdelay $0x4  }
0x8f9: {  	v60 =	vshrl.u32 v3, $0x3  }
0x8fa: {  	v4 =	vmul.u32 $0x30, v60  }
0x8fb: {  	v3 =	vand.u32 $0x7, v3  }
0x8fc: {  	v3 =	vor.u32 v3, v4  }
0x8fd: {  	v4 =	vperm.xlane v3, v0;
	_ =	sdelay $0x1  }
0x8fe: {  	v4 =	vadd.s32 v1, v4;
	_ =	sdelay $0x1  }
0x8ff: {  	s29 =	sld [smem:$0x7FB];
	_ =	sdelay $0x1  }
0x900: {  	s30 =	simm.s32 $0x100;
	v3 =	vperm.xlane v3, v2  }
0x901: {  	[hbm4b:s29+s2] =	stream.indirect_vreg.scatter [tilespmem:s30], [sflag:$0x7], $0x80, v4, vm0, $0xb8;
	[tilespmem:$0x1B100] =	vst v63  }
0x902: {  	s8 =	simm.s32 $0x900;
	s31 =	sadd.s32 $0x100, s29;
	v3 =	vadd.s32 v1, v3  }
0x903: {  	[hbm4b:s31+s2] =	stream.indirect_vreg.scatter [tilespmem:s8], [sflag:$0x7], $0x80, v4, vm0, $0xb8;
	[tilespmem:$0x1B100] =	vst v63  }
0x904: {  	s12 =	simm.s32 $0x1100;
	s8 =	sadd.s32 $0x200, s29  }
0x905: {  	[hbm4b:s8+s2] =	stream.indirect_vreg.scatter [tilespmem:s12], [sflag:$0x7], $0x80, v4, vm0, $0xb8;
	[tilespmem:$0x1B100] =	vst v63  }
0x906: {  	s3 =	simm.s32 $0x1900  }
0x907: {  	[hbm4b:s29+s2] =	stream.indirect_vreg.scatter [tilespmem:s3], [sflag:$0x7], $0x80, v3, vm0, $0xb8;
	[tilespmem:$0x1B100] =	vst v63  }
0x908: {  	s17 =	simm.s32 $0x2100  }
0x909: {  	[hbm4b:s31+s2] =	stream.indirect_vreg.scatter [tilespmem:s17], [sflag:$0x7], $0x80, v3, vm0, $0xb8;
	[tilespmem:$0x1B100] =	vst v63  }
0x90a: {  	s20 =	simm.s32 $0x2900  }
0x90b: {  	[hbm4b:s8+s2] =	stream.indirect_vreg.scatter [tilespmem:s20], [sflag:$0x7], $0x80, v3, vm0, $0xb8;
	[tilespmem:$0x1B100] =	vst v63  }
0x90c: {  	v3 =	vld.msk [tilespmem:$0x90], $0x3;
	_ =	sdelay $0x4  }
0x90d: {  	v61 =	vshrl.u32 v3, $0x3  }
0x90e: {  	v4 =	vmul.u32 $0x30, v61  }
0x90f: {  	v3 =	vand.u32 $0x7, v3  }
0x910: {  	v3 =	vor.u32 v3, v4  }
0x911: {  	v3 =	vperm.xlane v3, v0;
	_ =	sdelay $0x1  }
0x912: {  	v3 =	vadd.s32 v1, v3;
	_ =	sdelay $0x3  }
0x913: {  	s12 =	simm.s32 $0x3100  }
0x914: {  	[hbm4b:s29+s2] =	stream.indirect_vreg.scatter [tilespmem:s12], [sflag:$0x7], $0x80, v3, vm1, $0xb8;
	[tilespmem:$0x1B100] =	vst v63  }
0x915: {  	s6 =	simm.s32 $0x3900  }
0x916: {  	[hbm4b:s31+s2] =	stream.indirect_vreg.scatter [tilespmem:s6], [sflag:$0x7], $0x80, v3, vm1, $0xb8;
	[tilespmem:$0x1B100] =	vst v63  }
0x917: {  	s7 =	simm.s32 $0x4100;
	s17 =	simm.s32 $0x2  }
0x918: {  	[hbm4b:s8+s2] =	stream.indirect_vreg.scatter [tilespmem:s7], [sflag:$0x7], $0x80, v3, vm1, $0xb8;
	[tilespmem:$0x1B100] =	vst v63  }
0x919: {  	_ =	swait.ge [sflag:s17], $0x3600  }
0x91a: {  	[sflag:s17] =	ssyncset.done $0x0  }
0x91b: {  	[sflag:s17] =	ssyncadd.s32 $0xFFFFCA00  }
0x91c: {  	v3 =	vld [tilespmem:$0x80];
	_ =	sdelay $0x4  }
0x91d: {  	v62 =	vshrl.u32 v3, $0x3  }
0x91e: {  	v4 =	vmul.u32 $0x30, v62  }
0x91f: {  	v3 =	vand.u32 $0x7, v3  }
0x920: {  	v3 =	vor.u32 v3, v4  }
0x921: {  	v4 =	vperm.xlane v3, v0;
	_ =	sdelay $0x1  }
0x922: {  	v4 =	vadd.s32 v1, v4;
	_ =	sdelay $0x1  }
0x923: {  	s20 =	sld [smem:$0x7FC];
	_ =	sdelay $0x1  }
0x924: {  	s4 =	simm.s32 $0x4900;
	v3 =	vperm.xlane v3, v2  }
0x925: {  	[hbm4b:s20+s2] =	stream.indirect_vreg.scatter [tilespmem:s4], [sflag:$0x8], $0x80, v4, vm0, $0xb8;
	[tilespmem:$0x1B100] =	vst v63  }
0x926: {  	s15 =	simm.s32 $0x5100;
	s23 =	sadd.s32 $0x100, s20;
	v3 =	vadd.s32 v1, v3  }
0x927: {  	[hbm4b:s23+s2] =	stream.indirect_vreg.scatter [tilespmem:s15], [sflag:$0x8], $0x80, v4, vm0, $0xb8;
	[tilespmem:$0x1B100] =	vst v63  }
0x928: {  	s19 =	simm.s32 $0x5900;
	s24 =	sadd.s32 $0x200, s20  }
0x929: {  	[hbm4b:s24+s2] =	stream.indirect_vreg.scatter [tilespmem:s19], [sflag:$0x8], $0x80, v4, vm0, $0xb8;
	[tilespmem:$0x1B100] =	vst v63  }
0x92a: {  	s22 =	simm.s32 $0x6100  }
0x92b: {  	[hbm4b:s20+s2] =	stream.indirect_vreg.scatter [tilespmem:s22], [sflag:$0x8], $0x80, v3, vm0, $0xb8;
	[tilespmem:$0x1B100] =	vst v63  }
0x92c: {  	s16 =	simm.s32 $0x6900  }
0x92d: {  	[hbm4b:s23+s2] =	stream.indirect_vreg.scatter [tilespmem:s16], [sflag:$0x8], $0x80, v3, vm0, $0xb8;
	[tilespmem:$0x1B100] =	vst v63  }
0x92e: {  	s21 =	simm.s32 $0x7100  }
0x92f: {  	[hbm4b:s24+s2] =	stream.indirect_vreg.scatter [tilespmem:s21], [sflag:$0x8], $0x80, v3, vm0, $0xb8;
	[tilespmem:$0x1B100] =	vst v63  }
0x930: {  	v3 =	vld.msk [tilespmem:$0x90], $0x3;
	_ =	sdelay $0x4  }
0x931: {  	v63 =	vshrl.u32 v3, $0x3  }
0x932: {  	v4 =	vmul.u32 $0x30, v63  }
0x933: {  	v3 =	vand.u32 $0x7, v3  }
0x934: {  	v3 =	vor.u32 v3, v4  }
0x935: {  	v3 =	vperm.xlane v3, v0;
	_ =	sdelay $0x1  }
0x936: {  	v3 =	vadd.s32 v1, v3;
	_ =	sdelay $0x3  }
0x937: {  	s5 =	simm.s32 $0x7900  }
0x938: {  	[hbm4b:s20+s2] =	stream.indirect_vreg.scatter [tilespmem:s5], [sflag:$0x8], $0x80, v3, vm1, $0xb8;
	[tilespmem:$0x1B100] =	vst v63  }
0x939: {  	s18 =	simm.s32 $0x8100  }
0x93a: {  	[hbm4b:s23+s2] =	stream.indirect_vreg.scatter [tilespmem:s18], [sflag:$0x8], $0x80, v3, vm1, $0xb8;
	[tilespmem:$0x1B100] =	vst v63  }
0x93b: {  	s0 =	simm.s32 $0x7;
	s14 =	simm.s32 $0x8900  }
0x93c: {  	[hbm4b:s24+s2] =	stream.indirect_vreg.scatter [tilespmem:s14], [sflag:$0x8], $0x80, v3, vm1, $0xb8;
	[tilespmem:$0x1B100] =	vst v63  }
0x93d: {  	s25 =	sld [smem:$0x7CD];
	_ =	swait.ge [sflag:s0], $0x3600  }
0x93e: {  	[sflag:s0] =	ssyncset.done $0x0  }
0x93f: {  	s13 =	simm.s32 $0x8;
	[sflag:s0] =	ssyncadd.s32 $0xFFFFCA00  }
0x940: {  	_ =	swait.ge [sflag:s13], $0x3600  }
0x941: {  	[sflag:s13] =	ssyncset.done $0x0  }
0x942: {  	s26 =	simm.s32 $0x9;
	[sflag:s13] =	ssyncadd.s32 $0xFFFFCA00  }
0x943: {  	_ =	swait.ge [sflag:s26], $0x3600  }
0x944: {  	[sflag:s26] =	ssyncset.done $0x0  }
0x945: {  	s28 =	simm.s32 $0xA;
	[sflag:s26] =	ssyncadd.s32 $0xFFFFCA00  }
0x946: {  	_ =	swait.ge [sflag:s28], $0x3600  }
0x947: {  	[sflag:s28] =	ssyncset.done $0x0  }
0x948: {  	s29 =	simm.s32 $0xB;
	[sflag:s28] =	ssyncadd.s32 $0xFFFFCA00  }
0x949: {  	p0 =	sne.s32 s25, $0x1;
	_ =	swait.ge [sflag:s29], $0x3600  }
.Ltmp0:
0x94a: {  	[sflag:s29] =	ssyncset.done $0x0;
	(pc) =	sbr.rel @p0 .LBB2_1-.Ltmp0, $4  }
0x94b: {  	s30 =	simm.s32 $0xC;
	[sflag:s29] =	ssyncadd.s32 $0xFFFFCA00  }
0x94c: {  	_ =	swait.ge [sflag:s30], $0x3600  }
0x94d: {  	s31 =	simm.s32 $0xC;
	[sflag:s30] =	ssyncset.done $0x0  }
0x94e: {  	s7 =	sadd.s32 $0xFFFFFFFF, s25;
	[sflag:s31] =	ssyncadd.s32 $0xFFFFCA00  }
0x94f: {  	_ =	sfence.sel $0x180000  }
0x950: {  	[bflag:$0x0] =	sbarrier.arrive $0xFFFF  }
0x951: {  	_ =	strace $0x90000047  }
0x952: {  	s0 =	stileid.u32;
	[bflag:$0x2] =	sbarrier.arrive $0xFFFF  }
0x953: {  	p0 =	sne.s32 s0, $0x0;
	s0 =	rddreg [dreg:$0x2]  }
0x954: {  	s0 =	sadd.s32 @!p0 $0x100000, s0  }
0x955: {  	[sflag:s0] =	ssyncadd.tile.s32 @!p0 $0x1;
	_ =	shalt  }
.Lfunc_end2:
_tile_overlayer_lowered:
.L_overlay_start_2:
0x956: {  	(tag) =	ssettag $0x2  }
0x957: {  	s0 =	rddreg [dreg:$0x0];
	s2 =	stileid.u32  }
0x958: {  	s1 =	rddreg [dreg:$0x1];
	p0 =	sne.s32 s2, $0x0  }
0x959: {  	s3 =	rddreg [dreg:$0x2];
	[bflag:$0x3] =	sbarrier.arrive $0xFFFF;
	s2 =	simm.s32 @!p0 $0x1C0D  }
0x95a: {  	[timem:s3], [sflag:s2] =	dma.local @!p0 [hbm:s0], s1  }
0x95b: {  	s0 =	simm.s32 @!p0 $0xD  }
0x95c: {  	_ =	swait.ge @!p0 [sflag:s0], s1  }
0x95d: {  	s1 =	ssub.s32 @!p0 $0x0, s1;
	[sflag:s0] =	ssyncset.done @!p0 $0x0  }
0x95e: {  	[sflag:s0] =	ssyncadd.s32 @!p0 s1  }
0x95f: {  	[bflag:$0x3] =	sbarrier.arrive $0xFFFF  }
0x960: {  	_ =	shalt  }

</sc_bundles>
